<compile_context>
chip_gen: v7x
topology: tpu7x:2x2x1
jax: 0.10.2.dev20260603
libtpu: 0.0.44.dev20260713+nightly
codegen_flags: <defaults>
</compile_context>

<pallas_src>
import functools

import jax
import jax.numpy as jnp
from jax import lax
from jax.experimental import pallas as pl
from jax.experimental.pallas import tpu as pltpu
from jax.experimental.pallas import tpu_sc as plsc

F = 16
L = 16
NC, NS = 2, 16
NW = NC * NS
B = 16384
BPW = B // NW
CW = 8
NPAIR = BPW // L


def _sc_embed_dot(user2d, item2d, ut_t, it_t):
    mesh = plsc.VectorSubcoreMesh(core_axis_name="c", subcore_axis_name="s")

    @functools.partial(
        pl.kernel,
        out_type=jax.ShapeDtypeStruct((B,), jnp.float32),
        mesh=mesh,
        scratch_types=[
            pltpu.VMEM((BPW,), jnp.int32),
            pltpu.VMEM((BPW,), jnp.int32),
            pltpu.VMEM((2, CW, F, 128), jnp.float32),
            pltpu.VMEM((2, CW, F, 128), jnp.float32),
            pltpu.VMEM((L, L), jnp.float32),
            pltpu.VMEM((L, L), jnp.float32),
            pltpu.VMEM((BPW,), jnp.float32),
            pltpu.SemaphoreType.DMA,
            pltpu.SemaphoreType.DMA,
        ],
        compiler_params=pltpu.CompilerParams(needs_layout_passes=False),
    )
    def k(user_hbm, item_hbm, ut_hbm, it_hbm, out_hbm,
          uidx, iidx, ublk, iblk, ue, ie, outv, sem0, sem1):
        wid = lax.axis_index("s") * NC + lax.axis_index("c")
        pltpu.sync_copy(user_hbm.at[wid], uidx)
        pltpu.sync_copy(item_hbm.at[wid], iidx)
        sems = (sem0, sem1)
        rows = lax.iota(jnp.int32, L)

        def pair_vecs(pair):
            return uidx[pl.ds(pair * L, L)], iidx[pl.ds(pair * L, L)]

        def fire(p, uvec, ivec):
            for j in range(CW):
                cu = pl.multiple_of((uvec[p * CW + j] >> 7) * 128, 128)
                ci = pl.multiple_of((ivec[p * CW + j] >> 7) * 128, 128)
                pltpu.async_copy(
                    ut_hbm.at[:, pl.ds(cu, 128)], ublk.at[p, j], sems[p])
                pltpu.async_copy(
                    it_hbm.at[:, pl.ds(ci, 128)], iblk.at[p, j], sems[p])

        def drain(p):
            for j in range(CW):
                pltpu.make_async_copy(
                    ut_hbm.at[:, pl.ds(0, 128)], ublk.at[p, j], sems[p]).wait()
                pltpu.make_async_copy(
                    it_hbm.at[:, pl.ds(0, 128)], iblk.at[p, j], sems[p]).wait()

        def extract(p, uvec, ivec):
            for j in range(CW):
                ucol = jnp.full((L,), uvec[p * CW + j] & 127, dtype=jnp.int32)
                icol = jnp.full((L,), ivec[p * CW + j] & 127, dtype=jnp.int32)
                r = p * CW + j
                ue[r, :] = plsc.load_gather(ublk.at[p, j], [rows, ucol])
                ie[r, :] = plsc.load_gather(iblk.at[p, j], [rows, icol])

        def compute_store(pair):
            acc = jnp.zeros((L,), jnp.float32)
            for f in range(F):
                col = jnp.full((L,), f, dtype=jnp.int32)
                acc = acc + (plsc.load_gather(ue, [rows, col]) *
                             plsc.load_gather(ie, [rows, col]))
            outv[pl.ds(pair * L, L)] = acc

        uv0, iv0 = pair_vecs(0)
        fire(0, uv0, iv0)
        fire(1, uv0, iv0)

        def body(pair, carry):
            uvec, ivec = pair_vecs(pair)
            uvn, ivn = pair_vecs(pair + 1)
            drain(0)
            extract(0, uvec, ivec)
            fire(0, uvn, ivn)
            drain(1)
            extract(1, uvec, ivec)
            fire(1, uvn, ivn)
            compute_store(pair)
            return carry

        lax.fori_loop(0, NPAIR - 1, body, 0)

        uvl, ivl = pair_vecs(NPAIR - 1)
        drain(0)
        extract(0, uvl, ivl)
        drain(1)
        extract(1, uvl, ivl)
        compute_store(NPAIR - 1)

        pltpu.sync_copy(outv, out_hbm.at[pl.ds(wid * BPW, BPW)])

    return k(user2d, item2d, ut_t, it_t)


def kernel(user, item, user_table, item_table):
    user2d = user.reshape(NW, BPW)
    item2d = item.reshape(NW, BPW)
    out = _sc_embed_dot(user2d, item2d, user_table.T, item_table.T)
    return out[:, None]

# --- scband reference (transcript-rebuilt; emitter-appended) ---
"""Pipeline reference for scband-embeded-dot-net-64287070486800 (READ-ONLY COPY).

The authoritative reference and input builder live on the scoring server;
editing this copy changes nothing except your own understanding.
"""

import jax, jax.numpy as jnp
import numpy as np

NUM_USER = 1000000
NUM_ITEM = 1000000
NUM_FACTORS = 16
BATCH = 16384

def setup_inputs(seed: int = 0) -> dict:
    key = jax.random.key(seed)
    k1, k2, k3, k4 = jax.random.split(key, 4)
    user = jax.random.randint(k1, (BATCH,), 0, NUM_USER, dtype=jnp.int64 if jax.config.jax_enable_x64 else jnp.int32).astype(jnp.int32)
    item = jax.random.randint(k2, (BATCH,), 0, NUM_ITEM, dtype=jnp.int32)
    user_table = jax.random.normal(k3, (NUM_USER, NUM_FACTORS), dtype=jnp.float32)
    item_table = jax.random.normal(k4, (NUM_ITEM, NUM_FACTORS), dtype=jnp.float32)
    return {"user": user, "item": item, "user_table": user_table, "item_table": item_table}

def reference(user, item, user_table, item_table):
    # embedding lookups (gather), maps to SparseCore
    user_embedded = jnp.take(user_table, user, axis=0)  # [B, F]
    item_embedded = jnp.take(item_table, item, axis=0)  # [B, F]
    # Flatten is identity for [B, F]
    x = jnp.sum(user_embedded * item_embedded, axis=1)  # [B]
    return x[:, None]  # [B, 1]

if __name__ == "__main__":
    import jax
    _d = setup_inputs()
    print(jax.jit(kernel)(*tuple(_d.values())))

</pallas_src>

<mosaic_0001>
#map = affine_map<(d0, d1) -> (0, 0)>
#map1 = affine_map<(d0, d1) -> (0)>
module attributes {stable_mosaic.version = 14 : i64} {
  func.func @k(%arg0: i32, %arg1: i32, %arg2: memref<32x512xi32, #tpu.memory_space<hbm>>, %arg3: memref<32x512xi32, #tpu.memory_space<hbm>>, %arg4: memref<16x1000000xf32, #tpu.memory_space<hbm>>, %arg5: memref<16x1000000xf32, #tpu.memory_space<hbm>>, %arg6: memref<16384xf32, #tpu.memory_space<hbm>>, %arg7: memref<512xi32, #tpu.memory_space<vmem>>, %arg8: memref<512xi32, #tpu.memory_space<vmem>>, %arg9: memref<2x8x16x128xf32, #tpu.memory_space<vmem>>, %arg10: memref<2x8x16x128xf32, #tpu.memory_space<vmem>>, %arg11: memref<16x16xf32, #tpu.memory_space<vmem>>, %arg12: memref<16x16xf32, #tpu.memory_space<vmem>>, %arg13: memref<512xf32, #tpu.memory_space<vmem>>, %arg14: memref<!tpu.dma_semaphore, #tpu.memory_space<semaphore_mem>>, %arg15: memref<!tpu.dma_semaphore, #tpu.memory_space<semaphore_mem>>) attributes {dimension_semantics = [#tpu.dimension_semantics<core_parallel>, #tpu.dimension_semantics<subcore_parallel>], iteration_bounds = array<i64: 2, 16>, scalar_prefetch = 0 : i64, scratch_operands = 9 : i64, tpu.core_type = #tpu.core_type<sc_vector_subcore>, window_params = [{transform_indices = #map}, {transform_indices = #map}, {transform_indices = #map}, {transform_indices = #map}, {transform_indices = #map1}]} {
    %mul3A = arith.constant 2 : i32
    %mul3A_0 = arith.muli %arg1, %mul3A : i32
    %add3A = arith.addi %mul3A_0, %arg0 : i32
    "tpu.region"() ({
      %run_scoped3A = tpu.sem_alloc : memref<!tpu.dma_semaphore, #tpu.memory_space<semaphore_mem>>
      %dma_start3A_1801 = arith.constant 0 : i32
      %dma_start3A_1802 = tpu.memref_slice %arg2[%add3A, %dma_start3A_1801] : memref<32x512xi32, #tpu.memory_space<hbm>> -> memref<1x512xi32, #tpu.memory_space<hbm>>
      %dma_start3A_1803 = tpu.memref_squeeze %dma_start3A_1802 : memref<1x512xi32, #tpu.memory_space<hbm>> -> memref<512xi32, #tpu.memory_space<hbm>>
      %dma_start3A_1804 = arith.constant 0 : i32
      %dma_start3A_1805 = tpu.memref_slice %arg2[%add3A, %dma_start3A_1804] : memref<32x512xi32, #tpu.memory_space<hbm>> -> memref<1x512xi32, #tpu.memory_space<hbm>>
      %dma_start3A_1806 = tpu.memref_squeeze %dma_start3A_1805 : memref<1x512xi32, #tpu.memory_space<hbm>> -> memref<512xi32, #tpu.memory_space<hbm>>
      tpu.enqueue_dma source(%dma_start3A_1806 : memref<512xi32, #tpu.memory_space<hbm>>) target(%arg7 : memref<512xi32, #tpu.memory_space<vmem>>) target_semaphore(%run_scoped3A : memref<!tpu.dma_semaphore, #tpu.memory_space<semaphore_mem>>)
      %dma_wait3A_1807 = arith.constant 0 : i32
      %dma_wait3A_1808 = tpu.memref_slice %arg2[%add3A, %dma_wait3A_1807] : memref<32x512xi32, #tpu.memory_space<hbm>> -> memref<1x512xi32, #tpu.memory_space<hbm>>
      %dma_wait3A_1809 = tpu.memref_squeeze %dma_wait3A_1808 : memref<1x512xi32, #tpu.memory_space<hbm>> -> memref<512xi32, #tpu.memory_space<hbm>>
      %dma_wait3A_1810 = arith.constant 0 : i32
      %dma_wait3A_1811 = tpu.memref_slice %arg2[%add3A, %dma_wait3A_1810] : memref<32x512xi32, #tpu.memory_space<hbm>> -> memref<1x512xi32, #tpu.memory_space<hbm>>
      %dma_wait3A_1812 = tpu.memref_squeeze %dma_wait3A_1811 : memref<1x512xi32, #tpu.memory_space<hbm>> -> memref<512xi32, #tpu.memory_space<hbm>>
      tpu.wait_dma2 semaphore(%run_scoped3A : memref<!tpu.dma_semaphore, #tpu.memory_space<semaphore_mem>>) src(%dma_wait3A_1812 : memref<512xi32, #tpu.memory_space<hbm>>) dst(%arg7 : memref<512xi32, #tpu.memory_space<vmem>>)
      tpu.yield
    }) : () -> ()
    "tpu.region"() ({
      %run_scoped3A = tpu.sem_alloc : memref<!tpu.dma_semaphore, #tpu.memory_space<semaphore_mem>>
      %dma_start3A_1801 = arith.constant 0 : i32
      %dma_start3A_1802 = tpu.memref_slice %arg3[%add3A, %dma_start3A_1801] : memref<32x512xi32, #tpu.memory_space<hbm>> -> memref<1x512xi32, #tpu.memory_space<hbm>>
      %dma_start3A_1803 = tpu.memref_squeeze %dma_start3A_1802 : memref<1x512xi32, #tpu.memory_space<hbm>> -> memref<512xi32, #tpu.memory_space<hbm>>
      %dma_start3A_1804 = arith.constant 0 : i32
      %dma_start3A_1805 = tpu.memref_slice %arg3[%add3A, %dma_start3A_1804] : memref<32x512xi32, #tpu.memory_space<hbm>> -> memref<1x512xi32, #tpu.memory_space<hbm>>
      %dma_start3A_1806 = tpu.memref_squeeze %dma_start3A_1805 : memref<1x512xi32, #tpu.memory_space<hbm>> -> memref<512xi32, #tpu.memory_space<hbm>>
      tpu.enqueue_dma source(%dma_start3A_1806 : memref<512xi32, #tpu.memory_space<hbm>>) target(%arg8 : memref<512xi32, #tpu.memory_space<vmem>>) target_semaphore(%run_scoped3A : memref<!tpu.dma_semaphore, #tpu.memory_space<semaphore_mem>>)
      %dma_wait3A_1807 = arith.constant 0 : i32
      %dma_wait3A_1808 = tpu.memref_slice %arg3[%add3A, %dma_wait3A_1807] : memref<32x512xi32, #tpu.memory_space<hbm>> -> memref<1x512xi32, #tpu.memory_space<hbm>>
      %dma_wait3A_1809 = tpu.memref_squeeze %dma_wait3A_1808 : memref<1x512xi32, #tpu.memory_space<hbm>> -> memref<512xi32, #tpu.memory_space<hbm>>
      %dma_wait3A_1810 = arith.constant 0 : i32
      %dma_wait3A_1811 = tpu.memref_slice %arg3[%add3A, %dma_wait3A_1810] : memref<32x512xi32, #tpu.memory_space<hbm>> -> memref<1x512xi32, #tpu.memory_space<hbm>>
      %dma_wait3A_1812 = tpu.memref_squeeze %dma_wait3A_1811 : memref<1x512xi32, #tpu.memory_space<hbm>> -> memref<512xi32, #tpu.memory_space<hbm>>
      tpu.wait_dma2 semaphore(%run_scoped3A : memref<!tpu.dma_semaphore, #tpu.memory_space<semaphore_mem>>) src(%dma_wait3A_1812 : memref<512xi32, #tpu.memory_space<hbm>>) dst(%arg8 : memref<512xi32, #tpu.memory_space<vmem>>)
      tpu.yield
    }) : () -> ()
    %iota3A = tpu.iota {dimensions = array<i32: 0>} : vector<16xi32>
    %get3A = arith.constant 0 : index
    %get3A_1 = tpu.vector_load %arg7[%get3A] {strides = array<i32>} : memref<512xi32, #tpu.memory_space<vmem>>, vector<16xi32>,
    %get3A_2 = arith.constant 0 : index
    %get3A_3 = tpu.vector_load %arg8[%get3A_2] {strides = array<i32>} : memref<512xi32, #tpu.memory_space<vmem>>, vector<16xi32>,
    %slice3A = vector.extract_strided_slice %get3A_1 {offsets = [0], sizes = [1], strides = [1]} : vector<16xi32> to vector<1xi32>
    %squeeze3A = vector.extract %slice3A[0] : i32 from vector<1xi32>
    %shift_right_arithmetic3A = arith.constant 7 : i32
    %shift_right_arithmetic3A_4 = arith.shrsi %squeeze3A, %shift_right_arithmetic3A : i32
    %mul3A_5 = arith.constant 128 : i32
    %mul3A_6 = arith.muli %shift_right_arithmetic3A_4, %mul3A_5 : i32
    %multiple_of3A = tpu.assume_multiple %mul3A_6, 128 : i32
    %slice3A_7 = vector.extract_strided_slice %get3A_3 {offsets = [0], sizes = [1], strides = [1]} : vector<16xi32> to vector<1xi32>
    %squeeze3A_8 = vector.extract %slice3A_7[0] : i32 from vector<1xi32>
    %shift_right_arithmetic3A_9 = arith.constant 7 : i32
    %shift_right_arithmetic3A_10 = arith.shrsi %squeeze3A_8, %shift_right_arithmetic3A_9 : i32
    %mul3A_11 = arith.constant 128 : i32
    %mul3A_12 = arith.muli %shift_right_arithmetic3A_10, %mul3A_11 : i32
    %multiple_of3A_13 = tpu.assume_multiple %mul3A_12, 128 : i32
    %dma_start3A = arith.constant 0 : i32
    %dma_start3A_14 = arith.constant 0 : i32
    %dma_start3A_15 = arith.constant 0 : i32
    %dma_start3A_16 = arith.constant 0 : i32
    %dma_start3A_17 = tpu.memref_slice %arg9[%dma_start3A, %dma_start3A_14, %dma_start3A_15, %dma_start3A_16] : memref<2x8x16x128xf32, #tpu.memory_space<vmem>> -> memref<1x1x16x128xf32, #tpu.memory_space<vmem>>
    %dma_start3A_18 = tpu.memref_squeeze %dma_start3A_17 : memref<1x1x16x128xf32, #tpu.memory_space<vmem>> -> memref<16x128xf32, #tpu.memory_space<vmem>>
    %dma_start3A_19 = arith.constant 0 : i32
    %dma_start3A_20 = tpu.memref_slice %arg4[%dma_start3A_19, %multiple_of3A] : memref<16x1000000xf32, #tpu.memory_space<hbm>> -> memref<16x128xf32, #tpu.memory_space<hbm>>
    %dma_start3A_21 = arith.constant 0 : i32
    %dma_start3A_22 = arith.constant 0 : i32
    %dma_start3A_23 = tpu.memref_slice %arg9[%dma_start3A, %dma_start3A_14, %dma_start3A_21, %dma_start3A_22] : memref<2x8x16x128xf32, #tpu.memory_space<vmem>> -> memref<1x1x16x128xf32, #tpu.memory_space<vmem>>
    %dma_start3A_24 = tpu.memref_squeeze %dma_start3A_23 : memref<1x1x16x128xf32, #tpu.memory_space<vmem>> -> memref<16x128xf32, #tpu.memory_space<vmem>>
    %dma_start3A_25 = arith.constant 0 : i32
    %dma_start3A_26 = tpu.memref_slice %arg4[%dma_start3A_25, %multiple_of3A] : memref<16x1000000xf32, #tpu.memory_space<hbm>> -> memref<16x128xf32, #tpu.memory_space<hbm>>
    tpu.enqueue_dma source(%dma_start3A_26 : memref<16x128xf32, #tpu.memory_space<hbm>>) target(%dma_start3A_24 : memref<16x128xf32, #tpu.memory_space<vmem>>) target_semaphore(%arg14 : memref<!tpu.dma_semaphore, #tpu.memory_space<semaphore_mem>>)
    %dma_start3A_27 = arith.constant 0 : i32
    %dma_start3A_28 = arith.constant 0 : i32
    %dma_start3A_29 = arith.constant 0 : i32
    %dma_start3A_30 = arith.constant 0 : i32
    %dma_start3A_31 = tpu.memref_slice %arg10[%dma_start3A_27, %dma_start3A_28, %dma_start3A_29, %dma_start3A_30] : memref<2x8x16x128xf32, #tpu.memory_space<vmem>> -> memref<1x1x16x128xf32, #tpu.memory_space<vmem>>
    %dma_start3A_32 = tpu.memref_squeeze %dma_start3A_31 : memref<1x1x16x128xf32, #tpu.memory_space<vmem>> -> memref<16x128xf32, #tpu.memory_space<vmem>>
    %dma_start3A_33 = arith.constant 0 : i32
    %dma_start3A_34 = tpu.memref_slice %arg5[%dma_start3A_33, %multiple_of3A_13] : memref<16x1000000xf32, #tpu.memory_space<hbm>> -> memref<16x128xf32, #tpu.memory_space<hbm>>
    %dma_start3A_35 = arith.constant 0 : i32
    %dma_start3A_36 = arith.constant 0 : i32
    %dma_start3A_37 = tpu.memref_slice %arg10[%dma_start3A_27, %dma_start3A_28, %dma_start3A_35, %dma_start3A_36] : memref<2x8x16x128xf32, #tpu.memory_space<vmem>> -> memref<1x1x16x128xf32, #tpu.memory_space<vmem>>
    %dma_start3A_38 = tpu.memref_squeeze %dma_start3A_37 : memref<1x1x16x128xf32, #tpu.memory_space<vmem>> -> memref<16x128xf32, #tpu.memory_space<vmem>>
    %dma_start3A_39 = arith.constant 0 : i32
    %dma_start3A_40 = tpu.memref_slice %arg5[%dma_start3A_39, %multiple_of3A_13] : memref<16x1000000xf32, #tpu.memory_space<hbm>> -> memref<16x128xf32, #tpu.memory_space<hbm>>
    tpu.enqueue_dma source(%dma_start3A_40 : memref<16x128xf32, #tpu.memory_space<hbm>>) target(%dma_start3A_38 : memref<16x128xf32, #tpu.memory_space<vmem>>) target_semaphore(%arg14 : memref<!tpu.dma_semaphore, #tpu.memory_space<semaphore_mem>>)
    %slice3A_41 = vector.extract_strided_slice %get3A_1 {offsets = [1], sizes = [1], strides = [1]} : vector<16xi32> to vector<1xi32>
    %squeeze3A_42 = vector.extract %slice3A_41[0] : i32 from vector<1xi32>
    %shift_right_arithmetic3A_43 = arith.constant 7 : i32
    %shift_right_arithmetic3A_44 = arith.shrsi %squeeze3A_42, %shift_right_arithmetic3A_43 : i32
    %mul3A_45 = arith.constant 128 : i32
    %mul3A_46 = arith.muli %shift_right_arithmetic3A_44, %mul3A_45 : i32
    %multiple_of3A_47 = tpu.assume_multiple %mul3A_46, 128 : i32
    %slice3A_48 = vector.extract_strided_slice %get3A_3 {offsets = [1], sizes = [1], strides = [1]} : vector<16xi32> to vector<1xi32>
    %squeeze3A_49 = vector.extract %slice3A_48[0] : i32 from vector<1xi32>
    %shift_right_arithmetic3A_50 = arith.constant 7 : i32
    %shift_right_arithmetic3A_51 = arith.shrsi %squeeze3A_49, %shift_right_arithmetic3A_50 : i32
    %mul3A_52 = arith.constant 128 : i32
    %mul3A_53 = arith.muli %shift_right_arithmetic3A_51, %mul3A_52 : i32
    %multiple_of3A_54 = tpu.assume_multiple %mul3A_53, 128 : i32
    %dma_start3A_55 = arith.constant 0 : i32
    %dma_start3A_56 = arith.constant 1 : i32
    %dma_start3A_57 = arith.constant 0 : i32
    %dma_start3A_58 = arith.constant 0 : i32
    %dma_start3A_59 = tpu.memref_slice %arg9[%dma_start3A_55, %dma_start3A_56, %dma_start3A_57, %dma_start3A_58] : memref<2x8x16x128xf32, #tpu.memory_space<vmem>> -> memref<1x1x16x128xf32, #tpu.memory_space<vmem>>
    %dma_start3A_60 = tpu.memref_squeeze %dma_start3A_59 : memref<1x1x16x128xf32, #tpu.memory_space<vmem>> -> memref<16x128xf32, #tpu.memory_space<vmem>>
    %dma_start3A_61 = arith.constant 0 : i32
    %dma_start3A_62 = tpu.memref_slice %arg4[%dma_start3A_61, %multiple_of3A_47] : memref<16x1000000xf32, #tpu.memory_space<hbm>> -> memref<16x128xf32, #tpu.memory_space<hbm>>
    %dma_start3A_63 = arith.constant 0 : i32
    %dma_start3A_64 = arith.constant 0 : i32
    %dma_start3A_65 = tpu.memref_slice %arg9[%dma_start3A_55, %dma_start3A_56, %dma_start3A_63, %dma_start3A_64] : memref<2x8x16x128xf32, #tpu.memory_space<vmem>> -> memref<1x1x16x128xf32, #tpu.memory_space<vmem>>
    %dma_start3A_66 = tpu.memref_squeeze %dma_start3A_65 : memref<1x1x16x128xf32, #tpu.memory_space<vmem>> -> memref<16x128xf32, #tpu.memory_space<vmem>>
    %dma_start3A_67 = arith.constant 0 : i32
    %dma_start3A_68 = tpu.memref_slice %arg4[%dma_start3A_67, %multiple_of3A_47] : memref<16x1000000xf32, #tpu.memory_space<hbm>> -> memref<16x128xf32, #tpu.memory_space<hbm>>
    tpu.enqueue_dma source(%dma_start3A_68 : memref<16x128xf32, #tpu.memory_space<hbm>>) target(%dma_start3A_66 : memref<16x128xf32, #tpu.memory_space<vmem>>) target_semaphore(%arg14 : memref<!tpu.dma_semaphore, #tpu.memory_space<semaphore_mem>>)
    %dma_start3A_69 = arith.constant 0 : i32
    %dma_start3A_70 = arith.constant 1 : i32
    %dma_start3A_71 = arith.constant 0 : i32
    %dma_start3A_72 = arith.constant 0 : i32
    %dma_start3A_73 = tpu.memref_slice %arg10[%dma_start3A_69, %dma_start3A_70, %dma_start3A_71, %dma_start3A_72] : memref<2x8x16x128xf32, #tpu.memory_space<vmem>> -> memref<1x1x16x128xf32, #tpu.memory_space<vmem>>
    %dma_start3A_74 = tpu.memref_squeeze %dma_start3A_73 : memref<1x1x16x128xf32, #tpu.memory_space<vmem>> -> memref<16x128xf32, #tpu.memory_space<vmem>>
    %dma_start3A_75 = arith.constant 0 : i32
    %dma_start3A_76 = tpu.memref_slice %arg5[%dma_start3A_75, %multiple_of3A_54] : memref<16x1000000xf32, #tpu.memory_space<hbm>> -> memref<16x128xf32, #tpu.memory_space<hbm>>
    %dma_start3A_77 = arith.constant 0 : i32
    %dma_start3A_78 = arith.constant 0 : i32
    %dma_start3A_79 = tpu.memref_slice %arg10[%dma_start3A_69, %dma_start3A_70, %dma_start3A_77, %dma_start3A_78] : memref<2x8x16x128xf32, #tpu.memory_space<vmem>> -> memref<1x1x16x128xf32, #tpu.memory_space<vmem>>
    %dma_start3A_80 = tpu.memref_squeeze %dma_start3A_79 : memref<1x1x16x128xf32, #tpu.memory_space<vmem>> -> memref<16x128xf32, #tpu.memory_space<vmem>>
    %dma_start3A_81 = arith.constant 0 : i32
    %dma_start3A_82 = tpu.memref_slice %arg5[%dma_start3A_81, %multiple_of3A_54] : memref<16x1000000xf32, #tpu.memory_space<hbm>> -> memref<16x128xf32, #tpu.memory_space<hbm>>
    tpu.enqueue_dma source(%dma_start3A_82 : memref<16x128xf32, #tpu.memory_space<hbm>>) target(%dma_start3A_80 : memref<16x128xf32, #tpu.memory_space<vmem>>) target_semaphore(%arg14 : memref<!tpu.dma_semaphore, #tpu.memory_space<semaphore_mem>>)
    %slice3A_83 = vector.extract_strided_slice %get3A_1 {offsets = [2], sizes = [1], strides = [1]} : vector<16xi32> to vector<1xi32>
    %squeeze3A_84 = vector.extract %slice3A_83[0] : i32 from vector<1xi32>
    %shift_right_arithmetic3A_85 = arith.constant 7 : i32
    %shift_right_arithmetic3A_86 = arith.shrsi %squeeze3A_84, %shift_right_arithmetic3A_85 : i32
    %mul3A_87 = arith.constant 128 : i32
    %mul3A_88 = arith.muli %shift_right_arithmetic3A_86, %mul3A_87 : i32
    %multiple_of3A_89 = tpu.assume_multiple %mul3A_88, 128 : i32
    %slice3A_90 = vector.extract_strided_slice %get3A_3 {offsets = [2], sizes = [1], strides = [1]} : vector<16xi32> to vector<1xi32>
    %squeeze3A_91 = vector.extract %slice3A_90[0] : i32 from vector<1xi32>
    %shift_right_arithmetic3A_92 = arith.constant 7 : i32
    %shift_right_arithmetic3A_93 = arith.shrsi %squeeze3A_91, %shift_right_arithmetic3A_92 : i32
    %mul3A_94 = arith.constant 128 : i32
    %mul3A_95 = arith.muli %shift_right_arithmetic3A_93, %mul3A_94 : i32
    %multiple_of3A_96 = tpu.assume_multiple %mul3A_95, 128 : i32
    %dma_start3A_97 = arith.constant 0 : i32
    %dma_start3A_98 = arith.constant 2 : i32
    %dma_start3A_99 = arith.constant 0 : i32
    %dma_start3A_100 = arith.constant 0 : i32
    %dma_start3A_101 = tpu.memref_slice %arg9[%dma_start3A_97, %dma_start3A_98, %dma_start3A_99, %dma_start3A_100] : memref<2x8x16x128xf32, #tpu.memory_space<vmem>> -> memref<1x1x16x128xf32, #tpu.memory_space<vmem>>
    %dma_start3A_102 = tpu.memref_squeeze %dma_start3A_101 : memref<1x1x16x128xf32, #tpu.memory_space<vmem>> -> memref<16x128xf32, #tpu.memory_space<vmem>>
    %dma_start3A_103 = arith.constant 0 : i32
    %dma_start3A_104 = tpu.memref_slice %arg4[%dma_start3A_103, %multiple_of3A_89] : memref<16x1000000xf32, #tpu.memory_space<hbm>> -> memref<16x128xf32, #tpu.memory_space<hbm>>
    %dma_start3A_105 = arith.constant 0 : i32
    %dma_start3A_106 = arith.constant 0 : i32
    %dma_start3A_107 = tpu.memref_slice %arg9[%dma_start3A_97, %dma_start3A_98, %dma_start3A_105, %dma_start3A_106] : memref<2x8x16x128xf32, #tpu.memory_space<vmem>> -> memref<1x1x16x128xf32, #tpu.memory_space<vmem>>
    %dma_start3A_108 = tpu.memref_squeeze %dma_start3A_107 : memref<1x1x16x128xf32, #tpu.memory_space<vmem>> -> memref<16x128xf32, #tpu.memory_space<vmem>>
    %dma_start3A_109 = arith.constant 0 : i32
    %dma_start3A_110 = tpu.memref_slice %arg4[%dma_start3A_109, %multiple_of3A_89] : memref<16x1000000xf32, #tpu.memory_space<hbm>> -> memref<16x128xf32, #tpu.memory_space<hbm>>
    tpu.enqueue_dma source(%dma_start3A_110 : memref<16x128xf32, #tpu.memory_space<hbm>>) target(%dma_start3A_108 : memref<16x128xf32, #tpu.memory_space<vmem>>) target_semaphore(%arg14 : memref<!tpu.dma_semaphore, #tpu.memory_space<semaphore_mem>>)
    %dma_start3A_111 = arith.constant 0 : i32
    %dma_start3A_112 = arith.constant 2 : i32
    %dma_start3A_113 = arith.constant 0 : i32
    %dma_start3A_114 = arith.constant 0 : i32
    %dma_start3A_115 = tpu.memref_slice %arg10[%dma_start3A_111, %dma_start3A_112, %dma_start3A_113, %dma_start3A_114] : memref<2x8x16x128xf32, #tpu.memory_space<vmem>> -> memref<1x1x16x128xf32, #tpu.memory_space<vmem>>
    %dma_start3A_116 = tpu.memref_squeeze %dma_start3A_115 : memref<1x1x16x128xf32, #tpu.memory_space<vmem>> -> memref<16x128xf32, #tpu.memory_space<vmem>>
    %dma_start3A_117 = arith.constant 0 : i32
    %dma_start3A_118 = tpu.memref_slice %arg5[%dma_start3A_117, %multiple_of3A_96] : memref<16x1000000xf32, #tpu.memory_space<hbm>> -> memref<16x128xf32, #tpu.memory_space<hbm>>
    %dma_start3A_119 = arith.constant 0 : i32
    %dma_start3A_120 = arith.constant 0 : i32
    %dma_start3A_121 = tpu.memref_slice %arg10[%dma_start3A_111, %dma_start3A_112, %dma_start3A_119, %dma_start3A_120] : memref<2x8x16x128xf32, #tpu.memory_space<vmem>> -> memref<1x1x16x128xf32, #tpu.memory_space<vmem>>
    %dma_start3A_122 = tpu.memref_squeeze %dma_start3A_121 : memref<1x1x16x128xf32, #tpu.memory_space<vmem>> -> memref<16x128xf32, #tpu.memory_space<vmem>>
    %dma_start3A_123 = arith.constant 0 : i32
    %dma_start3A_124 = tpu.memref_slice %arg5[%dma_start3A_123, %multiple_of3A_96] : memref<16x1000000xf32, #tpu.memory_space<hbm>> -> memref<16x128xf32, #tpu.memory_space<hbm>>
    tpu.enqueue_dma source(%dma_start3A_124 : memref<16x128xf32, #tpu.memory_space<hbm>>) target(%dma_start3A_122 : memref<16x128xf32, #tpu.memory_space<vmem>>) target_semaphore(%arg14 : memref<!tpu.dma_semaphore, #tpu.memory_space<semaphore_mem>>)
    %slice3A_125 = vector.extract_strided_slice %get3A_1 {offsets = [3], sizes = [1], strides = [1]} : vector<16xi32> to vector<1xi32>
    %squeeze3A_126 = vector.extract %slice3A_125[0] : i32 from vector<1xi32>
    %shift_right_arithmetic3A_127 = arith.constant 7 : i32
    %shift_right_arithmetic3A_128 = arith.shrsi %squeeze3A_126, %shift_right_arithmetic3A_127 : i32
    %mul3A_129 = arith.constant 128 : i32
    %mul3A_130 = arith.muli %shift_right_arithmetic3A_128, %mul3A_129 : i32
    %multiple_of3A_131 = tpu.assume_multiple %mul3A_130, 128 : i32
    %slice3A_132 = vector.extract_strided_slice %get3A_3 {offsets = [3], sizes = [1], strides = [1]} : vector<16xi32> to vector<1xi32>
    %squeeze3A_133 = vector.extract %slice3A_132[0] : i32 from vector<1xi32>
    %shift_right_arithmetic3A_134 = arith.constant 7 : i32
    %shift_right_arithmetic3A_135 = arith.shrsi %squeeze3A_133, %shift_right_arithmetic3A_134 : i32
    %mul3A_136 = arith.constant 128 : i32
    %mul3A_137 = arith.muli %shift_right_arithmetic3A_135, %mul3A_136 : i32
    %multiple_of3A_138 = tpu.assume_multiple %mul3A_137, 128 : i32
    %dma_start3A_139 = arith.constant 0 : i32
    %dma_start3A_140 = arith.constant 3 : i32
    %dma_start3A_141 = arith.constant 0 : i32
    %dma_start3A_142 = arith.constant 0 : i32
    %dma_start3A_143 = tpu.memref_slice %arg9[%dma_start3A_139, %dma_start3A_140, %dma_start3A_141, %dma_start3A_142] : memref<2x8x16x128xf32, #tpu.memory_space<vmem>> -> memref<1x1x16x128xf32, #tpu.memory_space<vmem>>
    %dma_start3A_144 = tpu.memref_squeeze %dma_start3A_143 : memref<1x1x16x128xf32, #tpu.memory_space<vmem>> -> memref<16x128xf32, #tpu.memory_space<vmem>>
    %dma_start3A_145 = arith.constant 0 : i32
    %dma_start3A_146 = tpu.memref_slice %arg4[%dma_start3A_145, %multiple_of3A_131] : memref<16x1000000xf32, #tpu.memory_space<hbm>> -> memref<16x128xf32, #tpu.memory_space<hbm>>
    %dma_start3A_147 = arith.constant 0 : i32
    %dma_start3A_148 = arith.constant 0 : i32
    %dma_start3A_149 = tpu.memref_slice %arg9[%dma_start3A_139, %dma_start3A_140, %dma_start3A_147, %dma_start3A_148] : memref<2x8x16x128xf32, #tpu.memory_space<vmem>> -> memref<1x1x16x128xf32, #tpu.memory_space<vmem>>
    %dma_start3A_150 = tpu.memref_squeeze %dma_start3A_149 : memref<1x1x16x128xf32, #tpu.memory_space<vmem>> -> memref<16x128xf32, #tpu.memory_space<vmem>>
    %dma_start3A_151 = arith.constant 0 : i32
    %dma_start3A_152 = tpu.memref_slice %arg4[%dma_start3A_151, %multiple_of3A_131] : memref<16x1000000xf32, #tpu.memory_space<hbm>> -> memref<16x128xf32, #tpu.memory_space<hbm>>
    tpu.enqueue_dma source(%dma_start3A_152 : memref<16x128xf32, #tpu.memory_space<hbm>>) target(%dma_start3A_150 : memref<16x128xf32, #tpu.memory_space<vmem>>) target_semaphore(%arg14 : memref<!tpu.dma_semaphore, #tpu.memory_space<semaphore_mem>>)
    %dma_start3A_153 = arith.constant 0 : i32
    %dma_start3A_154 = arith.constant 3 : i32
    %dma_start3A_155 = arith.constant 0 : i32
    %dma_start3A_156 = arith.constant 0 : i32
    %dma_start3A_157 = tpu.memref_slice %arg10[%dma_start3A_153, %dma_start3A_154, %dma_start3A_155, %dma_start3A_156] : memref<2x8x16x128xf32, #tpu.memory_space<vmem>> -> memref<1x1x16x128xf32, #tpu.memory_space<vmem>>
    %dma_start3A_158 = tpu.memref_squeeze %dma_start3A_157 : memref<1x1x16x128xf32, #tpu.memory_space<vmem>> -> memref<16x128xf32, #tpu.memory_space<vmem>>
    %dma_start3A_159 = arith.constant 0 : i32
    %dma_start3A_160 = tpu.memref_slice %arg5[%dma_start3A_159, %multiple_of3A_138] : memref<16x1000000xf32, #tpu.memory_space<hbm>> -> memref<16x128xf32, #tpu.memory_space<hbm>>
    %dma_start3A_161 = arith.constant 0 : i32
    %dma_start3A_162 = arith.constant 0 : i32
    %dma_start3A_163 = tpu.memref_slice %arg10[%dma_start3A_153, %dma_start3A_154, %dma_start3A_161, %dma_start3A_162] : memref<2x8x16x128xf32, #tpu.memory_space<vmem>> -> memref<1x1x16x128xf32, #tpu.memory_space<vmem>>
    %dma_start3A_164 = tpu.memref_squeeze %dma_start3A_163 : memref<1x1x16x128xf32, #tpu.memory_space<vmem>> -> memref<16x128xf32, #tpu.memory_space<vmem>>
    %dma_start3A_165 = arith.constant 0 : i32
    %dma_start3A_166 = tpu.memref_slice %arg5[%dma_start3A_165, %multiple_of3A_138] : memref<16x1000000xf32, #tpu.memory_space<hbm>> -> memref<16x128xf32, #tpu.memory_space<hbm>>
    tpu.enqueue_dma source(%dma_start3A_166 : memref<16x128xf32, #tpu.memory_space<hbm>>) target(%dma_start3A_164 : memref<16x128xf32, #tpu.memory_space<vmem>>) target_semaphore(%arg14 : memref<!tpu.dma_semaphore, #tpu.memory_space<semaphore_mem>>)
    %slice3A_167 = vector.extract_strided_slice %get3A_1 {offsets = [4], sizes = [1], strides = [1]} : vector<16xi32> to vector<1xi32>
    %squeeze3A_168 = vector.extract %slice3A_167[0] : i32 from vector<1xi32>
    %shift_right_arithmetic3A_169 = arith.constant 7 : i32
    %shift_right_arithmetic3A_170 = arith.shrsi %squeeze3A_168, %shift_right_arithmetic3A_169 : i32
    %mul3A_171 = arith.constant 128 : i32
    %mul3A_172 = arith.muli %shift_right_arithmetic3A_170, %mul3A_171 : i32
    %multiple_of3A_173 = tpu.assume_multiple %mul3A_172, 128 : i32
    %slice3A_174 = vector.extract_strided_slice %get3A_3 {offsets = [4], sizes = [1], strides = [1]} : vector<16xi32> to vector<1xi32>
    %squeeze3A_175 = vector.extract %slice3A_174[0] : i32 from vector<1xi32>
    %shift_right_arithmetic3A_176 = arith.constant 7 : i32
    %shift_right_arithmetic3A_177 = arith.shrsi %squeeze3A_175, %shift_right_arithmetic3A_176 : i32
    %mul3A_178 = arith.constant 128 : i32
    %mul3A_179 = arith.muli %shift_right_arithmetic3A_177, %mul3A_178 : i32
    %multiple_of3A_180 = tpu.assume_multiple %mul3A_179, 128 : i32
    %dma_start3A_181 = arith.constant 0 : i32
    %dma_start3A_182 = arith.constant 4 : i32
    %dma_start3A_183 = arith.constant 0 : i32
    %dma_start3A_184 = arith.constant 0 : i32
    %dma_start3A_185 = tpu.memref_slice %arg9[%dma_start3A_181, %dma_start3A_182, %dma_start3A_183, %dma_start3A_184] : memref<2x8x16x128xf32, #tpu.memory_space<vmem>> -> memref<1x1x16x128xf32, #tpu.memory_space<vmem>>
    %dma_start3A_186 = tpu.memref_squeeze %dma_start3A_185 : memref<1x1x16x128xf32, #tpu.memory_space<vmem>> -> memref<16x128xf32, #tpu.memory_space<vmem>>
    %dma_start3A_187 = arith.constant 0 : i32
    %dma_start3A_188 = tpu.memref_slice %arg4[%dma_start3A_187, %multiple_of3A_173] : memref<16x1000000xf32, #tpu.memory_space<hbm>> -> memref<16x128xf32, #tpu.memory_space<hbm>>
    %dma_start3A_189 = arith.constant 0 : i32
    %dma_start3A_190 = arith.constant 0 : i32
    %dma_start3A_191 = tpu.memref_slice %arg9[%dma_start3A_181, %dma_start3A_182, %dma_start3A_189, %dma_start3A_190] : memref<2x8x16x128xf32, #tpu.memory_space<vmem>> -> memref<1x1x16x128xf32, #tpu.memory_space<vmem>>
    %dma_start3A_192 = tpu.memref_squeeze %dma_start3A_191 : memref<1x1x16x128xf32, #tpu.memory_space<vmem>> -> memref<16x128xf32, #tpu.memory_space<vmem>>
    %dma_start3A_193 = arith.constant 0 : i32
    %dma_start3A_194 = tpu.memref_slice %arg4[%dma_start3A_193, %multiple_of3A_173] : memref<16x1000000xf32, #tpu.memory_space<hbm>> -> memref<16x128xf32, #tpu.memory_space<hbm>>
    tpu.enqueue_dma source(%dma_start3A_194 : memref<16x128xf32, #tpu.memory_space<hbm>>) target(%dma_start3A_192 : memref<16x128xf32, #tpu.memory_space<vmem>>) target_semaphore(%arg14 : memref<!tpu.dma_semaphore, #tpu.memory_space<semaphore_mem>>)
    %dma_start3A_195 = arith.constant 0 : i32
    %dma_start3A_196 = arith.constant 4 : i32
    %dma_start3A_197 = arith.constant 0 : i32
    %dma_start3A_198 = arith.constant 0 : i32
    %dma_start3A_199 = tpu.memref_slice %arg10[%dma_start3A_195, %dma_start3A_196, %dma_start3A_197, %dma_start3A_198] : memref<2x8x16x128xf32, #tpu.memory_space<vmem>> -> memref<1x1x16x128xf32, #tpu.memory_space<vmem>>
    %dma_start3A_200 = tpu.memref_squeeze %dma_start3A_199 : memref<1x1x16x128xf32, #tpu.memory_space<vmem>> -> memref<16x128xf32, #tpu.memory_space<vmem>>
    %dma_start3A_201 = arith.constant 0 : i32
    %dma_start3A_202 = tpu.memref_slice %arg5[%dma_start3A_201, %multiple_of3A_180] : memref<16x1000000xf32, #tpu.memory_space<hbm>> -> memref<16x128xf32, #tpu.memory_space<hbm>>
    %dma_start3A_203 = arith.constant 0 : i32
    %dma_start3A_204 = arith.constant 0 : i32
    %dma_start3A_205 = tpu.memref_slice %arg10[%dma_start3A_195, %dma_start3A_196, %dma_start3A_203, %dma_start3A_204] : memref<2x8x16x128xf32, #tpu.memory_space<vmem>> -> memref<1x1x16x128xf32, #tpu.memory_space<vmem>>
    %dma_start3A_206 = tpu.memref_squeeze %dma_start3A_205 : memref<1x1x16x128xf32, #tpu.memory_space<vmem>> -> memref<16x128xf32, #tpu.memory_space<vmem>>
    %dma_start3A_207 = arith.constant 0 : i32
    %dma_start3A_208 = tpu.memref_slice %arg5[%dma_start3A_207, %multiple_of3A_180] : memref<16x1000000xf32, #tpu.memory_space<hbm>> -> memref<16x128xf32, #tpu.memory_space<hbm>>
    tpu.enqueue_dma source(%dma_start3A_208 : memref<16x128xf32, #tpu.memory_space<hbm>>) target(%dma_start3A_206 : memref<16x128xf32, #tpu.memory_space<vmem>>) target_semaphore(%arg14 : memref<!tpu.dma_semaphore, #tpu.memory_space<semaphore_mem>>)
    %slice3A_209 = vector.extract_strided_slice %get3A_1 {offsets = [5], sizes = [1], strides = [1]} : vector<16xi32> to vector<1xi32>
    %squeeze3A_210 = vector.extract %slice3A_209[0] : i32 from vector<1xi32>
    %shift_right_arithmetic3A_211 = arith.constant 7 : i32
    %shift_right_arithmetic3A_212 = arith.shrsi %squeeze3A_210, %shift_right_arithmetic3A_211 : i32
    %mul3A_213 = arith.constant 128 : i32
    %mul3A_214 = arith.muli %shift_right_arithmetic3A_212, %mul3A_213 : i32
    %multiple_of3A_215 = tpu.assume_multiple %mul3A_214, 128 : i32
    %slice3A_216 = vector.extract_strided_slice %get3A_3 {offsets = [5], sizes = [1], strides = [1]} : vector<16xi32> to vector<1xi32>
    %squeeze3A_217 = vector.extract %slice3A_216[0] : i32 from vector<1xi32>
    %shift_right_arithmetic3A_218 = arith.constant 7 : i32
    %shift_right_arithmetic3A_219 = arith.shrsi %squeeze3A_217, %shift_right_arithmetic3A_218 : i32
    %mul3A_220 = arith.constant 128 : i32
    %mul3A_221 = arith.muli %shift_right_arithmetic3A_219, %mul3A_220 : i32
    %multiple_of3A_222 = tpu.assume_multiple %mul3A_221, 128 : i32
    %dma_start3A_223 = arith.constant 0 : i32
    %dma_start3A_224 = arith.constant 5 : i32
    %dma_start3A_225 = arith.constant 0 : i32
    %dma_start3A_226 = arith.constant 0 : i32
    %dma_start3A_227 = tpu.memref_slice %arg9[%dma_start3A_223, %dma_start3A_224, %dma_start3A_225, %dma_start3A_226] : memref<2x8x16x128xf32, #tpu.memory_space<vmem>> -> memref<1x1x16x128xf32, #tpu.memory_space<vmem>>
    %dma_start3A_228 = tpu.memref_squeeze %dma_start3A_227 : memref<1x1x16x128xf32, #tpu.memory_space<vmem>> -> memref<16x128xf32, #tpu.memory_space<vmem>>
    %dma_start3A_229 = arith.constant 0 : i32
    %dma_start3A_230 = tpu.memref_slice %arg4[%dma_start3A_229, %multiple_of3A_215] : memref<16x1000000xf32, #tpu.memory_space<hbm>> -> memref<16x128xf32, #tpu.memory_space<hbm>>
    %dma_start3A_231 = arith.constant 0 : i32
    %dma_start3A_232 = arith.constant 0 : i32
    %dma_start3A_233 = tpu.memref_slice %arg9[%dma_start3A_223, %dma_start3A_224, %dma_start3A_231, %dma_start3A_232] : memref<2x8x16x128xf32, #tpu.memory_space<vmem>> -> memref<1x1x16x128xf32, #tpu.memory_space<vmem>>
    %dma_start3A_234 = tpu.memref_squeeze %dma_start3A_233 : memref<1x1x16x128xf32, #tpu.memory_space<vmem>> -> memref<16x128xf32, #tpu.memory_space<vmem>>
    %dma_start3A_235 = arith.constant 0 : i32
    %dma_start3A_236 = tpu.memref_slice %arg4[%dma_start3A_235, %multiple_of3A_215] : memref<16x1000000xf32, #tpu.memory_space<hbm>> -> memref<16x128xf32, #tpu.memory_space<hbm>>
    tpu.enqueue_dma source(%dma_start3A_236 : memref<16x128xf32, #tpu.memory_space<hbm>>) target(%dma_start3A_234 : memref<16x128xf32, #tpu.memory_space<vmem>>) target_semaphore(%arg14 : memref<!tpu.dma_semaphore, #tpu.memory_space<semaphore_mem>>)
    %dma_start3A_237 = arith.constant 0 : i32
    %dma_start3A_238 = arith.constant 5 : i32
    %dma_start3A_239 = arith.constant 0 : i32
    %dma_start3A_240 = arith.constant 0 : i32
    %dma_start3A_241 = tpu.memref_slice %arg10[%dma_start3A_237, %dma_start3A_238, %dma_start3A_239, %dma_start3A_240] : memref<2x8x16x128xf32, #tpu.memory_space<vmem>> -> memref<1x1x16x128xf32, #tpu.memory_space<vmem>>
    %dma_start3A_242 = tpu.memref_squeeze %dma_start3A_241 : memref<1x1x16x128xf32, #tpu.memory_space<vmem>> -> memref<16x128xf32, #tpu.memory_space<vmem>>
    %dma_start3A_243 = arith.constant 0 : i32
    %dma_start3A_244 = tpu.memref_slice %arg5[%dma_start3A_243, %multiple_of3A_222] : memref<16x1000000xf32, #tpu.memory_space<hbm>> -> memref<16x128xf32, #tpu.memory_space<hbm>>
    %dma_start3A_245 = arith.constant 0 : i32
    %dma_start3A_246 = arith.constant 0 : i32
    %dma_start3A_247 = tpu.memref_slice %arg10[%dma_start3A_237, %dma_start3A_238, %dma_start3A_245, %dma_start3A_246] : memref<2x8x16x128xf32, #tpu.memory_space<vmem>> -> memref<1x1x16x128xf32, #tpu.memory_space<vmem>>
    %dma_start3A_248 = tpu.memref_squeeze %dma_start3A_247 : memref<1x1x16x128xf32, #tpu.memory_space<vmem>> -> memref<16x128xf32, #tpu.memory_space<vmem>>
    %dma_start3A_249 = arith.constant 0 : i32
    %dma_start3A_250 = tpu.memref_slice %arg5[%dma_start3A_249, %multiple_of3A_222] : memref<16x1000000xf32, #tpu.memory_space<hbm>> -> memref<16x128xf32, #tpu.memory_space<hbm>>
    tpu.enqueue_dma source(%dma_start3A_250 : memref<16x128xf32, #tpu.memory_space<hbm>>) target(%dma_start3A_248 : memref<16x128xf32, #tpu.memory_space<vmem>>) target_semaphore(%arg14 : memref<!tpu.dma_semaphore, #tpu.memory_space<semaphore_mem>>)
    %slice3A_251 = vector.extract_strided_slice %get3A_1 {offsets = [6], sizes = [1], strides = [1]} : vector<16xi32> to vector<1xi32>
    %squeeze3A_252 = vector.extract %slice3A_251[0] : i32 from vector<1xi32>
    %shift_right_arithmetic3A_253 = arith.constant 7 : i32
    %shift_right_arithmetic3A_254 = arith.shrsi %squeeze3A_252, %shift_right_arithmetic3A_253 : i32
    %mul3A_255 = arith.constant 128 : i32
    %mul3A_256 = arith.muli %shift_right_arithmetic3A_254, %mul3A_255 : i32
    %multiple_of3A_257 = tpu.assume_multiple %mul3A_256, 128 : i32
    %slice3A_258 = vector.extract_strided_slice %get3A_3 {offsets = [6], sizes = [1], strides = [1]} : vector<16xi32> to vector<1xi32>
    %squeeze3A_259 = vector.extract %slice3A_258[0] : i32 from vector<1xi32>
    %shift_right_arithmetic3A_260 = arith.constant 7 : i32
    %shift_right_arithmetic3A_261 = arith.shrsi %squeeze3A_259, %shift_right_arithmetic3A_260 : i32
    %mul3A_262 = arith.constant 128 : i32
    %mul3A_263 = arith.muli %shift_right_arithmetic3A_261, %mul3A_262 : i32
    %multiple_of3A_264 = tpu.assume_multiple %mul3A_263, 128 : i32
    %dma_start3A_265 = arith.constant 0 : i32
    %dma_start3A_266 = arith.constant 6 : i32
    %dma_start3A_267 = arith.constant 0 : i32
    %dma_start3A_268 = arith.constant 0 : i32
    %dma_start3A_269 = tpu.memref_slice %arg9[%dma_start3A_265, %dma_start3A_266, %dma_start3A_267, %dma_start3A_268] : memref<2x8x16x128xf32, #tpu.memory_space<vmem>> -> memref<1x1x16x128xf32, #tpu.memory_space<vmem>>
    %dma_start3A_270 = tpu.memref_squeeze %dma_start3A_269 : memref<1x1x16x128xf32, #tpu.memory_space<vmem>> -> memref<16x128xf32, #tpu.memory_space<vmem>>
    %dma_start3A_271 = arith.constant 0 : i32
    %dma_start3A_272 = tpu.memref_slice %arg4[%dma_start3A_271, %multiple_of3A_257] : memref<16x1000000xf32, #tpu.memory_space<hbm>> -> memref<16x128xf32, #tpu.memory_space<hbm>>
    %dma_start3A_273 = arith.constant 0 : i32
    %dma_start3A_274 = arith.constant 0 : i32
    %dma_start3A_275 = tpu.memref_slice %arg9[%dma_start3A_265, %dma_start3A_266, %dma_start3A_273, %dma_start3A_274] : memref<2x8x16x128xf32, #tpu.memory_space<vmem>> -> memref<1x1x16x128xf32, #tpu.memory_space<vmem>>
    %dma_start3A_276 = tpu.memref_squeeze %dma_start3A_275 : memref<1x1x16x128xf32, #tpu.memory_space<vmem>> -> memref<16x128xf32, #tpu.memory_space<vmem>>
    %dma_start3A_277 = arith.constant 0 : i32
    %dma_start3A_278 = tpu.memref_slice %arg4[%dma_start3A_277, %multiple_of3A_257] : memref<16x1000000xf32, #tpu.memory_space<hbm>> -> memref<16x128xf32, #tpu.memory_space<hbm>>
    tpu.enqueue_dma source(%dma_start3A_278 : memref<16x128xf32, #tpu.memory_space<hbm>>) target(%dma_start3A_276 : memref<16x128xf32, #tpu.memory_space<vmem>>) target_semaphore(%arg14 : memref<!tpu.dma_semaphore, #tpu.memory_space<semaphore_mem>>)
    %dma_start3A_279 = arith.constant 0 : i32
    %dma_start3A_280 = arith.constant 6 : i32
    %dma_start3A_281 = arith.constant 0 : i32
    %dma_start3A_282 = arith.constant 0 : i32
    %dma_start3A_283 = tpu.memref_slice %arg10[%dma_start3A_279, %dma_start3A_280, %dma_start3A_281, %dma_start3A_282] : memref<2x8x16x128xf32, #tpu.memory_space<vmem>> -> memref<1x1x16x128xf32, #tpu.memory_space<vmem>>
    %dma_start3A_284 = tpu.memref_squeeze %dma_start3A_283 : memref<1x1x16x128xf32, #tpu.memory_space<vmem>> -> memref<16x128xf32, #tpu.memory_space<vmem>>
    %dma_start3A_285 = arith.constant 0 : i32
    %dma_start3A_286 = tpu.memref_slice %arg5[%dma_start3A_285, %multiple_of3A_264] : memref<16x1000000xf32, #tpu.memory_space<hbm>> -> memref<16x128xf32, #tpu.memory_space<hbm>>
    %dma_start3A_287 = arith.constant 0 : i32
    %dma_start3A_288 = arith.constant 0 : i32
    %dma_start3A_289 = tpu.memref_slice %arg10[%dma_start3A_279, %dma_start3A_280, %dma_start3A_287, %dma_start3A_288] : memref<2x8x16x128xf32, #tpu.memory_space<vmem>> -> memref<1x1x16x128xf32, #tpu.memory_space<vmem>>
    %dma_start3A_290 = tpu.memref_squeeze %dma_start3A_289 : memref<1x1x16x128xf32, #tpu.memory_space<vmem>> -> memref<16x128xf32, #tpu.memory_space<vmem>>
    %dma_start3A_291 = arith.constant 0 : i32
    %dma_start3A_292 = tpu.memref_slice %arg5[%dma_start3A_291, %multiple_of3A_264] : memref<16x1000000xf32, #tpu.memory_space<hbm>> -> memref<16x128xf32, #tpu.memory_space<hbm>>
    tpu.enqueue_dma source(%dma_start3A_292 : memref<16x128xf32, #tpu.memory_space<hbm>>) target(%dma_start3A_290 : memref<16x128xf32, #tpu.memory_space<vmem>>) target_semaphore(%arg14 : memref<!tpu.dma_semaphore, #tpu.memory_space<semaphore_mem>>)
    %slice3A_293 = vector.extract_strided_slice %get3A_1 {offsets = [7], sizes = [1], strides = [1]} : vector<16xi32> to vector<1xi32>
    %squeeze3A_294 = vector.extract %slice3A_293[0] : i32 from vector<1xi32>
    %shift_right_arithmetic3A_295 = arith.constant 7 : i32
    %shift_right_arithmetic3A_296 = arith.shrsi %squeeze3A_294, %shift_right_arithmetic3A_295 : i32
    %mul3A_297 = arith.constant 128 : i32
    %mul3A_298 = arith.muli %shift_right_arithmetic3A_296, %mul3A_297 : i32
    %multiple_of3A_299 = tpu.assume_multiple %mul3A_298, 128 : i32
    %slice3A_300 = vector.extract_strided_slice %get3A_3 {offsets = [7], sizes = [1], strides = [1]} : vector<16xi32> to vector<1xi32>
    %squeeze3A_301 = vector.extract %slice3A_300[0] : i32 from vector<1xi32>
    %shift_right_arithmetic3A_302 = arith.constant 7 : i32
    %shift_right_arithmetic3A_303 = arith.shrsi %squeeze3A_301, %shift_right_arithmetic3A_302 : i32
    %mul3A_304 = arith.constant 128 : i32
    %mul3A_305 = arith.muli %shift_right_arithmetic3A_303, %mul3A_304 : i32
    %multiple_of3A_306 = tpu.assume_multiple %mul3A_305, 128 : i32
    %dma_start3A_307 = arith.constant 0 : i32
    %dma_start3A_308 = arith.constant 7 : i32
    %dma_start3A_309 = arith.constant 0 : i32
    %dma_start3A_310 = arith.constant 0 : i32
    %dma_start3A_311 = tpu.memref_slice %arg9[%dma_start3A_307, %dma_start3A_308, %dma_start3A_309, %dma_start3A_310] : memref<2x8x16x128xf32, #tpu.memory_space<vmem>> -> memref<1x1x16x128xf32, #tpu.memory_space<vmem>>
    %dma_start3A_312 = tpu.memref_squeeze %dma_start3A_311 : memref<1x1x16x128xf32, #tpu.memory_space<vmem>> -> memref<16x128xf32, #tpu.memory_space<vmem>>
    %dma_start3A_313 = arith.constant 0 : i32
    %dma_start3A_314 = tpu.memref_slice %arg4[%dma_start3A_313, %multiple_of3A_299] : memref<16x1000000xf32, #tpu.memory_space<hbm>> -> memref<16x128xf32, #tpu.memory_space<hbm>>
    %dma_start3A_315 = arith.constant 0 : i32
    %dma_start3A_316 = arith.constant 0 : i32
    %dma_start3A_317 = tpu.memref_slice %arg9[%dma_start3A_307, %dma_start3A_308, %dma_start3A_315, %dma_start3A_316] : memref<2x8x16x128xf32, #tpu.memory_space<vmem>> -> memref<1x1x16x128xf32, #tpu.memory_space<vmem>>
    %dma_start3A_318 = tpu.memref_squeeze %dma_start3A_317 : memref<1x1x16x128xf32, #tpu.memory_space<vmem>> -> memref<16x128xf32, #tpu.memory_space<vmem>>
    %dma_start3A_319 = arith.constant 0 : i32
    %dma_start3A_320 = tpu.memref_slice %arg4[%dma_start3A_319, %multiple_of3A_299] : memref<16x1000000xf32, #tpu.memory_space<hbm>> -> memref<16x128xf32, #tpu.memory_space<hbm>>
    tpu.enqueue_dma source(%dma_start3A_320 : memref<16x128xf32, #tpu.memory_space<hbm>>) target(%dma_start3A_318 : memref<16x128xf32, #tpu.memory_space<vmem>>) target_semaphore(%arg14 : memref<!tpu.dma_semaphore, #tpu.memory_space<semaphore_mem>>)
    %dma_start3A_321 = arith.constant 0 : i32
    %dma_start3A_322 = arith.constant 7 : i32
    %dma_start3A_323 = arith.constant 0 : i32
    %dma_start3A_324 = arith.constant 0 : i32
    %dma_start3A_325 = tpu.memref_slice %arg10[%dma_start3A_321, %dma_start3A_322, %dma_start3A_323, %dma_start3A_324] : memref<2x8x16x128xf32, #tpu.memory_space<vmem>> -> memref<1x1x16x128xf32, #tpu.memory_space<vmem>>
    %dma_start3A_326 = tpu.memref_squeeze %dma_start3A_325 : memref<1x1x16x128xf32, #tpu.memory_space<vmem>> -> memref<16x128xf32, #tpu.memory_space<vmem>>
    %dma_start3A_327 = arith.constant 0 : i32
    %dma_start3A_328 = tpu.memref_slice %arg5[%dma_start3A_327, %multiple_of3A_306] : memref<16x1000000xf32, #tpu.memory_space<hbm>> -> memref<16x128xf32, #tpu.memory_space<hbm>>
    %dma_start3A_329 = arith.constant 0 : i32
    %dma_start3A_330 = arith.constant 0 : i32
    %dma_start3A_331 = tpu.memref_slice %arg10[%dma_start3A_321, %dma_start3A_322, %dma_start3A_329, %dma_start3A_330] : memref<2x8x16x128xf32, #tpu.memory_space<vmem>> -> memref<1x1x16x128xf32, #tpu.memory_space<vmem>>
    %dma_start3A_332 = tpu.memref_squeeze %dma_start3A_331 : memref<1x1x16x128xf32, #tpu.memory_space<vmem>> -> memref<16x128xf32, #tpu.memory_space<vmem>>
    %dma_start3A_333 = arith.constant 0 : i32
    %dma_start3A_334 = tpu.memref_slice %arg5[%dma_start3A_333, %multiple_of3A_306] : memref<16x1000000xf32, #tpu.memory_space<hbm>> -> memref<16x128xf32, #tpu.memory_space<hbm>>
    tpu.enqueue_dma source(%dma_start3A_334 : memref<16x128xf32, #tpu.memory_space<hbm>>) target(%dma_start3A_332 : memref<16x128xf32, #tpu.memory_space<vmem>>) target_semaphore(%arg14 : memref<!tpu.dma_semaphore, #tpu.memory_space<semaphore_mem>>)
    %slice3A_335 = vector.extract_strided_slice %get3A_1 {offsets = [8], sizes = [1], strides = [1]} : vector<16xi32> to vector<1xi32>
    %squeeze3A_336 = vector.extract %slice3A_335[0] : i32 from vector<1xi32>
    %shift_right_arithmetic3A_337 = arith.constant 7 : i32
    %shift_right_arithmetic3A_338 = arith.shrsi %squeeze3A_336, %shift_right_arithmetic3A_337 : i32
    %mul3A_339 = arith.constant 128 : i32
    %mul3A_340 = arith.muli %shift_right_arithmetic3A_338, %mul3A_339 : i32
    %multiple_of3A_341 = tpu.assume_multiple %mul3A_340, 128 : i32
    %slice3A_342 = vector.extract_strided_slice %get3A_3 {offsets = [8], sizes = [1], strides = [1]} : vector<16xi32> to vector<1xi32>
    %squeeze3A_343 = vector.extract %slice3A_342[0] : i32 from vector<1xi32>
    %shift_right_arithmetic3A_344 = arith.constant 7 : i32
    %shift_right_arithmetic3A_345 = arith.shrsi %squeeze3A_343, %shift_right_arithmetic3A_344 : i32
    %mul3A_346 = arith.constant 128 : i32
    %mul3A_347 = arith.muli %shift_right_arithmetic3A_345, %mul3A_346 : i32
    %multiple_of3A_348 = tpu.assume_multiple %mul3A_347, 128 : i32
    %dma_start3A_349 = arith.constant 1 : i32
    %dma_start3A_350 = arith.constant 0 : i32
    %dma_start3A_351 = arith.constant 0 : i32
    %dma_start3A_352 = arith.constant 0 : i32
    %dma_start3A_353 = tpu.memref_slice %arg9[%dma_start3A_349, %dma_start3A_350, %dma_start3A_351, %dma_start3A_352] : memref<2x8x16x128xf32, #tpu.memory_space<vmem>> -> memref<1x1x16x128xf32, #tpu.memory_space<vmem>>
    %dma_start3A_354 = tpu.memref_squeeze %dma_start3A_353 : memref<1x1x16x128xf32, #tpu.memory_space<vmem>> -> memref<16x128xf32, #tpu.memory_space<vmem>>
    %dma_start3A_355 = arith.constant 0 : i32
    %dma_start3A_356 = tpu.memref_slice %arg4[%dma_start3A_355, %multiple_of3A_341] : memref<16x1000000xf32, #tpu.memory_space<hbm>> -> memref<16x128xf32, #tpu.memory_space<hbm>>
    %dma_start3A_357 = arith.constant 0 : i32
    %dma_start3A_358 = arith.constant 0 : i32
    %dma_start3A_359 = tpu.memref_slice %arg9[%dma_start3A_349, %dma_start3A_350, %dma_start3A_357, %dma_start3A_358] : memref<2x8x16x128xf32, #tpu.memory_space<vmem>> -> memref<1x1x16x128xf32, #tpu.memory_space<vmem>>
    %dma_start3A_360 = tpu.memref_squeeze %dma_start3A_359 : memref<1x1x16x128xf32, #tpu.memory_space<vmem>> -> memref<16x128xf32, #tpu.memory_space<vmem>>
    %dma_start3A_361 = arith.constant 0 : i32
    %dma_start3A_362 = tpu.memref_slice %arg4[%dma_start3A_361, %multiple_of3A_341] : memref<16x1000000xf32, #tpu.memory_space<hbm>> -> memref<16x128xf32, #tpu.memory_space<hbm>>
    tpu.enqueue_dma source(%dma_start3A_362 : memref<16x128xf32, #tpu.memory_space<hbm>>) target(%dma_start3A_360 : memref<16x128xf32, #tpu.memory_space<vmem>>) target_semaphore(%arg15 : memref<!tpu.dma_semaphore, #tpu.memory_space<semaphore_mem>>)
    %dma_start3A_363 = arith.constant 1 : i32
    %dma_start3A_364 = arith.constant 0 : i32
    %dma_start3A_365 = arith.constant 0 : i32
    %dma_start3A_366 = arith.constant 0 : i32
    %dma_start3A_367 = tpu.memref_slice %arg10[%dma_start3A_363, %dma_start3A_364, %dma_start3A_365, %dma_start3A_366] : memref<2x8x16x128xf32, #tpu.memory_space<vmem>> -> memref<1x1x16x128xf32, #tpu.memory_space<vmem>>
    %dma_start3A_368 = tpu.memref_squeeze %dma_start3A_367 : memref<1x1x16x128xf32, #tpu.memory_space<vmem>> -> memref<16x128xf32, #tpu.memory_space<vmem>>
    %dma_start3A_369 = arith.constant 0 : i32
    %dma_start3A_370 = tpu.memref_slice %arg5[%dma_start3A_369, %multiple_of3A_348] : memref<16x1000000xf32, #tpu.memory_space<hbm>> -> memref<16x128xf32, #tpu.memory_space<hbm>>
    %dma_start3A_371 = arith.constant 0 : i32
    %dma_start3A_372 = arith.constant 0 : i32
    %dma_start3A_373 = tpu.memref_slice %arg10[%dma_start3A_363, %dma_start3A_364, %dma_start3A_371, %dma_start3A_372] : memref<2x8x16x128xf32, #tpu.memory_space<vmem>> -> memref<1x1x16x128xf32, #tpu.memory_space<vmem>>
    %dma_start3A_374 = tpu.memref_squeeze %dma_start3A_373 : memref<1x1x16x128xf32, #tpu.memory_space<vmem>> -> memref<16x128xf32, #tpu.memory_space<vmem>>
    %dma_start3A_375 = arith.constant 0 : i32
    %dma_start3A_376 = tpu.memref_slice %arg5[%dma_start3A_375, %multiple_of3A_348] : memref<16x1000000xf32, #tpu.memory_space<hbm>> -> memref<16x128xf32, #tpu.memory_space<hbm>>
    tpu.enqueue_dma source(%dma_start3A_376 : memref<16x128xf32, #tpu.memory_space<hbm>>) target(%dma_start3A_374 : memref<16x128xf32, #tpu.memory_space<vmem>>) target_semaphore(%arg15 : memref<!tpu.dma_semaphore, #tpu.memory_space<semaphore_mem>>)
    %slice3A_377 = vector.extract_strided_slice %get3A_1 {offsets = [9], sizes = [1], strides = [1]} : vector<16xi32> to vector<1xi32>
    %squeeze3A_378 = vector.extract %slice3A_377[0] : i32 from vector<1xi32>
    %shift_right_arithmetic3A_379 = arith.constant 7 : i32
    %shift_right_arithmetic3A_380 = arith.shrsi %squeeze3A_378, %shift_right_arithmetic3A_379 : i32
    %mul3A_381 = arith.constant 128 : i32
    %mul3A_382 = arith.muli %shift_right_arithmetic3A_380, %mul3A_381 : i32
    %multiple_of3A_383 = tpu.assume_multiple %mul3A_382, 128 : i32
    %slice3A_384 = vector.extract_strided_slice %get3A_3 {offsets = [9], sizes = [1], strides = [1]} : vector<16xi32> to vector<1xi32>
    %squeeze3A_385 = vector.extract %slice3A_384[0] : i32 from vector<1xi32>
    %shift_right_arithmetic3A_386 = arith.constant 7 : i32
    %shift_right_arithmetic3A_387 = arith.shrsi %squeeze3A_385, %shift_right_arithmetic3A_386 : i32
    %mul3A_388 = arith.constant 128 : i32
    %mul3A_389 = arith.muli %shift_right_arithmetic3A_387, %mul3A_388 : i32
    %multiple_of3A_390 = tpu.assume_multiple %mul3A_389, 128 : i32
    %dma_start3A_391 = arith.constant 1 : i32
    %dma_start3A_392 = arith.constant 1 : i32
    %dma_start3A_393 = arith.constant 0 : i32
    %dma_start3A_394 = arith.constant 0 : i32
    %dma_start3A_395 = tpu.memref_slice %arg9[%dma_start3A_391, %dma_start3A_392, %dma_start3A_393, %dma_start3A_394] : memref<2x8x16x128xf32, #tpu.memory_space<vmem>> -> memref<1x1x16x128xf32, #tpu.memory_space<vmem>>
    %dma_start3A_396 = tpu.memref_squeeze %dma_start3A_395 : memref<1x1x16x128xf32, #tpu.memory_space<vmem>> -> memref<16x128xf32, #tpu.memory_space<vmem>>
    %dma_start3A_397 = arith.constant 0 : i32
    %dma_start3A_398 = tpu.memref_slice %arg4[%dma_start3A_397, %multiple_of3A_383] : memref<16x1000000xf32, #tpu.memory_space<hbm>> -> memref<16x128xf32, #tpu.memory_space<hbm>>
    %dma_start3A_399 = arith.constant 0 : i32
    %dma_start3A_400 = arith.constant 0 : i32
    %dma_start3A_401 = tpu.memref_slice %arg9[%dma_start3A_391, %dma_start3A_392, %dma_start3A_399, %dma_start3A_400] : memref<2x8x16x128xf32, #tpu.memory_space<vmem>> -> memref<1x1x16x128xf32, #tpu.memory_space<vmem>>
    %dma_start3A_402 = tpu.memref_squeeze %dma_start3A_401 : memref<1x1x16x128xf32, #tpu.memory_space<vmem>> -> memref<16x128xf32, #tpu.memory_space<vmem>>
    %dma_start3A_403 = arith.constant 0 : i32
    %dma_start3A_404 = tpu.memref_slice %arg4[%dma_start3A_403, %multiple_of3A_383] : memref<16x1000000xf32, #tpu.memory_space<hbm>> -> memref<16x128xf32, #tpu.memory_space<hbm>>
    tpu.enqueue_dma source(%dma_start3A_404 : memref<16x128xf32, #tpu.memory_space<hbm>>) target(%dma_start3A_402 : memref<16x128xf32, #tpu.memory_space<vmem>>) target_semaphore(%arg15 : memref<!tpu.dma_semaphore, #tpu.memory_space<semaphore_mem>>)
    %dma_start3A_405 = arith.constant 1 : i32
    %dma_start3A_406 = arith.constant 1 : i32
    %dma_start3A_407 = arith.constant 0 : i32
    %dma_start3A_408 = arith.constant 0 : i32
    %dma_start3A_409 = tpu.memref_slice %arg10[%dma_start3A_405, %dma_start3A_406, %dma_start3A_407, %dma_start3A_408] : memref<2x8x16x128xf32, #tpu.memory_space<vmem>> -> memref<1x1x16x128xf32, #tpu.memory_space<vmem>>
    %dma_start3A_410 = tpu.memref_squeeze %dma_start3A_409 : memref<1x1x16x128xf32, #tpu.memory_space<vmem>> -> memref<16x128xf32, #tpu.memory_space<vmem>>
    %dma_start3A_411 = arith.constant 0 : i32
    %dma_start3A_412 = tpu.memref_slice %arg5[%dma_start3A_411, %multiple_of3A_390] : memref<16x1000000xf32, #tpu.memory_space<hbm>> -> memref<16x128xf32, #tpu.memory_space<hbm>>
    %dma_start3A_413 = arith.constant 0 : i32
    %dma_start3A_414 = arith.constant 0 : i32
    %dma_start3A_415 = tpu.memref_slice %arg10[%dma_start3A_405, %dma_start3A_406, %dma_start3A_413, %dma_start3A_414] : memref<2x8x16x128xf32, #tpu.memory_space<vmem>> -> memref<1x1x16x128xf32, #tpu.memory_space<vmem>>
    %dma_start3A_416 = tpu.memref_squeeze %dma_start3A_415 : memref<1x1x16x128xf32, #tpu.memory_space<vmem>> -> memref<16x128xf32, #tpu.memory_space<vmem>>
    %dma_start3A_417 = arith.constant 0 : i32
    %dma_start3A_418 = tpu.memref_slice %arg5[%dma_start3A_417, %multiple_of3A_390] : memref<16x1000000xf32, #tpu.memory_space<hbm>> -> memref<16x128xf32, #tpu.memory_space<hbm>>
    tpu.enqueue_dma source(%dma_start3A_418 : memref<16x128xf32, #tpu.memory_space<hbm>>) target(%dma_start3A_416 : memref<16x128xf32, #tpu.memory_space<vmem>>) target_semaphore(%arg15 : memref<!tpu.dma_semaphore, #tpu.memory_space<semaphore_mem>>)
    %slice3A_419 = vector.extract_strided_slice %get3A_1 {offsets = [10], sizes = [1], strides = [1]} : vector<16xi32> to vector<1xi32>
    %squeeze3A_420 = vector.extract %slice3A_419[0] : i32 from vector<1xi32>
    %shift_right_arithmetic3A_421 = arith.constant 7 : i32
    %shift_right_arithmetic3A_422 = arith.shrsi %squeeze3A_420, %shift_right_arithmetic3A_421 : i32
    %mul3A_423 = arith.constant 128 : i32
    %mul3A_424 = arith.muli %shift_right_arithmetic3A_422, %mul3A_423 : i32
    %multiple_of3A_425 = tpu.assume_multiple %mul3A_424, 128 : i32
    %slice3A_426 = vector.extract_strided_slice %get3A_3 {offsets = [10], sizes = [1], strides = [1]} : vector<16xi32> to vector<1xi32>
    %squeeze3A_427 = vector.extract %slice3A_426[0] : i32 from vector<1xi32>
    %shift_right_arithmetic3A_428 = arith.constant 7 : i32
    %shift_right_arithmetic3A_429 = arith.shrsi %squeeze3A_427, %shift_right_arithmetic3A_428 : i32
    %mul3A_430 = arith.constant 128 : i32
    %mul3A_431 = arith.muli %shift_right_arithmetic3A_429, %mul3A_430 : i32
    %multiple_of3A_432 = tpu.assume_multiple %mul3A_431, 128 : i32
    %dma_start3A_433 = arith.constant 1 : i32
    %dma_start3A_434 = arith.constant 2 : i32
    %dma_start3A_435 = arith.constant 0 : i32
    %dma_start3A_436 = arith.constant 0 : i32
    %dma_start3A_437 = tpu.memref_slice %arg9[%dma_start3A_433, %dma_start3A_434, %dma_start3A_435, %dma_start3A_436] : memref<2x8x16x128xf32, #tpu.memory_space<vmem>> -> memref<1x1x16x128xf32, #tpu.memory_space<vmem>>
    %dma_start3A_438 = tpu.memref_squeeze %dma_start3A_437 : memref<1x1x16x128xf32, #tpu.memory_space<vmem>> -> memref<16x128xf32, #tpu.memory_space<vmem>>
    %dma_start3A_439 = arith.constant 0 : i32
    %dma_start3A_440 = tpu.memref_slice %arg4[%dma_start3A_439, %multiple_of3A_425] : memref<16x1000000xf32, #tpu.memory_space<hbm>> -> memref<16x128xf32, #tpu.memory_space<hbm>>
    %dma_start3A_441 = arith.constant 0 : i32
    %dma_start3A_442 = arith.constant 0 : i32
    %dma_start3A_443 = tpu.memref_slice %arg9[%dma_start3A_433, %dma_start3A_434, %dma_start3A_441, %dma_start3A_442] : memref<2x8x16x128xf32, #tpu.memory_space<vmem>> -> memref<1x1x16x128xf32, #tpu.memory_space<vmem>>
    %dma_start3A_444 = tpu.memref_squeeze %dma_start3A_443 : memref<1x1x16x128xf32, #tpu.memory_space<vmem>> -> memref<16x128xf32, #tpu.memory_space<vmem>>
    %dma_start3A_445 = arith.constant 0 : i32
    %dma_start3A_446 = tpu.memref_slice %arg4[%dma_start3A_445, %multiple_of3A_425] : memref<16x1000000xf32, #tpu.memory_space<hbm>> -> memref<16x128xf32, #tpu.memory_space<hbm>>
    tpu.enqueue_dma source(%dma_start3A_446 : memref<16x128xf32, #tpu.memory_space<hbm>>) target(%dma_start3A_444 : memref<16x128xf32, #tpu.memory_space<vmem>>) target_semaphore(%arg15 : memref<!tpu.dma_semaphore, #tpu.memory_space<semaphore_mem>>)
    %dma_start3A_447 = arith.constant 1 : i32
    %dma_start3A_448 = arith.constant 2 : i32
    %dma_start3A_449 = arith.constant 0 : i32
    %dma_start3A_450 = arith.constant 0 : i32
    %dma_start3A_451 = tpu.memref_slice %arg10[%dma_start3A_447, %dma_start3A_448, %dma_start3A_449, %dma_start3A_450] : memref<2x8x16x128xf32, #tpu.memory_space<vmem>> -> memref<1x1x16x128xf32, #tpu.memory_space<vmem>>
    %dma_start3A_452 = tpu.memref_squeeze %dma_start3A_451 : memref<1x1x16x128xf32, #tpu.memory_space<vmem>> -> memref<16x128xf32, #tpu.memory_space<vmem>>
    %dma_start3A_453 = arith.constant 0 : i32
    %dma_start3A_454 = tpu.memref_slice %arg5[%dma_start3A_453, %multiple_of3A_432] : memref<16x1000000xf32, #tpu.memory_space<hbm>> -> memref<16x128xf32, #tpu.memory_space<hbm>>
    %dma_start3A_455 = arith.constant 0 : i32
    %dma_start3A_456 = arith.constant 0 : i32
    %dma_start3A_457 = tpu.memref_slice %arg10[%dma_start3A_447, %dma_start3A_448, %dma_start3A_455, %dma_start3A_456] : memref<2x8x16x128xf32, #tpu.memory_space<vmem>> -> memref<1x1x16x128xf32, #tpu.memory_space<vmem>>
    %dma_start3A_458 = tpu.memref_squeeze %dma_start3A_457 : memref<1x1x16x128xf32, #tpu.memory_space<vmem>> -> memref<16x128xf32, #tpu.memory_space<vmem>>
    %dma_start3A_459 = arith.constant 0 : i32
    %dma_start3A_460 = tpu.memref_slice %arg5[%dma_start3A_459, %multiple_of3A_432] : memref<16x1000000xf32, #tpu.memory_space<hbm>> -> memref<16x128xf32, #tpu.memory_space<hbm>>
    tpu.enqueue_dma source(%dma_start3A_460 : memref<16x128xf32, #tpu.memory_space<hbm>>) target(%dma_start3A_458 : memref<16x128xf32, #tpu.memory_space<vmem>>) target_semaphore(%arg15 : memref<!tpu.dma_semaphore, #tpu.memory_space<semaphore_mem>>)
    %slice3A_461 = vector.extract_strided_slice %get3A_1 {offsets = [11], sizes = [1], strides = [1]} : vector<16xi32> to vector<1xi32>
    %squeeze3A_462 = vector.extract %slice3A_461[0] : i32 from vector<1xi32>
    %shift_right_arithmetic3A_463 = arith.constant 7 : i32
    %shift_right_arithmetic3A_464 = arith.shrsi %squeeze3A_462, %shift_right_arithmetic3A_463 : i32
    %mul3A_465 = arith.constant 128 : i32
    %mul3A_466 = arith.muli %shift_right_arithmetic3A_464, %mul3A_465 : i32
    %multiple_of3A_467 = tpu.assume_multiple %mul3A_466, 128 : i32
    %slice3A_468 = vector.extract_strided_slice %get3A_3 {offsets = [11], sizes = [1], strides = [1]} : vector<16xi32> to vector<1xi32>
    %squeeze3A_469 = vector.extract %slice3A_468[0] : i32 from vector<1xi32>
    %shift_right_arithmetic3A_470 = arith.constant 7 : i32
    %shift_right_arithmetic3A_471 = arith.shrsi %squeeze3A_469, %shift_right_arithmetic3A_470 : i32
    %mul3A_472 = arith.constant 128 : i32
    %mul3A_473 = arith.muli %shift_right_arithmetic3A_471, %mul3A_472 : i32
    %multiple_of3A_474 = tpu.assume_multiple %mul3A_473, 128 : i32
    %dma_start3A_475 = arith.constant 1 : i32
    %dma_start3A_476 = arith.constant 3 : i32
    %dma_start3A_477 = arith.constant 0 : i32
    %dma_start3A_478 = arith.constant 0 : i32
    %dma_start3A_479 = tpu.memref_slice %arg9[%dma_start3A_475, %dma_start3A_476, %dma_start3A_477, %dma_start3A_478] : memref<2x8x16x128xf32, #tpu.memory_space<vmem>> -> memref<1x1x16x128xf32, #tpu.memory_space<vmem>>
    %dma_start3A_480 = tpu.memref_squeeze %dma_start3A_479 : memref<1x1x16x128xf32, #tpu.memory_space<vmem>> -> memref<16x128xf32, #tpu.memory_space<vmem>>
    %dma_start3A_481 = arith.constant 0 : i32
    %dma_start3A_482 = tpu.memref_slice %arg4[%dma_start3A_481, %multiple_of3A_467] : memref<16x1000000xf32, #tpu.memory_space<hbm>> -> memref<16x128xf32, #tpu.memory_space<hbm>>
    %dma_start3A_483 = arith.constant 0 : i32
    %dma_start3A_484 = arith.constant 0 : i32
    %dma_start3A_485 = tpu.memref_slice %arg9[%dma_start3A_475, %dma_start3A_476, %dma_start3A_483, %dma_start3A_484] : memref<2x8x16x128xf32, #tpu.memory_space<vmem>> -> memref<1x1x16x128xf32, #tpu.memory_space<vmem>>
    %dma_start3A_486 = tpu.memref_squeeze %dma_start3A_485 : memref<1x1x16x128xf32, #tpu.memory_space<vmem>> -> memref<16x128xf32, #tpu.memory_space<vmem>>
    %dma_start3A_487 = arith.constant 0 : i32
    %dma_start3A_488 = tpu.memref_slice %arg4[%dma_start3A_487, %multiple_of3A_467] : memref<16x1000000xf32, #tpu.memory_space<hbm>> -> memref<16x128xf32, #tpu.memory_space<hbm>>
    tpu.enqueue_dma source(%dma_start3A_488 : memref<16x128xf32, #tpu.memory_space<hbm>>) target(%dma_start3A_486 : memref<16x128xf32, #tpu.memory_space<vmem>>) target_semaphore(%arg15 : memref<!tpu.dma_semaphore, #tpu.memory_space<semaphore_mem>>)
    %dma_start3A_489 = arith.constant 1 : i32
    %dma_start3A_490 = arith.constant 3 : i32
    %dma_start3A_491 = arith.constant 0 : i32
    %dma_start3A_492 = arith.constant 0 : i32
    %dma_start3A_493 = tpu.memref_slice %arg10[%dma_start3A_489, %dma_start3A_490, %dma_start3A_491, %dma_start3A_492] : memref<2x8x16x128xf32, #tpu.memory_space<vmem>> -> memref<1x1x16x128xf32, #tpu.memory_space<vmem>>
    %dma_start3A_494 = tpu.memref_squeeze %dma_start3A_493 : memref<1x1x16x128xf32, #tpu.memory_space<vmem>> -> memref<16x128xf32, #tpu.memory_space<vmem>>
    %dma_start3A_495 = arith.constant 0 : i32
    %dma_start3A_496 = tpu.memref_slice %arg5[%dma_start3A_495, %multiple_of3A_474] : memref<16x1000000xf32, #tpu.memory_space<hbm>> -> memref<16x128xf32, #tpu.memory_space<hbm>>
    %dma_start3A_497 = arith.constant 0 : i32
    %dma_start3A_498 = arith.constant 0 : i32
    %dma_start3A_499 = tpu.memref_slice %arg10[%dma_start3A_489, %dma_start3A_490, %dma_start3A_497, %dma_start3A_498] : memref<2x8x16x128xf32, #tpu.memory_space<vmem>> -> memref<1x1x16x128xf32, #tpu.memory_space<vmem>>
    %dma_start3A_500 = tpu.memref_squeeze %dma_start3A_499 : memref<1x1x16x128xf32, #tpu.memory_space<vmem>> -> memref<16x128xf32, #tpu.memory_space<vmem>>
    %dma_start3A_501 = arith.constant 0 : i32
    %dma_start3A_502 = tpu.memref_slice %arg5[%dma_start3A_501, %multiple_of3A_474] : memref<16x1000000xf32, #tpu.memory_space<hbm>> -> memref<16x128xf32, #tpu.memory_space<hbm>>
    tpu.enqueue_dma source(%dma_start3A_502 : memref<16x128xf32, #tpu.memory_space<hbm>>) target(%dma_start3A_500 : memref<16x128xf32, #tpu.memory_space<vmem>>) target_semaphore(%arg15 : memref<!tpu.dma_semaphore, #tpu.memory_space<semaphore_mem>>)
    %slice3A_503 = vector.extract_strided_slice %get3A_1 {offsets = [12], sizes = [1], strides = [1]} : vector<16xi32> to vector<1xi32>
    %squeeze3A_504 = vector.extract %slice3A_503[0] : i32 from vector<1xi32>
    %shift_right_arithmetic3A_505 = arith.constant 7 : i32
    %shift_right_arithmetic3A_506 = arith.shrsi %squeeze3A_504, %shift_right_arithmetic3A_505 : i32
    %mul3A_507 = arith.constant 128 : i32
    %mul3A_508 = arith.muli %shift_right_arithmetic3A_506, %mul3A_507 : i32
    %multiple_of3A_509 = tpu.assume_multiple %mul3A_508, 128 : i32
    %slice3A_510 = vector.extract_strided_slice %get3A_3 {offsets = [12], sizes = [1], strides = [1]} : vector<16xi32> to vector<1xi32>
    %squeeze3A_511 = vector.extract %slice3A_510[0] : i32 from vector<1xi32>
    %shift_right_arithmetic3A_512 = arith.constant 7 : i32
    %shift_right_arithmetic3A_513 = arith.shrsi %squeeze3A_511, %shift_right_arithmetic3A_512 : i32
    %mul3A_514 = arith.constant 128 : i32
    %mul3A_515 = arith.muli %shift_right_arithmetic3A_513, %mul3A_514 : i32
    %multiple_of3A_516 = tpu.assume_multiple %mul3A_515, 128 : i32
    %dma_start3A_517 = arith.constant 1 : i32
    %dma_start3A_518 = arith.constant 4 : i32
    %dma_start3A_519 = arith.constant 0 : i32
    %dma_start3A_520 = arith.constant 0 : i32
    %dma_start3A_521 = tpu.memref_slice %arg9[%dma_start3A_517, %dma_start3A_518, %dma_start3A_519, %dma_start3A_520] : memref<2x8x16x128xf32, #tpu.memory_space<vmem>> -> memref<1x1x16x128xf32, #tpu.memory_space<vmem>>
    %dma_start3A_522 = tpu.memref_squeeze %dma_start3A_521 : memref<1x1x16x128xf32, #tpu.memory_space<vmem>> -> memref<16x128xf32, #tpu.memory_space<vmem>>
    %dma_start3A_523 = arith.constant 0 : i32
    %dma_start3A_524 = tpu.memref_slice %arg4[%dma_start3A_523, %multiple_of3A_509] : memref<16x1000000xf32, #tpu.memory_space<hbm>> -> memref<16x128xf32, #tpu.memory_space<hbm>>
    %dma_start3A_525 = arith.constant 0 : i32
    %dma_start3A_526 = arith.constant 0 : i32
    %dma_start3A_527 = tpu.memref_slice %arg9[%dma_start3A_517, %dma_start3A_518, %dma_start3A_525, %dma_start3A_526] : memref<2x8x16x128xf32, #tpu.memory_space<vmem>> -> memref<1x1x16x128xf32, #tpu.memory_space<vmem>>
    %dma_start3A_528 = tpu.memref_squeeze %dma_start3A_527 : memref<1x1x16x128xf32, #tpu.memory_space<vmem>> -> memref<16x128xf32, #tpu.memory_space<vmem>>
    %dma_start3A_529 = arith.constant 0 : i32
    %dma_start3A_530 = tpu.memref_slice %arg4[%dma_start3A_529, %multiple_of3A_509] : memref<16x1000000xf32, #tpu.memory_space<hbm>> -> memref<16x128xf32, #tpu.memory_space<hbm>>
    tpu.enqueue_dma source(%dma_start3A_530 : memref<16x128xf32, #tpu.memory_space<hbm>>) target(%dma_start3A_528 : memref<16x128xf32, #tpu.memory_space<vmem>>) target_semaphore(%arg15 : memref<!tpu.dma_semaphore, #tpu.memory_space<semaphore_mem>>)
    %dma_start3A_531 = arith.constant 1 : i32
    %dma_start3A_532 = arith.constant 4 : i32
    %dma_start3A_533 = arith.constant 0 : i32
    %dma_start3A_534 = arith.constant 0 : i32
    %dma_start3A_535 = tpu.memref_slice %arg10[%dma_start3A_531, %dma_start3A_532, %dma_start3A_533, %dma_start3A_534] : memref<2x8x16x128xf32, #tpu.memory_space<vmem>> -> memref<1x1x16x128xf32, #tpu.memory_space<vmem>>
    %dma_start3A_536 = tpu.memref_squeeze %dma_start3A_535 : memref<1x1x16x128xf32, #tpu.memory_space<vmem>> -> memref<16x128xf32, #tpu.memory_space<vmem>>
    %dma_start3A_537 = arith.constant 0 : i32
    %dma_start3A_538 = tpu.memref_slice %arg5[%dma_start3A_537, %multiple_of3A_516] : memref<16x1000000xf32, #tpu.memory_space<hbm>> -> memref<16x128xf32, #tpu.memory_space<hbm>>
    %dma_start3A_539 = arith.constant 0 : i32
    %dma_start3A_540 = arith.constant 0 : i32
    %dma_start3A_541 = tpu.memref_slice %arg10[%dma_start3A_531, %dma_start3A_532, %dma_start3A_539, %dma_start3A_540] : memref<2x8x16x128xf32, #tpu.memory_space<vmem>> -> memref<1x1x16x128xf32, #tpu.memory_space<vmem>>
    %dma_start3A_542 = tpu.memref_squeeze %dma_start3A_541 : memref<1x1x16x128xf32, #tpu.memory_space<vmem>> -> memref<16x128xf32, #tpu.memory_space<vmem>>
    %dma_start3A_543 = arith.constant 0 : i32
    %dma_start3A_544 = tpu.memref_slice %arg5[%dma_start3A_543, %multiple_of3A_516] : memref<16x1000000xf32, #tpu.memory_space<hbm>> -> memref<16x128xf32, #tpu.memory_space<hbm>>
    tpu.enqueue_dma source(%dma_start3A_544 : memref<16x128xf32, #tpu.memory_space<hbm>>) target(%dma_start3A_542 : memref<16x128xf32, #tpu.memory_space<vmem>>) target_semaphore(%arg15 : memref<!tpu.dma_semaphore, #tpu.memory_space<semaphore_mem>>)
    %slice3A_545 = vector.extract_strided_slice %get3A_1 {offsets = [13], sizes = [1], strides = [1]} : vector<16xi32> to vector<1xi32>
    %squeeze3A_546 = vector.extract %slice3A_545[0] : i32 from vector<1xi32>
    %shift_right_arithmetic3A_547 = arith.constant 7 : i32
    %shift_right_arithmetic3A_548 = arith.shrsi %squeeze3A_546, %shift_right_arithmetic3A_547 : i32
    %mul3A_549 = arith.constant 128 : i32
    %mul3A_550 = arith.muli %shift_right_arithmetic3A_548, %mul3A_549 : i32
    %multiple_of3A_551 = tpu.assume_multiple %mul3A_550, 128 : i32
    %slice3A_552 = vector.extract_strided_slice %get3A_3 {offsets = [13], sizes = [1], strides = [1]} : vector<16xi32> to vector<1xi32>
    %squeeze3A_553 = vector.extract %slice3A_552[0] : i32 from vector<1xi32>
    %shift_right_arithmetic3A_554 = arith.constant 7 : i32
    %shift_right_arithmetic3A_555 = arith.shrsi %squeeze3A_553, %shift_right_arithmetic3A_554 : i32
    %mul3A_556 = arith.constant 128 : i32
    %mul3A_557 = arith.muli %shift_right_arithmetic3A_555, %mul3A_556 : i32
    %multiple_of3A_558 = tpu.assume_multiple %mul3A_557, 128 : i32
    %dma_start3A_559 = arith.constant 1 : i32
    %dma_start3A_560 = arith.constant 5 : i32
    %dma_start3A_561 = arith.constant 0 : i32
    %dma_start3A_562 = arith.constant 0 : i32
    %dma_start3A_563 = tpu.memref_slice %arg9[%dma_start3A_559, %dma_start3A_560, %dma_start3A_561, %dma_start3A_562] : memref<2x8x16x128xf32, #tpu.memory_space<vmem>> -> memref<1x1x16x128xf32, #tpu.memory_space<vmem>>
    %dma_start3A_564 = tpu.memref_squeeze %dma_start3A_563 : memref<1x1x16x128xf32, #tpu.memory_space<vmem>> -> memref<16x128xf32, #tpu.memory_space<vmem>>
    %dma_start3A_565 = arith.constant 0 : i32
    %dma_start3A_566 = tpu.memref_slice %arg4[%dma_start3A_565, %multiple_of3A_551] : memref<16x1000000xf32, #tpu.memory_space<hbm>> -> memref<16x128xf32, #tpu.memory_space<hbm>>
    %dma_start3A_567 = arith.constant 0 : i32
    %dma_start3A_568 = arith.constant 0 : i32
    %dma_start3A_569 = tpu.memref_slice %arg9[%dma_start3A_559, %dma_start3A_560, %dma_start3A_567, %dma_start3A_568] : memref<2x8x16x128xf32, #tpu.memory_space<vmem>> -> memref<1x1x16x128xf32, #tpu.memory_space<vmem>>
    %dma_start3A_570 = tpu.memref_squeeze %dma_start3A_569 : memref<1x1x16x128xf32, #tpu.memory_space<vmem>> -> memref<16x128xf32, #tpu.memory_space<vmem>>
    %dma_start3A_571 = arith.constant 0 : i32
    %dma_start3A_572 = tpu.memref_slice %arg4[%dma_start3A_571, %multiple_of3A_551] : memref<16x1000000xf32, #tpu.memory_space<hbm>> -> memref<16x128xf32, #tpu.memory_space<hbm>>
    tpu.enqueue_dma source(%dma_start3A_572 : memref<16x128xf32, #tpu.memory_space<hbm>>) target(%dma_start3A_570 : memref<16x128xf32, #tpu.memory_space<vmem>>) target_semaphore(%arg15 : memref<!tpu.dma_semaphore, #tpu.memory_space<semaphore_mem>>)
    %dma_start3A_573 = arith.constant 1 : i32
    %dma_start3A_574 = arith.constant 5 : i32
    %dma_start3A_575 = arith.constant 0 : i32
    %dma_start3A_576 = arith.constant 0 : i32
    %dma_start3A_577 = tpu.memref_slice %arg10[%dma_start3A_573, %dma_start3A_574, %dma_start3A_575, %dma_start3A_576] : memref<2x8x16x128xf32, #tpu.memory_space<vmem>> -> memref<1x1x16x128xf32, #tpu.memory_space<vmem>>
    %dma_start3A_578 = tpu.memref_squeeze %dma_start3A_577 : memref<1x1x16x128xf32, #tpu.memory_space<vmem>> -> memref<16x128xf32, #tpu.memory_space<vmem>>
    %dma_start3A_579 = arith.constant 0 : i32
    %dma_start3A_580 = tpu.memref_slice %arg5[%dma_start3A_579, %multiple_of3A_558] : memref<16x1000000xf32, #tpu.memory_space<hbm>> -> memref<16x128xf32, #tpu.memory_space<hbm>>
    %dma_start3A_581 = arith.constant 0 : i32
    %dma_start3A_582 = arith.constant 0 : i32
    %dma_start3A_583 = tpu.memref_slice %arg10[%dma_start3A_573, %dma_start3A_574, %dma_start3A_581, %dma_start3A_582] : memref<2x8x16x128xf32, #tpu.memory_space<vmem>> -> memref<1x1x16x128xf32, #tpu.memory_space<vmem>>
    %dma_start3A_584 = tpu.memref_squeeze %dma_start3A_583 : memref<1x1x16x128xf32, #tpu.memory_space<vmem>> -> memref<16x128xf32, #tpu.memory_space<vmem>>
    %dma_start3A_585 = arith.constant 0 : i32
    %dma_start3A_586 = tpu.memref_slice %arg5[%dma_start3A_585, %multiple_of3A_558] : memref<16x1000000xf32, #tpu.memory_space<hbm>> -> memref<16x128xf32, #tpu.memory_space<hbm>>
    tpu.enqueue_dma source(%dma_start3A_586 : memref<16x128xf32, #tpu.memory_space<hbm>>) target(%dma_start3A_584 : memref<16x128xf32, #tpu.memory_space<vmem>>) target_semaphore(%arg15 : memref<!tpu.dma_semaphore, #tpu.memory_space<semaphore_mem>>)
    %slice3A_587 = vector.extract_strided_slice %get3A_1 {offsets = [14], sizes = [1], strides = [1]} : vector<16xi32> to vector<1xi32>
    %squeeze3A_588 = vector.extract %slice3A_587[0] : i32 from vector<1xi32>
    %shift_right_arithmetic3A_589 = arith.constant 7 : i32
    %shift_right_arithmetic3A_590 = arith.shrsi %squeeze3A_588, %shift_right_arithmetic3A_589 : i32
    %mul3A_591 = arith.constant 128 : i32
    %mul3A_592 = arith.muli %shift_right_arithmetic3A_590, %mul3A_591 : i32
    %multiple_of3A_593 = tpu.assume_multiple %mul3A_592, 128 : i32
    %slice3A_594 = vector.extract_strided_slice %get3A_3 {offsets = [14], sizes = [1], strides = [1]} : vector<16xi32> to vector<1xi32>
    %squeeze3A_595 = vector.extract %slice3A_594[0] : i32 from vector<1xi32>
    %shift_right_arithmetic3A_596 = arith.constant 7 : i32
    %shift_right_arithmetic3A_597 = arith.shrsi %squeeze3A_595, %shift_right_arithmetic3A_596 : i32
    %mul3A_598 = arith.constant 128 : i32
    %mul3A_599 = arith.muli %shift_right_arithmetic3A_597, %mul3A_598 : i32
    %multiple_of3A_600 = tpu.assume_multiple %mul3A_599, 128 : i32
    %dma_start3A_601 = arith.constant 1 : i32
    %dma_start3A_602 = arith.constant 6 : i32
    %dma_start3A_603 = arith.constant 0 : i32
    %dma_start3A_604 = arith.constant 0 : i32
    %dma_start3A_605 = tpu.memref_slice %arg9[%dma_start3A_601, %dma_start3A_602, %dma_start3A_603, %dma_start3A_604] : memref<2x8x16x128xf32, #tpu.memory_space<vmem>> -> memref<1x1x16x128xf32, #tpu.memory_space<vmem>>
    %dma_start3A_606 = tpu.memref_squeeze %dma_start3A_605 : memref<1x1x16x128xf32, #tpu.memory_space<vmem>> -> memref<16x128xf32, #tpu.memory_space<vmem>>
    %dma_start3A_607 = arith.constant 0 : i32
    %dma_start3A_608 = tpu.memref_slice %arg4[%dma_start3A_607, %multiple_of3A_593] : memref<16x1000000xf32, #tpu.memory_space<hbm>> -> memref<16x128xf32, #tpu.memory_space<hbm>>
    %dma_start3A_609 = arith.constant 0 : i32
    %dma_start3A_610 = arith.constant 0 : i32
    %dma_start3A_611 = tpu.memref_slice %arg9[%dma_start3A_601, %dma_start3A_602, %dma_start3A_609, %dma_start3A_610] : memref<2x8x16x128xf32, #tpu.memory_space<vmem>> -> memref<1x1x16x128xf32, #tpu.memory_space<vmem>>
    %dma_start3A_612 = tpu.memref_squeeze %dma_start3A_611 : memref<1x1x16x128xf32, #tpu.memory_space<vmem>> -> memref<16x128xf32, #tpu.memory_space<vmem>>
    %dma_start3A_613 = arith.constant 0 : i32
    %dma_start3A_614 = tpu.memref_slice %arg4[%dma_start3A_613, %multiple_of3A_593] : memref<16x1000000xf32, #tpu.memory_space<hbm>> -> memref<16x128xf32, #tpu.memory_space<hbm>>
    tpu.enqueue_dma source(%dma_start3A_614 : memref<16x128xf32, #tpu.memory_space<hbm>>) target(%dma_start3A_612 : memref<16x128xf32, #tpu.memory_space<vmem>>) target_semaphore(%arg15 : memref<!tpu.dma_semaphore, #tpu.memory_space<semaphore_mem>>)
    %dma_start3A_615 = arith.constant 1 : i32
    %dma_start3A_616 = arith.constant 6 : i32
    %dma_start3A_617 = arith.constant 0 : i32
    %dma_start3A_618 = arith.constant 0 : i32
    %dma_start3A_619 = tpu.memref_slice %arg10[%dma_start3A_615, %dma_start3A_616, %dma_start3A_617, %dma_start3A_618] : memref<2x8x16x128xf32, #tpu.memory_space<vmem>> -> memref<1x1x16x128xf32, #tpu.memory_space<vmem>>
    %dma_start3A_620 = tpu.memref_squeeze %dma_start3A_619 : memref<1x1x16x128xf32, #tpu.memory_space<vmem>> -> memref<16x128xf32, #tpu.memory_space<vmem>>
    %dma_start3A_621 = arith.constant 0 : i32
    %dma_start3A_622 = tpu.memref_slice %arg5[%dma_start3A_621, %multiple_of3A_600] : memref<16x1000000xf32, #tpu.memory_space<hbm>> -> memref<16x128xf32, #tpu.memory_space<hbm>>
    %dma_start3A_623 = arith.constant 0 : i32
    %dma_start3A_624 = arith.constant 0 : i32
    %dma_start3A_625 = tpu.memref_slice %arg10[%dma_start3A_615, %dma_start3A_616, %dma_start3A_623, %dma_start3A_624] : memref<2x8x16x128xf32, #tpu.memory_space<vmem>> -> memref<1x1x16x128xf32, #tpu.memory_space<vmem>>
    %dma_start3A_626 = tpu.memref_squeeze %dma_start3A_625 : memref<1x1x16x128xf32, #tpu.memory_space<vmem>> -> memref<16x128xf32, #tpu.memory_space<vmem>>
    %dma_start3A_627 = arith.constant 0 : i32
    %dma_start3A_628 = tpu.memref_slice %arg5[%dma_start3A_627, %multiple_of3A_600] : memref<16x1000000xf32, #tpu.memory_space<hbm>> -> memref<16x128xf32, #tpu.memory_space<hbm>>
    tpu.enqueue_dma source(%dma_start3A_628 : memref<16x128xf32, #tpu.memory_space<hbm>>) target(%dma_start3A_626 : memref<16x128xf32, #tpu.memory_space<vmem>>) target_semaphore(%arg15 : memref<!tpu.dma_semaphore, #tpu.memory_space<semaphore_mem>>)
    %slice3A_629 = vector.extract_strided_slice %get3A_1 {offsets = [15], sizes = [1], strides = [1]} : vector<16xi32> to vector<1xi32>
    %squeeze3A_630 = vector.extract %slice3A_629[0] : i32 from vector<1xi32>
    %shift_right_arithmetic3A_631 = arith.constant 7 : i32
    %shift_right_arithmetic3A_632 = arith.shrsi %squeeze3A_630, %shift_right_arithmetic3A_631 : i32
    %mul3A_633 = arith.constant 128 : i32
    %mul3A_634 = arith.muli %shift_right_arithmetic3A_632, %mul3A_633 : i32
    %multiple_of3A_635 = tpu.assume_multiple %mul3A_634, 128 : i32
    %slice3A_636 = vector.extract_strided_slice %get3A_3 {offsets = [15], sizes = [1], strides = [1]} : vector<16xi32> to vector<1xi32>
    %squeeze3A_637 = vector.extract %slice3A_636[0] : i32 from vector<1xi32>
    %shift_right_arithmetic3A_638 = arith.constant 7 : i32
    %shift_right_arithmetic3A_639 = arith.shrsi %squeeze3A_637, %shift_right_arithmetic3A_638 : i32
    %mul3A_640 = arith.constant 128 : i32
    %mul3A_641 = arith.muli %shift_right_arithmetic3A_639, %mul3A_640 : i32
    %multiple_of3A_642 = tpu.assume_multiple %mul3A_641, 128 : i32
    %dma_start3A_643 = arith.constant 1 : i32
    %dma_start3A_644 = arith.constant 7 : i32
    %dma_start3A_645 = arith.constant 0 : i32
    %dma_start3A_646 = arith.constant 0 : i32
    %dma_start3A_647 = tpu.memref_slice %arg9[%dma_start3A_643, %dma_start3A_644, %dma_start3A_645, %dma_start3A_646] : memref<2x8x16x128xf32, #tpu.memory_space<vmem>> -> memref<1x1x16x128xf32, #tpu.memory_space<vmem>>
    %dma_start3A_648 = tpu.memref_squeeze %dma_start3A_647 : memref<1x1x16x128xf32, #tpu.memory_space<vmem>> -> memref<16x128xf32, #tpu.memory_space<vmem>>
    %dma_start3A_649 = arith.constant 0 : i32
    %dma_start3A_650 = tpu.memref_slice %arg4[%dma_start3A_649, %multiple_of3A_635] : memref<16x1000000xf32, #tpu.memory_space<hbm>> -> memref<16x128xf32, #tpu.memory_space<hbm>>
    %dma_start3A_651 = arith.constant 0 : i32
    %dma_start3A_652 = arith.constant 0 : i32
    %dma_start3A_653 = tpu.memref_slice %arg9[%dma_start3A_643, %dma_start3A_644, %dma_start3A_651, %dma_start3A_652] : memref<2x8x16x128xf32, #tpu.memory_space<vmem>> -> memref<1x1x16x128xf32, #tpu.memory_space<vmem>>
    %dma_start3A_654 = tpu.memref_squeeze %dma_start3A_653 : memref<1x1x16x128xf32, #tpu.memory_space<vmem>> -> memref<16x128xf32, #tpu.memory_space<vmem>>
    %dma_start3A_655 = arith.constant 0 : i32
    %dma_start3A_656 = tpu.memref_slice %arg4[%dma_start3A_655, %multiple_of3A_635] : memref<16x1000000xf32, #tpu.memory_space<hbm>> -> memref<16x128xf32, #tpu.memory_space<hbm>>
    tpu.enqueue_dma source(%dma_start3A_656 : memref<16x128xf32, #tpu.memory_space<hbm>>) target(%dma_start3A_654 : memref<16x128xf32, #tpu.memory_space<vmem>>) target_semaphore(%arg15 : memref<!tpu.dma_semaphore, #tpu.memory_space<semaphore_mem>>)
    %dma_start3A_657 = arith.constant 1 : i32
    %dma_start3A_658 = arith.constant 7 : i32
    %dma_start3A_659 = arith.constant 0 : i32
    %dma_start3A_660 = arith.constant 0 : i32
    %dma_start3A_661 = tpu.memref_slice %arg10[%dma_start3A_657, %dma_start3A_658, %dma_start3A_659, %dma_start3A_660] : memref<2x8x16x128xf32, #tpu.memory_space<vmem>> -> memref<1x1x16x128xf32, #tpu.memory_space<vmem>>
    %dma_start3A_662 = tpu.memref_squeeze %dma_start3A_661 : memref<1x1x16x128xf32, #tpu.memory_space<vmem>> -> memref<16x128xf32, #tpu.memory_space<vmem>>
    %dma_start3A_663 = arith.constant 0 : i32
    %dma_start3A_664 = tpu.memref_slice %arg5[%dma_start3A_663, %multiple_of3A_642] : memref<16x1000000xf32, #tpu.memory_space<hbm>> -> memref<16x128xf32, #tpu.memory_space<hbm>>
    %dma_start3A_665 = arith.constant 0 : i32
    %dma_start3A_666 = arith.constant 0 : i32
    %dma_start3A_667 = tpu.memref_slice %arg10[%dma_start3A_657, %dma_start3A_658, %dma_start3A_665, %dma_start3A_666] : memref<2x8x16x128xf32, #tpu.memory_space<vmem>> -> memref<1x1x16x128xf32, #tpu.memory_space<vmem>>
    %dma_start3A_668 = tpu.memref_squeeze %dma_start3A_667 : memref<1x1x16x128xf32, #tpu.memory_space<vmem>> -> memref<16x128xf32, #tpu.memory_space<vmem>>
    %dma_start3A_669 = arith.constant 0 : i32
    %dma_start3A_670 = tpu.memref_slice %arg5[%dma_start3A_669, %multiple_of3A_642] : memref<16x1000000xf32, #tpu.memory_space<hbm>> -> memref<16x128xf32, #tpu.memory_space<hbm>>
    tpu.enqueue_dma source(%dma_start3A_670 : memref<16x128xf32, #tpu.memory_space<hbm>>) target(%dma_start3A_668 : memref<16x128xf32, #tpu.memory_space<vmem>>) target_semaphore(%arg15 : memref<!tpu.dma_semaphore, #tpu.memory_space<semaphore_mem>>)
    %scan3A = arith.constant 0 : i32
    %scan3A_671 = arith.constant 0 : i32
    %scan3A_672 = arith.constant 31 : i32
    %scan3A_673 = arith.addi %scan3A_671, %scan3A_672 : i32
    %scan3A_674 = arith.constant 1 : i32
    scf.for %scan3A_1801 = %scan3A_671 to %scan3A_673 step %scan3A_674  : i32 {
      %mul3A_1802 = arith.constant 16 : i32
      %mul3A_1803 = arith.muli %scan3A_1801, %mul3A_1802 : i32
      %get3A_1804 = arith.index_cast %mul3A_1803 : i32 to index
      %get3A_1805 = tpu.vector_load %arg7[%get3A_1804] {strides = array<i32>} : memref<512xi32, #tpu.memory_space<vmem>>, vector<16xi32>,
      %mul3A_1806 = arith.constant 16 : i32
      %mul3A_1807 = arith.muli %scan3A_1801, %mul3A_1806 : i32
      %get3A_1808 = arith.index_cast %mul3A_1807 : i32 to index
      %get3A_1809 = tpu.vector_load %arg8[%get3A_1808] {strides = array<i32>} : memref<512xi32, #tpu.memory_space<vmem>>, vector<16xi32>,
      %add3A_1810 = arith.constant 1 : i32
      %add3A_1811 = arith.addi %scan3A_1801, %add3A_1810 : i32
      %mul3A_1812 = arith.constant 16 : i32
      %mul3A_1813 = arith.muli %add3A_1811, %mul3A_1812 : i32
      %get3A_1814 = arith.index_cast %mul3A_1813 : i32 to index
      %get3A_1815 = tpu.vector_load %arg7[%get3A_1814] {strides = array<i32>} : memref<512xi32, #tpu.memory_space<vmem>>, vector<16xi32>,
      %mul3A_1816 = arith.constant 16 : i32
      %mul3A_1817 = arith.muli %add3A_1811, %mul3A_1816 : i32
      %get3A_1818 = arith.index_cast %mul3A_1817 : i32 to index
      %get3A_1819 = tpu.vector_load %arg8[%get3A_1818] {strides = array<i32>} : memref<512xi32, #tpu.memory_space<vmem>>, vector<16xi32>,
      %dma_wait3A_1820 = arith.constant 0 : i32
      %dma_wait3A_1821 = arith.constant 0 : i32
      %dma_wait3A_1822 = arith.constant 0 : i32
      %dma_wait3A_1823 = arith.constant 0 : i32
      %dma_wait3A_1824 = tpu.memref_slice %arg9[%dma_wait3A_1820, %dma_wait3A_1821, %dma_wait3A_1822, %dma_wait3A_1823] : memref<2x8x16x128xf32, #tpu.memory_space<vmem>> -> memref<1x1x16x128xf32, #tpu.memory_space<vmem>>
      %dma_wait3A_1825 = tpu.memref_squeeze %dma_wait3A_1824 : memref<1x1x16x128xf32, #tpu.memory_space<vmem>> -> memref<16x128xf32, #tpu.memory_space<vmem>>
      %dma_wait3A_1826 = arith.constant 0 : i32
      %dma_wait3A_1827 = arith.constant 0 : i32
      %dma_wait3A_1828 = tpu.memref_slice %arg4[%dma_wait3A_1826, %dma_wait3A_1827] : memref<16x1000000xf32, #tpu.memory_space<hbm>> -> memref<16x128xf32, #tpu.memory_space<hbm>>
      %dma_wait3A_1829 = arith.constant 0 : i32
      %dma_wait3A_1830 = arith.constant 0 : i32
      %dma_wait3A_1831 = tpu.memref_slice %arg9[%dma_wait3A_1820, %dma_wait3A_1821, %dma_wait3A_1829, %dma_wait3A_1830] : memref<2x8x16x128xf32, #tpu.memory_space<vmem>> -> memref<1x1x16x128xf32, #tpu.memory_space<vmem>>
      %dma_wait3A_1832 = tpu.memref_squeeze %dma_wait3A_1831 : memref<1x1x16x128xf32, #tpu.memory_space<vmem>> -> memref<16x128xf32, #tpu.memory_space<vmem>>
      %dma_wait3A_1833 = arith.constant 0 : i32
      %dma_wait3A_1834 = arith.constant 0 : i32
      %dma_wait3A_1835 = tpu.memref_slice %arg4[%dma_wait3A_1833, %dma_wait3A_1834] : memref<16x1000000xf32, #tpu.memory_space<hbm>> -> memref<16x128xf32, #tpu.memory_space<hbm>>
      tpu.wait_dma2 semaphore(%arg14 : memref<!tpu.dma_semaphore, #tpu.memory_space<semaphore_mem>>) src(%dma_wait3A_1835 : memref<16x128xf32, #tpu.memory_space<hbm>>) dst(%dma_wait3A_1832 : memref<16x128xf32, #tpu.memory_space<vmem>>)
      %dma_wait3A_1836 = arith.constant 0 : i32
      %dma_wait3A_1837 = arith.constant 0 : i32
      %dma_wait3A_1838 = arith.constant 0 : i32
      %dma_wait3A_1839 = arith.constant 0 : i32
      %dma_wait3A_1840 = tpu.memref_slice %arg10[%dma_wait3A_1836, %dma_wait3A_1837, %dma_wait3A_1838, %dma_wait3A_1839] : memref<2x8x16x128xf32, #tpu.memory_space<vmem>> -> memref<1x1x16x128xf32, #tpu.memory_space<vmem>>
      %dma_wait3A_1841 = tpu.memref_squeeze %dma_wait3A_1840 : memref<1x1x16x128xf32, #tpu.memory_space<vmem>> -> memref<16x128xf32, #tpu.memory_space<vmem>>
      %dma_wait3A_1842 = arith.constant 0 : i32
      %dma_wait3A_1843 = arith.constant 0 : i32
      %dma_wait3A_1844 = tpu.memref_slice %arg5[%dma_wait3A_1842, %dma_wait3A_1843] : memref<16x1000000xf32, #tpu.memory_space<hbm>> -> memref<16x128xf32, #tpu.memory_space<hbm>>
      %dma_wait3A_1845 = arith.constant 0 : i32
      %dma_wait3A_1846 = arith.constant 0 : i32
      %dma_wait3A_1847 = tpu.memref_slice %arg10[%dma_wait3A_1836, %dma_wait3A_1837, %dma_wait3A_1845, %dma_wait3A_1846] : memref<2x8x16x128xf32, #tpu.memory_space<vmem>> -> memref<1x1x16x128xf32, #tpu.memory_space<vmem>>
      %dma_wait3A_1848 = tpu.memref_squeeze %dma_wait3A_1847 : memref<1x1x16x128xf32, #tpu.memory_space<vmem>> -> memref<16x128xf32, #tpu.memory_space<vmem>>
      %dma_wait3A_1849 = arith.constant 0 : i32
      %dma_wait3A_1850 = arith.constant 0 : i32
      %dma_wait3A_1851 = tpu.memref_slice %arg5[%dma_wait3A_1849, %dma_wait3A_1850] : memref<16x1000000xf32, #tpu.memory_space<hbm>> -> memref<16x128xf32, #tpu.memory_space<hbm>>
      tpu.wait_dma2 semaphore(%arg14 : memref<!tpu.dma_semaphore, #tpu.memory_space<semaphore_mem>>) src(%dma_wait3A_1851 : memref<16x128xf32, #tpu.memory_space<hbm>>) dst(%dma_wait3A_1848 : memref<16x128xf32, #tpu.memory_space<vmem>>)
      %dma_wait3A_1852 = arith.constant 0 : i32
      %dma_wait3A_1853 = arith.constant 1 : i32
      %dma_wait3A_1854 = arith.constant 0 : i32
      %dma_wait3A_1855 = arith.constant 0 : i32
      %dma_wait3A_1856 = tpu.memref_slice %arg9[%dma_wait3A_1852, %dma_wait3A_1853, %dma_wait3A_1854, %dma_wait3A_1855] : memref<2x8x16x128xf32, #tpu.memory_space<vmem>> -> memref<1x1x16x128xf32, #tpu.memory_space<vmem>>
      %dma_wait3A_1857 = tpu.memref_squeeze %dma_wait3A_1856 : memref<1x1x16x128xf32, #tpu.memory_space<vmem>> -> memref<16x128xf32, #tpu.memory_space<vmem>>
      %dma_wait3A_1858 = arith.constant 0 : i32
      %dma_wait3A_1859 = arith.constant 0 : i32
      %dma_wait3A_1860 = tpu.memref_slice %arg4[%dma_wait3A_1858, %dma_wait3A_1859] : memref<16x1000000xf32, #tpu.memory_space<hbm>> -> memref<16x128xf32, #tpu.memory_space<hbm>>
      %dma_wait3A_1861 = arith.constant 0 : i32
      %dma_wait3A_1862 = arith.constant 0 : i32
      %dma_wait3A_1863 = tpu.memref_slice %arg9[%dma_wait3A_1852, %dma_wait3A_1853, %dma_wait3A_1861, %dma_wait3A_1862] : memref<2x8x16x128xf32, #tpu.memory_space<vmem>> -> memref<1x1x16x128xf32, #tpu.memory_space<vmem>>
      %dma_wait3A_1864 = tpu.memref_squeeze %dma_wait3A_1863 : memref<1x1x16x128xf32, #tpu.memory_space<vmem>> -> memref<16x128xf32, #tpu.memory_space<vmem>>
      %dma_wait3A_1865 = arith.constant 0 : i32
      %dma_wait3A_1866 = arith.constant 0 : i32
      %dma_wait3A_1867 = tpu.memref_slice %arg4[%dma_wait3A_1865, %dma_wait3A_1866] : memref<16x1000000xf32, #tpu.memory_space<hbm>> -> memref<16x128xf32, #tpu.memory_space<hbm>>
      tpu.wait_dma2 semaphore(%arg14 : memref<!tpu.dma_semaphore, #tpu.memory_space<semaphore_mem>>) src(%dma_wait3A_1867 : memref<16x128xf32, #tpu.memory_space<hbm>>) dst(%dma_wait3A_1864 : memref<16x128xf32, #tpu.memory_space<vmem>>)
      %dma_wait3A_1868 = arith.constant 0 : i32
      %dma_wait3A_1869 = arith.constant 1 : i32
      %dma_wait3A_1870 = arith.constant 0 : i32
      %dma_wait3A_1871 = arith.constant 0 : i32
      %dma_wait3A_1872 = tpu.memref_slice %arg10[%dma_wait3A_1868, %dma_wait3A_1869, %dma_wait3A_1870, %dma_wait3A_1871] : memref<2x8x16x128xf32, #tpu.memory_space<vmem>> -> memref<1x1x16x128xf32, #tpu.memory_space<vmem>>
      %dma_wait3A_1873 = tpu.memref_squeeze %dma_wait3A_1872 : memref<1x1x16x128xf32, #tpu.memory_space<vmem>> -> memref<16x128xf32, #tpu.memory_space<vmem>>
      %dma_wait3A_1874 = arith.constant 0 : i32
      %dma_wait3A_1875 = arith.constant 0 : i32
      %dma_wait3A_1876 = tpu.memref_slice %arg5[%dma_wait3A_1874, %dma_wait3A_1875] : memref<16x1000000xf32, #tpu.memory_space<hbm>> -> memref<16x128xf32, #tpu.memory_space<hbm>>
      %dma_wait3A_1877 = arith.constant 0 : i32
      %dma_wait3A_1878 = arith.constant 0 : i32
      %dma_wait3A_1879 = tpu.memref_slice %arg10[%dma_wait3A_1868, %dma_wait3A_1869, %dma_wait3A_1877, %dma_wait3A_1878] : memref<2x8x16x128xf32, #tpu.memory_space<vmem>> -> memref<1x1x16x128xf32, #tpu.memory_space<vmem>>
      %dma_wait3A_1880 = tpu.memref_squeeze %dma_wait3A_1879 : memref<1x1x16x128xf32, #tpu.memory_space<vmem>> -> memref<16x128xf32, #tpu.memory_space<vmem>>
      %dma_wait3A_1881 = arith.constant 0 : i32
      %dma_wait3A_1882 = arith.constant 0 : i32
      %dma_wait3A_1883 = tpu.memref_slice %arg5[%dma_wait3A_1881, %dma_wait3A_1882] : memref<16x1000000xf32, #tpu.memory_space<hbm>> -> memref<16x128xf32, #tpu.memory_space<hbm>>
      tpu.wait_dma2 semaphore(%arg14 : memref<!tpu.dma_semaphore, #tpu.memory_space<semaphore_mem>>) src(%dma_wait3A_1883 : memref<16x128xf32, #tpu.memory_space<hbm>>) dst(%dma_wait3A_1880 : memref<16x128xf32, #tpu.memory_space<vmem>>)
      %dma_wait3A_1884 = arith.constant 0 : i32
      %dma_wait3A_1885 = arith.constant 2 : i32
      %dma_wait3A_1886 = arith.constant 0 : i32
      %dma_wait3A_1887 = arith.constant 0 : i32
      %dma_wait3A_1888 = tpu.memref_slice %arg9[%dma_wait3A_1884, %dma_wait3A_1885, %dma_wait3A_1886, %dma_wait3A_1887] : memref<2x8x16x128xf32, #tpu.memory_space<vmem>> -> memref<1x1x16x128xf32, #tpu.memory_space<vmem>>
      %dma_wait3A_1889 = tpu.memref_squeeze %dma_wait3A_1888 : memref<1x1x16x128xf32, #tpu.memory_space<vmem>> -> memref<16x128xf32, #tpu.memory_space<vmem>>
      %dma_wait3A_1890 = arith.constant 0 : i32
      %dma_wait3A_1891 = arith.constant 0 : i32
      %dma_wait3A_1892 = tpu.memref_slice %arg4[%dma_wait3A_1890, %dma_wait3A_1891] : memref<16x1000000xf32, #tpu.memory_space<hbm>> -> memref<16x128xf32, #tpu.memory_space<hbm>>
      %dma_wait3A_1893 = arith.constant 0 : i32
      %dma_wait3A_1894 = arith.constant 0 : i32
      %dma_wait3A_1895 = tpu.memref_slice %arg9[%dma_wait3A_1884, %dma_wait3A_1885, %dma_wait3A_1893, %dma_wait3A_1894] : memref<2x8x16x128xf32, #tpu.memory_space<vmem>> -> memref<1x1x16x128xf32, #tpu.memory_space<vmem>>
      %dma_wait3A_1896 = tpu.memref_squeeze %dma_wait3A_1895 : memref<1x1x16x128xf32, #tpu.memory_space<vmem>> -> memref<16x128xf32, #tpu.memory_space<vmem>>
      %dma_wait3A_1897 = arith.constant 0 : i32
      %dma_wait3A_1898 = arith.constant 0 : i32
      %dma_wait3A_1899 = tpu.memref_slice %arg4[%dma_wait3A_1897, %dma_wait3A_1898] : memref<16x1000000xf32, #tpu.memory_space<hbm>> -> memref<16x128xf32, #tpu.memory_space<hbm>>
      tpu.wait_dma2 semaphore(%arg14 : memref<!tpu.dma_semaphore, #tpu.memory_space<semaphore_mem>>) src(%dma_wait3A_1899 : memref<16x128xf32, #tpu.memory_space<hbm>>) dst(%dma_wait3A_1896 : memref<16x128xf32, #tpu.memory_space<vmem>>)
      %dma_wait3A_1900 = arith.constant 0 : i32
      %dma_wait3A_1901 = arith.constant 2 : i32
      %dma_wait3A_1902 = arith.constant 0 : i32
      %dma_wait3A_1903 = arith.constant 0 : i32
      %dma_wait3A_1904 = tpu.memref_slice %arg10[%dma_wait3A_1900, %dma_wait3A_1901, %dma_wait3A_1902, %dma_wait3A_1903] : memref<2x8x16x128xf32, #tpu.memory_space<vmem>> -> memref<1x1x16x128xf32, #tpu.memory_space<vmem>>
      %dma_wait3A_1905 = tpu.memref_squeeze %dma_wait3A_1904 : memref<1x1x16x128xf32, #tpu.memory_space<vmem>> -> memref<16x128xf32, #tpu.memory_space<vmem>>
      %dma_wait3A_1906 = arith.constant 0 : i32
      %dma_wait3A_1907 = arith.constant 0 : i32
      %dma_wait3A_1908 = tpu.memref_slice %arg5[%dma_wait3A_1906, %dma_wait3A_1907] : memref<16x1000000xf32, #tpu.memory_space<hbm>> -> memref<16x128xf32, #tpu.memory_space<hbm>>
      %dma_wait3A_1909 = arith.constant 0 : i32
      %dma_wait3A_1910 = arith.constant 0 : i32
      %dma_wait3A_1911 = tpu.memref_slice %arg10[%dma_wait3A_1900, %dma_wait3A_1901, %dma_wait3A_1909, %dma_wait3A_1910] : memref<2x8x16x128xf32, #tpu.memory_space<vmem>> -> memref<1x1x16x128xf32, #tpu.memory_space<vmem>>
      %dma_wait3A_1912 = tpu.memref_squeeze %dma_wait3A_1911 : memref<1x1x16x128xf32, #tpu.memory_space<vmem>> -> memref<16x128xf32, #tpu.memory_space<vmem>>
      %dma_wait3A_1913 = arith.constant 0 : i32
      %dma_wait3A_1914 = arith.constant 0 : i32
      %dma_wait3A_1915 = tpu.memref_slice %arg5[%dma_wait3A_1913, %dma_wait3A_1914] : memref<16x1000000xf32, #tpu.memory_space<hbm>> -> memref<16x128xf32, #tpu.memory_space<hbm>>
      tpu.wait_dma2 semaphore(%arg14 : memref<!tpu.dma_semaphore, #tpu.memory_space<semaphore_mem>>) src(%dma_wait3A_1915 : memref<16x128xf32, #tpu.memory_space<hbm>>) dst(%dma_wait3A_1912 : memref<16x128xf32, #tpu.memory_space<vmem>>)
      %dma_wait3A_1916 = arith.constant 0 : i32
      %dma_wait3A_1917 = arith.constant 3 : i32
      %dma_wait3A_1918 = arith.constant 0 : i32
      %dma_wait3A_1919 = arith.constant 0 : i32
      %dma_wait3A_1920 = tpu.memref_slice %arg9[%dma_wait3A_1916, %dma_wait3A_1917, %dma_wait3A_1918, %dma_wait3A_1919] : memref<2x8x16x128xf32, #tpu.memory_space<vmem>> -> memref<1x1x16x128xf32, #tpu.memory_space<vmem>>
      %dma_wait3A_1921 = tpu.memref_squeeze %dma_wait3A_1920 : memref<1x1x16x128xf32, #tpu.memory_space<vmem>> -> memref<16x128xf32, #tpu.memory_space<vmem>>
      %dma_wait3A_1922 = arith.constant 0 : i32
      %dma_wait3A_1923 = arith.constant 0 : i32
      %dma_wait3A_1924 = tpu.memref_slice %arg4[%dma_wait3A_1922, %dma_wait3A_1923] : memref<16x1000000xf32, #tpu.memory_space<hbm>> -> memref<16x128xf32, #tpu.memory_space<hbm>>
      %dma_wait3A_1925 = arith.constant 0 : i32
      %dma_wait3A_1926 = arith.constant 0 : i32
      %dma_wait3A_1927 = tpu.memref_slice %arg9[%dma_wait3A_1916, %dma_wait3A_1917, %dma_wait3A_1925, %dma_wait3A_1926] : memref<2x8x16x128xf32, #tpu.memory_space<vmem>> -> memref<1x1x16x128xf32, #tpu.memory_space<vmem>>
      %dma_wait3A_1928 = tpu.memref_squeeze %dma_wait3A_1927 : memref<1x1x16x128xf32, #tpu.memory_space<vmem>> -> memref<16x128xf32, #tpu.memory_space<vmem>>
      %dma_wait3A_1929 = arith.constant 0 : i32
      %dma_wait3A_1930 = arith.constant 0 : i32
      %dma_wait3A_1931 = tpu.memref_slice %arg4[%dma_wait3A_1929, %dma_wait3A_1930] : memref<16x1000000xf32, #tpu.memory_space<hbm>> -> memref<16x128xf32, #tpu.memory_space<hbm>>
      tpu.wait_dma2 semaphore(%arg14 : memref<!tpu.dma_semaphore, #tpu.memory_space<semaphore_mem>>) src(%dma_wait3A_1931 : memref<16x128xf32, #tpu.memory_space<hbm>>) dst(%dma_wait3A_1928 : memref<16x128xf32, #tpu.memory_space<vmem>>)
      %dma_wait3A_1932 = arith.constant 0 : i32
      %dma_wait3A_1933 = arith.constant 3 : i32
      %dma_wait3A_1934 = arith.constant 0 : i32
      %dma_wait3A_1935 = arith.constant 0 : i32
      %dma_wait3A_1936 = tpu.memref_slice %arg10[%dma_wait3A_1932, %dma_wait3A_1933, %dma_wait3A_1934, %dma_wait3A_1935] : memref<2x8x16x128xf32, #tpu.memory_space<vmem>> -> memref<1x1x16x128xf32, #tpu.memory_space<vmem>>
      %dma_wait3A_1937 = tpu.memref_squeeze %dma_wait3A_1936 : memref<1x1x16x128xf32, #tpu.memory_space<vmem>> -> memref<16x128xf32, #tpu.memory_space<vmem>>
      %dma_wait3A_1938 = arith.constant 0 : i32
      %dma_wait3A_1939 = arith.constant 0 : i32
      %dma_wait3A_1940 = tpu.memref_slice %arg5[%dma_wait3A_1938, %dma_wait3A_1939] : memref<16x1000000xf32, #tpu.memory_space<hbm>> -> memref<16x128xf32, #tpu.memory_space<hbm>>
      %dma_wait3A_1941 = arith.constant 0 : i32
      %dma_wait3A_1942 = arith.constant 0 : i32
      %dma_wait3A_1943 = tpu.memref_slice %arg10[%dma_wait3A_1932, %dma_wait3A_1933, %dma_wait3A_1941, %dma_wait3A_1942] : memref<2x8x16x128xf32, #tpu.memory_space<vmem>> -> memref<1x1x16x128xf32, #tpu.memory_space<vmem>>
      %dma_wait3A_1944 = tpu.memref_squeeze %dma_wait3A_1943 : memref<1x1x16x128xf32, #tpu.memory_space<vmem>> -> memref<16x128xf32, #tpu.memory_space<vmem>>
      %dma_wait3A_1945 = arith.constant 0 : i32
      %dma_wait3A_1946 = arith.constant 0 : i32
      %dma_wait3A_1947 = tpu.memref_slice %arg5[%dma_wait3A_1945, %dma_wait3A_1946] : memref<16x1000000xf32, #tpu.memory_space<hbm>> -> memref<16x128xf32, #tpu.memory_space<hbm>>
      tpu.wait_dma2 semaphore(%arg14 : memref<!tpu.dma_semaphore, #tpu.memory_space<semaphore_mem>>) src(%dma_wait3A_1947 : memref<16x128xf32, #tpu.memory_space<hbm>>) dst(%dma_wait3A_1944 : memref<16x128xf32, #tpu.memory_space<vmem>>)
      %dma_wait3A_1948 = arith.constant 0 : i32
      %dma_wait3A_1949 = arith.constant 4 : i32
      %dma_wait3A_1950 = arith.constant 0 : i32
      %dma_wait3A_1951 = arith.constant 0 : i32
      %dma_wait3A_1952 = tpu.memref_slice %arg9[%dma_wait3A_1948, %dma_wait3A_1949, %dma_wait3A_1950, %dma_wait3A_1951] : memref<2x8x16x128xf32, #tpu.memory_space<vmem>> -> memref<1x1x16x128xf32, #tpu.memory_space<vmem>>
      %dma_wait3A_1953 = tpu.memref_squeeze %dma_wait3A_1952 : memref<1x1x16x128xf32, #tpu.memory_space<vmem>> -> memref<16x128xf32, #tpu.memory_space<vmem>>
      %dma_wait3A_1954 = arith.constant 0 : i32
      %dma_wait3A_1955 = arith.constant 0 : i32
      %dma_wait3A_1956 = tpu.memref_slice %arg4[%dma_wait3A_1954, %dma_wait3A_1955] : memref<16x1000000xf32, #tpu.memory_space<hbm>> -> memref<16x128xf32, #tpu.memory_space<hbm>>
      %dma_wait3A_1957 = arith.constant 0 : i32
      %dma_wait3A_1958 = arith.constant 0 : i32
      %dma_wait3A_1959 = tpu.memref_slice %arg9[%dma_wait3A_1948, %dma_wait3A_1949, %dma_wait3A_1957, %dma_wait3A_1958] : memref<2x8x16x128xf32, #tpu.memory_space<vmem>> -> memref<1x1x16x128xf32, #tpu.memory_space<vmem>>
      %dma_wait3A_1960 = tpu.memref_squeeze %dma_wait3A_1959 : memref<1x1x16x128xf32, #tpu.memory_space<vmem>> -> memref<16x128xf32, #tpu.memory_space<vmem>>
      %dma_wait3A_1961 = arith.constant 0 : i32
      %dma_wait3A_1962 = arith.constant 0 : i32
      %dma_wait3A_1963 = tpu.memref_slice %arg4[%dma_wait3A_1961, %dma_wait3A_1962] : memref<16x1000000xf32, #tpu.memory_space<hbm>> -> memref<16x128xf32, #tpu.memory_space<hbm>>
      tpu.wait_dma2 semaphore(%arg14 : memref<!tpu.dma_semaphore, #tpu.memory_space<semaphore_mem>>) src(%dma_wait3A_1963 : memref<16x128xf32, #tpu.memory_space<hbm>>) dst(%dma_wait3A_1960 : memref<16x128xf32, #tpu.memory_space<vmem>>)
      %dma_wait3A_1964 = arith.constant 0 : i32
      %dma_wait3A_1965 = arith.constant 4 : i32
      %dma_wait3A_1966 = arith.constant 0 : i32
      %dma_wait3A_1967 = arith.constant 0 : i32
      %dma_wait3A_1968 = tpu.memref_slice %arg10[%dma_wait3A_1964, %dma_wait3A_1965, %dma_wait3A_1966, %dma_wait3A_1967] : memref<2x8x16x128xf32, #tpu.memory_space<vmem>> -> memref<1x1x16x128xf32, #tpu.memory_space<vmem>>
      %dma_wait3A_1969 = tpu.memref_squeeze %dma_wait3A_1968 : memref<1x1x16x128xf32, #tpu.memory_space<vmem>> -> memref<16x128xf32, #tpu.memory_space<vmem>>
      %dma_wait3A_1970 = arith.constant 0 : i32
      %dma_wait3A_1971 = arith.constant 0 : i32
      %dma_wait3A_1972 = tpu.memref_slice %arg5[%dma_wait3A_1970, %dma_wait3A_1971] : memref<16x1000000xf32, #tpu.memory_space<hbm>> -> memref<16x128xf32, #tpu.memory_space<hbm>>
      %dma_wait3A_1973 = arith.constant 0 : i32
      %dma_wait3A_1974 = arith.constant 0 : i32
      %dma_wait3A_1975 = tpu.memref_slice %arg10[%dma_wait3A_1964, %dma_wait3A_1965, %dma_wait3A_1973, %dma_wait3A_1974] : memref<2x8x16x128xf32, #tpu.memory_space<vmem>> -> memref<1x1x16x128xf32, #tpu.memory_space<vmem>>
      %dma_wait3A_1976 = tpu.memref_squeeze %dma_wait3A_1975 : memref<1x1x16x128xf32, #tpu.memory_space<vmem>> -> memref<16x128xf32, #tpu.memory_space<vmem>>
      %dma_wait3A_1977 = arith.constant 0 : i32
      %dma_wait3A_1978 = arith.constant 0 : i32
      %dma_wait3A_1979 = tpu.memref_slice %arg5[%dma_wait3A_1977, %dma_wait3A_1978] : memref<16x1000000xf32, #tpu.memory_space<hbm>> -> memref<16x128xf32, #tpu.memory_space<hbm>>
      tpu.wait_dma2 semaphore(%arg14 : memref<!tpu.dma_semaphore, #tpu.memory_space<semaphore_mem>>) src(%dma_wait3A_1979 : memref<16x128xf32, #tpu.memory_space<hbm>>) dst(%dma_wait3A_1976 : memref<16x128xf32, #tpu.memory_space<vmem>>)
      %dma_wait3A_1980 = arith.constant 0 : i32
      %dma_wait3A_1981 = arith.constant 5 : i32
      %dma_wait3A_1982 = arith.constant 0 : i32
      %dma_wait3A_1983 = arith.constant 0 : i32
      %dma_wait3A_1984 = tpu.memref_slice %arg9[%dma_wait3A_1980, %dma_wait3A_1981, %dma_wait3A_1982, %dma_wait3A_1983] : memref<2x8x16x128xf32, #tpu.memory_space<vmem>> -> memref<1x1x16x128xf32, #tpu.memory_space<vmem>>
      %dma_wait3A_1985 = tpu.memref_squeeze %dma_wait3A_1984 : memref<1x1x16x128xf32, #tpu.memory_space<vmem>> -> memref<16x128xf32, #tpu.memory_space<vmem>>
      %dma_wait3A_1986 = arith.constant 0 : i32
      %dma_wait3A_1987 = arith.constant 0 : i32
      %dma_wait3A_1988 = tpu.memref_slice %arg4[%dma_wait3A_1986, %dma_wait3A_1987] : memref<16x1000000xf32, #tpu.memory_space<hbm>> -> memref<16x128xf32, #tpu.memory_space<hbm>>
      %dma_wait3A_1989 = arith.constant 0 : i32
      %dma_wait3A_1990 = arith.constant 0 : i32
      %dma_wait3A_1991 = tpu.memref_slice %arg9[%dma_wait3A_1980, %dma_wait3A_1981, %dma_wait3A_1989, %dma_wait3A_1990] : memref<2x8x16x128xf32, #tpu.memory_space<vmem>> -> memref<1x1x16x128xf32, #tpu.memory_space<vmem>>
      %dma_wait3A_1992 = tpu.memref_squeeze %dma_wait3A_1991 : memref<1x1x16x128xf32, #tpu.memory_space<vmem>> -> memref<16x128xf32, #tpu.memory_space<vmem>>
      %dma_wait3A_1993 = arith.constant 0 : i32
      %dma_wait3A_1994 = arith.constant 0 : i32
      %dma_wait3A_1995 = tpu.memref_slice %arg4[%dma_wait3A_1993, %dma_wait3A_1994] : memref<16x1000000xf32, #tpu.memory_space<hbm>> -> memref<16x128xf32, #tpu.memory_space<hbm>>
      tpu.wait_dma2 semaphore(%arg14 : memref<!tpu.dma_semaphore, #tpu.memory_space<semaphore_mem>>) src(%dma_wait3A_1995 : memref<16x128xf32, #tpu.memory_space<hbm>>) dst(%dma_wait3A_1992 : memref<16x128xf32, #tpu.memory_space<vmem>>)
      %dma_wait3A_1996 = arith.constant 0 : i32
      %dma_wait3A_1997 = arith.constant 5 : i32
      %dma_wait3A_1998 = arith.constant 0 : i32
      %dma_wait3A_1999 = arith.constant 0 : i32
      %dma_wait3A_2000 = tpu.memref_slice %arg10[%dma_wait3A_1996, %dma_wait3A_1997, %dma_wait3A_1998, %dma_wait3A_1999] : memref<2x8x16x128xf32, #tpu.memory_space<vmem>> -> memref<1x1x16x128xf32, #tpu.memory_space<vmem>>
      %dma_wait3A_2001 = tpu.memref_squeeze %dma_wait3A_2000 : memref<1x1x16x128xf32, #tpu.memory_space<vmem>> -> memref<16x128xf32, #tpu.memory_space<vmem>>
      %dma_wait3A_2002 = arith.constant 0 : i32
      %dma_wait3A_2003 = arith.constant 0 : i32
      %dma_wait3A_2004 = tpu.memref_slice %arg5[%dma_wait3A_2002, %dma_wait3A_2003] : memref<16x1000000xf32, #tpu.memory_space<hbm>> -> memref<16x128xf32, #tpu.memory_space<hbm>>
      %dma_wait3A_2005 = arith.constant 0 : i32
      %dma_wait3A_2006 = arith.constant 0 : i32
      %dma_wait3A_2007 = tpu.memref_slice %arg10[%dma_wait3A_1996, %dma_wait3A_1997, %dma_wait3A_2005, %dma_wait3A_2006] : memref<2x8x16x128xf32, #tpu.memory_space<vmem>> -> memref<1x1x16x128xf32, #tpu.memory_space<vmem>>
      %dma_wait3A_2008 = tpu.memref_squeeze %dma_wait3A_2007 : memref<1x1x16x128xf32, #tpu.memory_space<vmem>> -> memref<16x128xf32, #tpu.memory_space<vmem>>
      %dma_wait3A_2009 = arith.constant 0 : i32
      %dma_wait3A_2010 = arith.constant 0 : i32
      %dma_wait3A_2011 = tpu.memref_slice %arg5[%dma_wait3A_2009, %dma_wait3A_2010] : memref<16x1000000xf32, #tpu.memory_space<hbm>> -> memref<16x128xf32, #tpu.memory_space<hbm>>
      tpu.wait_dma2 semaphore(%arg14 : memref<!tpu.dma_semaphore, #tpu.memory_space<semaphore_mem>>) src(%dma_wait3A_2011 : memref<16x128xf32, #tpu.memory_space<hbm>>) dst(%dma_wait3A_2008 : memref<16x128xf32, #tpu.memory_space<vmem>>)
      %dma_wait3A_2012 = arith.constant 0 : i32
      %dma_wait3A_2013 = arith.constant 6 : i32
      %dma_wait3A_2014 = arith.constant 0 : i32
      %dma_wait3A_2015 = arith.constant 0 : i32
      %dma_wait3A_2016 = tpu.memref_slice %arg9[%dma_wait3A_2012, %dma_wait3A_2013, %dma_wait3A_2014, %dma_wait3A_2015] : memref<2x8x16x128xf32, #tpu.memory_space<vmem>> -> memref<1x1x16x128xf32, #tpu.memory_space<vmem>>
      %dma_wait3A_2017 = tpu.memref_squeeze %dma_wait3A_2016 : memref<1x1x16x128xf32, #tpu.memory_space<vmem>> -> memref<16x128xf32, #tpu.memory_space<vmem>>
      %dma_wait3A_2018 = arith.constant 0 : i32
      %dma_wait3A_2019 = arith.constant 0 : i32
      %dma_wait3A_2020 = tpu.memref_slice %arg4[%dma_wait3A_2018, %dma_wait3A_2019] : memref<16x1000000xf32, #tpu.memory_space<hbm>> -> memref<16x128xf32, #tpu.memory_space<hbm>>
      %dma_wait3A_2021 = arith.constant 0 : i32
      %dma_wait3A_2022 = arith.constant 0 : i32
      %dma_wait3A_2023 = tpu.memref_slice %arg9[%dma_wait3A_2012, %dma_wait3A_2013, %dma_wait3A_2021, %dma_wait3A_2022] : memref<2x8x16x128xf32, #tpu.memory_space<vmem>> -> memref<1x1x16x128xf32, #tpu.memory_space<vmem>>
      %dma_wait3A_2024 = tpu.memref_squeeze %dma_wait3A_2023 : memref<1x1x16x128xf32, #tpu.memory_space<vmem>> -> memref<16x128xf32, #tpu.memory_space<vmem>>
      %dma_wait3A_2025 = arith.constant 0 : i32
      %dma_wait3A_2026 = arith.constant 0 : i32
      %dma_wait3A_2027 = tpu.memref_slice %arg4[%dma_wait3A_2025, %dma_wait3A_2026] : memref<16x1000000xf32, #tpu.memory_space<hbm>> -> memref<16x128xf32, #tpu.memory_space<hbm>>
      tpu.wait_dma2 semaphore(%arg14 : memref<!tpu.dma_semaphore, #tpu.memory_space<semaphore_mem>>) src(%dma_wait3A_2027 : memref<16x128xf32, #tpu.memory_space<hbm>>) dst(%dma_wait3A_2024 : memref<16x128xf32, #tpu.memory_space<vmem>>)
      %dma_wait3A_2028 = arith.constant 0 : i32
      %dma_wait3A_2029 = arith.constant 6 : i32
      %dma_wait3A_2030 = arith.constant 0 : i32
      %dma_wait3A_2031 = arith.constant 0 : i32
      %dma_wait3A_2032 = tpu.memref_slice %arg10[%dma_wait3A_2028, %dma_wait3A_2029, %dma_wait3A_2030, %dma_wait3A_2031] : memref<2x8x16x128xf32, #tpu.memory_space<vmem>> -> memref<1x1x16x128xf32, #tpu.memory_space<vmem>>
      %dma_wait3A_2033 = tpu.memref_squeeze %dma_wait3A_2032 : memref<1x1x16x128xf32, #tpu.memory_space<vmem>> -> memref<16x128xf32, #tpu.memory_space<vmem>>
      %dma_wait3A_2034 = arith.constant 0 : i32
      %dma_wait3A_2035 = arith.constant 0 : i32
      %dma_wait3A_2036 = tpu.memref_slice %arg5[%dma_wait3A_2034, %dma_wait3A_2035] : memref<16x1000000xf32, #tpu.memory_space<hbm>> -> memref<16x128xf32, #tpu.memory_space<hbm>>
      %dma_wait3A_2037 = arith.constant 0 : i32
      %dma_wait3A_2038 = arith.constant 0 : i32
      %dma_wait3A_2039 = tpu.memref_slice %arg10[%dma_wait3A_2028, %dma_wait3A_2029, %dma_wait3A_2037, %dma_wait3A_2038] : memref<2x8x16x128xf32, #tpu.memory_space<vmem>> -> memref<1x1x16x128xf32, #tpu.memory_space<vmem>>
      %dma_wait3A_2040 = tpu.memref_squeeze %dma_wait3A_2039 : memref<1x1x16x128xf32, #tpu.memory_space<vmem>> -> memref<16x128xf32, #tpu.memory_space<vmem>>
      %dma_wait3A_2041 = arith.constant 0 : i32
      %dma_wait3A_2042 = arith.constant 0 : i32
      %dma_wait3A_2043 = tpu.memref_slice %arg5[%dma_wait3A_2041, %dma_wait3A_2042] : memref<16x1000000xf32, #tpu.memory_space<hbm>> -> memref<16x128xf32, #tpu.memory_space<hbm>>
      tpu.wait_dma2 semaphore(%arg14 : memref<!tpu.dma_semaphore, #tpu.memory_space<semaphore_mem>>) src(%dma_wait3A_2043 : memref<16x128xf32, #tpu.memory_space<hbm>>) dst(%dma_wait3A_2040 : memref<16x128xf32, #tpu.memory_space<vmem>>)
      %dma_wait3A_2044 = arith.constant 0 : i32
      %dma_wait3A_2045 = arith.constant 7 : i32
      %dma_wait3A_2046 = arith.constant 0 : i32
      %dma_wait3A_2047 = arith.constant 0 : i32
      %dma_wait3A_2048 = tpu.memref_slice %arg9[%dma_wait3A_2044, %dma_wait3A_2045, %dma_wait3A_2046, %dma_wait3A_2047] : memref<2x8x16x128xf32, #tpu.memory_space<vmem>> -> memref<1x1x16x128xf32, #tpu.memory_space<vmem>>
      %dma_wait3A_2049 = tpu.memref_squeeze %dma_wait3A_2048 : memref<1x1x16x128xf32, #tpu.memory_space<vmem>> -> memref<16x128xf32, #tpu.memory_space<vmem>>
      %dma_wait3A_2050 = arith.constant 0 : i32
      %dma_wait3A_2051 = arith.constant 0 : i32
      %dma_wait3A_2052 = tpu.memref_slice %arg4[%dma_wait3A_2050, %dma_wait3A_2051] : memref<16x1000000xf32, #tpu.memory_space<hbm>> -> memref<16x128xf32, #tpu.memory_space<hbm>>
      %dma_wait3A_2053 = arith.constant 0 : i32
      %dma_wait3A_2054 = arith.constant 0 : i32
      %dma_wait3A_2055 = tpu.memref_slice %arg9[%dma_wait3A_2044, %dma_wait3A_2045, %dma_wait3A_2053, %dma_wait3A_2054] : memref<2x8x16x128xf32, #tpu.memory_space<vmem>> -> memref<1x1x16x128xf32, #tpu.memory_space<vmem>>
      %dma_wait3A_2056 = tpu.memref_squeeze %dma_wait3A_2055 : memref<1x1x16x128xf32, #tpu.memory_space<vmem>> -> memref<16x128xf32, #tpu.memory_space<vmem>>
      %dma_wait3A_2057 = arith.constant 0 : i32
      %dma_wait3A_2058 = arith.constant 0 : i32
      %dma_wait3A_2059 = tpu.memref_slice %arg4[%dma_wait3A_2057, %dma_wait3A_2058] : memref<16x1000000xf32, #tpu.memory_space<hbm>> -> memref<16x128xf32, #tpu.memory_space<hbm>>
      tpu.wait_dma2 semaphore(%arg14 : memref<!tpu.dma_semaphore, #tpu.memory_space<semaphore_mem>>) src(%dma_wait3A_2059 : memref<16x128xf32, #tpu.memory_space<hbm>>) dst(%dma_wait3A_2056 : memref<16x128xf32, #tpu.memory_space<vmem>>)
      %dma_wait3A_2060 = arith.constant 0 : i32
      %dma_wait3A_2061 = arith.constant 7 : i32
      %dma_wait3A_2062 = arith.constant 0 : i32
      %dma_wait3A_2063 = arith.constant 0 : i32
      %dma_wait3A_2064 = tpu.memref_slice %arg10[%dma_wait3A_2060, %dma_wait3A_2061, %dma_wait3A_2062, %dma_wait3A_2063] : memref<2x8x16x128xf32, #tpu.memory_space<vmem>> -> memref<1x1x16x128xf32, #tpu.memory_space<vmem>>
      %dma_wait3A_2065 = tpu.memref_squeeze %dma_wait3A_2064 : memref<1x1x16x128xf32, #tpu.memory_space<vmem>> -> memref<16x128xf32, #tpu.memory_space<vmem>>
      %dma_wait3A_2066 = arith.constant 0 : i32
      %dma_wait3A_2067 = arith.constant 0 : i32
      %dma_wait3A_2068 = tpu.memref_slice %arg5[%dma_wait3A_2066, %dma_wait3A_2067] : memref<16x1000000xf32, #tpu.memory_space<hbm>> -> memref<16x128xf32, #tpu.memory_space<hbm>>
      %dma_wait3A_2069 = arith.constant 0 : i32
      %dma_wait3A_2070 = arith.constant 0 : i32
      %dma_wait3A_2071 = tpu.memref_slice %arg10[%dma_wait3A_2060, %dma_wait3A_2061, %dma_wait3A_2069, %dma_wait3A_2070] : memref<2x8x16x128xf32, #tpu.memory_space<vmem>> -> memref<1x1x16x128xf32, #tpu.memory_space<vmem>>
      %dma_wait3A_2072 = tpu.memref_squeeze %dma_wait3A_2071 : memref<1x1x16x128xf32, #tpu.memory_space<vmem>> -> memref<16x128xf32, #tpu.memory_space<vmem>>
      %dma_wait3A_2073 = arith.constant 0 : i32
      %dma_wait3A_2074 = arith.constant 0 : i32
      %dma_wait3A_2075 = tpu.memref_slice %arg5[%dma_wait3A_2073, %dma_wait3A_2074] : memref<16x1000000xf32, #tpu.memory_space<hbm>> -> memref<16x128xf32, #tpu.memory_space<hbm>>
      tpu.wait_dma2 semaphore(%arg14 : memref<!tpu.dma_semaphore, #tpu.memory_space<semaphore_mem>>) src(%dma_wait3A_2075 : memref<16x128xf32, #tpu.memory_space<hbm>>) dst(%dma_wait3A_2072 : memref<16x128xf32, #tpu.memory_space<vmem>>)
      %slice3A_2076 = vector.extract_strided_slice %get3A_1805 {offsets = [0], sizes = [1], strides = [1]} : vector<16xi32> to vector<1xi32>
      %squeeze3A_2077 = vector.extract %slice3A_2076[0] : i32 from vector<1xi32>
      %and3A_2078 = arith.constant 127 : i32
      %and3A_2079 = arith.andi %squeeze3A_2077, %and3A_2078 : i32
      %broadcast_in_dim3A_2080 = vector.broadcast %and3A_2079 : i32 to vector<16xi32>
      %slice3A_2081 = vector.extract_strided_slice %get3A_1809 {offsets = [0], sizes = [1], strides = [1]} : vector<16xi32> to vector<1xi32>
      %squeeze3A_2082 = vector.extract %slice3A_2081[0] : i32 from vector<1xi32>
      %and3A_2083 = arith.constant 127 : i32
      %and3A_2084 = arith.andi %squeeze3A_2082, %and3A_2083 : i32
      %broadcast_in_dim3A_2085 = vector.broadcast %and3A_2084 : i32 to vector<16xi32>
      %gather3A_2086 = arith.constant 0 : i32
      %gather3A_2087 = arith.constant 0 : i32
      %gather3A_2088 = arith.constant 0 : i32
      %gather3A_2089 = arith.constant 0 : i32
      %gather3A_2090 = tpu.memref_slice %arg9[%gather3A_2086, %gather3A_2087, %gather3A_2088, %gather3A_2089] : memref<2x8x16x128xf32, #tpu.memory_space<vmem>> -> memref<1x1x16x128xf32, #tpu.memory_space<vmem>>
      %gather3A_2091 = tpu.memref_squeeze %gather3A_2090 : memref<1x1x16x128xf32, #tpu.memory_space<vmem>> -> memref<16x128xf32, #tpu.memory_space<vmem>>
      %gather3A_2092 = tpu.vector_load_idx %gather3A_2091[%iota3A, %broadcast_in_dim3A_2080] : memref<16x128xf32, #tpu.memory_space<vmem>>[vector<16xi32>, vector<16xi32>], vector<16xf32>,
      %swap3A_2093 = arith.constant 0 : i32
      %swap3A_2094 = arith.index_cast %swap3A_2093 : i32 to index
      %swap3A_2095 = arith.constant 0 : index
      %swap3A_2096 = tpu.vector_load %arg11[%swap3A_2094, %swap3A_2095] {strides = array<i32>} : memref<16x16xf32, #tpu.memory_space<vmem>>, vector<16xf32>,
      tpu.vector_store %arg11[%swap3A_2094, %swap3A_2095], %gather3A_2092 {strides = array<i32>} : memref<16x16xf32, #tpu.memory_space<vmem>>, vector<16xf32>,
      %gather3A_2097 = arith.constant 0 : i32
      %gather3A_2098 = arith.constant 0 : i32
      %gather3A_2099 = arith.constant 0 : i32
      %gather3A_2100 = arith.constant 0 : i32
      %gather3A_2101 = tpu.memref_slice %arg10[%gather3A_2097, %gather3A_2098, %gather3A_2099, %gather3A_2100] : memref<2x8x16x128xf32, #tpu.memory_space<vmem>> -> memref<1x1x16x128xf32, #tpu.memory_space<vmem>>
      %gather3A_2102 = tpu.memref_squeeze %gather3A_2101 : memref<1x1x16x128xf32, #tpu.memory_space<vmem>> -> memref<16x128xf32, #tpu.memory_space<vmem>>
      %gather3A_2103 = tpu.vector_load_idx %gather3A_2102[%iota3A, %broadcast_in_dim3A_2085] : memref<16x128xf32, #tpu.memory_space<vmem>>[vector<16xi32>, vector<16xi32>], vector<16xf32>,
      %swap3A_2104 = arith.constant 0 : i32
      %swap3A_2105 = arith.index_cast %swap3A_2104 : i32 to index
      %swap3A_2106 = arith.constant 0 : index
      %swap3A_2107 = tpu.vector_load %arg12[%swap3A_2105, %swap3A_2106] {strides = array<i32>} : memref<16x16xf32, #tpu.memory_space<vmem>>, vector<16xf32>,
      tpu.vector_store %arg12[%swap3A_2105, %swap3A_2106], %gather3A_2103 {strides = array<i32>} : memref<16x16xf32, #tpu.memory_space<vmem>>, vector<16xf32>,
      %slice3A_2108 = vector.extract_strided_slice %get3A_1805 {offsets = [1], sizes = [1], strides = [1]} : vector<16xi32> to vector<1xi32>
      %squeeze3A_2109 = vector.extract %slice3A_2108[0] : i32 from vector<1xi32>
      %and3A_2110 = arith.constant 127 : i32
      %and3A_2111 = arith.andi %squeeze3A_2109, %and3A_2110 : i32
      %broadcast_in_dim3A_2112 = vector.broadcast %and3A_2111 : i32 to vector<16xi32>
      %slice3A_2113 = vector.extract_strided_slice %get3A_1809 {offsets = [1], sizes = [1], strides = [1]} : vector<16xi32> to vector<1xi32>
      %squeeze3A_2114 = vector.extract %slice3A_2113[0] : i32 from vector<1xi32>
      %and3A_2115 = arith.constant 127 : i32
      %and3A_2116 = arith.andi %squeeze3A_2114, %and3A_2115 : i32
      %broadcast_in_dim3A_2117 = vector.broadcast %and3A_2116 : i32 to vector<16xi32>
      %gather3A_2118 = arith.constant 0 : i32
      %gather3A_2119 = arith.constant 1 : i32
      %gather3A_2120 = arith.constant 0 : i32
      %gather3A_2121 = arith.constant 0 : i32
      %gather3A_2122 = tpu.memref_slice %arg9[%gather3A_2118, %gather3A_2119, %gather3A_2120, %gather3A_2121] : memref<2x8x16x128xf32, #tpu.memory_space<vmem>> -> memref<1x1x16x128xf32, #tpu.memory_space<vmem>>
      %gather3A_2123 = tpu.memref_squeeze %gather3A_2122 : memref<1x1x16x128xf32, #tpu.memory_space<vmem>> -> memref<16x128xf32, #tpu.memory_space<vmem>>
      %gather3A_2124 = tpu.vector_load_idx %gather3A_2123[%iota3A, %broadcast_in_dim3A_2112] : memref<16x128xf32, #tpu.memory_space<vmem>>[vector<16xi32>, vector<16xi32>], vector<16xf32>,
      %swap3A_2125 = arith.constant 1 : i32
      %swap3A_2126 = arith.index_cast %swap3A_2125 : i32 to index
      %swap3A_2127 = arith.constant 0 : index
      %swap3A_2128 = tpu.vector_load %arg11[%swap3A_2126, %swap3A_2127] {strides = array<i32>} : memref<16x16xf32, #tpu.memory_space<vmem>>, vector<16xf32>,
      tpu.vector_store %arg11[%swap3A_2126, %swap3A_2127], %gather3A_2124 {strides = array<i32>} : memref<16x16xf32, #tpu.memory_space<vmem>>, vector<16xf32>,
      %gather3A_2129 = arith.constant 0 : i32
      %gather3A_2130 = arith.constant 1 : i32
      %gather3A_2131 = arith.constant 0 : i32
      %gather3A_2132 = arith.constant 0 : i32
      %gather3A_2133 = tpu.memref_slice %arg10[%gather3A_2129, %gather3A_2130, %gather3A_2131, %gather3A_2132] : memref<2x8x16x128xf32, #tpu.memory_space<vmem>> -> memref<1x1x16x128xf32, #tpu.memory_space<vmem>>
      %gather3A_2134 = tpu.memref_squeeze %gather3A_2133 : memref<1x1x16x128xf32, #tpu.memory_space<vmem>> -> memref<16x128xf32, #tpu.memory_space<vmem>>
      %gather3A_2135 = tpu.vector_load_idx %gather3A_2134[%iota3A, %broadcast_in_dim3A_2117] : memref<16x128xf32, #tpu.memory_space<vmem>>[vector<16xi32>, vector<16xi32>], vector<16xf32>,
      %swap3A_2136 = arith.constant 1 : i32
      %swap3A_2137 = arith.index_cast %swap3A_2136 : i32 to index
      %swap3A_2138 = arith.constant 0 : index
      %swap3A_2139 = tpu.vector_load %arg12[%swap3A_2137, %swap3A_2138] {strides = array<i32>} : memref<16x16xf32, #tpu.memory_space<vmem>>, vector<16xf32>,
      tpu.vector_store %arg12[%swap3A_2137, %swap3A_2138], %gather3A_2135 {strides = array<i32>} : memref<16x16xf32, #tpu.memory_space<vmem>>, vector<16xf32>,
      %slice3A_2140 = vector.extract_strided_slice %get3A_1805 {offsets = [2], sizes = [1], strides = [1]} : vector<16xi32> to vector<1xi32>
      %squeeze3A_2141 = vector.extract %slice3A_2140[0] : i32 from vector<1xi32>
      %and3A_2142 = arith.constant 127 : i32
      %and3A_2143 = arith.andi %squeeze3A_2141, %and3A_2142 : i32
      %broadcast_in_dim3A_2144 = vector.broadcast %and3A_2143 : i32 to vector<16xi32>
      %slice3A_2145 = vector.extract_strided_slice %get3A_1809 {offsets = [2], sizes = [1], strides = [1]} : vector<16xi32> to vector<1xi32>
      %squeeze3A_2146 = vector.extract %slice3A_2145[0] : i32 from vector<1xi32>
      %and3A_2147 = arith.constant 127 : i32
      %and3A_2148 = arith.andi %squeeze3A_2146, %and3A_2147 : i32
      %broadcast_in_dim3A_2149 = vector.broadcast %and3A_2148 : i32 to vector<16xi32>
      %gather3A_2150 = arith.constant 0 : i32
      %gather3A_2151 = arith.constant 2 : i32
      %gather3A_2152 = arith.constant 0 : i32
      %gather3A_2153 = arith.constant 0 : i32
      %gather3A_2154 = tpu.memref_slice %arg9[%gather3A_2150, %gather3A_2151, %gather3A_2152, %gather3A_2153] : memref<2x8x16x128xf32, #tpu.memory_space<vmem>> -> memref<1x1x16x128xf32, #tpu.memory_space<vmem>>
      %gather3A_2155 = tpu.memref_squeeze %gather3A_2154 : memref<1x1x16x128xf32, #tpu.memory_space<vmem>> -> memref<16x128xf32, #tpu.memory_space<vmem>>
      %gather3A_2156 = tpu.vector_load_idx %gather3A_2155[%iota3A, %broadcast_in_dim3A_2144] : memref<16x128xf32, #tpu.memory_space<vmem>>[vector<16xi32>, vector<16xi32>], vector<16xf32>,
      %swap3A_2157 = arith.constant 2 : i32
      %swap3A_2158 = arith.index_cast %swap3A_2157 : i32 to index
      %swap3A_2159 = arith.constant 0 : index
      %swap3A_2160 = tpu.vector_load %arg11[%swap3A_2158, %swap3A_2159] {strides = array<i32>} : memref<16x16xf32, #tpu.memory_space<vmem>>, vector<16xf32>,
      tpu.vector_store %arg11[%swap3A_2158, %swap3A_2159], %gather3A_2156 {strides = array<i32>} : memref<16x16xf32, #tpu.memory_space<vmem>>, vector<16xf32>,
      %gather3A_2161 = arith.constant 0 : i32
      %gather3A_2162 = arith.constant 2 : i32
      %gather3A_2163 = arith.constant 0 : i32
      %gather3A_2164 = arith.constant 0 : i32
      %gather3A_2165 = tpu.memref_slice %arg10[%gather3A_2161, %gather3A_2162, %gather3A_2163, %gather3A_2164] : memref<2x8x16x128xf32, #tpu.memory_space<vmem>> -> memref<1x1x16x128xf32, #tpu.memory_space<vmem>>
      %gather3A_2166 = tpu.memref_squeeze %gather3A_2165 : memref<1x1x16x128xf32, #tpu.memory_space<vmem>> -> memref<16x128xf32, #tpu.memory_space<vmem>>
      %gather3A_2167 = tpu.vector_load_idx %gather3A_2166[%iota3A, %broadcast_in_dim3A_2149] : memref<16x128xf32, #tpu.memory_space<vmem>>[vector<16xi32>, vector<16xi32>], vector<16xf32>,
      %swap3A_2168 = arith.constant 2 : i32
      %swap3A_2169 = arith.index_cast %swap3A_2168 : i32 to index
      %swap3A_2170 = arith.constant 0 : index
      %swap3A_2171 = tpu.vector_load %arg12[%swap3A_2169, %swap3A_2170] {strides = array<i32>} : memref<16x16xf32, #tpu.memory_space<vmem>>, vector<16xf32>,
      tpu.vector_store %arg12[%swap3A_2169, %swap3A_2170], %gather3A_2167 {strides = array<i32>} : memref<16x16xf32, #tpu.memory_space<vmem>>, vector<16xf32>,
      %slice3A_2172 = vector.extract_strided_slice %get3A_1805 {offsets = [3], sizes = [1], strides = [1]} : vector<16xi32> to vector<1xi32>
      %squeeze3A_2173 = vector.extract %slice3A_2172[0] : i32 from vector<1xi32>
      %and3A_2174 = arith.constant 127 : i32
      %and3A_2175 = arith.andi %squeeze3A_2173, %and3A_2174 : i32
      %broadcast_in_dim3A_2176 = vector.broadcast %and3A_2175 : i32 to vector<16xi32>
      %slice3A_2177 = vector.extract_strided_slice %get3A_1809 {offsets = [3], sizes = [1], strides = [1]} : vector<16xi32> to vector<1xi32>
      %squeeze3A_2178 = vector.extract %slice3A_2177[0] : i32 from vector<1xi32>
      %and3A_2179 = arith.constant 127 : i32
      %and3A_2180 = arith.andi %squeeze3A_2178, %and3A_2179 : i32
      %broadcast_in_dim3A_2181 = vector.broadcast %and3A_2180 : i32 to vector<16xi32>
      %gather3A_2182 = arith.constant 0 : i32
      %gather3A_2183 = arith.constant 3 : i32
      %gather3A_2184 = arith.constant 0 : i32
      %gather3A_2185 = arith.constant 0 : i32
      %gather3A_2186 = tpu.memref_slice %arg9[%gather3A_2182, %gather3A_2183, %gather3A_2184, %gather3A_2185] : memref<2x8x16x128xf32, #tpu.memory_space<vmem>> -> memref<1x1x16x128xf32, #tpu.memory_space<vmem>>
      %gather3A_2187 = tpu.memref_squeeze %gather3A_2186 : memref<1x1x16x128xf32, #tpu.memory_space<vmem>> -> memref<16x128xf32, #tpu.memory_space<vmem>>
      %gather3A_2188 = tpu.vector_load_idx %gather3A_2187[%iota3A, %broadcast_in_dim3A_2176] : memref<16x128xf32, #tpu.memory_space<vmem>>[vector<16xi32>, vector<16xi32>], vector<16xf32>,
      %swap3A_2189 = arith.constant 3 : i32
      %swap3A_2190 = arith.index_cast %swap3A_2189 : i32 to index
      %swap3A_2191 = arith.constant 0 : index
      %swap3A_2192 = tpu.vector_load %arg11[%swap3A_2190, %swap3A_2191] {strides = array<i32>} : memref<16x16xf32, #tpu.memory_space<vmem>>, vector<16xf32>,
      tpu.vector_store %arg11[%swap3A_2190, %swap3A_2191], %gather3A_2188 {strides = array<i32>} : memref<16x16xf32, #tpu.memory_space<vmem>>, vector<16xf32>,
      %gather3A_2193 = arith.constant 0 : i32
      %gather3A_2194 = arith.constant 3 : i32
      %gather3A_2195 = arith.constant 0 : i32
      %gather3A_2196 = arith.constant 0 : i32
      %gather3A_2197 = tpu.memref_slice %arg10[%gather3A_2193, %gather3A_2194, %gather3A_2195, %gather3A_2196] : memref<2x8x16x128xf32, #tpu.memory_space<vmem>> -> memref<1x1x16x128xf32, #tpu.memory_space<vmem>>
      %gather3A_2198 = tpu.memref_squeeze %gather3A_2197 : memref<1x1x16x128xf32, #tpu.memory_space<vmem>> -> memref<16x128xf32, #tpu.memory_space<vmem>>
      %gather3A_2199 = tpu.vector_load_idx %gather3A_2198[%iota3A, %broadcast_in_dim3A_2181] : memref<16x128xf32, #tpu.memory_space<vmem>>[vector<16xi32>, vector<16xi32>], vector<16xf32>,
      %swap3A_2200 = arith.constant 3 : i32
      %swap3A_2201 = arith.index_cast %swap3A_2200 : i32 to index
      %swap3A_2202 = arith.constant 0 : index
      %swap3A_2203 = tpu.vector_load %arg12[%swap3A_2201, %swap3A_2202] {strides = array<i32>} : memref<16x16xf32, #tpu.memory_space<vmem>>, vector<16xf32>,
      tpu.vector_store %arg12[%swap3A_2201, %swap3A_2202], %gather3A_2199 {strides = array<i32>} : memref<16x16xf32, #tpu.memory_space<vmem>>, vector<16xf32>,
      %slice3A_2204 = vector.extract_strided_slice %get3A_1805 {offsets = [4], sizes = [1], strides = [1]} : vector<16xi32> to vector<1xi32>
      %squeeze3A_2205 = vector.extract %slice3A_2204[0] : i32 from vector<1xi32>
      %and3A_2206 = arith.constant 127 : i32
      %and3A_2207 = arith.andi %squeeze3A_2205, %and3A_2206 : i32
      %broadcast_in_dim3A_2208 = vector.broadcast %and3A_2207 : i32 to vector<16xi32>
      %slice3A_2209 = vector.extract_strided_slice %get3A_1809 {offsets = [4], sizes = [1], strides = [1]} : vector<16xi32> to vector<1xi32>
      %squeeze3A_2210 = vector.extract %slice3A_2209[0] : i32 from vector<1xi32>
      %and3A_2211 = arith.constant 127 : i32
      %and3A_2212 = arith.andi %squeeze3A_2210, %and3A_2211 : i32
      %broadcast_in_dim3A_2213 = vector.broadcast %and3A_2212 : i32 to vector<16xi32>
      %gather3A_2214 = arith.constant 0 : i32
      %gather3A_2215 = arith.constant 4 : i32
      %gather3A_2216 = arith.constant 0 : i32
      %gather3A_2217 = arith.constant 0 : i32
      %gather3A_2218 = tpu.memref_slice %arg9[%gather3A_2214, %gather3A_2215, %gather3A_2216, %gather3A_2217] : memref<2x8x16x128xf32, #tpu.memory_space<vmem>> -> memref<1x1x16x128xf32, #tpu.memory_space<vmem>>
      %gather3A_2219 = tpu.memref_squeeze %gather3A_2218 : memref<1x1x16x128xf32, #tpu.memory_space<vmem>> -> memref<16x128xf32, #tpu.memory_space<vmem>>
      %gather3A_2220 = tpu.vector_load_idx %gather3A_2219[%iota3A, %broadcast_in_dim3A_2208] : memref<16x128xf32, #tpu.memory_space<vmem>>[vector<16xi32>, vector<16xi32>], vector<16xf32>,
      %swap3A_2221 = arith.constant 4 : i32
      %swap3A_2222 = arith.index_cast %swap3A_2221 : i32 to index
      %swap3A_2223 = arith.constant 0 : index
      %swap3A_2224 = tpu.vector_load %arg11[%swap3A_2222, %swap3A_2223] {strides = array<i32>} : memref<16x16xf32, #tpu.memory_space<vmem>>, vector<16xf32>,
      tpu.vector_store %arg11[%swap3A_2222, %swap3A_2223], %gather3A_2220 {strides = array<i32>} : memref<16x16xf32, #tpu.memory_space<vmem>>, vector<16xf32>,
      %gather3A_2225 = arith.constant 0 : i32
      %gather3A_2226 = arith.constant 4 : i32
      %gather3A_2227 = arith.constant 0 : i32
      %gather3A_2228 = arith.constant 0 : i32
      %gather3A_2229 = tpu.memref_slice %arg10[%gather3A_2225, %gather3A_2226, %gather3A_2227, %gather3A_2228] : memref<2x8x16x128xf32, #tpu.memory_space<vmem>> -> memref<1x1x16x128xf32, #tpu.memory_space<vmem>>
      %gather3A_2230 = tpu.memref_squeeze %gather3A_2229 : memref<1x1x16x128xf32, #tpu.memory_space<vmem>> -> memref<16x128xf32, #tpu.memory_space<vmem>>
      %gather3A_2231 = tpu.vector_load_idx %gather3A_2230[%iota3A, %broadcast_in_dim3A_2213] : memref<16x128xf32, #tpu.memory_space<vmem>>[vector<16xi32>, vector<16xi32>], vector<16xf32>,
      %swap3A_2232 = arith.constant 4 : i32
      %swap3A_2233 = arith.index_cast %swap3A_2232 : i32 to index
      %swap3A_2234 = arith.constant 0 : index
      %swap3A_2235 = tpu.vector_load %arg12[%swap3A_2233, %swap3A_2234] {strides = array<i32>} : memref<16x16xf32, #tpu.memory_space<vmem>>, vector<16xf32>,
      tpu.vector_store %arg12[%swap3A_2233, %swap3A_2234], %gather3A_2231 {strides = array<i32>} : memref<16x16xf32, #tpu.memory_space<vmem>>, vector<16xf32>,
      %slice3A_2236 = vector.extract_strided_slice %get3A_1805 {offsets = [5], sizes = [1], strides = [1]} : vector<16xi32> to vector<1xi32>
      %squeeze3A_2237 = vector.extract %slice3A_2236[0] : i32 from vector<1xi32>
      %and3A_2238 = arith.constant 127 : i32
      %and3A_2239 = arith.andi %squeeze3A_2237, %and3A_2238 : i32
      %broadcast_in_dim3A_2240 = vector.broadcast %and3A_2239 : i32 to vector<16xi32>
      %slice3A_2241 = vector.extract_strided_slice %get3A_1809 {offsets = [5], sizes = [1], strides = [1]} : vector<16xi32> to vector<1xi32>
      %squeeze3A_2242 = vector.extract %slice3A_2241[0] : i32 from vector<1xi32>
      %and3A_2243 = arith.constant 127 : i32
      %and3A_2244 = arith.andi %squeeze3A_2242, %and3A_2243 : i32
      %broadcast_in_dim3A_2245 = vector.broadcast %and3A_2244 : i32 to vector<16xi32>
      %gather3A_2246 = arith.constant 0 : i32
      %gather3A_2247 = arith.constant 5 : i32
      %gather3A_2248 = arith.constant 0 : i32
      %gather3A_2249 = arith.constant 0 : i32
      %gather3A_2250 = tpu.memref_slice %arg9[%gather3A_2246, %gather3A_2247, %gather3A_2248, %gather3A_2249] : memref<2x8x16x128xf32, #tpu.memory_space<vmem>> -> memref<1x1x16x128xf32, #tpu.memory_space<vmem>>
      %gather3A_2251 = tpu.memref_squeeze %gather3A_2250 : memref<1x1x16x128xf32, #tpu.memory_space<vmem>> -> memref<16x128xf32, #tpu.memory_space<vmem>>
      %gather3A_2252 = tpu.vector_load_idx %gather3A_2251[%iota3A, %broadcast_in_dim3A_2240] : memref<16x128xf32, #tpu.memory_space<vmem>>[vector<16xi32>, vector<16xi32>], vector<16xf32>,
      %swap3A_2253 = arith.constant 5 : i32
      %swap3A_2254 = arith.index_cast %swap3A_2253 : i32 to index
      %swap3A_2255 = arith.constant 0 : index
      %swap3A_2256 = tpu.vector_load %arg11[%swap3A_2254, %swap3A_2255] {strides = array<i32>} : memref<16x16xf32, #tpu.memory_space<vmem>>, vector<16xf32>,
      tpu.vector_store %arg11[%swap3A_2254, %swap3A_2255], %gather3A_2252 {strides = array<i32>} : memref<16x16xf32, #tpu.memory_space<vmem>>, vector<16xf32>,
      %gather3A_2257 = arith.constant 0 : i32
      %gather3A_2258 = arith.constant 5 : i32
      %gather3A_2259 = arith.constant 0 : i32
      %gather3A_2260 = arith.constant 0 : i32
      %gather3A_2261 = tpu.memref_slice %arg10[%gather3A_2257, %gather3A_2258, %gather3A_2259, %gather3A_2260] : memref<2x8x16x128xf32, #tpu.memory_space<vmem>> -> memref<1x1x16x128xf32, #tpu.memory_space<vmem>>
      %gather3A_2262 = tpu.memref_squeeze %gather3A_2261 : memref<1x1x16x128xf32, #tpu.memory_space<vmem>> -> memref<16x128xf32, #tpu.memory_space<vmem>>
      %gather3A_2263 = tpu.vector_load_idx %gather3A_2262[%iota3A, %broadcast_in_dim3A_2245] : memref<16x128xf32, #tpu.memory_space<vmem>>[vector<16xi32>, vector<16xi32>], vector<16xf32>,
      %swap3A_2264 = arith.constant 5 : i32
      %swap3A_2265 = arith.index_cast %swap3A_2264 : i32 to index
      %swap3A_2266 = arith.constant 0 : index
      %swap3A_2267 = tpu.vector_load %arg12[%swap3A_2265, %swap3A_2266] {strides = array<i32>} : memref<16x16xf32, #tpu.memory_space<vmem>>, vector<16xf32>,
      tpu.vector_store %arg12[%swap3A_2265, %swap3A_2266], %gather3A_2263 {strides = array<i32>} : memref<16x16xf32, #tpu.memory_space<vmem>>, vector<16xf32>,
      %slice3A_2268 = vector.extract_strided_slice %get3A_1805 {offsets = [6], sizes = [1], strides = [1]} : vector<16xi32> to vector<1xi32>
      %squeeze3A_2269 = vector.extract %slice3A_2268[0] : i32 from vector<1xi32>
      %and3A_2270 = arith.constant 127 : i32
      %and3A_2271 = arith.andi %squeeze3A_2269, %and3A_2270 : i32
      %broadcast_in_dim3A_2272 = vector.broadcast %and3A_2271 : i32 to vector<16xi32>
      %slice3A_2273 = vector.extract_strided_slice %get3A_1809 {offsets = [6], sizes = [1], strides = [1]} : vector<16xi32> to vector<1xi32>
      %squeeze3A_2274 = vector.extract %slice3A_2273[0] : i32 from vector<1xi32>
      %and3A_2275 = arith.constant 127 : i32
      %and3A_2276 = arith.andi %squeeze3A_2274, %and3A_2275 : i32
      %broadcast_in_dim3A_2277 = vector.broadcast %and3A_2276 : i32 to vector<16xi32>
      %gather3A_2278 = arith.constant 0 : i32
      %gather3A_2279 = arith.constant 6 : i32
      %gather3A_2280 = arith.constant 0 : i32
      %gather3A_2281 = arith.constant 0 : i32
      %gather3A_2282 = tpu.memref_slice %arg9[%gather3A_2278, %gather3A_2279, %gather3A_2280, %gather3A_2281] : memref<2x8x16x128xf32, #tpu.memory_space<vmem>> -> memref<1x1x16x128xf32, #tpu.memory_space<vmem>>
      %gather3A_2283 = tpu.memref_squeeze %gather3A_2282 : memref<1x1x16x128xf32, #tpu.memory_space<vmem>> -> memref<16x128xf32, #tpu.memory_space<vmem>>
      %gather3A_2284 = tpu.vector_load_idx %gather3A_2283[%iota3A, %broadcast_in_dim3A_2272] : memref<16x128xf32, #tpu.memory_space<vmem>>[vector<16xi32>, vector<16xi32>], vector<16xf32>,
      %swap3A_2285 = arith.constant 6 : i32
      %swap3A_2286 = arith.index_cast %swap3A_2285 : i32 to index
      %swap3A_2287 = arith.constant 0 : index
      %swap3A_2288 = tpu.vector_load %arg11[%swap3A_2286, %swap3A_2287] {strides = array<i32>} : memref<16x16xf32, #tpu.memory_space<vmem>>, vector<16xf32>,
      tpu.vector_store %arg11[%swap3A_2286, %swap3A_2287], %gather3A_2284 {strides = array<i32>} : memref<16x16xf32, #tpu.memory_space<vmem>>, vector<16xf32>,
      %gather3A_2289 = arith.constant 0 : i32
      %gather3A_2290 = arith.constant 6 : i32
      %gather3A_2291 = arith.constant 0 : i32
      %gather3A_2292 = arith.constant 0 : i32
      %gather3A_2293 = tpu.memref_slice %arg10[%gather3A_2289, %gather3A_2290, %gather3A_2291, %gather3A_2292] : memref<2x8x16x128xf32, #tpu.memory_space<vmem>> -> memref<1x1x16x128xf32, #tpu.memory_space<vmem>>
      %gather3A_2294 = tpu.memref_squeeze %gather3A_2293 : memref<1x1x16x128xf32, #tpu.memory_space<vmem>> -> memref<16x128xf32, #tpu.memory_space<vmem>>
      %gather3A_2295 = tpu.vector_load_idx %gather3A_2294[%iota3A, %broadcast_in_dim3A_2277] : memref<16x128xf32, #tpu.memory_space<vmem>>[vector<16xi32>, vector<16xi32>], vector<16xf32>,
      %swap3A_2296 = arith.constant 6 : i32
      %swap3A_2297 = arith.index_cast %swap3A_2296 : i32 to index
      %swap3A_2298 = arith.constant 0 : index
      %swap3A_2299 = tpu.vector_load %arg12[%swap3A_2297, %swap3A_2298] {strides = array<i32>} : memref<16x16xf32, #tpu.memory_space<vmem>>, vector<16xf32>,
      tpu.vector_store %arg12[%swap3A_2297, %swap3A_2298], %gather3A_2295 {strides = array<i32>} : memref<16x16xf32, #tpu.memory_space<vmem>>, vector<16xf32>,
      %slice3A_2300 = vector.extract_strided_slice %get3A_1805 {offsets = [7], sizes = [1], strides = [1]} : vector<16xi32> to vector<1xi32>
      %squeeze3A_2301 = vector.extract %slice3A_2300[0] : i32 from vector<1xi32>
      %and3A_2302 = arith.constant 127 : i32
      %and3A_2303 = arith.andi %squeeze3A_2301, %and3A_2302 : i32
      %broadcast_in_dim3A_2304 = vector.broadcast %and3A_2303 : i32 to vector<16xi32>
      %slice3A_2305 = vector.extract_strided_slice %get3A_1809 {offsets = [7], sizes = [1], strides = [1]} : vector<16xi32> to vector<1xi32>
      %squeeze3A_2306 = vector.extract %slice3A_2305[0] : i32 from vector<1xi32>
      %and3A_2307 = arith.constant 127 : i32
      %and3A_2308 = arith.andi %squeeze3A_2306, %and3A_2307 : i32
      %broadcast_in_dim3A_2309 = vector.broadcast %and3A_2308 : i32 to vector<16xi32>
      %gather3A_2310 = arith.constant 0 : i32
      %gather3A_2311 = arith.constant 7 : i32
      %gather3A_2312 = arith.constant 0 : i32
      %gather3A_2313 = arith.constant 0 : i32
      %gather3A_2314 = tpu.memref_slice %arg9[%gather3A_2310, %gather3A_2311, %gather3A_2312, %gather3A_2313] : memref<2x8x16x128xf32, #tpu.memory_space<vmem>> -> memref<1x1x16x128xf32, #tpu.memory_space<vmem>>
      %gather3A_2315 = tpu.memref_squeeze %gather3A_2314 : memref<1x1x16x128xf32, #tpu.memory_space<vmem>> -> memref<16x128xf32, #tpu.memory_space<vmem>>
      %gather3A_2316 = tpu.vector_load_idx %gather3A_2315[%iota3A, %broadcast_in_dim3A_2304] : memref<16x128xf32, #tpu.memory_space<vmem>>[vector<16xi32>, vector<16xi32>], vector<16xf32>,
      %swap3A_2317 = arith.constant 7 : i32
      %swap3A_2318 = arith.index_cast %swap3A_2317 : i32 to index
      %swap3A_2319 = arith.constant 0 : index
      %swap3A_2320 = tpu.vector_load %arg11[%swap3A_2318, %swap3A_2319] {strides = array<i32>} : memref<16x16xf32, #tpu.memory_space<vmem>>, vector<16xf32>,
      tpu.vector_store %arg11[%swap3A_2318, %swap3A_2319], %gather3A_2316 {strides = array<i32>} : memref<16x16xf32, #tpu.memory_space<vmem>>, vector<16xf32>,
      %gather3A_2321 = arith.constant 0 : i32
      %gather3A_2322 = arith.constant 7 : i32
      %gather3A_2323 = arith.constant 0 : i32
      %gather3A_2324 = arith.constant 0 : i32
      %gather3A_2325 = tpu.memref_slice %arg10[%gather3A_2321, %gather3A_2322, %gather3A_2323, %gather3A_2324] : memref<2x8x16x128xf32, #tpu.memory_space<vmem>> -> memref<1x1x16x128xf32, #tpu.memory_space<vmem>>
      %gather3A_2326 = tpu.memref_squeeze %gather3A_2325 : memref<1x1x16x128xf32, #tpu.memory_space<vmem>> -> memref<16x128xf32, #tpu.memory_space<vmem>>
      %gather3A_2327 = tpu.vector_load_idx %gather3A_2326[%iota3A, %broadcast_in_dim3A_2309] : memref<16x128xf32, #tpu.memory_space<vmem>>[vector<16xi32>, vector<16xi32>], vector<16xf32>,
      %swap3A_2328 = arith.constant 7 : i32
      %swap3A_2329 = arith.index_cast %swap3A_2328 : i32 to index
      %swap3A_2330 = arith.constant 0 : index
      %swap3A_2331 = tpu.vector_load %arg12[%swap3A_2329, %swap3A_2330] {strides = array<i32>} : memref<16x16xf32, #tpu.memory_space<vmem>>, vector<16xf32>,
      tpu.vector_store %arg12[%swap3A_2329, %swap3A_2330], %gather3A_2327 {strides = array<i32>} : memref<16x16xf32, #tpu.memory_space<vmem>>, vector<16xf32>,
      %slice3A_2332 = vector.extract_strided_slice %get3A_1815 {offsets = [0], sizes = [1], strides = [1]} : vector<16xi32> to vector<1xi32>
      %squeeze3A_2333 = vector.extract %slice3A_2332[0] : i32 from vector<1xi32>
      %shift_right_arithmetic3A_2334 = arith.constant 7 : i32
      %shift_right_arithmetic3A_2335 = arith.shrsi %squeeze3A_2333, %shift_right_arithmetic3A_2334 : i32
      %mul3A_2336 = arith.constant 128 : i32
      %mul3A_2337 = arith.muli %shift_right_arithmetic3A_2335, %mul3A_2336 : i32
      %multiple_of3A_2338 = tpu.assume_multiple %mul3A_2337, 128 : i32
      %slice3A_2339 = vector.extract_strided_slice %get3A_1819 {offsets = [0], sizes = [1], strides = [1]} : vector<16xi32> to vector<1xi32>
      %squeeze3A_2340 = vector.extract %slice3A_2339[0] : i32 from vector<1xi32>
      %shift_right_arithmetic3A_2341 = arith.constant 7 : i32
      %shift_right_arithmetic3A_2342 = arith.shrsi %squeeze3A_2340, %shift_right_arithmetic3A_2341 : i32
      %mul3A_2343 = arith.constant 128 : i32
      %mul3A_2344 = arith.muli %shift_right_arithmetic3A_2342, %mul3A_2343 : i32
      %multiple_of3A_2345 = tpu.assume_multiple %mul3A_2344, 128 : i32
      %dma_start3A_2346 = arith.constant 0 : i32
      %dma_start3A_2347 = arith.constant 0 : i32
      %dma_start3A_2348 = arith.constant 0 : i32
      %dma_start3A_2349 = arith.constant 0 : i32
      %dma_start3A_2350 = tpu.memref_slice %arg9[%dma_start3A_2346, %dma_start3A_2347, %dma_start3A_2348, %dma_start3A_2349] : memref<2x8x16x128xf32, #tpu.memory_space<vmem>> -> memref<1x1x16x128xf32, #tpu.memory_space<vmem>>
      %dma_start3A_2351 = tpu.memref_squeeze %dma_start3A_2350 : memref<1x1x16x128xf32, #tpu.memory_space<vmem>> -> memref<16x128xf32, #tpu.memory_space<vmem>>
      %dma_start3A_2352 = arith.constant 0 : i32
      %dma_start3A_2353 = tpu.memref_slice %arg4[%dma_start3A_2352, %multiple_of3A_2338] : memref<16x1000000xf32, #tpu.memory_space<hbm>> -> memref<16x128xf32, #tpu.memory_space<hbm>>
      %dma_start3A_2354 = arith.constant 0 : i32
      %dma_start3A_2355 = arith.constant 0 : i32
      %dma_start3A_2356 = tpu.memref_slice %arg9[%dma_start3A_2346, %dma_start3A_2347, %dma_start3A_2354, %dma_start3A_2355] : memref<2x8x16x128xf32, #tpu.memory_space<vmem>> -> memref<1x1x16x128xf32, #tpu.memory_space<vmem>>
      %dma_start3A_2357 = tpu.memref_squeeze %dma_start3A_2356 : memref<1x1x16x128xf32, #tpu.memory_space<vmem>> -> memref<16x128xf32, #tpu.memory_space<vmem>>
      %dma_start3A_2358 = arith.constant 0 : i32
      %dma_start3A_2359 = tpu.memref_slice %arg4[%dma_start3A_2358, %multiple_of3A_2338] : memref<16x1000000xf32, #tpu.memory_space<hbm>> -> memref<16x128xf32, #tpu.memory_space<hbm>>
      tpu.enqueue_dma source(%dma_start3A_2359 : memref<16x128xf32, #tpu.memory_space<hbm>>) target(%dma_start3A_2357 : memref<16x128xf32, #tpu.memory_space<vmem>>) target_semaphore(%arg14 : memref<!tpu.dma_semaphore, #tpu.memory_space<semaphore_mem>>)
      %dma_start3A_2360 = arith.constant 0 : i32
      %dma_start3A_2361 = arith.constant 0 : i32
      %dma_start3A_2362 = arith.constant 0 : i32
      %dma_start3A_2363 = arith.constant 0 : i32
      %dma_start3A_2364 = tpu.memref_slice %arg10[%dma_start3A_2360, %dma_start3A_2361, %dma_start3A_2362, %dma_start3A_2363] : memref<2x8x16x128xf32, #tpu.memory_space<vmem>> -> memref<1x1x16x128xf32, #tpu.memory_space<vmem>>
      %dma_start3A_2365 = tpu.memref_squeeze %dma_start3A_2364 : memref<1x1x16x128xf32, #tpu.memory_space<vmem>> -> memref<16x128xf32, #tpu.memory_space<vmem>>
      %dma_start3A_2366 = arith.constant 0 : i32
      %dma_start3A_2367 = tpu.memref_slice %arg5[%dma_start3A_2366, %multiple_of3A_2345] : memref<16x1000000xf32, #tpu.memory_space<hbm>> -> memref<16x128xf32, #tpu.memory_space<hbm>>
      %dma_start3A_2368 = arith.constant 0 : i32
      %dma_start3A_2369 = arith.constant 0 : i32
      %dma_start3A_2370 = tpu.memref_slice %arg10[%dma_start3A_2360, %dma_start3A_2361, %dma_start3A_2368, %dma_start3A_2369] : memref<2x8x16x128xf32, #tpu.memory_space<vmem>> -> memref<1x1x16x128xf32, #tpu.memory_space<vmem>>
      %dma_start3A_2371 = tpu.memref_squeeze %dma_start3A_2370 : memref<1x1x16x128xf32, #tpu.memory_space<vmem>> -> memref<16x128xf32, #tpu.memory_space<vmem>>
      %dma_start3A_2372 = arith.constant 0 : i32
      %dma_start3A_2373 = tpu.memref_slice %arg5[%dma_start3A_2372, %multiple_of3A_2345] : memref<16x1000000xf32, #tpu.memory_space<hbm>> -> memref<16x128xf32, #tpu.memory_space<hbm>>
      tpu.enqueue_dma source(%dma_start3A_2373 : memref<16x128xf32, #tpu.memory_space<hbm>>) target(%dma_start3A_2371 : memref<16x128xf32, #tpu.memory_space<vmem>>) target_semaphore(%arg14 : memref<!tpu.dma_semaphore, #tpu.memory_space<semaphore_mem>>)
      %slice3A_2374 = vector.extract_strided_slice %get3A_1815 {offsets = [1], sizes = [1], strides = [1]} : vector<16xi32> to vector<1xi32>
      %squeeze3A_2375 = vector.extract %slice3A_2374[0] : i32 from vector<1xi32>
      %shift_right_arithmetic3A_2376 = arith.constant 7 : i32
      %shift_right_arithmetic3A_2377 = arith.shrsi %squeeze3A_2375, %shift_right_arithmetic3A_2376 : i32
      %mul3A_2378 = arith.constant 128 : i32
      %mul3A_2379 = arith.muli %shift_right_arithmetic3A_2377, %mul3A_2378 : i32
      %multiple_of3A_2380 = tpu.assume_multiple %mul3A_2379, 128 : i32
      %slice3A_2381 = vector.extract_strided_slice %get3A_1819 {offsets = [1], sizes = [1], strides = [1]} : vector<16xi32> to vector<1xi32>
      %squeeze3A_2382 = vector.extract %slice3A_2381[0] : i32 from vector<1xi32>
      %shift_right_arithmetic3A_2383 = arith.constant 7 : i32
      %shift_right_arithmetic3A_2384 = arith.shrsi %squeeze3A_2382, %shift_right_arithmetic3A_2383 : i32
      %mul3A_2385 = arith.constant 128 : i32
      %mul3A_2386 = arith.muli %shift_right_arithmetic3A_2384, %mul3A_2385 : i32
      %multiple_of3A_2387 = tpu.assume_multiple %mul3A_2386, 128 : i32
      %dma_start3A_2388 = arith.constant 0 : i32
      %dma_start3A_2389 = arith.constant 1 : i32
      %dma_start3A_2390 = arith.constant 0 : i32
      %dma_start3A_2391 = arith.constant 0 : i32
      %dma_start3A_2392 = tpu.memref_slice %arg9[%dma_start3A_2388, %dma_start3A_2389, %dma_start3A_2390, %dma_start3A_2391] : memref<2x8x16x128xf32, #tpu.memory_space<vmem>> -> memref<1x1x16x128xf32, #tpu.memory_space<vmem>>
      %dma_start3A_2393 = tpu.memref_squeeze %dma_start3A_2392 : memref<1x1x16x128xf32, #tpu.memory_space<vmem>> -> memref<16x128xf32, #tpu.memory_space<vmem>>
      %dma_start3A_2394 = arith.constant 0 : i32
      %dma_start3A_2395 = tpu.memref_slice %arg4[%dma_start3A_2394, %multiple_of3A_2380] : memref<16x1000000xf32, #tpu.memory_space<hbm>> -> memref<16x128xf32, #tpu.memory_space<hbm>>
      %dma_start3A_2396 = arith.constant 0 : i32
      %dma_start3A_2397 = arith.constant 0 : i32
      %dma_start3A_2398 = tpu.memref_slice %arg9[%dma_start3A_2388, %dma_start3A_2389, %dma_start3A_2396, %dma_start3A_2397] : memref<2x8x16x128xf32, #tpu.memory_space<vmem>> -> memref<1x1x16x128xf32, #tpu.memory_space<vmem>>
      %dma_start3A_2399 = tpu.memref_squeeze %dma_start3A_2398 : memref<1x1x16x128xf32, #tpu.memory_space<vmem>> -> memref<16x128xf32, #tpu.memory_space<vmem>>
      %dma_start3A_2400 = arith.constant 0 : i32
      %dma_start3A_2401 = tpu.memref_slice %arg4[%dma_start3A_2400, %multiple_of3A_2380] : memref<16x1000000xf32, #tpu.memory_space<hbm>> -> memref<16x128xf32, #tpu.memory_space<hbm>>
      tpu.enqueue_dma source(%dma_start3A_2401 : memref<16x128xf32, #tpu.memory_space<hbm>>) target(%dma_start3A_2399 : memref<16x128xf32, #tpu.memory_space<vmem>>) target_semaphore(%arg14 : memref<!tpu.dma_semaphore, #tpu.memory_space<semaphore_mem>>)
      %dma_start3A_2402 = arith.constant 0 : i32
      %dma_start3A_2403 = arith.constant 1 : i32
      %dma_start3A_2404 = arith.constant 0 : i32
      %dma_start3A_2405 = arith.constant 0 : i32
      %dma_start3A_2406 = tpu.memref_slice %arg10[%dma_start3A_2402, %dma_start3A_2403, %dma_start3A_2404, %dma_start3A_2405] : memref<2x8x16x128xf32, #tpu.memory_space<vmem>> -> memref<1x1x16x128xf32, #tpu.memory_space<vmem>>
      %dma_start3A_2407 = tpu.memref_squeeze %dma_start3A_2406 : memref<1x1x16x128xf32, #tpu.memory_space<vmem>> -> memref<16x128xf32, #tpu.memory_space<vmem>>
      %dma_start3A_2408 = arith.constant 0 : i32
      %dma_start3A_2409 = tpu.memref_slice %arg5[%dma_start3A_2408, %multiple_of3A_2387] : memref<16x1000000xf32, #tpu.memory_space<hbm>> -> memref<16x128xf32, #tpu.memory_space<hbm>>
      %dma_start3A_2410 = arith.constant 0 : i32
      %dma_start3A_2411 = arith.constant 0 : i32
      %dma_start3A_2412 = tpu.memref_slice %arg10[%dma_start3A_2402, %dma_start3A_2403, %dma_start3A_2410, %dma_start3A_2411] : memref<2x8x16x128xf32, #tpu.memory_space<vmem>> -> memref<1x1x16x128xf32, #tpu.memory_space<vmem>>
      %dma_start3A_2413 = tpu.memref_squeeze %dma_start3A_2412 : memref<1x1x16x128xf32, #tpu.memory_space<vmem>> -> memref<16x128xf32, #tpu.memory_space<vmem>>
      %dma_start3A_2414 = arith.constant 0 : i32
      %dma_start3A_2415 = tpu.memref_slice %arg5[%dma_start3A_2414, %multiple_of3A_2387] : memref<16x1000000xf32, #tpu.memory_space<hbm>> -> memref<16x128xf32, #tpu.memory_space<hbm>>
      tpu.enqueue_dma source(%dma_start3A_2415 : memref<16x128xf32, #tpu.memory_space<hbm>>) target(%dma_start3A_2413 : memref<16x128xf32, #tpu.memory_space<vmem>>) target_semaphore(%arg14 : memref<!tpu.dma_semaphore, #tpu.memory_space<semaphore_mem>>)
      %slice3A_2416 = vector.extract_strided_slice %get3A_1815 {offsets = [2], sizes = [1], strides = [1]} : vector<16xi32> to vector<1xi32>
      %squeeze3A_2417 = vector.extract %slice3A_2416[0] : i32 from vector<1xi32>
      %shift_right_arithmetic3A_2418 = arith.constant 7 : i32
      %shift_right_arithmetic3A_2419 = arith.shrsi %squeeze3A_2417, %shift_right_arithmetic3A_2418 : i32
      %mul3A_2420 = arith.constant 128 : i32
      %mul3A_2421 = arith.muli %shift_right_arithmetic3A_2419, %mul3A_2420 : i32
      %multiple_of3A_2422 = tpu.assume_multiple %mul3A_2421, 128 : i32
      %slice3A_2423 = vector.extract_strided_slice %get3A_1819 {offsets = [2], sizes = [1], strides = [1]} : vector<16xi32> to vector<1xi32>
      %squeeze3A_2424 = vector.extract %slice3A_2423[0] : i32 from vector<1xi32>
      %shift_right_arithmetic3A_2425 = arith.constant 7 : i32
      %shift_right_arithmetic3A_2426 = arith.shrsi %squeeze3A_2424, %shift_right_arithmetic3A_2425 : i32
      %mul3A_2427 = arith.constant 128 : i32
      %mul3A_2428 = arith.muli %shift_right_arithmetic3A_2426, %mul3A_2427 : i32
      %multiple_of3A_2429 = tpu.assume_multiple %mul3A_2428, 128 : i32
      %dma_start3A_2430 = arith.constant 0 : i32
      %dma_start3A_2431 = arith.constant 2 : i32
      %dma_start3A_2432 = arith.constant 0 : i32
      %dma_start3A_2433 = arith.constant 0 : i32
      %dma_start3A_2434 = tpu.memref_slice %arg9[%dma_start3A_2430, %dma_start3A_2431, %dma_start3A_2432, %dma_start3A_2433] : memref<2x8x16x128xf32, #tpu.memory_space<vmem>> -> memref<1x1x16x128xf32, #tpu.memory_space<vmem>>
      %dma_start3A_2435 = tpu.memref_squeeze %dma_start3A_2434 : memref<1x1x16x128xf32, #tpu.memory_space<vmem>> -> memref<16x128xf32, #tpu.memory_space<vmem>>
      %dma_start3A_2436 = arith.constant 0 : i32
      %dma_start3A_2437 = tpu.memref_slice %arg4[%dma_start3A_2436, %multiple_of3A_2422] : memref<16x1000000xf32, #tpu.memory_space<hbm>> -> memref<16x128xf32, #tpu.memory_space<hbm>>
      %dma_start3A_2438 = arith.constant 0 : i32
      %dma_start3A_2439 = arith.constant 0 : i32
      %dma_start3A_2440 = tpu.memref_slice %arg9[%dma_start3A_2430, %dma_start3A_2431, %dma_start3A_2438, %dma_start3A_2439] : memref<2x8x16x128xf32, #tpu.memory_space<vmem>> -> memref<1x1x16x128xf32, #tpu.memory_space<vmem>>
      %dma_start3A_2441 = tpu.memref_squeeze %dma_start3A_2440 : memref<1x1x16x128xf32, #tpu.memory_space<vmem>> -> memref<16x128xf32, #tpu.memory_space<vmem>>
      %dma_start3A_2442 = arith.constant 0 : i32
      %dma_start3A_2443 = tpu.memref_slice %arg4[%dma_start3A_2442, %multiple_of3A_2422] : memref<16x1000000xf32, #tpu.memory_space<hbm>> -> memref<16x128xf32, #tpu.memory_space<hbm>>
      tpu.enqueue_dma source(%dma_start3A_2443 : memref<16x128xf32, #tpu.memory_space<hbm>>) target(%dma_start3A_2441 : memref<16x128xf32, #tpu.memory_space<vmem>>) target_semaphore(%arg14 : memref<!tpu.dma_semaphore, #tpu.memory_space<semaphore_mem>>)
      %dma_start3A_2444 = arith.constant 0 : i32
      %dma_start3A_2445 = arith.constant 2 : i32
      %dma_start3A_2446 = arith.constant 0 : i32
      %dma_start3A_2447 = arith.constant 0 : i32
      %dma_start3A_2448 = tpu.memref_slice %arg10[%dma_start3A_2444, %dma_start3A_2445, %dma_start3A_2446, %dma_start3A_2447] : memref<2x8x16x128xf32, #tpu.memory_space<vmem>> -> memref<1x1x16x128xf32, #tpu.memory_space<vmem>>
      %dma_start3A_2449 = tpu.memref_squeeze %dma_start3A_2448 : memref<1x1x16x128xf32, #tpu.memory_space<vmem>> -> memref<16x128xf32, #tpu.memory_space<vmem>>
      %dma_start3A_2450 = arith.constant 0 : i32
      %dma_start3A_2451 = tpu.memref_slice %arg5[%dma_start3A_2450, %multiple_of3A_2429] : memref<16x1000000xf32, #tpu.memory_space<hbm>> -> memref<16x128xf32, #tpu.memory_space<hbm>>
      %dma_start3A_2452 = arith.constant 0 : i32
      %dma_start3A_2453 = arith.constant 0 : i32
      %dma_start3A_2454 = tpu.memref_slice %arg10[%dma_start3A_2444, %dma_start3A_2445, %dma_start3A_2452, %dma_start3A_2453] : memref<2x8x16x128xf32, #tpu.memory_space<vmem>> -> memref<1x1x16x128xf32, #tpu.memory_space<vmem>>
      %dma_start3A_2455 = tpu.memref_squeeze %dma_start3A_2454 : memref<1x1x16x128xf32, #tpu.memory_space<vmem>> -> memref<16x128xf32, #tpu.memory_space<vmem>>
      %dma_start3A_2456 = arith.constant 0 : i32
      %dma_start3A_2457 = tpu.memref_slice %arg5[%dma_start3A_2456, %multiple_of3A_2429] : memref<16x1000000xf32, #tpu.memory_space<hbm>> -> memref<16x128xf32, #tpu.memory_space<hbm>>
      tpu.enqueue_dma source(%dma_start3A_2457 : memref<16x128xf32, #tpu.memory_space<hbm>>) target(%dma_start3A_2455 : memref<16x128xf32, #tpu.memory_space<vmem>>) target_semaphore(%arg14 : memref<!tpu.dma_semaphore, #tpu.memory_space<semaphore_mem>>)
      %slice3A_2458 = vector.extract_strided_slice %get3A_1815 {offsets = [3], sizes = [1], strides = [1]} : vector<16xi32> to vector<1xi32>
      %squeeze3A_2459 = vector.extract %slice3A_2458[0] : i32 from vector<1xi32>
      %shift_right_arithmetic3A_2460 = arith.constant 7 : i32
      %shift_right_arithmetic3A_2461 = arith.shrsi %squeeze3A_2459, %shift_right_arithmetic3A_2460 : i32
      %mul3A_2462 = arith.constant 128 : i32
      %mul3A_2463 = arith.muli %shift_right_arithmetic3A_2461, %mul3A_2462 : i32
      %multiple_of3A_2464 = tpu.assume_multiple %mul3A_2463, 128 : i32
      %slice3A_2465 = vector.extract_strided_slice %get3A_1819 {offsets = [3], sizes = [1], strides = [1]} : vector<16xi32> to vector<1xi32>
      %squeeze3A_2466 = vector.extract %slice3A_2465[0] : i32 from vector<1xi32>
      %shift_right_arithmetic3A_2467 = arith.constant 7 : i32
      %shift_right_arithmetic3A_2468 = arith.shrsi %squeeze3A_2466, %shift_right_arithmetic3A_2467 : i32
      %mul3A_2469 = arith.constant 128 : i32
      %mul3A_2470 = arith.muli %shift_right_arithmetic3A_2468, %mul3A_2469 : i32
      %multiple_of3A_2471 = tpu.assume_multiple %mul3A_2470, 128 : i32
      %dma_start3A_2472 = arith.constant 0 : i32
      %dma_start3A_2473 = arith.constant 3 : i32
      %dma_start3A_2474 = arith.constant 0 : i32
      %dma_start3A_2475 = arith.constant 0 : i32
      %dma_start3A_2476 = tpu.memref_slice %arg9[%dma_start3A_2472, %dma_start3A_2473, %dma_start3A_2474, %dma_start3A_2475] : memref<2x8x16x128xf32, #tpu.memory_space<vmem>> -> memref<1x1x16x128xf32, #tpu.memory_space<vmem>>
      %dma_start3A_2477 = tpu.memref_squeeze %dma_start3A_2476 : memref<1x1x16x128xf32, #tpu.memory_space<vmem>> -> memref<16x128xf32, #tpu.memory_space<vmem>>
      %dma_start3A_2478 = arith.constant 0 : i32
      %dma_start3A_2479 = tpu.memref_slice %arg4[%dma_start3A_2478, %multiple_of3A_2464] : memref<16x1000000xf32, #tpu.memory_space<hbm>> -> memref<16x128xf32, #tpu.memory_space<hbm>>
      %dma_start3A_2480 = arith.constant 0 : i32
      %dma_start3A_2481 = arith.constant 0 : i32
      %dma_start3A_2482 = tpu.memref_slice %arg9[%dma_start3A_2472, %dma_start3A_2473, %dma_start3A_2480, %dma_start3A_2481] : memref<2x8x16x128xf32, #tpu.memory_space<vmem>> -> memref<1x1x16x128xf32, #tpu.memory_space<vmem>>
      %dma_start3A_2483 = tpu.memref_squeeze %dma_start3A_2482 : memref<1x1x16x128xf32, #tpu.memory_space<vmem>> -> memref<16x128xf32, #tpu.memory_space<vmem>>
      %dma_start3A_2484 = arith.constant 0 : i32
      %dma_start3A_2485 = tpu.memref_slice %arg4[%dma_start3A_2484, %multiple_of3A_2464] : memref<16x1000000xf32, #tpu.memory_space<hbm>> -> memref<16x128xf32, #tpu.memory_space<hbm>>
      tpu.enqueue_dma source(%dma_start3A_2485 : memref<16x128xf32, #tpu.memory_space<hbm>>) target(%dma_start3A_2483 : memref<16x128xf32, #tpu.memory_space<vmem>>) target_semaphore(%arg14 : memref<!tpu.dma_semaphore, #tpu.memory_space<semaphore_mem>>)
      %dma_start3A_2486 = arith.constant 0 : i32
      %dma_start3A_2487 = arith.constant 3 : i32
      %dma_start3A_2488 = arith.constant 0 : i32
      %dma_start3A_2489 = arith.constant 0 : i32
      %dma_start3A_2490 = tpu.memref_slice %arg10[%dma_start3A_2486, %dma_start3A_2487, %dma_start3A_2488, %dma_start3A_2489] : memref<2x8x16x128xf32, #tpu.memory_space<vmem>> -> memref<1x1x16x128xf32, #tpu.memory_space<vmem>>
      %dma_start3A_2491 = tpu.memref_squeeze %dma_start3A_2490 : memref<1x1x16x128xf32, #tpu.memory_space<vmem>> -> memref<16x128xf32, #tpu.memory_space<vmem>>
      %dma_start3A_2492 = arith.constant 0 : i32
      %dma_start3A_2493 = tpu.memref_slice %arg5[%dma_start3A_2492, %multiple_of3A_2471] : memref<16x1000000xf32, #tpu.memory_space<hbm>> -> memref<16x128xf32, #tpu.memory_space<hbm>>
      %dma_start3A_2494 = arith.constant 0 : i32
      %dma_start3A_2495 = arith.constant 0 : i32
      %dma_start3A_2496 = tpu.memref_slice %arg10[%dma_start3A_2486, %dma_start3A_2487, %dma_start3A_2494, %dma_start3A_2495] : memref<2x8x16x128xf32, #tpu.memory_space<vmem>> -> memref<1x1x16x128xf32, #tpu.memory_space<vmem>>
      %dma_start3A_2497 = tpu.memref_squeeze %dma_start3A_2496 : memref<1x1x16x128xf32, #tpu.memory_space<vmem>> -> memref<16x128xf32, #tpu.memory_space<vmem>>
      %dma_start3A_2498 = arith.constant 0 : i32
      %dma_start3A_2499 = tpu.memref_slice %arg5[%dma_start3A_2498, %multiple_of3A_2471] : memref<16x1000000xf32, #tpu.memory_space<hbm>> -> memref<16x128xf32, #tpu.memory_space<hbm>>
      tpu.enqueue_dma source(%dma_start3A_2499 : memref<16x128xf32, #tpu.memory_space<hbm>>) target(%dma_start3A_2497 : memref<16x128xf32, #tpu.memory_space<vmem>>) target_semaphore(%arg14 : memref<!tpu.dma_semaphore, #tpu.memory_space<semaphore_mem>>)
      %slice3A_2500 = vector.extract_strided_slice %get3A_1815 {offsets = [4], sizes = [1], strides = [1]} : vector<16xi32> to vector<1xi32>
      %squeeze3A_2501 = vector.extract %slice3A_2500[0] : i32 from vector<1xi32>
      %shift_right_arithmetic3A_2502 = arith.constant 7 : i32
      %shift_right_arithmetic3A_2503 = arith.shrsi %squeeze3A_2501, %shift_right_arithmetic3A_2502 : i32
      %mul3A_2504 = arith.constant 128 : i32
      %mul3A_2505 = arith.muli %shift_right_arithmetic3A_2503, %mul3A_2504 : i32
      %multiple_of3A_2506 = tpu.assume_multiple %mul3A_2505, 128 : i32
      %slice3A_2507 = vector.extract_strided_slice %get3A_1819 {offsets = [4], sizes = [1], strides = [1]} : vector<16xi32> to vector<1xi32>
      %squeeze3A_2508 = vector.extract %slice3A_2507[0] : i32 from vector<1xi32>
      %shift_right_arithmetic3A_2509 = arith.constant 7 : i32
      %shift_right_arithmetic3A_2510 = arith.shrsi %squeeze3A_2508, %shift_right_arithmetic3A_2509 : i32
      %mul3A_2511 = arith.constant 128 : i32
      %mul3A_2512 = arith.muli %shift_right_arithmetic3A_2510, %mul3A_2511 : i32
      %multiple_of3A_2513 = tpu.assume_multiple %mul3A_2512, 128 : i32
      %dma_start3A_2514 = arith.constant 0 : i32
      %dma_start3A_2515 = arith.constant 4 : i32
      %dma_start3A_2516 = arith.constant 0 : i32
      %dma_start3A_2517 = arith.constant 0 : i32
      %dma_start3A_2518 = tpu.memref_slice %arg9[%dma_start3A_2514, %dma_start3A_2515, %dma_start3A_2516, %dma_start3A_2517] : memref<2x8x16x128xf32, #tpu.memory_space<vmem>> -> memref<1x1x16x128xf32, #tpu.memory_space<vmem>>
      %dma_start3A_2519 = tpu.memref_squeeze %dma_start3A_2518 : memref<1x1x16x128xf32, #tpu.memory_space<vmem>> -> memref<16x128xf32, #tpu.memory_space<vmem>>
      %dma_start3A_2520 = arith.constant 0 : i32
      %dma_start3A_2521 = tpu.memref_slice %arg4[%dma_start3A_2520, %multiple_of3A_2506] : memref<16x1000000xf32, #tpu.memory_space<hbm>> -> memref<16x128xf32, #tpu.memory_space<hbm>>
      %dma_start3A_2522 = arith.constant 0 : i32
      %dma_start3A_2523 = arith.constant 0 : i32
      %dma_start3A_2524 = tpu.memref_slice %arg9[%dma_start3A_2514, %dma_start3A_2515, %dma_start3A_2522, %dma_start3A_2523] : memref<2x8x16x128xf32, #tpu.memory_space<vmem>> -> memref<1x1x16x128xf32, #tpu.memory_space<vmem>>
      %dma_start3A_2525 = tpu.memref_squeeze %dma_start3A_2524 : memref<1x1x16x128xf32, #tpu.memory_space<vmem>> -> memref<16x128xf32, #tpu.memory_space<vmem>>
      %dma_start3A_2526 = arith.constant 0 : i32
      %dma_start3A_2527 = tpu.memref_slice %arg4[%dma_start3A_2526, %multiple_of3A_2506] : memref<16x1000000xf32, #tpu.memory_space<hbm>> -> memref<16x128xf32, #tpu.memory_space<hbm>>
      tpu.enqueue_dma source(%dma_start3A_2527 : memref<16x128xf32, #tpu.memory_space<hbm>>) target(%dma_start3A_2525 : memref<16x128xf32, #tpu.memory_space<vmem>>) target_semaphore(%arg14 : memref<!tpu.dma_semaphore, #tpu.memory_space<semaphore_mem>>)
      %dma_start3A_2528 = arith.constant 0 : i32
      %dma_start3A_2529 = arith.constant 4 : i32
      %dma_start3A_2530 = arith.constant 0 : i32
      %dma_start3A_2531 = arith.constant 0 : i32
      %dma_start3A_2532 = tpu.memref_slice %arg10[%dma_start3A_2528, %dma_start3A_2529, %dma_start3A_2530, %dma_start3A_2531] : memref<2x8x16x128xf32, #tpu.memory_space<vmem>> -> memref<1x1x16x128xf32, #tpu.memory_space<vmem>>
      %dma_start3A_2533 = tpu.memref_squeeze %dma_start3A_2532 : memref<1x1x16x128xf32, #tpu.memory_space<vmem>> -> memref<16x128xf32, #tpu.memory_space<vmem>>
      %dma_start3A_2534 = arith.constant 0 : i32
      %dma_start3A_2535 = tpu.memref_slice %arg5[%dma_start3A_2534, %multiple_of3A_2513] : memref<16x1000000xf32, #tpu.memory_space<hbm>> -> memref<16x128xf32, #tpu.memory_space<hbm>>
      %dma_start3A_2536 = arith.constant 0 : i32
      %dma_start3A_2537 = arith.constant 0 : i32
      %dma_start3A_2538 = tpu.memref_slice %arg10[%dma_start3A_2528, %dma_start3A_2529, %dma_start3A_2536, %dma_start3A_2537] : memref<2x8x16x128xf32, #tpu.memory_space<vmem>> -> memref<1x1x16x128xf32, #tpu.memory_space<vmem>>
      %dma_start3A_2539 = tpu.memref_squeeze %dma_start3A_2538 : memref<1x1x16x128xf32, #tpu.memory_space<vmem>> -> memref<16x128xf32, #tpu.memory_space<vmem>>
      %dma_start3A_2540 = arith.constant 0 : i32
      %dma_start3A_2541 = tpu.memref_slice %arg5[%dma_start3A_2540, %multiple_of3A_2513] : memref<16x1000000xf32, #tpu.memory_space<hbm>> -> memref<16x128xf32, #tpu.memory_space<hbm>>
      tpu.enqueue_dma source(%dma_start3A_2541 : memref<16x128xf32, #tpu.memory_space<hbm>>) target(%dma_start3A_2539 : memref<16x128xf32, #tpu.memory_space<vmem>>) target_semaphore(%arg14 : memref<!tpu.dma_semaphore, #tpu.memory_space<semaphore_mem>>)
      %slice3A_2542 = vector.extract_strided_slice %get3A_1815 {offsets = [5], sizes = [1], strides = [1]} : vector<16xi32> to vector<1xi32>
      %squeeze3A_2543 = vector.extract %slice3A_2542[0] : i32 from vector<1xi32>
      %shift_right_arithmetic3A_2544 = arith.constant 7 : i32
      %shift_right_arithmetic3A_2545 = arith.shrsi %squeeze3A_2543, %shift_right_arithmetic3A_2544 : i32
      %mul3A_2546 = arith.constant 128 : i32
      %mul3A_2547 = arith.muli %shift_right_arithmetic3A_2545, %mul3A_2546 : i32
      %multiple_of3A_2548 = tpu.assume_multiple %mul3A_2547, 128 : i32
      %slice3A_2549 = vector.extract_strided_slice %get3A_1819 {offsets = [5], sizes = [1], strides = [1]} : vector<16xi32> to vector<1xi32>
      %squeeze3A_2550 = vector.extract %slice3A_2549[0] : i32 from vector<1xi32>
      %shift_right_arithmetic3A_2551 = arith.constant 7 : i32
      %shift_right_arithmetic3A_2552 = arith.shrsi %squeeze3A_2550, %shift_right_arithmetic3A_2551 : i32
      %mul3A_2553 = arith.constant 128 : i32
      %mul3A_2554 = arith.muli %shift_right_arithmetic3A_2552, %mul3A_2553 : i32
      %multiple_of3A_2555 = tpu.assume_multiple %mul3A_2554, 128 : i32
      %dma_start3A_2556 = arith.constant 0 : i32
      %dma_start3A_2557 = arith.constant 5 : i32
      %dma_start3A_2558 = arith.constant 0 : i32
      %dma_start3A_2559 = arith.constant 0 : i32
      %dma_start3A_2560 = tpu.memref_slice %arg9[%dma_start3A_2556, %dma_start3A_2557, %dma_start3A_2558, %dma_start3A_2559] : memref<2x8x16x128xf32, #tpu.memory_space<vmem>> -> memref<1x1x16x128xf32, #tpu.memory_space<vmem>>
      %dma_start3A_2561 = tpu.memref_squeeze %dma_start3A_2560 : memref<1x1x16x128xf32, #tpu.memory_space<vmem>> -> memref<16x128xf32, #tpu.memory_space<vmem>>
      %dma_start3A_2562 = arith.constant 0 : i32
      %dma_start3A_2563 = tpu.memref_slice %arg4[%dma_start3A_2562, %multiple_of3A_2548] : memref<16x1000000xf32, #tpu.memory_space<hbm>> -> memref<16x128xf32, #tpu.memory_space<hbm>>
      %dma_start3A_2564 = arith.constant 0 : i32
      %dma_start3A_2565 = arith.constant 0 : i32
      %dma_start3A_2566 = tpu.memref_slice %arg9[%dma_start3A_2556, %dma_start3A_2557, %dma_start3A_2564, %dma_start3A_2565] : memref<2x8x16x128xf32, #tpu.memory_space<vmem>> -> memref<1x1x16x128xf32, #tpu.memory_space<vmem>>
      %dma_start3A_2567 = tpu.memref_squeeze %dma_start3A_2566 : memref<1x1x16x128xf32, #tpu.memory_space<vmem>> -> memref<16x128xf32, #tpu.memory_space<vmem>>
      %dma_start3A_2568 = arith.constant 0 : i32
      %dma_start3A_2569 = tpu.memref_slice %arg4[%dma_start3A_2568, %multiple_of3A_2548] : memref<16x1000000xf32, #tpu.memory_space<hbm>> -> memref<16x128xf32, #tpu.memory_space<hbm>>
      tpu.enqueue_dma source(%dma_start3A_2569 : memref<16x128xf32, #tpu.memory_space<hbm>>) target(%dma_start3A_2567 : memref<16x128xf32, #tpu.memory_space<vmem>>) target_semaphore(%arg14 : memref<!tpu.dma_semaphore, #tpu.memory_space<semaphore_mem>>)
      %dma_start3A_2570 = arith.constant 0 : i32
      %dma_start3A_2571 = arith.constant 5 : i32
      %dma_start3A_2572 = arith.constant 0 : i32
      %dma_start3A_2573 = arith.constant 0 : i32
      %dma_start3A_2574 = tpu.memref_slice %arg10[%dma_start3A_2570, %dma_start3A_2571, %dma_start3A_2572, %dma_start3A_2573] : memref<2x8x16x128xf32, #tpu.memory_space<vmem>> -> memref<1x1x16x128xf32, #tpu.memory_space<vmem>>
      %dma_start3A_2575 = tpu.memref_squeeze %dma_start3A_2574 : memref<1x1x16x128xf32, #tpu.memory_space<vmem>> -> memref<16x128xf32, #tpu.memory_space<vmem>>
      %dma_start3A_2576 = arith.constant 0 : i32
      %dma_start3A_2577 = tpu.memref_slice %arg5[%dma_start3A_2576, %multiple_of3A_2555] : memref<16x1000000xf32, #tpu.memory_space<hbm>> -> memref<16x128xf32, #tpu.memory_space<hbm>>
      %dma_start3A_2578 = arith.constant 0 : i32
      %dma_start3A_2579 = arith.constant 0 : i32
      %dma_start3A_2580 = tpu.memref_slice %arg10[%dma_start3A_2570, %dma_start3A_2571, %dma_start3A_2578, %dma_start3A_2579] : memref<2x8x16x128xf32, #tpu.memory_space<vmem>> -> memref<1x1x16x128xf32, #tpu.memory_space<vmem>>
      %dma_start3A_2581 = tpu.memref_squeeze %dma_start3A_2580 : memref<1x1x16x128xf32, #tpu.memory_space<vmem>> -> memref<16x128xf32, #tpu.memory_space<vmem>>
      %dma_start3A_2582 = arith.constant 0 : i32
      %dma_start3A_2583 = tpu.memref_slice %arg5[%dma_start3A_2582, %multiple_of3A_2555] : memref<16x1000000xf32, #tpu.memory_space<hbm>> -> memref<16x128xf32, #tpu.memory_space<hbm>>
      tpu.enqueue_dma source(%dma_start3A_2583 : memref<16x128xf32, #tpu.memory_space<hbm>>) target(%dma_start3A_2581 : memref<16x128xf32, #tpu.memory_space<vmem>>) target_semaphore(%arg14 : memref<!tpu.dma_semaphore, #tpu.memory_space<semaphore_mem>>)
      %slice3A_2584 = vector.extract_strided_slice %get3A_1815 {offsets = [6], sizes = [1], strides = [1]} : vector<16xi32> to vector<1xi32>
      %squeeze3A_2585 = vector.extract %slice3A_2584[0] : i32 from vector<1xi32>
      %shift_right_arithmetic3A_2586 = arith.constant 7 : i32
      %shift_right_arithmetic3A_2587 = arith.shrsi %squeeze3A_2585, %shift_right_arithmetic3A_2586 : i32
      %mul3A_2588 = arith.constant 128 : i32
      %mul3A_2589 = arith.muli %shift_right_arithmetic3A_2587, %mul3A_2588 : i32
      %multiple_of3A_2590 = tpu.assume_multiple %mul3A_2589, 128 : i32
      %slice3A_2591 = vector.extract_strided_slice %get3A_1819 {offsets = [6], sizes = [1], strides = [1]} : vector<16xi32> to vector<1xi32>
      %squeeze3A_2592 = vector.extract %slice3A_2591[0] : i32 from vector<1xi32>
      %shift_right_arithmetic3A_2593 = arith.constant 7 : i32
      %shift_right_arithmetic3A_2594 = arith.shrsi %squeeze3A_2592, %shift_right_arithmetic3A_2593 : i32
      %mul3A_2595 = arith.constant 128 : i32
      %mul3A_2596 = arith.muli %shift_right_arithmetic3A_2594, %mul3A_2595 : i32
      %multiple_of3A_2597 = tpu.assume_multiple %mul3A_2596, 128 : i32
      %dma_start3A_2598 = arith.constant 0 : i32
      %dma_start3A_2599 = arith.constant 6 : i32
      %dma_start3A_2600 = arith.constant 0 : i32
      %dma_start3A_2601 = arith.constant 0 : i32
      %dma_start3A_2602 = tpu.memref_slice %arg9[%dma_start3A_2598, %dma_start3A_2599, %dma_start3A_2600, %dma_start3A_2601] : memref<2x8x16x128xf32, #tpu.memory_space<vmem>> -> memref<1x1x16x128xf32, #tpu.memory_space<vmem>>
      %dma_start3A_2603 = tpu.memref_squeeze %dma_start3A_2602 : memref<1x1x16x128xf32, #tpu.memory_space<vmem>> -> memref<16x128xf32, #tpu.memory_space<vmem>>
      %dma_start3A_2604 = arith.constant 0 : i32
      %dma_start3A_2605 = tpu.memref_slice %arg4[%dma_start3A_2604, %multiple_of3A_2590] : memref<16x1000000xf32, #tpu.memory_space<hbm>> -> memref<16x128xf32, #tpu.memory_space<hbm>>
      %dma_start3A_2606 = arith.constant 0 : i32
      %dma_start3A_2607 = arith.constant 0 : i32
      %dma_start3A_2608 = tpu.memref_slice %arg9[%dma_start3A_2598, %dma_start3A_2599, %dma_start3A_2606, %dma_start3A_2607] : memref<2x8x16x128xf32, #tpu.memory_space<vmem>> -> memref<1x1x16x128xf32, #tpu.memory_space<vmem>>
      %dma_start3A_2609 = tpu.memref_squeeze %dma_start3A_2608 : memref<1x1x16x128xf32, #tpu.memory_space<vmem>> -> memref<16x128xf32, #tpu.memory_space<vmem>>
      %dma_start3A_2610 = arith.constant 0 : i32
      %dma_start3A_2611 = tpu.memref_slice %arg4[%dma_start3A_2610, %multiple_of3A_2590] : memref<16x1000000xf32, #tpu.memory_space<hbm>> -> memref<16x128xf32, #tpu.memory_space<hbm>>
      tpu.enqueue_dma source(%dma_start3A_2611 : memref<16x128xf32, #tpu.memory_space<hbm>>) target(%dma_start3A_2609 : memref<16x128xf32, #tpu.memory_space<vmem>>) target_semaphore(%arg14 : memref<!tpu.dma_semaphore, #tpu.memory_space<semaphore_mem>>)
      %dma_start3A_2612 = arith.constant 0 : i32
      %dma_start3A_2613 = arith.constant 6 : i32
      %dma_start3A_2614 = arith.constant 0 : i32
      %dma_start3A_2615 = arith.constant 0 : i32
      %dma_start3A_2616 = tpu.memref_slice %arg10[%dma_start3A_2612, %dma_start3A_2613, %dma_start3A_2614, %dma_start3A_2615] : memref<2x8x16x128xf32, #tpu.memory_space<vmem>> -> memref<1x1x16x128xf32, #tpu.memory_space<vmem>>
      %dma_start3A_2617 = tpu.memref_squeeze %dma_start3A_2616 : memref<1x1x16x128xf32, #tpu.memory_space<vmem>> -> memref<16x128xf32, #tpu.memory_space<vmem>>
      %dma_start3A_2618 = arith.constant 0 : i32
      %dma_start3A_2619 = tpu.memref_slice %arg5[%dma_start3A_2618, %multiple_of3A_2597] : memref<16x1000000xf32, #tpu.memory_space<hbm>> -> memref<16x128xf32, #tpu.memory_space<hbm>>
      %dma_start3A_2620 = arith.constant 0 : i32
      %dma_start3A_2621 = arith.constant 0 : i32
      %dma_start3A_2622 = tpu.memref_slice %arg10[%dma_start3A_2612, %dma_start3A_2613, %dma_start3A_2620, %dma_start3A_2621] : memref<2x8x16x128xf32, #tpu.memory_space<vmem>> -> memref<1x1x16x128xf32, #tpu.memory_space<vmem>>
      %dma_start3A_2623 = tpu.memref_squeeze %dma_start3A_2622 : memref<1x1x16x128xf32, #tpu.memory_space<vmem>> -> memref<16x128xf32, #tpu.memory_space<vmem>>
      %dma_start3A_2624 = arith.constant 0 : i32
      %dma_start3A_2625 = tpu.memref_slice %arg5[%dma_start3A_2624, %multiple_of3A_2597] : memref<16x1000000xf32, #tpu.memory_space<hbm>> -> memref<16x128xf32, #tpu.memory_space<hbm>>
      tpu.enqueue_dma source(%dma_start3A_2625 : memref<16x128xf32, #tpu.memory_space<hbm>>) target(%dma_start3A_2623 : memref<16x128xf32, #tpu.memory_space<vmem>>) target_semaphore(%arg14 : memref<!tpu.dma_semaphore, #tpu.memory_space<semaphore_mem>>)
      %slice3A_2626 = vector.extract_strided_slice %get3A_1815 {offsets = [7], sizes = [1], strides = [1]} : vector<16xi32> to vector<1xi32>
      %squeeze3A_2627 = vector.extract %slice3A_2626[0] : i32 from vector<1xi32>
      %shift_right_arithmetic3A_2628 = arith.constant 7 : i32
      %shift_right_arithmetic3A_2629 = arith.shrsi %squeeze3A_2627, %shift_right_arithmetic3A_2628 : i32
      %mul3A_2630 = arith.constant 128 : i32
      %mul3A_2631 = arith.muli %shift_right_arithmetic3A_2629, %mul3A_2630 : i32
      %multiple_of3A_2632 = tpu.assume_multiple %mul3A_2631, 128 : i32
      %slice3A_2633 = vector.extract_strided_slice %get3A_1819 {offsets = [7], sizes = [1], strides = [1]} : vector<16xi32> to vector<1xi32>
      %squeeze3A_2634 = vector.extract %slice3A_2633[0] : i32 from vector<1xi32>
      %shift_right_arithmetic3A_2635 = arith.constant 7 : i32
      %shift_right_arithmetic3A_2636 = arith.shrsi %squeeze3A_2634, %shift_right_arithmetic3A_2635 : i32
      %mul3A_2637 = arith.constant 128 : i32
      %mul3A_2638 = arith.muli %shift_right_arithmetic3A_2636, %mul3A_2637 : i32
      %multiple_of3A_2639 = tpu.assume_multiple %mul3A_2638, 128 : i32
      %dma_start3A_2640 = arith.constant 0 : i32
      %dma_start3A_2641 = arith.constant 7 : i32
      %dma_start3A_2642 = arith.constant 0 : i32
      %dma_start3A_2643 = arith.constant 0 : i32
      %dma_start3A_2644 = tpu.memref_slice %arg9[%dma_start3A_2640, %dma_start3A_2641, %dma_start3A_2642, %dma_start3A_2643] : memref<2x8x16x128xf32, #tpu.memory_space<vmem>> -> memref<1x1x16x128xf32, #tpu.memory_space<vmem>>
      %dma_start3A_2645 = tpu.memref_squeeze %dma_start3A_2644 : memref<1x1x16x128xf32, #tpu.memory_space<vmem>> -> memref<16x128xf32, #tpu.memory_space<vmem>>
      %dma_start3A_2646 = arith.constant 0 : i32
      %dma_start3A_2647 = tpu.memref_slice %arg4[%dma_start3A_2646, %multiple_of3A_2632] : memref<16x1000000xf32, #tpu.memory_space<hbm>> -> memref<16x128xf32, #tpu.memory_space<hbm>>
      %dma_start3A_2648 = arith.constant 0 : i32
      %dma_start3A_2649 = arith.constant 0 : i32
      %dma_start3A_2650 = tpu.memref_slice %arg9[%dma_start3A_2640, %dma_start3A_2641, %dma_start3A_2648, %dma_start3A_2649] : memref<2x8x16x128xf32, #tpu.memory_space<vmem>> -> memref<1x1x16x128xf32, #tpu.memory_space<vmem>>
      %dma_start3A_2651 = tpu.memref_squeeze %dma_start3A_2650 : memref<1x1x16x128xf32, #tpu.memory_space<vmem>> -> memref<16x128xf32, #tpu.memory_space<vmem>>
      %dma_start3A_2652 = arith.constant 0 : i32
      %dma_start3A_2653 = tpu.memref_slice %arg4[%dma_start3A_2652, %multiple_of3A_2632] : memref<16x1000000xf32, #tpu.memory_space<hbm>> -> memref<16x128xf32, #tpu.memory_space<hbm>>
      tpu.enqueue_dma source(%dma_start3A_2653 : memref<16x128xf32, #tpu.memory_space<hbm>>) target(%dma_start3A_2651 : memref<16x128xf32, #tpu.memory_space<vmem>>) target_semaphore(%arg14 : memref<!tpu.dma_semaphore, #tpu.memory_space<semaphore_mem>>)
      %dma_start3A_2654 = arith.constant 0 : i32
      %dma_start3A_2655 = arith.constant 7 : i32
      %dma_start3A_2656 = arith.constant 0 : i32
      %dma_start3A_2657 = arith.constant 0 : i32
      %dma_start3A_2658 = tpu.memref_slice %arg10[%dma_start3A_2654, %dma_start3A_2655, %dma_start3A_2656, %dma_start3A_2657] : memref<2x8x16x128xf32, #tpu.memory_space<vmem>> -> memref<1x1x16x128xf32, #tpu.memory_space<vmem>>
      %dma_start3A_2659 = tpu.memref_squeeze %dma_start3A_2658 : memref<1x1x16x128xf32, #tpu.memory_space<vmem>> -> memref<16x128xf32, #tpu.memory_space<vmem>>
      %dma_start3A_2660 = arith.constant 0 : i32
      %dma_start3A_2661 = tpu.memref_slice %arg5[%dma_start3A_2660, %multiple_of3A_2639] : memref<16x1000000xf32, #tpu.memory_space<hbm>> -> memref<16x128xf32, #tpu.memory_space<hbm>>
      %dma_start3A_2662 = arith.constant 0 : i32
      %dma_start3A_2663 = arith.constant 0 : i32
      %dma_start3A_2664 = tpu.memref_slice %arg10[%dma_start3A_2654, %dma_start3A_2655, %dma_start3A_2662, %dma_start3A_2663] : memref<2x8x16x128xf32, #tpu.memory_space<vmem>> -> memref<1x1x16x128xf32, #tpu.memory_space<vmem>>
      %dma_start3A_2665 = tpu.memref_squeeze %dma_start3A_2664 : memref<1x1x16x128xf32, #tpu.memory_space<vmem>> -> memref<16x128xf32, #tpu.memory_space<vmem>>
      %dma_start3A_2666 = arith.constant 0 : i32
      %dma_start3A_2667 = tpu.memref_slice %arg5[%dma_start3A_2666, %multiple_of3A_2639] : memref<16x1000000xf32, #tpu.memory_space<hbm>> -> memref<16x128xf32, #tpu.memory_space<hbm>>
      tpu.enqueue_dma source(%dma_start3A_2667 : memref<16x128xf32, #tpu.memory_space<hbm>>) target(%dma_start3A_2665 : memref<16x128xf32, #tpu.memory_space<vmem>>) target_semaphore(%arg14 : memref<!tpu.dma_semaphore, #tpu.memory_space<semaphore_mem>>)
      %dma_wait3A_2668 = arith.constant 1 : i32
      %dma_wait3A_2669 = arith.constant 0 : i32
      %dma_wait3A_2670 = arith.constant 0 : i32
      %dma_wait3A_2671 = arith.constant 0 : i32
      %dma_wait3A_2672 = tpu.memref_slice %arg9[%dma_wait3A_2668, %dma_wait3A_2669, %dma_wait3A_2670, %dma_wait3A_2671] : memref<2x8x16x128xf32, #tpu.memory_space<vmem>> -> memref<1x1x16x128xf32, #tpu.memory_space<vmem>>
      %dma_wait3A_2673 = tpu.memref_squeeze %dma_wait3A_2672 : memref<1x1x16x128xf32, #tpu.memory_space<vmem>> -> memref<16x128xf32, #tpu.memory_space<vmem>>
      %dma_wait3A_2674 = arith.constant 0 : i32
      %dma_wait3A_2675 = arith.constant 0 : i32
      %dma_wait3A_2676 = tpu.memref_slice %arg4[%dma_wait3A_2674, %dma_wait3A_2675] : memref<16x1000000xf32, #tpu.memory_space<hbm>> -> memref<16x128xf32, #tpu.memory_space<hbm>>
      %dma_wait3A_2677 = arith.constant 0 : i32
      %dma_wait3A_2678 = arith.constant 0 : i32
      %dma_wait3A_2679 = tpu.memref_slice %arg9[%dma_wait3A_2668, %dma_wait3A_2669, %dma_wait3A_2677, %dma_wait3A_2678] : memref<2x8x16x128xf32, #tpu.memory_space<vmem>> -> memref<1x1x16x128xf32, #tpu.memory_space<vmem>>
      %dma_wait3A_2680 = tpu.memref_squeeze %dma_wait3A_2679 : memref<1x1x16x128xf32, #tpu.memory_space<vmem>> -> memref<16x128xf32, #tpu.memory_space<vmem>>
      %dma_wait3A_2681 = arith.constant 0 : i32
      %dma_wait3A_2682 = arith.constant 0 : i32
      %dma_wait3A_2683 = tpu.memref_slice %arg4[%dma_wait3A_2681, %dma_wait3A_2682] : memref<16x1000000xf32, #tpu.memory_space<hbm>> -> memref<16x128xf32, #tpu.memory_space<hbm>>
      tpu.wait_dma2 semaphore(%arg15 : memref<!tpu.dma_semaphore, #tpu.memory_space<semaphore_mem>>) src(%dma_wait3A_2683 : memref<16x128xf32, #tpu.memory_space<hbm>>) dst(%dma_wait3A_2680 : memref<16x128xf32, #tpu.memory_space<vmem>>)
      %dma_wait3A_2684 = arith.constant 1 : i32
      %dma_wait3A_2685 = arith.constant 0 : i32
      %dma_wait3A_2686 = arith.constant 0 : i32
      %dma_wait3A_2687 = arith.constant 0 : i32
      %dma_wait3A_2688 = tpu.memref_slice %arg10[%dma_wait3A_2684, %dma_wait3A_2685, %dma_wait3A_2686, %dma_wait3A_2687] : memref<2x8x16x128xf32, #tpu.memory_space<vmem>> -> memref<1x1x16x128xf32, #tpu.memory_space<vmem>>
      %dma_wait3A_2689 = tpu.memref_squeeze %dma_wait3A_2688 : memref<1x1x16x128xf32, #tpu.memory_space<vmem>> -> memref<16x128xf32, #tpu.memory_space<vmem>>
      %dma_wait3A_2690 = arith.constant 0 : i32
      %dma_wait3A_2691 = arith.constant 0 : i32
      %dma_wait3A_2692 = tpu.memref_slice %arg5[%dma_wait3A_2690, %dma_wait3A_2691] : memref<16x1000000xf32, #tpu.memory_space<hbm>> -> memref<16x128xf32, #tpu.memory_space<hbm>>
      %dma_wait3A_2693 = arith.constant 0 : i32
      %dma_wait3A_2694 = arith.constant 0 : i32
      %dma_wait3A_2695 = tpu.memref_slice %arg10[%dma_wait3A_2684, %dma_wait3A_2685, %dma_wait3A_2693, %dma_wait3A_2694] : memref<2x8x16x128xf32, #tpu.memory_space<vmem>> -> memref<1x1x16x128xf32, #tpu.memory_space<vmem>>
      %dma_wait3A_2696 = tpu.memref_squeeze %dma_wait3A_2695 : memref<1x1x16x128xf32, #tpu.memory_space<vmem>> -> memref<16x128xf32, #tpu.memory_space<vmem>>
      %dma_wait3A_2697 = arith.constant 0 : i32
      %dma_wait3A_2698 = arith.constant 0 : i32
      %dma_wait3A_2699 = tpu.memref_slice %arg5[%dma_wait3A_2697, %dma_wait3A_2698] : memref<16x1000000xf32, #tpu.memory_space<hbm>> -> memref<16x128xf32, #tpu.memory_space<hbm>>
      tpu.wait_dma2 semaphore(%arg15 : memref<!tpu.dma_semaphore, #tpu.memory_space<semaphore_mem>>) src(%dma_wait3A_2699 : memref<16x128xf32, #tpu.memory_space<hbm>>) dst(%dma_wait3A_2696 : memref<16x128xf32, #tpu.memory_space<vmem>>)
      %dma_wait3A_2700 = arith.constant 1 : i32
      %dma_wait3A_2701 = arith.constant 1 : i32
      %dma_wait3A_2702 = arith.constant 0 : i32
      %dma_wait3A_2703 = arith.constant 0 : i32
      %dma_wait3A_2704 = tpu.memref_slice %arg9[%dma_wait3A_2700, %dma_wait3A_2701, %dma_wait3A_2702, %dma_wait3A_2703] : memref<2x8x16x128xf32, #tpu.memory_space<vmem>> -> memref<1x1x16x128xf32, #tpu.memory_space<vmem>>
      %dma_wait3A_2705 = tpu.memref_squeeze %dma_wait3A_2704 : memref<1x1x16x128xf32, #tpu.memory_space<vmem>> -> memref<16x128xf32, #tpu.memory_space<vmem>>
      %dma_wait3A_2706 = arith.constant 0 : i32
      %dma_wait3A_2707 = arith.constant 0 : i32
      %dma_wait3A_2708 = tpu.memref_slice %arg4[%dma_wait3A_2706, %dma_wait3A_2707] : memref<16x1000000xf32, #tpu.memory_space<hbm>> -> memref<16x128xf32, #tpu.memory_space<hbm>>
      %dma_wait3A_2709 = arith.constant 0 : i32
      %dma_wait3A_2710 = arith.constant 0 : i32
      %dma_wait3A_2711 = tpu.memref_slice %arg9[%dma_wait3A_2700, %dma_wait3A_2701, %dma_wait3A_2709, %dma_wait3A_2710] : memref<2x8x16x128xf32, #tpu.memory_space<vmem>> -> memref<1x1x16x128xf32, #tpu.memory_space<vmem>>
      %dma_wait3A_2712 = tpu.memref_squeeze %dma_wait3A_2711 : memref<1x1x16x128xf32, #tpu.memory_space<vmem>> -> memref<16x128xf32, #tpu.memory_space<vmem>>
      %dma_wait3A_2713 = arith.constant 0 : i32
      %dma_wait3A_2714 = arith.constant 0 : i32
      %dma_wait3A_2715 = tpu.memref_slice %arg4[%dma_wait3A_2713, %dma_wait3A_2714] : memref<16x1000000xf32, #tpu.memory_space<hbm>> -> memref<16x128xf32, #tpu.memory_space<hbm>>
      tpu.wait_dma2 semaphore(%arg15 : memref<!tpu.dma_semaphore, #tpu.memory_space<semaphore_mem>>) src(%dma_wait3A_2715 : memref<16x128xf32, #tpu.memory_space<hbm>>) dst(%dma_wait3A_2712 : memref<16x128xf32, #tpu.memory_space<vmem>>)
      %dma_wait3A_2716 = arith.constant 1 : i32
      %dma_wait3A_2717 = arith.constant 1 : i32
      %dma_wait3A_2718 = arith.constant 0 : i32
      %dma_wait3A_2719 = arith.constant 0 : i32
      %dma_wait3A_2720 = tpu.memref_slice %arg10[%dma_wait3A_2716, %dma_wait3A_2717, %dma_wait3A_2718, %dma_wait3A_2719] : memref<2x8x16x128xf32, #tpu.memory_space<vmem>> -> memref<1x1x16x128xf32, #tpu.memory_space<vmem>>
      %dma_wait3A_2721 = tpu.memref_squeeze %dma_wait3A_2720 : memref<1x1x16x128xf32, #tpu.memory_space<vmem>> -> memref<16x128xf32, #tpu.memory_space<vmem>>
      %dma_wait3A_2722 = arith.constant 0 : i32
      %dma_wait3A_2723 = arith.constant 0 : i32
      %dma_wait3A_2724 = tpu.memref_slice %arg5[%dma_wait3A_2722, %dma_wait3A_2723] : memref<16x1000000xf32, #tpu.memory_space<hbm>> -> memref<16x128xf32, #tpu.memory_space<hbm>>
      %dma_wait3A_2725 = arith.constant 0 : i32
      %dma_wait3A_2726 = arith.constant 0 : i32
      %dma_wait3A_2727 = tpu.memref_slice %arg10[%dma_wait3A_2716, %dma_wait3A_2717, %dma_wait3A_2725, %dma_wait3A_2726] : memref<2x8x16x128xf32, #tpu.memory_space<vmem>> -> memref<1x1x16x128xf32, #tpu.memory_space<vmem>>
      %dma_wait3A_2728 = tpu.memref_squeeze %dma_wait3A_2727 : memref<1x1x16x128xf32, #tpu.memory_space<vmem>> -> memref<16x128xf32, #tpu.memory_space<vmem>>
      %dma_wait3A_2729 = arith.constant 0 : i32
      %dma_wait3A_2730 = arith.constant 0 : i32
      %dma_wait3A_2731 = tpu.memref_slice %arg5[%dma_wait3A_2729, %dma_wait3A_2730] : memref<16x1000000xf32, #tpu.memory_space<hbm>> -> memref<16x128xf32, #tpu.memory_space<hbm>>
      tpu.wait_dma2 semaphore(%arg15 : memref<!tpu.dma_semaphore, #tpu.memory_space<semaphore_mem>>) src(%dma_wait3A_2731 : memref<16x128xf32, #tpu.memory_space<hbm>>) dst(%dma_wait3A_2728 : memref<16x128xf32, #tpu.memory_space<vmem>>)
      %dma_wait3A_2732 = arith.constant 1 : i32
      %dma_wait3A_2733 = arith.constant 2 : i32
      %dma_wait3A_2734 = arith.constant 0 : i32
      %dma_wait3A_2735 = arith.constant 0 : i32
      %dma_wait3A_2736 = tpu.memref_slice %arg9[%dma_wait3A_2732, %dma_wait3A_2733, %dma_wait3A_2734, %dma_wait3A_2735] : memref<2x8x16x128xf32, #tpu.memory_space<vmem>> -> memref<1x1x16x128xf32, #tpu.memory_space<vmem>>
      %dma_wait3A_2737 = tpu.memref_squeeze %dma_wait3A_2736 : memref<1x1x16x128xf32, #tpu.memory_space<vmem>> -> memref<16x128xf32, #tpu.memory_space<vmem>>
      %dma_wait3A_2738 = arith.constant 0 : i32
      %dma_wait3A_2739 = arith.constant 0 : i32
      %dma_wait3A_2740 = tpu.memref_slice %arg4[%dma_wait3A_2738, %dma_wait3A_2739] : memref<16x1000000xf32, #tpu.memory_space<hbm>> -> memref<16x128xf32, #tpu.memory_space<hbm>>
      %dma_wait3A_2741 = arith.constant 0 : i32
      %dma_wait3A_2742 = arith.constant 0 : i32
      %dma_wait3A_2743 = tpu.memref_slice %arg9[%dma_wait3A_2732, %dma_wait3A_2733, %dma_wait3A_2741, %dma_wait3A_2742] : memref<2x8x16x128xf32, #tpu.memory_space<vmem>> -> memref<1x1x16x128xf32, #tpu.memory_space<vmem>>
      %dma_wait3A_2744 = tpu.memref_squeeze %dma_wait3A_2743 : memref<1x1x16x128xf32, #tpu.memory_space<vmem>> -> memref<16x128xf32, #tpu.memory_space<vmem>>
      %dma_wait3A_2745 = arith.constant 0 : i32
      %dma_wait3A_2746 = arith.constant 0 : i32
      %dma_wait3A_2747 = tpu.memref_slice %arg4[%dma_wait3A_2745, %dma_wait3A_2746] : memref<16x1000000xf32, #tpu.memory_space<hbm>> -> memref<16x128xf32, #tpu.memory_space<hbm>>
      tpu.wait_dma2 semaphore(%arg15 : memref<!tpu.dma_semaphore, #tpu.memory_space<semaphore_mem>>) src(%dma_wait3A_2747 : memref<16x128xf32, #tpu.memory_space<hbm>>) dst(%dma_wait3A_2744 : memref<16x128xf32, #tpu.memory_space<vmem>>)
      %dma_wait3A_2748 = arith.constant 1 : i32
      %dma_wait3A_2749 = arith.constant 2 : i32
      %dma_wait3A_2750 = arith.constant 0 : i32
      %dma_wait3A_2751 = arith.constant 0 : i32
      %dma_wait3A_2752 = tpu.memref_slice %arg10[%dma_wait3A_2748, %dma_wait3A_2749, %dma_wait3A_2750, %dma_wait3A_2751] : memref<2x8x16x128xf32, #tpu.memory_space<vmem>> -> memref<1x1x16x128xf32, #tpu.memory_space<vmem>>
      %dma_wait3A_2753 = tpu.memref_squeeze %dma_wait3A_2752 : memref<1x1x16x128xf32, #tpu.memory_space<vmem>> -> memref<16x128xf32, #tpu.memory_space<vmem>>
      %dma_wait3A_2754 = arith.constant 0 : i32
      %dma_wait3A_2755 = arith.constant 0 : i32
      %dma_wait3A_2756 = tpu.memref_slice %arg5[%dma_wait3A_2754, %dma_wait3A_2755] : memref<16x1000000xf32, #tpu.memory_space<hbm>> -> memref<16x128xf32, #tpu.memory_space<hbm>>
      %dma_wait3A_2757 = arith.constant 0 : i32
      %dma_wait3A_2758 = arith.constant 0 : i32
      %dma_wait3A_2759 = tpu.memref_slice %arg10[%dma_wait3A_2748, %dma_wait3A_2749, %dma_wait3A_2757, %dma_wait3A_2758] : memref<2x8x16x128xf32, #tpu.memory_space<vmem>> -> memref<1x1x16x128xf32, #tpu.memory_space<vmem>>
      %dma_wait3A_2760 = tpu.memref_squeeze %dma_wait3A_2759 : memref<1x1x16x128xf32, #tpu.memory_space<vmem>> -> memref<16x128xf32, #tpu.memory_space<vmem>>
      %dma_wait3A_2761 = arith.constant 0 : i32
      %dma_wait3A_2762 = arith.constant 0 : i32
      %dma_wait3A_2763 = tpu.memref_slice %arg5[%dma_wait3A_2761, %dma_wait3A_2762] : memref<16x1000000xf32, #tpu.memory_space<hbm>> -> memref<16x128xf32, #tpu.memory_space<hbm>>
      tpu.wait_dma2 semaphore(%arg15 : memref<!tpu.dma_semaphore, #tpu.memory_space<semaphore_mem>>) src(%dma_wait3A_2763 : memref<16x128xf32, #tpu.memory_space<hbm>>) dst(%dma_wait3A_2760 : memref<16x128xf32, #tpu.memory_space<vmem>>)
      %dma_wait3A_2764 = arith.constant 1 : i32
      %dma_wait3A_2765 = arith.constant 3 : i32
      %dma_wait3A_2766 = arith.constant 0 : i32
      %dma_wait3A_2767 = arith.constant 0 : i32
      %dma_wait3A_2768 = tpu.memref_slice %arg9[%dma_wait3A_2764, %dma_wait3A_2765, %dma_wait3A_2766, %dma_wait3A_2767] : memref<2x8x16x128xf32, #tpu.memory_space<vmem>> -> memref<1x1x16x128xf32, #tpu.memory_space<vmem>>
      %dma_wait3A_2769 = tpu.memref_squeeze %dma_wait3A_2768 : memref<1x1x16x128xf32, #tpu.memory_space<vmem>> -> memref<16x128xf32, #tpu.memory_space<vmem>>
      %dma_wait3A_2770 = arith.constant 0 : i32
      %dma_wait3A_2771 = arith.constant 0 : i32
      %dma_wait3A_2772 = tpu.memref_slice %arg4[%dma_wait3A_2770, %dma_wait3A_2771] : memref<16x1000000xf32, #tpu.memory_space<hbm>> -> memref<16x128xf32, #tpu.memory_space<hbm>>
      %dma_wait3A_2773 = arith.constant 0 : i32
      %dma_wait3A_2774 = arith.constant 0 : i32
      %dma_wait3A_2775 = tpu.memref_slice %arg9[%dma_wait3A_2764, %dma_wait3A_2765, %dma_wait3A_2773, %dma_wait3A_2774] : memref<2x8x16x128xf32, #tpu.memory_space<vmem>> -> memref<1x1x16x128xf32, #tpu.memory_space<vmem>>
      %dma_wait3A_2776 = tpu.memref_squeeze %dma_wait3A_2775 : memref<1x1x16x128xf32, #tpu.memory_space<vmem>> -> memref<16x128xf32, #tpu.memory_space<vmem>>
      %dma_wait3A_2777 = arith.constant 0 : i32
      %dma_wait3A_2778 = arith.constant 0 : i32
      %dma_wait3A_2779 = tpu.memref_slice %arg4[%dma_wait3A_2777, %dma_wait3A_2778] : memref<16x1000000xf32, #tpu.memory_space<hbm>> -> memref<16x128xf32, #tpu.memory_space<hbm>>
      tpu.wait_dma2 semaphore(%arg15 : memref<!tpu.dma_semaphore, #tpu.memory_space<semaphore_mem>>) src(%dma_wait3A_2779 : memref<16x128xf32, #tpu.memory_space<hbm>>) dst(%dma_wait3A_2776 : memref<16x128xf32, #tpu.memory_space<vmem>>)
      %dma_wait3A_2780 = arith.constant 1 : i32
      %dma_wait3A_2781 = arith.constant 3 : i32
      %dma_wait3A_2782 = arith.constant 0 : i32
      %dma_wait3A_2783 = arith.constant 0 : i32
      %dma_wait3A_2784 = tpu.memref_slice %arg10[%dma_wait3A_2780, %dma_wait3A_2781, %dma_wait3A_2782, %dma_wait3A_2783] : memref<2x8x16x128xf32, #tpu.memory_space<vmem>> -> memref<1x1x16x128xf32, #tpu.memory_space<vmem>>
      %dma_wait3A_2785 = tpu.memref_squeeze %dma_wait3A_2784 : memref<1x1x16x128xf32, #tpu.memory_space<vmem>> -> memref<16x128xf32, #tpu.memory_space<vmem>>
      %dma_wait3A_2786 = arith.constant 0 : i32
      %dma_wait3A_2787 = arith.constant 0 : i32
      %dma_wait3A_2788 = tpu.memref_slice %arg5[%dma_wait3A_2786, %dma_wait3A_2787] : memref<16x1000000xf32, #tpu.memory_space<hbm>> -> memref<16x128xf32, #tpu.memory_space<hbm>>
      %dma_wait3A_2789 = arith.constant 0 : i32
      %dma_wait3A_2790 = arith.constant 0 : i32
      %dma_wait3A_2791 = tpu.memref_slice %arg10[%dma_wait3A_2780, %dma_wait3A_2781, %dma_wait3A_2789, %dma_wait3A_2790] : memref<2x8x16x128xf32, #tpu.memory_space<vmem>> -> memref<1x1x16x128xf32, #tpu.memory_space<vmem>>
      %dma_wait3A_2792 = tpu.memref_squeeze %dma_wait3A_2791 : memref<1x1x16x128xf32, #tpu.memory_space<vmem>> -> memref<16x128xf32, #tpu.memory_space<vmem>>
      %dma_wait3A_2793 = arith.constant 0 : i32
      %dma_wait3A_2794 = arith.constant 0 : i32
      %dma_wait3A_2795 = tpu.memref_slice %arg5[%dma_wait3A_2793, %dma_wait3A_2794] : memref<16x1000000xf32, #tpu.memory_space<hbm>> -> memref<16x128xf32, #tpu.memory_space<hbm>>
      tpu.wait_dma2 semaphore(%arg15 : memref<!tpu.dma_semaphore, #tpu.memory_space<semaphore_mem>>) src(%dma_wait3A_2795 : memref<16x128xf32, #tpu.memory_space<hbm>>) dst(%dma_wait3A_2792 : memref<16x128xf32, #tpu.memory_space<vmem>>)
      %dma_wait3A_2796 = arith.constant 1 : i32
      %dma_wait3A_2797 = arith.constant 4 : i32
      %dma_wait3A_2798 = arith.constant 0 : i32
      %dma_wait3A_2799 = arith.constant 0 : i32
      %dma_wait3A_2800 = tpu.memref_slice %arg9[%dma_wait3A_2796, %dma_wait3A_2797, %dma_wait3A_2798, %dma_wait3A_2799] : memref<2x8x16x128xf32, #tpu.memory_space<vmem>> -> memref<1x1x16x128xf32, #tpu.memory_space<vmem>>
      %dma_wait3A_2801 = tpu.memref_squeeze %dma_wait3A_2800 : memref<1x1x16x128xf32, #tpu.memory_space<vmem>> -> memref<16x128xf32, #tpu.memory_space<vmem>>
      %dma_wait3A_2802 = arith.constant 0 : i32
      %dma_wait3A_2803 = arith.constant 0 : i32
      %dma_wait3A_2804 = tpu.memref_slice %arg4[%dma_wait3A_2802, %dma_wait3A_2803] : memref<16x1000000xf32, #tpu.memory_space<hbm>> -> memref<16x128xf32, #tpu.memory_space<hbm>>
      %dma_wait3A_2805 = arith.constant 0 : i32
      %dma_wait3A_2806 = arith.constant 0 : i32
      %dma_wait3A_2807 = tpu.memref_slice %arg9[%dma_wait3A_2796, %dma_wait3A_2797, %dma_wait3A_2805, %dma_wait3A_2806] : memref<2x8x16x128xf32, #tpu.memory_space<vmem>> -> memref<1x1x16x128xf32, #tpu.memory_space<vmem>>
      %dma_wait3A_2808 = tpu.memref_squeeze %dma_wait3A_2807 : memref<1x1x16x128xf32, #tpu.memory_space<vmem>> -> memref<16x128xf32, #tpu.memory_space<vmem>>
      %dma_wait3A_2809 = arith.constant 0 : i32
      %dma_wait3A_2810 = arith.constant 0 : i32
      %dma_wait3A_2811 = tpu.memref_slice %arg4[%dma_wait3A_2809, %dma_wait3A_2810] : memref<16x1000000xf32, #tpu.memory_space<hbm>> -> memref<16x128xf32, #tpu.memory_space<hbm>>
      tpu.wait_dma2 semaphore(%arg15 : memref<!tpu.dma_semaphore, #tpu.memory_space<semaphore_mem>>) src(%dma_wait3A_2811 : memref<16x128xf32, #tpu.memory_space<hbm>>) dst(%dma_wait3A_2808 : memref<16x128xf32, #tpu.memory_space<vmem>>)
      %dma_wait3A_2812 = arith.constant 1 : i32
      %dma_wait3A_2813 = arith.constant 4 : i32
      %dma_wait3A_2814 = arith.constant 0 : i32
      %dma_wait3A_2815 = arith.constant 0 : i32
      %dma_wait3A_2816 = tpu.memref_slice %arg10[%dma_wait3A_2812, %dma_wait3A_2813, %dma_wait3A_2814, %dma_wait3A_2815] : memref<2x8x16x128xf32, #tpu.memory_space<vmem>> -> memref<1x1x16x128xf32, #tpu.memory_space<vmem>>
      %dma_wait3A_2817 = tpu.memref_squeeze %dma_wait3A_2816 : memref<1x1x16x128xf32, #tpu.memory_space<vmem>> -> memref<16x128xf32, #tpu.memory_space<vmem>>
      %dma_wait3A_2818 = arith.constant 0 : i32
      %dma_wait3A_2819 = arith.constant 0 : i32
      %dma_wait3A_2820 = tpu.memref_slice %arg5[%dma_wait3A_2818, %dma_wait3A_2819] : memref<16x1000000xf32, #tpu.memory_space<hbm>> -> memref<16x128xf32, #tpu.memory_space<hbm>>
      %dma_wait3A_2821 = arith.constant 0 : i32
      %dma_wait3A_2822 = arith.constant 0 : i32
      %dma_wait3A_2823 = tpu.memref_slice %arg10[%dma_wait3A_2812, %dma_wait3A_2813, %dma_wait3A_2821, %dma_wait3A_2822] : memref<2x8x16x128xf32, #tpu.memory_space<vmem>> -> memref<1x1x16x128xf32, #tpu.memory_space<vmem>>
      %dma_wait3A_2824 = tpu.memref_squeeze %dma_wait3A_2823 : memref<1x1x16x128xf32, #tpu.memory_space<vmem>> -> memref<16x128xf32, #tpu.memory_space<vmem>>
      %dma_wait3A_2825 = arith.constant 0 : i32
      %dma_wait3A_2826 = arith.constant 0 : i32
      %dma_wait3A_2827 = tpu.memref_slice %arg5[%dma_wait3A_2825, %dma_wait3A_2826] : memref<16x1000000xf32, #tpu.memory_space<hbm>> -> memref<16x128xf32, #tpu.memory_space<hbm>>
      tpu.wait_dma2 semaphore(%arg15 : memref<!tpu.dma_semaphore, #tpu.memory_space<semaphore_mem>>) src(%dma_wait3A_2827 : memref<16x128xf32, #tpu.memory_space<hbm>>) dst(%dma_wait3A_2824 : memref<16x128xf32, #tpu.memory_space<vmem>>)
      %dma_wait3A_2828 = arith.constant 1 : i32
      %dma_wait3A_2829 = arith.constant 5 : i32
      %dma_wait3A_2830 = arith.constant 0 : i32
      %dma_wait3A_2831 = arith.constant 0 : i32
      %dma_wait3A_2832 = tpu.memref_slice %arg9[%dma_wait3A_2828, %dma_wait3A_2829, %dma_wait3A_2830, %dma_wait3A_2831] : memref<2x8x16x128xf32, #tpu.memory_space<vmem>> -> memref<1x1x16x128xf32, #tpu.memory_space<vmem>>
      %dma_wait3A_2833 = tpu.memref_squeeze %dma_wait3A_2832 : memref<1x1x16x128xf32, #tpu.memory_space<vmem>> -> memref<16x128xf32, #tpu.memory_space<vmem>>
      %dma_wait3A_2834 = arith.constant 0 : i32
      %dma_wait3A_2835 = arith.constant 0 : i32
      %dma_wait3A_2836 = tpu.memref_slice %arg4[%dma_wait3A_2834, %dma_wait3A_2835] : memref<16x1000000xf32, #tpu.memory_space<hbm>> -> memref<16x128xf32, #tpu.memory_space<hbm>>
      %dma_wait3A_2837 = arith.constant 0 : i32
      %dma_wait3A_2838 = arith.constant 0 : i32
      %dma_wait3A_2839 = tpu.memref_slice %arg9[%dma_wait3A_2828, %dma_wait3A_2829, %dma_wait3A_2837, %dma_wait3A_2838] : memref<2x8x16x128xf32, #tpu.memory_space<vmem>> -> memref<1x1x16x128xf32, #tpu.memory_space<vmem>>
      %dma_wait3A_2840 = tpu.memref_squeeze %dma_wait3A_2839 : memref<1x1x16x128xf32, #tpu.memory_space<vmem>> -> memref<16x128xf32, #tpu.memory_space<vmem>>
      %dma_wait3A_2841 = arith.constant 0 : i32
      %dma_wait3A_2842 = arith.constant 0 : i32
      %dma_wait3A_2843 = tpu.memref_slice %arg4[%dma_wait3A_2841, %dma_wait3A_2842] : memref<16x1000000xf32, #tpu.memory_space<hbm>> -> memref<16x128xf32, #tpu.memory_space<hbm>>
      tpu.wait_dma2 semaphore(%arg15 : memref<!tpu.dma_semaphore, #tpu.memory_space<semaphore_mem>>) src(%dma_wait3A_2843 : memref<16x128xf32, #tpu.memory_space<hbm>>) dst(%dma_wait3A_2840 : memref<16x128xf32, #tpu.memory_space<vmem>>)
      %dma_wait3A_2844 = arith.constant 1 : i32
      %dma_wait3A_2845 = arith.constant 5 : i32
      %dma_wait3A_2846 = arith.constant 0 : i32
      %dma_wait3A_2847 = arith.constant 0 : i32
      %dma_wait3A_2848 = tpu.memref_slice %arg10[%dma_wait3A_2844, %dma_wait3A_2845, %dma_wait3A_2846, %dma_wait3A_2847] : memref<2x8x16x128xf32, #tpu.memory_space<vmem>> -> memref<1x1x16x128xf32, #tpu.memory_space<vmem>>
      %dma_wait3A_2849 = tpu.memref_squeeze %dma_wait3A_2848 : memref<1x1x16x128xf32, #tpu.memory_space<vmem>> -> memref<16x128xf32, #tpu.memory_space<vmem>>
      %dma_wait3A_2850 = arith.constant 0 : i32
      %dma_wait3A_2851 = arith.constant 0 : i32
      %dma_wait3A_2852 = tpu.memref_slice %arg5[%dma_wait3A_2850, %dma_wait3A_2851] : memref<16x1000000xf32, #tpu.memory_space<hbm>> -> memref<16x128xf32, #tpu.memory_space<hbm>>
      %dma_wait3A_2853 = arith.constant 0 : i32
      %dma_wait3A_2854 = arith.constant 0 : i32
      %dma_wait3A_2855 = tpu.memref_slice %arg10[%dma_wait3A_2844, %dma_wait3A_2845, %dma_wait3A_2853, %dma_wait3A_2854] : memref<2x8x16x128xf32, #tpu.memory_space<vmem>> -> memref<1x1x16x128xf32, #tpu.memory_space<vmem>>
      %dma_wait3A_2856 = tpu.memref_squeeze %dma_wait3A_2855 : memref<1x1x16x128xf32, #tpu.memory_space<vmem>> -> memref<16x128xf32, #tpu.memory_space<vmem>>
      %dma_wait3A_2857 = arith.constant 0 : i32
      %dma_wait3A_2858 = arith.constant 0 : i32
      %dma_wait3A_2859 = tpu.memref_slice %arg5[%dma_wait3A_2857, %dma_wait3A_2858] : memref<16x1000000xf32, #tpu.memory_space<hbm>> -> memref<16x128xf32, #tpu.memory_space<hbm>>
      tpu.wait_dma2 semaphore(%arg15 : memref<!tpu.dma_semaphore, #tpu.memory_space<semaphore_mem>>) src(%dma_wait3A_2859 : memref<16x128xf32, #tpu.memory_space<hbm>>) dst(%dma_wait3A_2856 : memref<16x128xf32, #tpu.memory_space<vmem>>)
      %dma_wait3A_2860 = arith.constant 1 : i32
      %dma_wait3A_2861 = arith.constant 6 : i32
      %dma_wait3A_2862 = arith.constant 0 : i32
      %dma_wait3A_2863 = arith.constant 0 : i32
      %dma_wait3A_2864 = tpu.memref_slice %arg9[%dma_wait3A_2860, %dma_wait3A_2861, %dma_wait3A_2862, %dma_wait3A_2863] : memref<2x8x16x128xf32, #tpu.memory_space<vmem>> -> memref<1x1x16x128xf32, #tpu.memory_space<vmem>>
      %dma_wait3A_2865 = tpu.memref_squeeze %dma_wait3A_2864 : memref<1x1x16x128xf32, #tpu.memory_space<vmem>> -> memref<16x128xf32, #tpu.memory_space<vmem>>
      %dma_wait3A_2866 = arith.constant 0 : i32
      %dma_wait3A_2867 = arith.constant 0 : i32
      %dma_wait3A_2868 = tpu.memref_slice %arg4[%dma_wait3A_2866, %dma_wait3A_2867] : memref<16x1000000xf32, #tpu.memory_space<hbm>> -> memref<16x128xf32, #tpu.memory_space<hbm>>
      %dma_wait3A_2869 = arith.constant 0 : i32
      %dma_wait3A_2870 = arith.constant 0 : i32
      %dma_wait3A_2871 = tpu.memref_slice %arg9[%dma_wait3A_2860, %dma_wait3A_2861, %dma_wait3A_2869, %dma_wait3A_2870] : memref<2x8x16x128xf32, #tpu.memory_space<vmem>> -> memref<1x1x16x128xf32, #tpu.memory_space<vmem>>
      %dma_wait3A_2872 = tpu.memref_squeeze %dma_wait3A_2871 : memref<1x1x16x128xf32, #tpu.memory_space<vmem>> -> memref<16x128xf32, #tpu.memory_space<vmem>>
      %dma_wait3A_2873 = arith.constant 0 : i32
      %dma_wait3A_2874 = arith.constant 0 : i32
      %dma_wait3A_2875 = tpu.memref_slice %arg4[%dma_wait3A_2873, %dma_wait3A_2874] : memref<16x1000000xf32, #tpu.memory_space<hbm>> -> memref<16x128xf32, #tpu.memory_space<hbm>>
      tpu.wait_dma2 semaphore(%arg15 : memref<!tpu.dma_semaphore, #tpu.memory_space<semaphore_mem>>) src(%dma_wait3A_2875 : memref<16x128xf32, #tpu.memory_space<hbm>>) dst(%dma_wait3A_2872 : memref<16x128xf32, #tpu.memory_space<vmem>>)
      %dma_wait3A_2876 = arith.constant 1 : i32
      %dma_wait3A_2877 = arith.constant 6 : i32
      %dma_wait3A_2878 = arith.constant 0 : i32
      %dma_wait3A_2879 = arith.constant 0 : i32
      %dma_wait3A_2880 = tpu.memref_slice %arg10[%dma_wait3A_2876, %dma_wait3A_2877, %dma_wait3A_2878, %dma_wait3A_2879] : memref<2x8x16x128xf32, #tpu.memory_space<vmem>> -> memref<1x1x16x128xf32, #tpu.memory_space<vmem>>
      %dma_wait3A_2881 = tpu.memref_squeeze %dma_wait3A_2880 : memref<1x1x16x128xf32, #tpu.memory_space<vmem>> -> memref<16x128xf32, #tpu.memory_space<vmem>>
      %dma_wait3A_2882 = arith.constant 0 : i32
      %dma_wait3A_2883 = arith.constant 0 : i32
      %dma_wait3A_2884 = tpu.memref_slice %arg5[%dma_wait3A_2882, %dma_wait3A_2883] : memref<16x1000000xf32, #tpu.memory_space<hbm>> -> memref<16x128xf32, #tpu.memory_space<hbm>>
      %dma_wait3A_2885 = arith.constant 0 : i32
      %dma_wait3A_2886 = arith.constant 0 : i32
      %dma_wait3A_2887 = tpu.memref_slice %arg10[%dma_wait3A_2876, %dma_wait3A_2877, %dma_wait3A_2885, %dma_wait3A_2886] : memref<2x8x16x128xf32, #tpu.memory_space<vmem>> -> memref<1x1x16x128xf32, #tpu.memory_space<vmem>>
      %dma_wait3A_2888 = tpu.memref_squeeze %dma_wait3A_2887 : memref<1x1x16x128xf32, #tpu.memory_space<vmem>> -> memref<16x128xf32, #tpu.memory_space<vmem>>
      %dma_wait3A_2889 = arith.constant 0 : i32
      %dma_wait3A_2890 = arith.constant 0 : i32
      %dma_wait3A_2891 = tpu.memref_slice %arg5[%dma_wait3A_2889, %dma_wait3A_2890] : memref<16x1000000xf32, #tpu.memory_space<hbm>> -> memref<16x128xf32, #tpu.memory_space<hbm>>
      tpu.wait_dma2 semaphore(%arg15 : memref<!tpu.dma_semaphore, #tpu.memory_space<semaphore_mem>>) src(%dma_wait3A_2891 : memref<16x128xf32, #tpu.memory_space<hbm>>) dst(%dma_wait3A_2888 : memref<16x128xf32, #tpu.memory_space<vmem>>)
      %dma_wait3A_2892 = arith.constant 1 : i32
      %dma_wait3A_2893 = arith.constant 7 : i32
      %dma_wait3A_2894 = arith.constant 0 : i32
      %dma_wait3A_2895 = arith.constant 0 : i32
      %dma_wait3A_2896 = tpu.memref_slice %arg9[%dma_wait3A_2892, %dma_wait3A_2893, %dma_wait3A_2894, %dma_wait3A_2895] : memref<2x8x16x128xf32, #tpu.memory_space<vmem>> -> memref<1x1x16x128xf32, #tpu.memory_space<vmem>>
      %dma_wait3A_2897 = tpu.memref_squeeze %dma_wait3A_2896 : memref<1x1x16x128xf32, #tpu.memory_space<vmem>> -> memref<16x128xf32, #tpu.memory_space<vmem>>
      %dma_wait3A_2898 = arith.constant 0 : i32
      %dma_wait3A_2899 = arith.constant 0 : i32
      %dma_wait3A_2900 = tpu.memref_slice %arg4[%dma_wait3A_2898, %dma_wait3A_2899] : memref<16x1000000xf32, #tpu.memory_space<hbm>> -> memref<16x128xf32, #tpu.memory_space<hbm>>
      %dma_wait3A_2901 = arith.constant 0 : i32
      %dma_wait3A_2902 = arith.constant 0 : i32
      %dma_wait3A_2903 = tpu.memref_slice %arg9[%dma_wait3A_2892, %dma_wait3A_2893, %dma_wait3A_2901, %dma_wait3A_2902] : memref<2x8x16x128xf32, #tpu.memory_space<vmem>> -> memref<1x1x16x128xf32, #tpu.memory_space<vmem>>
      %dma_wait3A_2904 = tpu.memref_squeeze %dma_wait3A_2903 : memref<1x1x16x128xf32, #tpu.memory_space<vmem>> -> memref<16x128xf32, #tpu.memory_space<vmem>>
      %dma_wait3A_2905 = arith.constant 0 : i32
      %dma_wait3A_2906 = arith.constant 0 : i32
      %dma_wait3A_2907 = tpu.memref_slice %arg4[%dma_wait3A_2905, %dma_wait3A_2906] : memref<16x1000000xf32, #tpu.memory_space<hbm>> -> memref<16x128xf32, #tpu.memory_space<hbm>>
      tpu.wait_dma2 semaphore(%arg15 : memref<!tpu.dma_semaphore, #tpu.memory_space<semaphore_mem>>) src(%dma_wait3A_2907 : memref<16x128xf32, #tpu.memory_space<hbm>>) dst(%dma_wait3A_2904 : memref<16x128xf32, #tpu.memory_space<vmem>>)
      %dma_wait3A_2908 = arith.constant 1 : i32
      %dma_wait3A_2909 = arith.constant 7 : i32
      %dma_wait3A_2910 = arith.constant 0 : i32
      %dma_wait3A_2911 = arith.constant 0 : i32
      %dma_wait3A_2912 = tpu.memref_slice %arg10[%dma_wait3A_2908, %dma_wait3A_2909, %dma_wait3A_2910, %dma_wait3A_2911] : memref<2x8x16x128xf32, #tpu.memory_space<vmem>> -> memref<1x1x16x128xf32, #tpu.memory_space<vmem>>
      %dma_wait3A_2913 = tpu.memref_squeeze %dma_wait3A_2912 : memref<1x1x16x128xf32, #tpu.memory_space<vmem>> -> memref<16x128xf32, #tpu.memory_space<vmem>>
      %dma_wait3A_2914 = arith.constant 0 : i32
      %dma_wait3A_2915 = arith.constant 0 : i32
      %dma_wait3A_2916 = tpu.memref_slice %arg5[%dma_wait3A_2914, %dma_wait3A_2915] : memref<16x1000000xf32, #tpu.memory_space<hbm>> -> memref<16x128xf32, #tpu.memory_space<hbm>>
      %dma_wait3A_2917 = arith.constant 0 : i32
      %dma_wait3A_2918 = arith.constant 0 : i32
      %dma_wait3A_2919 = tpu.memref_slice %arg10[%dma_wait3A_2908, %dma_wait3A_2909, %dma_wait3A_2917, %dma_wait3A_2918] : memref<2x8x16x128xf32, #tpu.memory_space<vmem>> -> memref<1x1x16x128xf32, #tpu.memory_space<vmem>>
      %dma_wait3A_2920 = tpu.memref_squeeze %dma_wait3A_2919 : memref<1x1x16x128xf32, #tpu.memory_space<vmem>> -> memref<16x128xf32, #tpu.memory_space<vmem>>
      %dma_wait3A_2921 = arith.constant 0 : i32
      %dma_wait3A_2922 = arith.constant 0 : i32
      %dma_wait3A_2923 = tpu.memref_slice %arg5[%dma_wait3A_2921, %dma_wait3A_2922] : memref<16x1000000xf32, #tpu.memory_space<hbm>> -> memref<16x128xf32, #tpu.memory_space<hbm>>
      tpu.wait_dma2 semaphore(%arg15 : memref<!tpu.dma_semaphore, #tpu.memory_space<semaphore_mem>>) src(%dma_wait3A_2923 : memref<16x128xf32, #tpu.memory_space<hbm>>) dst(%dma_wait3A_2920 : memref<16x128xf32, #tpu.memory_space<vmem>>)
      %slice3A_2924 = vector.extract_strided_slice %get3A_1805 {offsets = [8], sizes = [1], strides = [1]} : vector<16xi32> to vector<1xi32>
      %squeeze3A_2925 = vector.extract %slice3A_2924[0] : i32 from vector<1xi32>
      %and3A_2926 = arith.constant 127 : i32
      %and3A_2927 = arith.andi %squeeze3A_2925, %and3A_2926 : i32
      %broadcast_in_dim3A_2928 = vector.broadcast %and3A_2927 : i32 to vector<16xi32>
      %slice3A_2929 = vector.extract_strided_slice %get3A_1809 {offsets = [8], sizes = [1], strides = [1]} : vector<16xi32> to vector<1xi32>
      %squeeze3A_2930 = vector.extract %slice3A_2929[0] : i32 from vector<1xi32>
      %and3A_2931 = arith.constant 127 : i32
      %and3A_2932 = arith.andi %squeeze3A_2930, %and3A_2931 : i32
      %broadcast_in_dim3A_2933 = vector.broadcast %and3A_2932 : i32 to vector<16xi32>
      %gather3A_2934 = arith.constant 1 : i32
      %gather3A_2935 = arith.constant 0 : i32
      %gather3A_2936 = arith.constant 0 : i32
      %gather3A_2937 = arith.constant 0 : i32
      %gather3A_2938 = tpu.memref_slice %arg9[%gather3A_2934, %gather3A_2935, %gather3A_2936, %gather3A_2937] : memref<2x8x16x128xf32, #tpu.memory_space<vmem>> -> memref<1x1x16x128xf32, #tpu.memory_space<vmem>>
      %gather3A_2939 = tpu.memref_squeeze %gather3A_2938 : memref<1x1x16x128xf32, #tpu.memory_space<vmem>> -> memref<16x128xf32, #tpu.memory_space<vmem>>
      %gather3A_2940 = tpu.vector_load_idx %gather3A_2939[%iota3A, %broadcast_in_dim3A_2928] : memref<16x128xf32, #tpu.memory_space<vmem>>[vector<16xi32>, vector<16xi32>], vector<16xf32>,
      %swap3A_2941 = arith.constant 8 : i32
      %swap3A_2942 = arith.index_cast %swap3A_2941 : i32 to index
      %swap3A_2943 = arith.constant 0 : index
      %swap3A_2944 = tpu.vector_load %arg11[%swap3A_2942, %swap3A_2943] {strides = array<i32>} : memref<16x16xf32, #tpu.memory_space<vmem>>, vector<16xf32>,
      tpu.vector_store %arg11[%swap3A_2942, %swap3A_2943], %gather3A_2940 {strides = array<i32>} : memref<16x16xf32, #tpu.memory_space<vmem>>, vector<16xf32>,
      %gather3A_2945 = arith.constant 1 : i32
      %gather3A_2946 = arith.constant 0 : i32
      %gather3A_2947 = arith.constant 0 : i32
      %gather3A_2948 = arith.constant 0 : i32
      %gather3A_2949 = tpu.memref_slice %arg10[%gather3A_2945, %gather3A_2946, %gather3A_2947, %gather3A_2948] : memref<2x8x16x128xf32, #tpu.memory_space<vmem>> -> memref<1x1x16x128xf32, #tpu.memory_space<vmem>>
      %gather3A_2950 = tpu.memref_squeeze %gather3A_2949 : memref<1x1x16x128xf32, #tpu.memory_space<vmem>> -> memref<16x128xf32, #tpu.memory_space<vmem>>
      %gather3A_2951 = tpu.vector_load_idx %gather3A_2950[%iota3A, %broadcast_in_dim3A_2933] : memref<16x128xf32, #tpu.memory_space<vmem>>[vector<16xi32>, vector<16xi32>], vector<16xf32>,
      %swap3A_2952 = arith.constant 8 : i32
      %swap3A_2953 = arith.index_cast %swap3A_2952 : i32 to index
      %swap3A_2954 = arith.constant 0 : index
      %swap3A_2955 = tpu.vector_load %arg12[%swap3A_2953, %swap3A_2954] {strides = array<i32>} : memref<16x16xf32, #tpu.memory_space<vmem>>, vector<16xf32>,
      tpu.vector_store %arg12[%swap3A_2953, %swap3A_2954], %gather3A_2951 {strides = array<i32>} : memref<16x16xf32, #tpu.memory_space<vmem>>, vector<16xf32>,
      %slice3A_2956 = vector.extract_strided_slice %get3A_1805 {offsets = [9], sizes = [1], strides = [1]} : vector<16xi32> to vector<1xi32>
      %squeeze3A_2957 = vector.extract %slice3A_2956[0] : i32 from vector<1xi32>
      %and3A_2958 = arith.constant 127 : i32
      %and3A_2959 = arith.andi %squeeze3A_2957, %and3A_2958 : i32
      %broadcast_in_dim3A_2960 = vector.broadcast %and3A_2959 : i32 to vector<16xi32>
      %slice3A_2961 = vector.extract_strided_slice %get3A_1809 {offsets = [9], sizes = [1], strides = [1]} : vector<16xi32> to vector<1xi32>
      %squeeze3A_2962 = vector.extract %slice3A_2961[0] : i32 from vector<1xi32>
      %and3A_2963 = arith.constant 127 : i32
      %and3A_2964 = arith.andi %squeeze3A_2962, %and3A_2963 : i32
      %broadcast_in_dim3A_2965 = vector.broadcast %and3A_2964 : i32 to vector<16xi32>
      %gather3A_2966 = arith.constant 1 : i32
      %gather3A_2967 = arith.constant 1 : i32
      %gather3A_2968 = arith.constant 0 : i32
      %gather3A_2969 = arith.constant 0 : i32
      %gather3A_2970 = tpu.memref_slice %arg9[%gather3A_2966, %gather3A_2967, %gather3A_2968, %gather3A_2969] : memref<2x8x16x128xf32, #tpu.memory_space<vmem>> -> memref<1x1x16x128xf32, #tpu.memory_space<vmem>>
      %gather3A_2971 = tpu.memref_squeeze %gather3A_2970 : memref<1x1x16x128xf32, #tpu.memory_space<vmem>> -> memref<16x128xf32, #tpu.memory_space<vmem>>
      %gather3A_2972 = tpu.vector_load_idx %gather3A_2971[%iota3A, %broadcast_in_dim3A_2960] : memref<16x128xf32, #tpu.memory_space<vmem>>[vector<16xi32>, vector<16xi32>], vector<16xf32>,
      %swap3A_2973 = arith.constant 9 : i32
      %swap3A_2974 = arith.index_cast %swap3A_2973 : i32 to index
      %swap3A_2975 = arith.constant 0 : index
      %swap3A_2976 = tpu.vector_load %arg11[%swap3A_2974, %swap3A_2975] {strides = array<i32>} : memref<16x16xf32, #tpu.memory_space<vmem>>, vector<16xf32>,
      tpu.vector_store %arg11[%swap3A_2974, %swap3A_2975], %gather3A_2972 {strides = array<i32>} : memref<16x16xf32, #tpu.memory_space<vmem>>, vector<16xf32>,
      %gather3A_2977 = arith.constant 1 : i32
      %gather3A_2978 = arith.constant 1 : i32
      %gather3A_2979 = arith.constant 0 : i32
      %gather3A_2980 = arith.constant 0 : i32
      %gather3A_2981 = tpu.memref_slice %arg10[%gather3A_2977, %gather3A_2978, %gather3A_2979, %gather3A_2980] : memref<2x8x16x128xf32, #tpu.memory_space<vmem>> -> memref<1x1x16x128xf32, #tpu.memory_space<vmem>>
      %gather3A_2982 = tpu.memref_squeeze %gather3A_2981 : memref<1x1x16x128xf32, #tpu.memory_space<vmem>> -> memref<16x128xf32, #tpu.memory_space<vmem>>
      %gather3A_2983 = tpu.vector_load_idx %gather3A_2982[%iota3A, %broadcast_in_dim3A_2965] : memref<16x128xf32, #tpu.memory_space<vmem>>[vector<16xi32>, vector<16xi32>], vector<16xf32>,
      %swap3A_2984 = arith.constant 9 : i32
      %swap3A_2985 = arith.index_cast %swap3A_2984 : i32 to index
      %swap3A_2986 = arith.constant 0 : index
      %swap3A_2987 = tpu.vector_load %arg12[%swap3A_2985, %swap3A_2986] {strides = array<i32>} : memref<16x16xf32, #tpu.memory_space<vmem>>, vector<16xf32>,
      tpu.vector_store %arg12[%swap3A_2985, %swap3A_2986], %gather3A_2983 {strides = array<i32>} : memref<16x16xf32, #tpu.memory_space<vmem>>, vector<16xf32>,
      %slice3A_2988 = vector.extract_strided_slice %get3A_1805 {offsets = [10], sizes = [1], strides = [1]} : vector<16xi32> to vector<1xi32>
      %squeeze3A_2989 = vector.extract %slice3A_2988[0] : i32 from vector<1xi32>
      %and3A_2990 = arith.constant 127 : i32
      %and3A_2991 = arith.andi %squeeze3A_2989, %and3A_2990 : i32
      %broadcast_in_dim3A_2992 = vector.broadcast %and3A_2991 : i32 to vector<16xi32>
      %slice3A_2993 = vector.extract_strided_slice %get3A_1809 {offsets = [10], sizes = [1], strides = [1]} : vector<16xi32> to vector<1xi32>
      %squeeze3A_2994 = vector.extract %slice3A_2993[0] : i32 from vector<1xi32>
      %and3A_2995 = arith.constant 127 : i32
      %and3A_2996 = arith.andi %squeeze3A_2994, %and3A_2995 : i32
      %broadcast_in_dim3A_2997 = vector.broadcast %and3A_2996 : i32 to vector<16xi32>
      %gather3A_2998 = arith.constant 1 : i32
      %gather3A_2999 = arith.constant 2 : i32
      %gather3A_3000 = arith.constant 0 : i32
      %gather3A_3001 = arith.constant 0 : i32
      %gather3A_3002 = tpu.memref_slice %arg9[%gather3A_2998, %gather3A_2999, %gather3A_3000, %gather3A_3001] : memref<2x8x16x128xf32, #tpu.memory_space<vmem>> -> memref<1x1x16x128xf32, #tpu.memory_space<vmem>>
      %gather3A_3003 = tpu.memref_squeeze %gather3A_3002 : memref<1x1x16x128xf32, #tpu.memory_space<vmem>> -> memref<16x128xf32, #tpu.memory_space<vmem>>
      %gather3A_3004 = tpu.vector_load_idx %gather3A_3003[%iota3A, %broadcast_in_dim3A_2992] : memref<16x128xf32, #tpu.memory_space<vmem>>[vector<16xi32>, vector<16xi32>], vector<16xf32>,
      %swap3A_3005 = arith.constant 10 : i32
      %swap3A_3006 = arith.index_cast %swap3A_3005 : i32 to index
      %swap3A_3007 = arith.constant 0 : index
      %swap3A_3008 = tpu.vector_load %arg11[%swap3A_3006, %swap3A_3007] {strides = array<i32>} : memref<16x16xf32, #tpu.memory_space<vmem>>, vector<16xf32>,
      tpu.vector_store %arg11[%swap3A_3006, %swap3A_3007], %gather3A_3004 {strides = array<i32>} : memref<16x16xf32, #tpu.memory_space<vmem>>, vector<16xf32>,
      %gather3A_3009 = arith.constant 1 : i32
      %gather3A_3010 = arith.constant 2 : i32
      %gather3A_3011 = arith.constant 0 : i32
      %gather3A_3012 = arith.constant 0 : i32
      %gather3A_3013 = tpu.memref_slice %arg10[%gather3A_3009, %gather3A_3010, %gather3A_3011, %gather3A_3012] : memref<2x8x16x128xf32, #tpu.memory_space<vmem>> -> memref<1x1x16x128xf32, #tpu.memory_space<vmem>>
      %gather3A_3014 = tpu.memref_squeeze %gather3A_3013 : memref<1x1x16x128xf32, #tpu.memory_space<vmem>> -> memref<16x128xf32, #tpu.memory_space<vmem>>
      %gather3A_3015 = tpu.vector_load_idx %gather3A_3014[%iota3A, %broadcast_in_dim3A_2997] : memref<16x128xf32, #tpu.memory_space<vmem>>[vector<16xi32>, vector<16xi32>], vector<16xf32>,
      %swap3A_3016 = arith.constant 10 : i32
      %swap3A_3017 = arith.index_cast %swap3A_3016 : i32 to index
      %swap3A_3018 = arith.constant 0 : index
      %swap3A_3019 = tpu.vector_load %arg12[%swap3A_3017, %swap3A_3018] {strides = array<i32>} : memref<16x16xf32, #tpu.memory_space<vmem>>, vector<16xf32>,
      tpu.vector_store %arg12[%swap3A_3017, %swap3A_3018], %gather3A_3015 {strides = array<i32>} : memref<16x16xf32, #tpu.memory_space<vmem>>, vector<16xf32>,
      %slice3A_3020 = vector.extract_strided_slice %get3A_1805 {offsets = [11], sizes = [1], strides = [1]} : vector<16xi32> to vector<1xi32>
      %squeeze3A_3021 = vector.extract %slice3A_3020[0] : i32 from vector<1xi32>
      %and3A_3022 = arith.constant 127 : i32
      %and3A_3023 = arith.andi %squeeze3A_3021, %and3A_3022 : i32
      %broadcast_in_dim3A_3024 = vector.broadcast %and3A_3023 : i32 to vector<16xi32>
      %slice3A_3025 = vector.extract_strided_slice %get3A_1809 {offsets = [11], sizes = [1], strides = [1]} : vector<16xi32> to vector<1xi32>
      %squeeze3A_3026 = vector.extract %slice3A_3025[0] : i32 from vector<1xi32>
      %and3A_3027 = arith.constant 127 : i32
      %and3A_3028 = arith.andi %squeeze3A_3026, %and3A_3027 : i32
      %broadcast_in_dim3A_3029 = vector.broadcast %and3A_3028 : i32 to vector<16xi32>
      %gather3A_3030 = arith.constant 1 : i32
      %gather3A_3031 = arith.constant 3 : i32
      %gather3A_3032 = arith.constant 0 : i32
      %gather3A_3033 = arith.constant 0 : i32
      %gather3A_3034 = tpu.memref_slice %arg9[%gather3A_3030, %gather3A_3031, %gather3A_3032, %gather3A_3033] : memref<2x8x16x128xf32, #tpu.memory_space<vmem>> -> memref<1x1x16x128xf32, #tpu.memory_space<vmem>>
      %gather3A_3035 = tpu.memref_squeeze %gather3A_3034 : memref<1x1x16x128xf32, #tpu.memory_space<vmem>> -> memref<16x128xf32, #tpu.memory_space<vmem>>
      %gather3A_3036 = tpu.vector_load_idx %gather3A_3035[%iota3A, %broadcast_in_dim3A_3024] : memref<16x128xf32, #tpu.memory_space<vmem>>[vector<16xi32>, vector<16xi32>], vector<16xf32>,
      %swap3A_3037 = arith.constant 11 : i32
      %swap3A_3038 = arith.index_cast %swap3A_3037 : i32 to index
      %swap3A_3039 = arith.constant 0 : index
      %swap3A_3040 = tpu.vector_load %arg11[%swap3A_3038, %swap3A_3039] {strides = array<i32>} : memref<16x16xf32, #tpu.memory_space<vmem>>, vector<16xf32>,
      tpu.vector_store %arg11[%swap3A_3038, %swap3A_3039], %gather3A_3036 {strides = array<i32>} : memref<16x16xf32, #tpu.memory_space<vmem>>, vector<16xf32>,
      %gather3A_3041 = arith.constant 1 : i32
      %gather3A_3042 = arith.constant 3 : i32
      %gather3A_3043 = arith.constant 0 : i32
      %gather3A_3044 = arith.constant 0 : i32
      %gather3A_3045 = tpu.memref_slice %arg10[%gather3A_3041, %gather3A_3042, %gather3A_3043, %gather3A_3044] : memref<2x8x16x128xf32, #tpu.memory_space<vmem>> -> memref<1x1x16x128xf32, #tpu.memory_space<vmem>>
      %gather3A_3046 = tpu.memref_squeeze %gather3A_3045 : memref<1x1x16x128xf32, #tpu.memory_space<vmem>> -> memref<16x128xf32, #tpu.memory_space<vmem>>
      %gather3A_3047 = tpu.vector_load_idx %gather3A_3046[%iota3A, %broadcast_in_dim3A_3029] : memref<16x128xf32, #tpu.memory_space<vmem>>[vector<16xi32>, vector<16xi32>], vector<16xf32>,
      %swap3A_3048 = arith.constant 11 : i32
      %swap3A_3049 = arith.index_cast %swap3A_3048 : i32 to index
      %swap3A_3050 = arith.constant 0 : index
      %swap3A_3051 = tpu.vector_load %arg12[%swap3A_3049, %swap3A_3050] {strides = array<i32>} : memref<16x16xf32, #tpu.memory_space<vmem>>, vector<16xf32>,
      tpu.vector_store %arg12[%swap3A_3049, %swap3A_3050], %gather3A_3047 {strides = array<i32>} : memref<16x16xf32, #tpu.memory_space<vmem>>, vector<16xf32>,
      %slice3A_3052 = vector.extract_strided_slice %get3A_1805 {offsets = [12], sizes = [1], strides = [1]} : vector<16xi32> to vector<1xi32>
      %squeeze3A_3053 = vector.extract %slice3A_3052[0] : i32 from vector<1xi32>
      %and3A_3054 = arith.constant 127 : i32
      %and3A_3055 = arith.andi %squeeze3A_3053, %and3A_3054 : i32
      %broadcast_in_dim3A_3056 = vector.broadcast %and3A_3055 : i32 to vector<16xi32>
      %slice3A_3057 = vector.extract_strided_slice %get3A_1809 {offsets = [12], sizes = [1], strides = [1]} : vector<16xi32> to vector<1xi32>
      %squeeze3A_3058 = vector.extract %slice3A_3057[0] : i32 from vector<1xi32>
      %and3A_3059 = arith.constant 127 : i32
      %and3A_3060 = arith.andi %squeeze3A_3058, %and3A_3059 : i32
      %broadcast_in_dim3A_3061 = vector.broadcast %and3A_3060 : i32 to vector<16xi32>
      %gather3A_3062 = arith.constant 1 : i32
      %gather3A_3063 = arith.constant 4 : i32
      %gather3A_3064 = arith.constant 0 : i32
      %gather3A_3065 = arith.constant 0 : i32
      %gather3A_3066 = tpu.memref_slice %arg9[%gather3A_3062, %gather3A_3063, %gather3A_3064, %gather3A_3065] : memref<2x8x16x128xf32, #tpu.memory_space<vmem>> -> memref<1x1x16x128xf32, #tpu.memory_space<vmem>>
      %gather3A_3067 = tpu.memref_squeeze %gather3A_3066 : memref<1x1x16x128xf32, #tpu.memory_space<vmem>> -> memref<16x128xf32, #tpu.memory_space<vmem>>
      %gather3A_3068 = tpu.vector_load_idx %gather3A_3067[%iota3A, %broadcast_in_dim3A_3056] : memref<16x128xf32, #tpu.memory_space<vmem>>[vector<16xi32>, vector<16xi32>], vector<16xf32>,
      %swap3A_3069 = arith.constant 12 : i32
      %swap3A_3070 = arith.index_cast %swap3A_3069 : i32 to index
      %swap3A_3071 = arith.constant 0 : index
      %swap3A_3072 = tpu.vector_load %arg11[%swap3A_3070, %swap3A_3071] {strides = array<i32>} : memref<16x16xf32, #tpu.memory_space<vmem>>, vector<16xf32>,
      tpu.vector_store %arg11[%swap3A_3070, %swap3A_3071], %gather3A_3068 {strides = array<i32>} : memref<16x16xf32, #tpu.memory_space<vmem>>, vector<16xf32>,
      %gather3A_3073 = arith.constant 1 : i32
      %gather3A_3074 = arith.constant 4 : i32
      %gather3A_3075 = arith.constant 0 : i32
      %gather3A_3076 = arith.constant 0 : i32
      %gather3A_3077 = tpu.memref_slice %arg10[%gather3A_3073, %gather3A_3074, %gather3A_3075, %gather3A_3076] : memref<2x8x16x128xf32, #tpu.memory_space<vmem>> -> memref<1x1x16x128xf32, #tpu.memory_space<vmem>>
      %gather3A_3078 = tpu.memref_squeeze %gather3A_3077 : memref<1x1x16x128xf32, #tpu.memory_space<vmem>> -> memref<16x128xf32, #tpu.memory_space<vmem>>
      %gather3A_3079 = tpu.vector_load_idx %gather3A_3078[%iota3A, %broadcast_in_dim3A_3061] : memref<16x128xf32, #tpu.memory_space<vmem>>[vector<16xi32>, vector<16xi32>], vector<16xf32>,
      %swap3A_3080 = arith.constant 12 : i32
      %swap3A_3081 = arith.index_cast %swap3A_3080 : i32 to index
      %swap3A_3082 = arith.constant 0 : index
      %swap3A_3083 = tpu.vector_load %arg12[%swap3A_3081, %swap3A_3082] {strides = array<i32>} : memref<16x16xf32, #tpu.memory_space<vmem>>, vector<16xf32>,
      tpu.vector_store %arg12[%swap3A_3081, %swap3A_3082], %gather3A_3079 {strides = array<i32>} : memref<16x16xf32, #tpu.memory_space<vmem>>, vector<16xf32>,
      %slice3A_3084 = vector.extract_strided_slice %get3A_1805 {offsets = [13], sizes = [1], strides = [1]} : vector<16xi32> to vector<1xi32>
      %squeeze3A_3085 = vector.extract %slice3A_3084[0] : i32 from vector<1xi32>
      %and3A_3086 = arith.constant 127 : i32
      %and3A_3087 = arith.andi %squeeze3A_3085, %and3A_3086 : i32
      %broadcast_in_dim3A_3088 = vector.broadcast %and3A_3087 : i32 to vector<16xi32>
      %slice3A_3089 = vector.extract_strided_slice %get3A_1809 {offsets = [13], sizes = [1], strides = [1]} : vector<16xi32> to vector<1xi32>
      %squeeze3A_3090 = vector.extract %slice3A_3089[0] : i32 from vector<1xi32>
      %and3A_3091 = arith.constant 127 : i32
      %and3A_3092 = arith.andi %squeeze3A_3090, %and3A_3091 : i32
      %broadcast_in_dim3A_3093 = vector.broadcast %and3A_3092 : i32 to vector<16xi32>
      %gather3A_3094 = arith.constant 1 : i32
      %gather3A_3095 = arith.constant 5 : i32
      %gather3A_3096 = arith.constant 0 : i32
      %gather3A_3097 = arith.constant 0 : i32
      %gather3A_3098 = tpu.memref_slice %arg9[%gather3A_3094, %gather3A_3095, %gather3A_3096, %gather3A_3097] : memref<2x8x16x128xf32, #tpu.memory_space<vmem>> -> memref<1x1x16x128xf32, #tpu.memory_space<vmem>>
      %gather3A_3099 = tpu.memref_squeeze %gather3A_3098 : memref<1x1x16x128xf32, #tpu.memory_space<vmem>> -> memref<16x128xf32, #tpu.memory_space<vmem>>
      %gather3A_3100 = tpu.vector_load_idx %gather3A_3099[%iota3A, %broadcast_in_dim3A_3088] : memref<16x128xf32, #tpu.memory_space<vmem>>[vector<16xi32>, vector<16xi32>], vector<16xf32>,
      %swap3A_3101 = arith.constant 13 : i32
      %swap3A_3102 = arith.index_cast %swap3A_3101 : i32 to index
      %swap3A_3103 = arith.constant 0 : index
      %swap3A_3104 = tpu.vector_load %arg11[%swap3A_3102, %swap3A_3103] {strides = array<i32>} : memref<16x16xf32, #tpu.memory_space<vmem>>, vector<16xf32>,
      tpu.vector_store %arg11[%swap3A_3102, %swap3A_3103], %gather3A_3100 {strides = array<i32>} : memref<16x16xf32, #tpu.memory_space<vmem>>, vector<16xf32>,
      %gather3A_3105 = arith.constant 1 : i32
      %gather3A_3106 = arith.constant 5 : i32
      %gather3A_3107 = arith.constant 0 : i32
      %gather3A_3108 = arith.constant 0 : i32
      %gather3A_3109 = tpu.memref_slice %arg10[%gather3A_3105, %gather3A_3106, %gather3A_3107, %gather3A_3108] : memref<2x8x16x128xf32, #tpu.memory_space<vmem>> -> memref<1x1x16x128xf32, #tpu.memory_space<vmem>>
      %gather3A_3110 = tpu.memref_squeeze %gather3A_3109 : memref<1x1x16x128xf32, #tpu.memory_space<vmem>> -> memref<16x128xf32, #tpu.memory_space<vmem>>
      %gather3A_3111 = tpu.vector_load_idx %gather3A_3110[%iota3A, %broadcast_in_dim3A_3093] : memref<16x128xf32, #tpu.memory_space<vmem>>[vector<16xi32>, vector<16xi32>], vector<16xf32>,
      %swap3A_3112 = arith.constant 13 : i32
      %swap3A_3113 = arith.index_cast %swap3A_3112 : i32 to index
      %swap3A_3114 = arith.constant 0 : index
      %swap3A_3115 = tpu.vector_load %arg12[%swap3A_3113, %swap3A_3114] {strides = array<i32>} : memref<16x16xf32, #tpu.memory_space<vmem>>, vector<16xf32>,
      tpu.vector_store %arg12[%swap3A_3113, %swap3A_3114], %gather3A_3111 {strides = array<i32>} : memref<16x16xf32, #tpu.memory_space<vmem>>, vector<16xf32>,
      %slice3A_3116 = vector.extract_strided_slice %get3A_1805 {offsets = [14], sizes = [1], strides = [1]} : vector<16xi32> to vector<1xi32>
      %squeeze3A_3117 = vector.extract %slice3A_3116[0] : i32 from vector<1xi32>
      %and3A_3118 = arith.constant 127 : i32
      %and3A_3119 = arith.andi %squeeze3A_3117, %and3A_3118 : i32
      %broadcast_in_dim3A_3120 = vector.broadcast %and3A_3119 : i32 to vector<16xi32>
      %slice3A_3121 = vector.extract_strided_slice %get3A_1809 {offsets = [14], sizes = [1], strides = [1]} : vector<16xi32> to vector<1xi32>
      %squeeze3A_3122 = vector.extract %slice3A_3121[0] : i32 from vector<1xi32>
      %and3A_3123 = arith.constant 127 : i32
      %and3A_3124 = arith.andi %squeeze3A_3122, %and3A_3123 : i32
      %broadcast_in_dim3A_3125 = vector.broadcast %and3A_3124 : i32 to vector<16xi32>
      %gather3A_3126 = arith.constant 1 : i32
      %gather3A_3127 = arith.constant 6 : i32
      %gather3A_3128 = arith.constant 0 : i32
      %gather3A_3129 = arith.constant 0 : i32
      %gather3A_3130 = tpu.memref_slice %arg9[%gather3A_3126, %gather3A_3127, %gather3A_3128, %gather3A_3129] : memref<2x8x16x128xf32, #tpu.memory_space<vmem>> -> memref<1x1x16x128xf32, #tpu.memory_space<vmem>>
      %gather3A_3131 = tpu.memref_squeeze %gather3A_3130 : memref<1x1x16x128xf32, #tpu.memory_space<vmem>> -> memref<16x128xf32, #tpu.memory_space<vmem>>
      %gather3A_3132 = tpu.vector_load_idx %gather3A_3131[%iota3A, %broadcast_in_dim3A_3120] : memref<16x128xf32, #tpu.memory_space<vmem>>[vector<16xi32>, vector<16xi32>], vector<16xf32>,
      %swap3A_3133 = arith.constant 14 : i32
      %swap3A_3134 = arith.index_cast %swap3A_3133 : i32 to index
      %swap3A_3135 = arith.constant 0 : index
      %swap3A_3136 = tpu.vector_load %arg11[%swap3A_3134, %swap3A_3135] {strides = array<i32>} : memref<16x16xf32, #tpu.memory_space<vmem>>, vector<16xf32>,
      tpu.vector_store %arg11[%swap3A_3134, %swap3A_3135], %gather3A_3132 {strides = array<i32>} : memref<16x16xf32, #tpu.memory_space<vmem>>, vector<16xf32>,
      %gather3A_3137 = arith.constant 1 : i32
      %gather3A_3138 = arith.constant 6 : i32
      %gather3A_3139 = arith.constant 0 : i32
      %gather3A_3140 = arith.constant 0 : i32
      %gather3A_3141 = tpu.memref_slice %arg10[%gather3A_3137, %gather3A_3138, %gather3A_3139, %gather3A_3140] : memref<2x8x16x128xf32, #tpu.memory_space<vmem>> -> memref<1x1x16x128xf32, #tpu.memory_space<vmem>>
      %gather3A_3142 = tpu.memref_squeeze %gather3A_3141 : memref<1x1x16x128xf32, #tpu.memory_space<vmem>> -> memref<16x128xf32, #tpu.memory_space<vmem>>
      %gather3A_3143 = tpu.vector_load_idx %gather3A_3142[%iota3A, %broadcast_in_dim3A_3125] : memref<16x128xf32, #tpu.memory_space<vmem>>[vector<16xi32>, vector<16xi32>], vector<16xf32>,
      %swap3A_3144 = arith.constant 14 : i32
      %swap3A_3145 = arith.index_cast %swap3A_3144 : i32 to index
      %swap3A_3146 = arith.constant 0 : index
      %swap3A_3147 = tpu.vector_load %arg12[%swap3A_3145, %swap3A_3146] {strides = array<i32>} : memref<16x16xf32, #tpu.memory_space<vmem>>, vector<16xf32>,
      tpu.vector_store %arg12[%swap3A_3145, %swap3A_3146], %gather3A_3143 {strides = array<i32>} : memref<16x16xf32, #tpu.memory_space<vmem>>, vector<16xf32>,
      %slice3A_3148 = vector.extract_strided_slice %get3A_1805 {offsets = [15], sizes = [1], strides = [1]} : vector<16xi32> to vector<1xi32>
      %squeeze3A_3149 = vector.extract %slice3A_3148[0] : i32 from vector<1xi32>
      %and3A_3150 = arith.constant 127 : i32
      %and3A_3151 = arith.andi %squeeze3A_3149, %and3A_3150 : i32
      %broadcast_in_dim3A_3152 = vector.broadcast %and3A_3151 : i32 to vector<16xi32>
      %slice3A_3153 = vector.extract_strided_slice %get3A_1809 {offsets = [15], sizes = [1], strides = [1]} : vector<16xi32> to vector<1xi32>
      %squeeze3A_3154 = vector.extract %slice3A_3153[0] : i32 from vector<1xi32>
      %and3A_3155 = arith.constant 127 : i32
      %and3A_3156 = arith.andi %squeeze3A_3154, %and3A_3155 : i32
      %broadcast_in_dim3A_3157 = vector.broadcast %and3A_3156 : i32 to vector<16xi32>
      %gather3A_3158 = arith.constant 1 : i32
      %gather3A_3159 = arith.constant 7 : i32
      %gather3A_3160 = arith.constant 0 : i32
      %gather3A_3161 = arith.constant 0 : i32
      %gather3A_3162 = tpu.memref_slice %arg9[%gather3A_3158, %gather3A_3159, %gather3A_3160, %gather3A_3161] : memref<2x8x16x128xf32, #tpu.memory_space<vmem>> -> memref<1x1x16x128xf32, #tpu.memory_space<vmem>>
      %gather3A_3163 = tpu.memref_squeeze %gather3A_3162 : memref<1x1x16x128xf32, #tpu.memory_space<vmem>> -> memref<16x128xf32, #tpu.memory_space<vmem>>
      %gather3A_3164 = tpu.vector_load_idx %gather3A_3163[%iota3A, %broadcast_in_dim3A_3152] : memref<16x128xf32, #tpu.memory_space<vmem>>[vector<16xi32>, vector<16xi32>], vector<16xf32>,
      %swap3A_3165 = arith.constant 15 : i32
      %swap3A_3166 = arith.index_cast %swap3A_3165 : i32 to index
      %swap3A_3167 = arith.constant 0 : index
      %swap3A_3168 = tpu.vector_load %arg11[%swap3A_3166, %swap3A_3167] {strides = array<i32>} : memref<16x16xf32, #tpu.memory_space<vmem>>, vector<16xf32>,
      tpu.vector_store %arg11[%swap3A_3166, %swap3A_3167], %gather3A_3164 {strides = array<i32>} : memref<16x16xf32, #tpu.memory_space<vmem>>, vector<16xf32>,
      %gather3A_3169 = arith.constant 1 : i32
      %gather3A_3170 = arith.constant 7 : i32
      %gather3A_3171 = arith.constant 0 : i32
      %gather3A_3172 = arith.constant 0 : i32
      %gather3A_3173 = tpu.memref_slice %arg10[%gather3A_3169, %gather3A_3170, %gather3A_3171, %gather3A_3172] : memref<2x8x16x128xf32, #tpu.memory_space<vmem>> -> memref<1x1x16x128xf32, #tpu.memory_space<vmem>>
      %gather3A_3174 = tpu.memref_squeeze %gather3A_3173 : memref<1x1x16x128xf32, #tpu.memory_space<vmem>> -> memref<16x128xf32, #tpu.memory_space<vmem>>
      %gather3A_3175 = tpu.vector_load_idx %gather3A_3174[%iota3A, %broadcast_in_dim3A_3157] : memref<16x128xf32, #tpu.memory_space<vmem>>[vector<16xi32>, vector<16xi32>], vector<16xf32>,
      %swap3A_3176 = arith.constant 15 : i32
      %swap3A_3177 = arith.index_cast %swap3A_3176 : i32 to index
      %swap3A_3178 = arith.constant 0 : index
      %swap3A_3179 = tpu.vector_load %arg12[%swap3A_3177, %swap3A_3178] {strides = array<i32>} : memref<16x16xf32, #tpu.memory_space<vmem>>, vector<16xf32>,
      tpu.vector_store %arg12[%swap3A_3177, %swap3A_3178], %gather3A_3175 {strides = array<i32>} : memref<16x16xf32, #tpu.memory_space<vmem>>, vector<16xf32>,
      %slice3A_3180 = vector.extract_strided_slice %get3A_1815 {offsets = [8], sizes = [1], strides = [1]} : vector<16xi32> to vector<1xi32>
      %squeeze3A_3181 = vector.extract %slice3A_3180[0] : i32 from vector<1xi32>
      %shift_right_arithmetic3A_3182 = arith.constant 7 : i32
      %shift_right_arithmetic3A_3183 = arith.shrsi %squeeze3A_3181, %shift_right_arithmetic3A_3182 : i32
      %mul3A_3184 = arith.constant 128 : i32
      %mul3A_3185 = arith.muli %shift_right_arithmetic3A_3183, %mul3A_3184 : i32
      %multiple_of3A_3186 = tpu.assume_multiple %mul3A_3185, 128 : i32
      %slice3A_3187 = vector.extract_strided_slice %get3A_1819 {offsets = [8], sizes = [1], strides = [1]} : vector<16xi32> to vector<1xi32>
      %squeeze3A_3188 = vector.extract %slice3A_3187[0] : i32 from vector<1xi32>
      %shift_right_arithmetic3A_3189 = arith.constant 7 : i32
      %shift_right_arithmetic3A_3190 = arith.shrsi %squeeze3A_3188, %shift_right_arithmetic3A_3189 : i32
      %mul3A_3191 = arith.constant 128 : i32
      %mul3A_3192 = arith.muli %shift_right_arithmetic3A_3190, %mul3A_3191 : i32
      %multiple_of3A_3193 = tpu.assume_multiple %mul3A_3192, 128 : i32
      %dma_start3A_3194 = arith.constant 1 : i32
      %dma_start3A_3195 = arith.constant 0 : i32
      %dma_start3A_3196 = arith.constant 0 : i32
      %dma_start3A_3197 = arith.constant 0 : i32
      %dma_start3A_3198 = tpu.memref_slice %arg9[%dma_start3A_3194, %dma_start3A_3195, %dma_start3A_3196, %dma_start3A_3197] : memref<2x8x16x128xf32, #tpu.memory_space<vmem>> -> memref<1x1x16x128xf32, #tpu.memory_space<vmem>>
      %dma_start3A_3199 = tpu.memref_squeeze %dma_start3A_3198 : memref<1x1x16x128xf32, #tpu.memory_space<vmem>> -> memref<16x128xf32, #tpu.memory_space<vmem>>
      %dma_start3A_3200 = arith.constant 0 : i32
      %dma_start3A_3201 = tpu.memref_slice %arg4[%dma_start3A_3200, %multiple_of3A_3186] : memref<16x1000000xf32, #tpu.memory_space<hbm>> -> memref<16x128xf32, #tpu.memory_space<hbm>>
      %dma_start3A_3202 = arith.constant 0 : i32
      %dma_start3A_3203 = arith.constant 0 : i32
      %dma_start3A_3204 = tpu.memref_slice %arg9[%dma_start3A_3194, %dma_start3A_3195, %dma_start3A_3202, %dma_start3A_3203] : memref<2x8x16x128xf32, #tpu.memory_space<vmem>> -> memref<1x1x16x128xf32, #tpu.memory_space<vmem>>
      %dma_start3A_3205 = tpu.memref_squeeze %dma_start3A_3204 : memref<1x1x16x128xf32, #tpu.memory_space<vmem>> -> memref<16x128xf32, #tpu.memory_space<vmem>>
      %dma_start3A_3206 = arith.constant 0 : i32
      %dma_start3A_3207 = tpu.memref_slice %arg4[%dma_start3A_3206, %multiple_of3A_3186] : memref<16x1000000xf32, #tpu.memory_space<hbm>> -> memref<16x128xf32, #tpu.memory_space<hbm>>
      tpu.enqueue_dma source(%dma_start3A_3207 : memref<16x128xf32, #tpu.memory_space<hbm>>) target(%dma_start3A_3205 : memref<16x128xf32, #tpu.memory_space<vmem>>) target_semaphore(%arg15 : memref<!tpu.dma_semaphore, #tpu.memory_space<semaphore_mem>>)
      %dma_start3A_3208 = arith.constant 1 : i32
      %dma_start3A_3209 = arith.constant 0 : i32
      %dma_start3A_3210 = arith.constant 0 : i32
      %dma_start3A_3211 = arith.constant 0 : i32
      %dma_start3A_3212 = tpu.memref_slice %arg10[%dma_start3A_3208, %dma_start3A_3209, %dma_start3A_3210, %dma_start3A_3211] : memref<2x8x16x128xf32, #tpu.memory_space<vmem>> -> memref<1x1x16x128xf32, #tpu.memory_space<vmem>>
      %dma_start3A_3213 = tpu.memref_squeeze %dma_start3A_3212 : memref<1x1x16x128xf32, #tpu.memory_space<vmem>> -> memref<16x128xf32, #tpu.memory_space<vmem>>
      %dma_start3A_3214 = arith.constant 0 : i32
      %dma_start3A_3215 = tpu.memref_slice %arg5[%dma_start3A_3214, %multiple_of3A_3193] : memref<16x1000000xf32, #tpu.memory_space<hbm>> -> memref<16x128xf32, #tpu.memory_space<hbm>>
      %dma_start3A_3216 = arith.constant 0 : i32
      %dma_start3A_3217 = arith.constant 0 : i32
      %dma_start3A_3218 = tpu.memref_slice %arg10[%dma_start3A_3208, %dma_start3A_3209, %dma_start3A_3216, %dma_start3A_3217] : memref<2x8x16x128xf32, #tpu.memory_space<vmem>> -> memref<1x1x16x128xf32, #tpu.memory_space<vmem>>
      %dma_start3A_3219 = tpu.memref_squeeze %dma_start3A_3218 : memref<1x1x16x128xf32, #tpu.memory_space<vmem>> -> memref<16x128xf32, #tpu.memory_space<vmem>>
      %dma_start3A_3220 = arith.constant 0 : i32
      %dma_start3A_3221 = tpu.memref_slice %arg5[%dma_start3A_3220, %multiple_of3A_3193] : memref<16x1000000xf32, #tpu.memory_space<hbm>> -> memref<16x128xf32, #tpu.memory_space<hbm>>
      tpu.enqueue_dma source(%dma_start3A_3221 : memref<16x128xf32, #tpu.memory_space<hbm>>) target(%dma_start3A_3219 : memref<16x128xf32, #tpu.memory_space<vmem>>) target_semaphore(%arg15 : memref<!tpu.dma_semaphore, #tpu.memory_space<semaphore_mem>>)
      %slice3A_3222 = vector.extract_strided_slice %get3A_1815 {offsets = [9], sizes = [1], strides = [1]} : vector<16xi32> to vector<1xi32>
      %squeeze3A_3223 = vector.extract %slice3A_3222[0] : i32 from vector<1xi32>
      %shift_right_arithmetic3A_3224 = arith.constant 7 : i32
      %shift_right_arithmetic3A_3225 = arith.shrsi %squeeze3A_3223, %shift_right_arithmetic3A_3224 : i32
      %mul3A_3226 = arith.constant 128 : i32
      %mul3A_3227 = arith.muli %shift_right_arithmetic3A_3225, %mul3A_3226 : i32
      %multiple_of3A_3228 = tpu.assume_multiple %mul3A_3227, 128 : i32
      %slice3A_3229 = vector.extract_strided_slice %get3A_1819 {offsets = [9], sizes = [1], strides = [1]} : vector<16xi32> to vector<1xi32>
      %squeeze3A_3230 = vector.extract %slice3A_3229[0] : i32 from vector<1xi32>
      %shift_right_arithmetic3A_3231 = arith.constant 7 : i32
      %shift_right_arithmetic3A_3232 = arith.shrsi %squeeze3A_3230, %shift_right_arithmetic3A_3231 : i32
      %mul3A_3233 = arith.constant 128 : i32
      %mul3A_3234 = arith.muli %shift_right_arithmetic3A_3232, %mul3A_3233 : i32
      %multiple_of3A_3235 = tpu.assume_multiple %mul3A_3234, 128 : i32
      %dma_start3A_3236 = arith.constant 1 : i32
      %dma_start3A_3237 = arith.constant 1 : i32
      %dma_start3A_3238 = arith.constant 0 : i32
      %dma_start3A_3239 = arith.constant 0 : i32
      %dma_start3A_3240 = tpu.memref_slice %arg9[%dma_start3A_3236, %dma_start3A_3237, %dma_start3A_3238, %dma_start3A_3239] : memref<2x8x16x128xf32, #tpu.memory_space<vmem>> -> memref<1x1x16x128xf32, #tpu.memory_space<vmem>>
      %dma_start3A_3241 = tpu.memref_squeeze %dma_start3A_3240 : memref<1x1x16x128xf32, #tpu.memory_space<vmem>> -> memref<16x128xf32, #tpu.memory_space<vmem>>
      %dma_start3A_3242 = arith.constant 0 : i32
      %dma_start3A_3243 = tpu.memref_slice %arg4[%dma_start3A_3242, %multiple_of3A_3228] : memref<16x1000000xf32, #tpu.memory_space<hbm>> -> memref<16x128xf32, #tpu.memory_space<hbm>>
      %dma_start3A_3244 = arith.constant 0 : i32
      %dma_start3A_3245 = arith.constant 0 : i32
      %dma_start3A_3246 = tpu.memref_slice %arg9[%dma_start3A_3236, %dma_start3A_3237, %dma_start3A_3244, %dma_start3A_3245] : memref<2x8x16x128xf32, #tpu.memory_space<vmem>> -> memref<1x1x16x128xf32, #tpu.memory_space<vmem>>
      %dma_start3A_3247 = tpu.memref_squeeze %dma_start3A_3246 : memref<1x1x16x128xf32, #tpu.memory_space<vmem>> -> memref<16x128xf32, #tpu.memory_space<vmem>>
      %dma_start3A_3248 = arith.constant 0 : i32
      %dma_start3A_3249 = tpu.memref_slice %arg4[%dma_start3A_3248, %multiple_of3A_3228] : memref<16x1000000xf32, #tpu.memory_space<hbm>> -> memref<16x128xf32, #tpu.memory_space<hbm>>
      tpu.enqueue_dma source(%dma_start3A_3249 : memref<16x128xf32, #tpu.memory_space<hbm>>) target(%dma_start3A_3247 : memref<16x128xf32, #tpu.memory_space<vmem>>) target_semaphore(%arg15 : memref<!tpu.dma_semaphore, #tpu.memory_space<semaphore_mem>>)
      %dma_start3A_3250 = arith.constant 1 : i32
      %dma_start3A_3251 = arith.constant 1 : i32
      %dma_start3A_3252 = arith.constant 0 : i32
      %dma_start3A_3253 = arith.constant 0 : i32
      %dma_start3A_3254 = tpu.memref_slice %arg10[%dma_start3A_3250, %dma_start3A_3251, %dma_start3A_3252, %dma_start3A_3253] : memref<2x8x16x128xf32, #tpu.memory_space<vmem>> -> memref<1x1x16x128xf32, #tpu.memory_space<vmem>>
      %dma_start3A_3255 = tpu.memref_squeeze %dma_start3A_3254 : memref<1x1x16x128xf32, #tpu.memory_space<vmem>> -> memref<16x128xf32, #tpu.memory_space<vmem>>
      %dma_start3A_3256 = arith.constant 0 : i32
      %dma_start3A_3257 = tpu.memref_slice %arg5[%dma_start3A_3256, %multiple_of3A_3235] : memref<16x1000000xf32, #tpu.memory_space<hbm>> -> memref<16x128xf32, #tpu.memory_space<hbm>>
      %dma_start3A_3258 = arith.constant 0 : i32
      %dma_start3A_3259 = arith.constant 0 : i32
      %dma_start3A_3260 = tpu.memref_slice %arg10[%dma_start3A_3250, %dma_start3A_3251, %dma_start3A_3258, %dma_start3A_3259] : memref<2x8x16x128xf32, #tpu.memory_space<vmem>> -> memref<1x1x16x128xf32, #tpu.memory_space<vmem>>
      %dma_start3A_3261 = tpu.memref_squeeze %dma_start3A_3260 : memref<1x1x16x128xf32, #tpu.memory_space<vmem>> -> memref<16x128xf32, #tpu.memory_space<vmem>>
      %dma_start3A_3262 = arith.constant 0 : i32
      %dma_start3A_3263 = tpu.memref_slice %arg5[%dma_start3A_3262, %multiple_of3A_3235] : memref<16x1000000xf32, #tpu.memory_space<hbm>> -> memref<16x128xf32, #tpu.memory_space<hbm>>
      tpu.enqueue_dma source(%dma_start3A_3263 : memref<16x128xf32, #tpu.memory_space<hbm>>) target(%dma_start3A_3261 : memref<16x128xf32, #tpu.memory_space<vmem>>) target_semaphore(%arg15 : memref<!tpu.dma_semaphore, #tpu.memory_space<semaphore_mem>>)
      %slice3A_3264 = vector.extract_strided_slice %get3A_1815 {offsets = [10], sizes = [1], strides = [1]} : vector<16xi32> to vector<1xi32>
      %squeeze3A_3265 = vector.extract %slice3A_3264[0] : i32 from vector<1xi32>
      %shift_right_arithmetic3A_3266 = arith.constant 7 : i32
      %shift_right_arithmetic3A_3267 = arith.shrsi %squeeze3A_3265, %shift_right_arithmetic3A_3266 : i32
      %mul3A_3268 = arith.constant 128 : i32
      %mul3A_3269 = arith.muli %shift_right_arithmetic3A_3267, %mul3A_3268 : i32
      %multiple_of3A_3270 = tpu.assume_multiple %mul3A_3269, 128 : i32
      %slice3A_3271 = vector.extract_strided_slice %get3A_1819 {offsets = [10], sizes = [1], strides = [1]} : vector<16xi32> to vector<1xi32>
      %squeeze3A_3272 = vector.extract %slice3A_3271[0] : i32 from vector<1xi32>
      %shift_right_arithmetic3A_3273 = arith.constant 7 : i32
      %shift_right_arithmetic3A_3274 = arith.shrsi %squeeze3A_3272, %shift_right_arithmetic3A_3273 : i32
      %mul3A_3275 = arith.constant 128 : i32
      %mul3A_3276 = arith.muli %shift_right_arithmetic3A_3274, %mul3A_3275 : i32
      %multiple_of3A_3277 = tpu.assume_multiple %mul3A_3276, 128 : i32
      %dma_start3A_3278 = arith.constant 1 : i32
      %dma_start3A_3279 = arith.constant 2 : i32
      %dma_start3A_3280 = arith.constant 0 : i32
      %dma_start3A_3281 = arith.constant 0 : i32
      %dma_start3A_3282 = tpu.memref_slice %arg9[%dma_start3A_3278, %dma_start3A_3279, %dma_start3A_3280, %dma_start3A_3281] : memref<2x8x16x128xf32, #tpu.memory_space<vmem>> -> memref<1x1x16x128xf32, #tpu.memory_space<vmem>>
      %dma_start3A_3283 = tpu.memref_squeeze %dma_start3A_3282 : memref<1x1x16x128xf32, #tpu.memory_space<vmem>> -> memref<16x128xf32, #tpu.memory_space<vmem>>
      %dma_start3A_3284 = arith.constant 0 : i32
      %dma_start3A_3285 = tpu.memref_slice %arg4[%dma_start3A_3284, %multiple_of3A_3270] : memref<16x1000000xf32, #tpu.memory_space<hbm>> -> memref<16x128xf32, #tpu.memory_space<hbm>>
      %dma_start3A_3286 = arith.constant 0 : i32
      %dma_start3A_3287 = arith.constant 0 : i32
      %dma_start3A_3288 = tpu.memref_slice %arg9[%dma_start3A_3278, %dma_start3A_3279, %dma_start3A_3286, %dma_start3A_3287] : memref<2x8x16x128xf32, #tpu.memory_space<vmem>> -> memref<1x1x16x128xf32, #tpu.memory_space<vmem>>
      %dma_start3A_3289 = tpu.memref_squeeze %dma_start3A_3288 : memref<1x1x16x128xf32, #tpu.memory_space<vmem>> -> memref<16x128xf32, #tpu.memory_space<vmem>>
      %dma_start3A_3290 = arith.constant 0 : i32
      %dma_start3A_3291 = tpu.memref_slice %arg4[%dma_start3A_3290, %multiple_of3A_3270] : memref<16x1000000xf32, #tpu.memory_space<hbm>> -> memref<16x128xf32, #tpu.memory_space<hbm>>
      tpu.enqueue_dma source(%dma_start3A_3291 : memref<16x128xf32, #tpu.memory_space<hbm>>) target(%dma_start3A_3289 : memref<16x128xf32, #tpu.memory_space<vmem>>) target_semaphore(%arg15 : memref<!tpu.dma_semaphore, #tpu.memory_space<semaphore_mem>>)
      %dma_start3A_3292 = arith.constant 1 : i32
      %dma_start3A_3293 = arith.constant 2 : i32
      %dma_start3A_3294 = arith.constant 0 : i32
      %dma_start3A_3295 = arith.constant 0 : i32
      %dma_start3A_3296 = tpu.memref_slice %arg10[%dma_start3A_3292, %dma_start3A_3293, %dma_start3A_3294, %dma_start3A_3295] : memref<2x8x16x128xf32, #tpu.memory_space<vmem>> -> memref<1x1x16x128xf32, #tpu.memory_space<vmem>>
      %dma_start3A_3297 = tpu.memref_squeeze %dma_start3A_3296 : memref<1x1x16x128xf32, #tpu.memory_space<vmem>> -> memref<16x128xf32, #tpu.memory_space<vmem>>
      %dma_start3A_3298 = arith.constant 0 : i32
      %dma_start3A_3299 = tpu.memref_slice %arg5[%dma_start3A_3298, %multiple_of3A_3277] : memref<16x1000000xf32, #tpu.memory_space<hbm>> -> memref<16x128xf32, #tpu.memory_space<hbm>>
      %dma_start3A_3300 = arith.constant 0 : i32
      %dma_start3A_3301 = arith.constant 0 : i32
      %dma_start3A_3302 = tpu.memref_slice %arg10[%dma_start3A_3292, %dma_start3A_3293, %dma_start3A_3300, %dma_start3A_3301] : memref<2x8x16x128xf32, #tpu.memory_space<vmem>> -> memref<1x1x16x128xf32, #tpu.memory_space<vmem>>
      %dma_start3A_3303 = tpu.memref_squeeze %dma_start3A_3302 : memref<1x1x16x128xf32, #tpu.memory_space<vmem>> -> memref<16x128xf32, #tpu.memory_space<vmem>>
      %dma_start3A_3304 = arith.constant 0 : i32
      %dma_start3A_3305 = tpu.memref_slice %arg5[%dma_start3A_3304, %multiple_of3A_3277] : memref<16x1000000xf32, #tpu.memory_space<hbm>> -> memref<16x128xf32, #tpu.memory_space<hbm>>
      tpu.enqueue_dma source(%dma_start3A_3305 : memref<16x128xf32, #tpu.memory_space<hbm>>) target(%dma_start3A_3303 : memref<16x128xf32, #tpu.memory_space<vmem>>) target_semaphore(%arg15 : memref<!tpu.dma_semaphore, #tpu.memory_space<semaphore_mem>>)
      %slice3A_3306 = vector.extract_strided_slice %get3A_1815 {offsets = [11], sizes = [1], strides = [1]} : vector<16xi32> to vector<1xi32>
      %squeeze3A_3307 = vector.extract %slice3A_3306[0] : i32 from vector<1xi32>
      %shift_right_arithmetic3A_3308 = arith.constant 7 : i32
      %shift_right_arithmetic3A_3309 = arith.shrsi %squeeze3A_3307, %shift_right_arithmetic3A_3308 : i32
      %mul3A_3310 = arith.constant 128 : i32
      %mul3A_3311 = arith.muli %shift_right_arithmetic3A_3309, %mul3A_3310 : i32
      %multiple_of3A_3312 = tpu.assume_multiple %mul3A_3311, 128 : i32
      %slice3A_3313 = vector.extract_strided_slice %get3A_1819 {offsets = [11], sizes = [1], strides = [1]} : vector<16xi32> to vector<1xi32>
      %squeeze3A_3314 = vector.extract %slice3A_3313[0] : i32 from vector<1xi32>
      %shift_right_arithmetic3A_3315 = arith.constant 7 : i32
      %shift_right_arithmetic3A_3316 = arith.shrsi %squeeze3A_3314, %shift_right_arithmetic3A_3315 : i32
      %mul3A_3317 = arith.constant 128 : i32
      %mul3A_3318 = arith.muli %shift_right_arithmetic3A_3316, %mul3A_3317 : i32
      %multiple_of3A_3319 = tpu.assume_multiple %mul3A_3318, 128 : i32
      %dma_start3A_3320 = arith.constant 1 : i32
      %dma_start3A_3321 = arith.constant 3 : i32
      %dma_start3A_3322 = arith.constant 0 : i32
      %dma_start3A_3323 = arith.constant 0 : i32
      %dma_start3A_3324 = tpu.memref_slice %arg9[%dma_start3A_3320, %dma_start3A_3321, %dma_start3A_3322, %dma_start3A_3323] : memref<2x8x16x128xf32, #tpu.memory_space<vmem>> -> memref<1x1x16x128xf32, #tpu.memory_space<vmem>>
      %dma_start3A_3325 = tpu.memref_squeeze %dma_start3A_3324 : memref<1x1x16x128xf32, #tpu.memory_space<vmem>> -> memref<16x128xf32, #tpu.memory_space<vmem>>
      %dma_start3A_3326 = arith.constant 0 : i32
      %dma_start3A_3327 = tpu.memref_slice %arg4[%dma_start3A_3326, %multiple_of3A_3312] : memref<16x1000000xf32, #tpu.memory_space<hbm>> -> memref<16x128xf32, #tpu.memory_space<hbm>>
      %dma_start3A_3328 = arith.constant 0 : i32
      %dma_start3A_3329 = arith.constant 0 : i32
      %dma_start3A_3330 = tpu.memref_slice %arg9[%dma_start3A_3320, %dma_start3A_3321, %dma_start3A_3328, %dma_start3A_3329] : memref<2x8x16x128xf32, #tpu.memory_space<vmem>> -> memref<1x1x16x128xf32, #tpu.memory_space<vmem>>
      %dma_start3A_3331 = tpu.memref_squeeze %dma_start3A_3330 : memref<1x1x16x128xf32, #tpu.memory_space<vmem>> -> memref<16x128xf32, #tpu.memory_space<vmem>>
      %dma_start3A_3332 = arith.constant 0 : i32
      %dma_start3A_3333 = tpu.memref_slice %arg4[%dma_start3A_3332, %multiple_of3A_3312] : memref<16x1000000xf32, #tpu.memory_space<hbm>> -> memref<16x128xf32, #tpu.memory_space<hbm>>
      tpu.enqueue_dma source(%dma_start3A_3333 : memref<16x128xf32, #tpu.memory_space<hbm>>) target(%dma_start3A_3331 : memref<16x128xf32, #tpu.memory_space<vmem>>) target_semaphore(%arg15 : memref<!tpu.dma_semaphore, #tpu.memory_space<semaphore_mem>>)
      %dma_start3A_3334 = arith.constant 1 : i32
      %dma_start3A_3335 = arith.constant 3 : i32
      %dma_start3A_3336 = arith.constant 0 : i32
      %dma_start3A_3337 = arith.constant 0 : i32
      %dma_start3A_3338 = tpu.memref_slice %arg10[%dma_start3A_3334, %dma_start3A_3335, %dma_start3A_3336, %dma_start3A_3337] : memref<2x8x16x128xf32, #tpu.memory_space<vmem>> -> memref<1x1x16x128xf32, #tpu.memory_space<vmem>>
      %dma_start3A_3339 = tpu.memref_squeeze %dma_start3A_3338 : memref<1x1x16x128xf32, #tpu.memory_space<vmem>> -> memref<16x128xf32, #tpu.memory_space<vmem>>
      %dma_start3A_3340 = arith.constant 0 : i32
      %dma_start3A_3341 = tpu.memref_slice %arg5[%dma_start3A_3340, %multiple_of3A_3319] : memref<16x1000000xf32, #tpu.memory_space<hbm>> -> memref<16x128xf32, #tpu.memory_space<hbm>>
      %dma_start3A_3342 = arith.constant 0 : i32
      %dma_start3A_3343 = arith.constant 0 : i32
      %dma_start3A_3344 = tpu.memref_slice %arg10[%dma_start3A_3334, %dma_start3A_3335, %dma_start3A_3342, %dma_start3A_3343] : memref<2x8x16x128xf32, #tpu.memory_space<vmem>> -> memref<1x1x16x128xf32, #tpu.memory_space<vmem>>
      %dma_start3A_3345 = tpu.memref_squeeze %dma_start3A_3344 : memref<1x1x16x128xf32, #tpu.memory_space<vmem>> -> memref<16x128xf32, #tpu.memory_space<vmem>>
      %dma_start3A_3346 = arith.constant 0 : i32
      %dma_start3A_3347 = tpu.memref_slice %arg5[%dma_start3A_3346, %multiple_of3A_3319] : memref<16x1000000xf32, #tpu.memory_space<hbm>> -> memref<16x128xf32, #tpu.memory_space<hbm>>
      tpu.enqueue_dma source(%dma_start3A_3347 : memref<16x128xf32, #tpu.memory_space<hbm>>) target(%dma_start3A_3345 : memref<16x128xf32, #tpu.memory_space<vmem>>) target_semaphore(%arg15 : memref<!tpu.dma_semaphore, #tpu.memory_space<semaphore_mem>>)
      %slice3A_3348 = vector.extract_strided_slice %get3A_1815 {offsets = [12], sizes = [1], strides = [1]} : vector<16xi32> to vector<1xi32>
      %squeeze3A_3349 = vector.extract %slice3A_3348[0] : i32 from vector<1xi32>
      %shift_right_arithmetic3A_3350 = arith.constant 7 : i32
      %shift_right_arithmetic3A_3351 = arith.shrsi %squeeze3A_3349, %shift_right_arithmetic3A_3350 : i32
      %mul3A_3352 = arith.constant 128 : i32
      %mul3A_3353 = arith.muli %shift_right_arithmetic3A_3351, %mul3A_3352 : i32
      %multiple_of3A_3354 = tpu.assume_multiple %mul3A_3353, 128 : i32
      %slice3A_3355 = vector.extract_strided_slice %get3A_1819 {offsets = [12], sizes = [1], strides = [1]} : vector<16xi32> to vector<1xi32>
      %squeeze3A_3356 = vector.extract %slice3A_3355[0] : i32 from vector<1xi32>
      %shift_right_arithmetic3A_3357 = arith.constant 7 : i32
      %shift_right_arithmetic3A_3358 = arith.shrsi %squeeze3A_3356, %shift_right_arithmetic3A_3357 : i32
      %mul3A_3359 = arith.constant 128 : i32
      %mul3A_3360 = arith.muli %shift_right_arithmetic3A_3358, %mul3A_3359 : i32
      %multiple_of3A_3361 = tpu.assume_multiple %mul3A_3360, 128 : i32
      %dma_start3A_3362 = arith.constant 1 : i32
      %dma_start3A_3363 = arith.constant 4 : i32
      %dma_start3A_3364 = arith.constant 0 : i32
      %dma_start3A_3365 = arith.constant 0 : i32
      %dma_start3A_3366 = tpu.memref_slice %arg9[%dma_start3A_3362, %dma_start3A_3363, %dma_start3A_3364, %dma_start3A_3365] : memref<2x8x16x128xf32, #tpu.memory_space<vmem>> -> memref<1x1x16x128xf32, #tpu.memory_space<vmem>>
      %dma_start3A_3367 = tpu.memref_squeeze %dma_start3A_3366 : memref<1x1x16x128xf32, #tpu.memory_space<vmem>> -> memref<16x128xf32, #tpu.memory_space<vmem>>
      %dma_start3A_3368 = arith.constant 0 : i32
      %dma_start3A_3369 = tpu.memref_slice %arg4[%dma_start3A_3368, %multiple_of3A_3354] : memref<16x1000000xf32, #tpu.memory_space<hbm>> -> memref<16x128xf32, #tpu.memory_space<hbm>>
      %dma_start3A_3370 = arith.constant 0 : i32
      %dma_start3A_3371 = arith.constant 0 : i32
      %dma_start3A_3372 = tpu.memref_slice %arg9[%dma_start3A_3362, %dma_start3A_3363, %dma_start3A_3370, %dma_start3A_3371] : memref<2x8x16x128xf32, #tpu.memory_space<vmem>> -> memref<1x1x16x128xf32, #tpu.memory_space<vmem>>
      %dma_start3A_3373 = tpu.memref_squeeze %dma_start3A_3372 : memref<1x1x16x128xf32, #tpu.memory_space<vmem>> -> memref<16x128xf32, #tpu.memory_space<vmem>>
      %dma_start3A_3374 = arith.constant 0 : i32
      %dma_start3A_3375 = tpu.memref_slice %arg4[%dma_start3A_3374, %multiple_of3A_3354] : memref<16x1000000xf32, #tpu.memory_space<hbm>> -> memref<16x128xf32, #tpu.memory_space<hbm>>
      tpu.enqueue_dma source(%dma_start3A_3375 : memref<16x128xf32, #tpu.memory_space<hbm>>) target(%dma_start3A_3373 : memref<16x128xf32, #tpu.memory_space<vmem>>) target_semaphore(%arg15 : memref<!tpu.dma_semaphore, #tpu.memory_space<semaphore_mem>>)
      %dma_start3A_3376 = arith.constant 1 : i32
      %dma_start3A_3377 = arith.constant 4 : i32
      %dma_start3A_3378 = arith.constant 0 : i32
      %dma_start3A_3379 = arith.constant 0 : i32
      %dma_start3A_3380 = tpu.memref_slice %arg10[%dma_start3A_3376, %dma_start3A_3377, %dma_start3A_3378, %dma_start3A_3379] : memref<2x8x16x128xf32, #tpu.memory_space<vmem>> -> memref<1x1x16x128xf32, #tpu.memory_space<vmem>>
      %dma_start3A_3381 = tpu.memref_squeeze %dma_start3A_3380 : memref<1x1x16x128xf32, #tpu.memory_space<vmem>> -> memref<16x128xf32, #tpu.memory_space<vmem>>
      %dma_start3A_3382 = arith.constant 0 : i32
      %dma_start3A_3383 = tpu.memref_slice %arg5[%dma_start3A_3382, %multiple_of3A_3361] : memref<16x1000000xf32, #tpu.memory_space<hbm>> -> memref<16x128xf32, #tpu.memory_space<hbm>>
      %dma_start3A_3384 = arith.constant 0 : i32
      %dma_start3A_3385 = arith.constant 0 : i32
      %dma_start3A_3386 = tpu.memref_slice %arg10[%dma_start3A_3376, %dma_start3A_3377, %dma_start3A_3384, %dma_start3A_3385] : memref<2x8x16x128xf32, #tpu.memory_space<vmem>> -> memref<1x1x16x128xf32, #tpu.memory_space<vmem>>
      %dma_start3A_3387 = tpu.memref_squeeze %dma_start3A_3386 : memref<1x1x16x128xf32, #tpu.memory_space<vmem>> -> memref<16x128xf32, #tpu.memory_space<vmem>>
      %dma_start3A_3388 = arith.constant 0 : i32
      %dma_start3A_3389 = tpu.memref_slice %arg5[%dma_start3A_3388, %multiple_of3A_3361] : memref<16x1000000xf32, #tpu.memory_space<hbm>> -> memref<16x128xf32, #tpu.memory_space<hbm>>
      tpu.enqueue_dma source(%dma_start3A_3389 : memref<16x128xf32, #tpu.memory_space<hbm>>) target(%dma_start3A_3387 : memref<16x128xf32, #tpu.memory_space<vmem>>) target_semaphore(%arg15 : memref<!tpu.dma_semaphore, #tpu.memory_space<semaphore_mem>>)
      %slice3A_3390 = vector.extract_strided_slice %get3A_1815 {offsets = [13], sizes = [1], strides = [1]} : vector<16xi32> to vector<1xi32>
      %squeeze3A_3391 = vector.extract %slice3A_3390[0] : i32 from vector<1xi32>
      %shift_right_arithmetic3A_3392 = arith.constant 7 : i32
      %shift_right_arithmetic3A_3393 = arith.shrsi %squeeze3A_3391, %shift_right_arithmetic3A_3392 : i32
      %mul3A_3394 = arith.constant 128 : i32
      %mul3A_3395 = arith.muli %shift_right_arithmetic3A_3393, %mul3A_3394 : i32
      %multiple_of3A_3396 = tpu.assume_multiple %mul3A_3395, 128 : i32
      %slice3A_3397 = vector.extract_strided_slice %get3A_1819 {offsets = [13], sizes = [1], strides = [1]} : vector<16xi32> to vector<1xi32>
      %squeeze3A_3398 = vector.extract %slice3A_3397[0] : i32 from vector<1xi32>
      %shift_right_arithmetic3A_3399 = arith.constant 7 : i32
      %shift_right_arithmetic3A_3400 = arith.shrsi %squeeze3A_3398, %shift_right_arithmetic3A_3399 : i32
      %mul3A_3401 = arith.constant 128 : i32
      %mul3A_3402 = arith.muli %shift_right_arithmetic3A_3400, %mul3A_3401 : i32
      %multiple_of3A_3403 = tpu.assume_multiple %mul3A_3402, 128 : i32
      %dma_start3A_3404 = arith.constant 1 : i32
      %dma_start3A_3405 = arith.constant 5 : i32
      %dma_start3A_3406 = arith.constant 0 : i32
      %dma_start3A_3407 = arith.constant 0 : i32
      %dma_start3A_3408 = tpu.memref_slice %arg9[%dma_start3A_3404, %dma_start3A_3405, %dma_start3A_3406, %dma_start3A_3407] : memref<2x8x16x128xf32, #tpu.memory_space<vmem>> -> memref<1x1x16x128xf32, #tpu.memory_space<vmem>>
      %dma_start3A_3409 = tpu.memref_squeeze %dma_start3A_3408 : memref<1x1x16x128xf32, #tpu.memory_space<vmem>> -> memref<16x128xf32, #tpu.memory_space<vmem>>
      %dma_start3A_3410 = arith.constant 0 : i32
      %dma_start3A_3411 = tpu.memref_slice %arg4[%dma_start3A_3410, %multiple_of3A_3396] : memref<16x1000000xf32, #tpu.memory_space<hbm>> -> memref<16x128xf32, #tpu.memory_space<hbm>>
      %dma_start3A_3412 = arith.constant 0 : i32
      %dma_start3A_3413 = arith.constant 0 : i32
      %dma_start3A_3414 = tpu.memref_slice %arg9[%dma_start3A_3404, %dma_start3A_3405, %dma_start3A_3412, %dma_start3A_3413] : memref<2x8x16x128xf32, #tpu.memory_space<vmem>> -> memref<1x1x16x128xf32, #tpu.memory_space<vmem>>
      %dma_start3A_3415 = tpu.memref_squeeze %dma_start3A_3414 : memref<1x1x16x128xf32, #tpu.memory_space<vmem>> -> memref<16x128xf32, #tpu.memory_space<vmem>>
      %dma_start3A_3416 = arith.constant 0 : i32
      %dma_start3A_3417 = tpu.memref_slice %arg4[%dma_start3A_3416, %multiple_of3A_3396] : memref<16x1000000xf32, #tpu.memory_space<hbm>> -> memref<16x128xf32, #tpu.memory_space<hbm>>
      tpu.enqueue_dma source(%dma_start3A_3417 : memref<16x128xf32, #tpu.memory_space<hbm>>) target(%dma_start3A_3415 : memref<16x128xf32, #tpu.memory_space<vmem>>) target_semaphore(%arg15 : memref<!tpu.dma_semaphore, #tpu.memory_space<semaphore_mem>>)
      %dma_start3A_3418 = arith.constant 1 : i32
      %dma_start3A_3419 = arith.constant 5 : i32
      %dma_start3A_3420 = arith.constant 0 : i32
      %dma_start3A_3421 = arith.constant 0 : i32
      %dma_start3A_3422 = tpu.memref_slice %arg10[%dma_start3A_3418, %dma_start3A_3419, %dma_start3A_3420, %dma_start3A_3421] : memref<2x8x16x128xf32, #tpu.memory_space<vmem>> -> memref<1x1x16x128xf32, #tpu.memory_space<vmem>>
      %dma_start3A_3423 = tpu.memref_squeeze %dma_start3A_3422 : memref<1x1x16x128xf32, #tpu.memory_space<vmem>> -> memref<16x128xf32, #tpu.memory_space<vmem>>
      %dma_start3A_3424 = arith.constant 0 : i32
      %dma_start3A_3425 = tpu.memref_slice %arg5[%dma_start3A_3424, %multiple_of3A_3403] : memref<16x1000000xf32, #tpu.memory_space<hbm>> -> memref<16x128xf32, #tpu.memory_space<hbm>>
      %dma_start3A_3426 = arith.constant 0 : i32
      %dma_start3A_3427 = arith.constant 0 : i32
      %dma_start3A_3428 = tpu.memref_slice %arg10[%dma_start3A_3418, %dma_start3A_3419, %dma_start3A_3426, %dma_start3A_3427] : memref<2x8x16x128xf32, #tpu.memory_space<vmem>> -> memref<1x1x16x128xf32, #tpu.memory_space<vmem>>
      %dma_start3A_3429 = tpu.memref_squeeze %dma_start3A_3428 : memref<1x1x16x128xf32, #tpu.memory_space<vmem>> -> memref<16x128xf32, #tpu.memory_space<vmem>>
      %dma_start3A_3430 = arith.constant 0 : i32
      %dma_start3A_3431 = tpu.memref_slice %arg5[%dma_start3A_3430, %multiple_of3A_3403] : memref<16x1000000xf32, #tpu.memory_space<hbm>> -> memref<16x128xf32, #tpu.memory_space<hbm>>
      tpu.enqueue_dma source(%dma_start3A_3431 : memref<16x128xf32, #tpu.memory_space<hbm>>) target(%dma_start3A_3429 : memref<16x128xf32, #tpu.memory_space<vmem>>) target_semaphore(%arg15 : memref<!tpu.dma_semaphore, #tpu.memory_space<semaphore_mem>>)
      %slice3A_3432 = vector.extract_strided_slice %get3A_1815 {offsets = [14], sizes = [1], strides = [1]} : vector<16xi32> to vector<1xi32>
      %squeeze3A_3433 = vector.extract %slice3A_3432[0] : i32 from vector<1xi32>
      %shift_right_arithmetic3A_3434 = arith.constant 7 : i32
      %shift_right_arithmetic3A_3435 = arith.shrsi %squeeze3A_3433, %shift_right_arithmetic3A_3434 : i32
      %mul3A_3436 = arith.constant 128 : i32
      %mul3A_3437 = arith.muli %shift_right_arithmetic3A_3435, %mul3A_3436 : i32
      %multiple_of3A_3438 = tpu.assume_multiple %mul3A_3437, 128 : i32
      %slice3A_3439 = vector.extract_strided_slice %get3A_1819 {offsets = [14], sizes = [1], strides = [1]} : vector<16xi32> to vector<1xi32>
      %squeeze3A_3440 = vector.extract %slice3A_3439[0] : i32 from vector<1xi32>
      %shift_right_arithmetic3A_3441 = arith.constant 7 : i32
      %shift_right_arithmetic3A_3442 = arith.shrsi %squeeze3A_3440, %shift_right_arithmetic3A_3441 : i32
      %mul3A_3443 = arith.constant 128 : i32
      %mul3A_3444 = arith.muli %shift_right_arithmetic3A_3442, %mul3A_3443 : i32
      %multiple_of3A_3445 = tpu.assume_multiple %mul3A_3444, 128 : i32
      %dma_start3A_3446 = arith.constant 1 : i32
      %dma_start3A_3447 = arith.constant 6 : i32
      %dma_start3A_3448 = arith.constant 0 : i32
      %dma_start3A_3449 = arith.constant 0 : i32
      %dma_start3A_3450 = tpu.memref_slice %arg9[%dma_start3A_3446, %dma_start3A_3447, %dma_start3A_3448, %dma_start3A_3449] : memref<2x8x16x128xf32, #tpu.memory_space<vmem>> -> memref<1x1x16x128xf32, #tpu.memory_space<vmem>>
      %dma_start3A_3451 = tpu.memref_squeeze %dma_start3A_3450 : memref<1x1x16x128xf32, #tpu.memory_space<vmem>> -> memref<16x128xf32, #tpu.memory_space<vmem>>
      %dma_start3A_3452 = arith.constant 0 : i32
      %dma_start3A_3453 = tpu.memref_slice %arg4[%dma_start3A_3452, %multiple_of3A_3438] : memref<16x1000000xf32, #tpu.memory_space<hbm>> -> memref<16x128xf32, #tpu.memory_space<hbm>>
      %dma_start3A_3454 = arith.constant 0 : i32
      %dma_start3A_3455 = arith.constant 0 : i32
      %dma_start3A_3456 = tpu.memref_slice %arg9[%dma_start3A_3446, %dma_start3A_3447, %dma_start3A_3454, %dma_start3A_3455] : memref<2x8x16x128xf32, #tpu.memory_space<vmem>> -> memref<1x1x16x128xf32, #tpu.memory_space<vmem>>
      %dma_start3A_3457 = tpu.memref_squeeze %dma_start3A_3456 : memref<1x1x16x128xf32, #tpu.memory_space<vmem>> -> memref<16x128xf32, #tpu.memory_space<vmem>>
      %dma_start3A_3458 = arith.constant 0 : i32
      %dma_start3A_3459 = tpu.memref_slice %arg4[%dma_start3A_3458, %multiple_of3A_3438] : memref<16x1000000xf32, #tpu.memory_space<hbm>> -> memref<16x128xf32, #tpu.memory_space<hbm>>
      tpu.enqueue_dma source(%dma_start3A_3459 : memref<16x128xf32, #tpu.memory_space<hbm>>) target(%dma_start3A_3457 : memref<16x128xf32, #tpu.memory_space<vmem>>) target_semaphore(%arg15 : memref<!tpu.dma_semaphore, #tpu.memory_space<semaphore_mem>>)
      %dma_start3A_3460 = arith.constant 1 : i32
      %dma_start3A_3461 = arith.constant 6 : i32
      %dma_start3A_3462 = arith.constant 0 : i32
      %dma_start3A_3463 = arith.constant 0 : i32
      %dma_start3A_3464 = tpu.memref_slice %arg10[%dma_start3A_3460, %dma_start3A_3461, %dma_start3A_3462, %dma_start3A_3463] : memref<2x8x16x128xf32, #tpu.memory_space<vmem>> -> memref<1x1x16x128xf32, #tpu.memory_space<vmem>>
      %dma_start3A_3465 = tpu.memref_squeeze %dma_start3A_3464 : memref<1x1x16x128xf32, #tpu.memory_space<vmem>> -> memref<16x128xf32, #tpu.memory_space<vmem>>
      %dma_start3A_3466 = arith.constant 0 : i32
      %dma_start3A_3467 = tpu.memref_slice %arg5[%dma_start3A_3466, %multiple_of3A_3445] : memref<16x1000000xf32, #tpu.memory_space<hbm>> -> memref<16x128xf32, #tpu.memory_space<hbm>>
      %dma_start3A_3468 = arith.constant 0 : i32
      %dma_start3A_3469 = arith.constant 0 : i32
      %dma_start3A_3470 = tpu.memref_slice %arg10[%dma_start3A_3460, %dma_start3A_3461, %dma_start3A_3468, %dma_start3A_3469] : memref<2x8x16x128xf32, #tpu.memory_space<vmem>> -> memref<1x1x16x128xf32, #tpu.memory_space<vmem>>
      %dma_start3A_3471 = tpu.memref_squeeze %dma_start3A_3470 : memref<1x1x16x128xf32, #tpu.memory_space<vmem>> -> memref<16x128xf32, #tpu.memory_space<vmem>>
      %dma_start3A_3472 = arith.constant 0 : i32
      %dma_start3A_3473 = tpu.memref_slice %arg5[%dma_start3A_3472, %multiple_of3A_3445] : memref<16x1000000xf32, #tpu.memory_space<hbm>> -> memref<16x128xf32, #tpu.memory_space<hbm>>
      tpu.enqueue_dma source(%dma_start3A_3473 : memref<16x128xf32, #tpu.memory_space<hbm>>) target(%dma_start3A_3471 : memref<16x128xf32, #tpu.memory_space<vmem>>) target_semaphore(%arg15 : memref<!tpu.dma_semaphore, #tpu.memory_space<semaphore_mem>>)
      %slice3A_3474 = vector.extract_strided_slice %get3A_1815 {offsets = [15], sizes = [1], strides = [1]} : vector<16xi32> to vector<1xi32>
      %squeeze3A_3475 = vector.extract %slice3A_3474[0] : i32 from vector<1xi32>
      %shift_right_arithmetic3A_3476 = arith.constant 7 : i32
      %shift_right_arithmetic3A_3477 = arith.shrsi %squeeze3A_3475, %shift_right_arithmetic3A_3476 : i32
      %mul3A_3478 = arith.constant 128 : i32
      %mul3A_3479 = arith.muli %shift_right_arithmetic3A_3477, %mul3A_3478 : i32
      %multiple_of3A_3480 = tpu.assume_multiple %mul3A_3479, 128 : i32
      %slice3A_3481 = vector.extract_strided_slice %get3A_1819 {offsets = [15], sizes = [1], strides = [1]} : vector<16xi32> to vector<1xi32>
      %squeeze3A_3482 = vector.extract %slice3A_3481[0] : i32 from vector<1xi32>
      %shift_right_arithmetic3A_3483 = arith.constant 7 : i32
      %shift_right_arithmetic3A_3484 = arith.shrsi %squeeze3A_3482, %shift_right_arithmetic3A_3483 : i32
      %mul3A_3485 = arith.constant 128 : i32
      %mul3A_3486 = arith.muli %shift_right_arithmetic3A_3484, %mul3A_3485 : i32
      %multiple_of3A_3487 = tpu.assume_multiple %mul3A_3486, 128 : i32
      %dma_start3A_3488 = arith.constant 1 : i32
      %dma_start3A_3489 = arith.constant 7 : i32
      %dma_start3A_3490 = arith.constant 0 : i32
      %dma_start3A_3491 = arith.constant 0 : i32
      %dma_start3A_3492 = tpu.memref_slice %arg9[%dma_start3A_3488, %dma_start3A_3489, %dma_start3A_3490, %dma_start3A_3491] : memref<2x8x16x128xf32, #tpu.memory_space<vmem>> -> memref<1x1x16x128xf32, #tpu.memory_space<vmem>>
      %dma_start3A_3493 = tpu.memref_squeeze %dma_start3A_3492 : memref<1x1x16x128xf32, #tpu.memory_space<vmem>> -> memref<16x128xf32, #tpu.memory_space<vmem>>
      %dma_start3A_3494 = arith.constant 0 : i32
      %dma_start3A_3495 = tpu.memref_slice %arg4[%dma_start3A_3494, %multiple_of3A_3480] : memref<16x1000000xf32, #tpu.memory_space<hbm>> -> memref<16x128xf32, #tpu.memory_space<hbm>>
      %dma_start3A_3496 = arith.constant 0 : i32
      %dma_start3A_3497 = arith.constant 0 : i32
      %dma_start3A_3498 = tpu.memref_slice %arg9[%dma_start3A_3488, %dma_start3A_3489, %dma_start3A_3496, %dma_start3A_3497] : memref<2x8x16x128xf32, #tpu.memory_space<vmem>> -> memref<1x1x16x128xf32, #tpu.memory_space<vmem>>
      %dma_start3A_3499 = tpu.memref_squeeze %dma_start3A_3498 : memref<1x1x16x128xf32, #tpu.memory_space<vmem>> -> memref<16x128xf32, #tpu.memory_space<vmem>>
      %dma_start3A_3500 = arith.constant 0 : i32
      %dma_start3A_3501 = tpu.memref_slice %arg4[%dma_start3A_3500, %multiple_of3A_3480] : memref<16x1000000xf32, #tpu.memory_space<hbm>> -> memref<16x128xf32, #tpu.memory_space<hbm>>
      tpu.enqueue_dma source(%dma_start3A_3501 : memref<16x128xf32, #tpu.memory_space<hbm>>) target(%dma_start3A_3499 : memref<16x128xf32, #tpu.memory_space<vmem>>) target_semaphore(%arg15 : memref<!tpu.dma_semaphore, #tpu.memory_space<semaphore_mem>>)
      %dma_start3A_3502 = arith.constant 1 : i32
      %dma_start3A_3503 = arith.constant 7 : i32
      %dma_start3A_3504 = arith.constant 0 : i32
      %dma_start3A_3505 = arith.constant 0 : i32
      %dma_start3A_3506 = tpu.memref_slice %arg10[%dma_start3A_3502, %dma_start3A_3503, %dma_start3A_3504, %dma_start3A_3505] : memref<2x8x16x128xf32, #tpu.memory_space<vmem>> -> memref<1x1x16x128xf32, #tpu.memory_space<vmem>>
      %dma_start3A_3507 = tpu.memref_squeeze %dma_start3A_3506 : memref<1x1x16x128xf32, #tpu.memory_space<vmem>> -> memref<16x128xf32, #tpu.memory_space<vmem>>
      %dma_start3A_3508 = arith.constant 0 : i32
      %dma_start3A_3509 = tpu.memref_slice %arg5[%dma_start3A_3508, %multiple_of3A_3487] : memref<16x1000000xf32, #tpu.memory_space<hbm>> -> memref<16x128xf32, #tpu.memory_space<hbm>>
      %dma_start3A_3510 = arith.constant 0 : i32
      %dma_start3A_3511 = arith.constant 0 : i32
      %dma_start3A_3512 = tpu.memref_slice %arg10[%dma_start3A_3502, %dma_start3A_3503, %dma_start3A_3510, %dma_start3A_3511] : memref<2x8x16x128xf32, #tpu.memory_space<vmem>> -> memref<1x1x16x128xf32, #tpu.memory_space<vmem>>
      %dma_start3A_3513 = tpu.memref_squeeze %dma_start3A_3512 : memref<1x1x16x128xf32, #tpu.memory_space<vmem>> -> memref<16x128xf32, #tpu.memory_space<vmem>>
      %dma_start3A_3514 = arith.constant 0 : i32
      %dma_start3A_3515 = tpu.memref_slice %arg5[%dma_start3A_3514, %multiple_of3A_3487] : memref<16x1000000xf32, #tpu.memory_space<hbm>> -> memref<16x128xf32, #tpu.memory_space<hbm>>
      tpu.enqueue_dma source(%dma_start3A_3515 : memref<16x128xf32, #tpu.memory_space<hbm>>) target(%dma_start3A_3513 : memref<16x128xf32, #tpu.memory_space<vmem>>) target_semaphore(%arg15 : memref<!tpu.dma_semaphore, #tpu.memory_space<semaphore_mem>>)
      %broadcast_in_dim3A_3516 = arith.constant 0.000000e+00 : f32
      %broadcast_in_dim3A_3517 = vector.broadcast %broadcast_in_dim3A_3516 : f32 to vector<16xf32>
      %broadcast_in_dim3A_3518 = arith.constant 0 : i32
      %broadcast_in_dim3A_3519 = vector.broadcast %broadcast_in_dim3A_3518 : i32 to vector<16xi32>
      %gather3A_3520 = tpu.vector_load_idx %arg11[%iota3A, %broadcast_in_dim3A_3519] : memref<16x16xf32, #tpu.memory_space<vmem>>[vector<16xi32>, vector<16xi32>], vector<16xf32>,
      %gather3A_3521 = tpu.vector_load_idx %arg12[%iota3A, %broadcast_in_dim3A_3519] : memref<16x16xf32, #tpu.memory_space<vmem>>[vector<16xi32>, vector<16xi32>], vector<16xf32>,
      %mul3A_3522 = arith.mulf %gather3A_3520, %gather3A_3521 : vector<16xf32>
      %add3A_3523 = arith.addf %broadcast_in_dim3A_3517, %mul3A_3522 : vector<16xf32>
      %broadcast_in_dim3A_3524 = arith.constant 1 : i32
      %broadcast_in_dim3A_3525 = vector.broadcast %broadcast_in_dim3A_3524 : i32 to vector<16xi32>
      %gather3A_3526 = tpu.vector_load_idx %arg11[%iota3A, %broadcast_in_dim3A_3525] : memref<16x16xf32, #tpu.memory_space<vmem>>[vector<16xi32>, vector<16xi32>], vector<16xf32>,
      %gather3A_3527 = tpu.vector_load_idx %arg12[%iota3A, %broadcast_in_dim3A_3525] : memref<16x16xf32, #tpu.memory_space<vmem>>[vector<16xi32>, vector<16xi32>], vector<16xf32>,
      %mul3A_3528 = arith.mulf %gather3A_3526, %gather3A_3527 : vector<16xf32>
      %add3A_3529 = arith.addf %add3A_3523, %mul3A_3528 : vector<16xf32>
      %broadcast_in_dim3A_3530 = arith.constant 2 : i32
      %broadcast_in_dim3A_3531 = vector.broadcast %broadcast_in_dim3A_3530 : i32 to vector<16xi32>
      %gather3A_3532 = tpu.vector_load_idx %arg11[%iota3A, %broadcast_in_dim3A_3531] : memref<16x16xf32, #tpu.memory_space<vmem>>[vector<16xi32>, vector<16xi32>], vector<16xf32>,
      %gather3A_3533 = tpu.vector_load_idx %arg12[%iota3A, %broadcast_in_dim3A_3531] : memref<16x16xf32, #tpu.memory_space<vmem>>[vector<16xi32>, vector<16xi32>], vector<16xf32>,
      %mul3A_3534 = arith.mulf %gather3A_3532, %gather3A_3533 : vector<16xf32>
      %add3A_3535 = arith.addf %add3A_3529, %mul3A_3534 : vector<16xf32>
      %broadcast_in_dim3A_3536 = arith.constant 3 : i32
      %broadcast_in_dim3A_3537 = vector.broadcast %broadcast_in_dim3A_3536 : i32 to vector<16xi32>
      %gather3A_3538 = tpu.vector_load_idx %arg11[%iota3A, %broadcast_in_dim3A_3537] : memref<16x16xf32, #tpu.memory_space<vmem>>[vector<16xi32>, vector<16xi32>], vector<16xf32>,
      %gather3A_3539 = tpu.vector_load_idx %arg12[%iota3A, %broadcast_in_dim3A_3537] : memref<16x16xf32, #tpu.memory_space<vmem>>[vector<16xi32>, vector<16xi32>], vector<16xf32>,
      %mul3A_3540 = arith.mulf %gather3A_3538, %gather3A_3539 : vector<16xf32>
      %add3A_3541 = arith.addf %add3A_3535, %mul3A_3540 : vector<16xf32>
      %broadcast_in_dim3A_3542 = arith.constant 4 : i32
      %broadcast_in_dim3A_3543 = vector.broadcast %broadcast_in_dim3A_3542 : i32 to vector<16xi32>
      %gather3A_3544 = tpu.vector_load_idx %arg11[%iota3A, %broadcast_in_dim3A_3543] : memref<16x16xf32, #tpu.memory_space<vmem>>[vector<16xi32>, vector<16xi32>], vector<16xf32>,
      %gather3A_3545 = tpu.vector_load_idx %arg12[%iota3A, %broadcast_in_dim3A_3543] : memref<16x16xf32, #tpu.memory_space<vmem>>[vector<16xi32>, vector<16xi32>], vector<16xf32>,
      %mul3A_3546 = arith.mulf %gather3A_3544, %gather3A_3545 : vector<16xf32>
      %add3A_3547 = arith.addf %add3A_3541, %mul3A_3546 : vector<16xf32>
      %broadcast_in_dim3A_3548 = arith.constant 5 : i32
      %broadcast_in_dim3A_3549 = vector.broadcast %broadcast_in_dim3A_3548 : i32 to vector<16xi32>
      %gather3A_3550 = tpu.vector_load_idx %arg11[%iota3A, %broadcast_in_dim3A_3549] : memref<16x16xf32, #tpu.memory_space<vmem>>[vector<16xi32>, vector<16xi32>], vector<16xf32>,
      %gather3A_3551 = tpu.vector_load_idx %arg12[%iota3A, %broadcast_in_dim3A_3549] : memref<16x16xf32, #tpu.memory_space<vmem>>[vector<16xi32>, vector<16xi32>], vector<16xf32>,
      %mul3A_3552 = arith.mulf %gather3A_3550, %gather3A_3551 : vector<16xf32>
      %add3A_3553 = arith.addf %add3A_3547, %mul3A_3552 : vector<16xf32>
      %broadcast_in_dim3A_3554 = arith.constant 6 : i32
      %broadcast_in_dim3A_3555 = vector.broadcast %broadcast_in_dim3A_3554 : i32 to vector<16xi32>
      %gather3A_3556 = tpu.vector_load_idx %arg11[%iota3A, %broadcast_in_dim3A_3555] : memref<16x16xf32, #tpu.memory_space<vmem>>[vector<16xi32>, vector<16xi32>], vector<16xf32>,
      %gather3A_3557 = tpu.vector_load_idx %arg12[%iota3A, %broadcast_in_dim3A_3555] : memref<16x16xf32, #tpu.memory_space<vmem>>[vector<16xi32>, vector<16xi32>], vector<16xf32>,
      %mul3A_3558 = arith.mulf %gather3A_3556, %gather3A_3557 : vector<16xf32>
      %add3A_3559 = arith.addf %add3A_3553, %mul3A_3558 : vector<16xf32>
      %broadcast_in_dim3A_3560 = arith.constant 7 : i32
      %broadcast_in_dim3A_3561 = vector.broadcast %broadcast_in_dim3A_3560 : i32 to vector<16xi32>
      %gather3A_3562 = tpu.vector_load_idx %arg11[%iota3A, %broadcast_in_dim3A_3561] : memref<16x16xf32, #tpu.memory_space<vmem>>[vector<16xi32>, vector<16xi32>], vector<16xf32>,
      %gather3A_3563 = tpu.vector_load_idx %arg12[%iota3A, %broadcast_in_dim3A_3561] : memref<16x16xf32, #tpu.memory_space<vmem>>[vector<16xi32>, vector<16xi32>], vector<16xf32>,
      %mul3A_3564 = arith.mulf %gather3A_3562, %gather3A_3563 : vector<16xf32>
      %add3A_3565 = arith.addf %add3A_3559, %mul3A_3564 : vector<16xf32>
      %broadcast_in_dim3A_3566 = arith.constant 8 : i32
      %broadcast_in_dim3A_3567 = vector.broadcast %broadcast_in_dim3A_3566 : i32 to vector<16xi32>
      %gather3A_3568 = tpu.vector_load_idx %arg11[%iota3A, %broadcast_in_dim3A_3567] : memref<16x16xf32, #tpu.memory_space<vmem>>[vector<16xi32>, vector<16xi32>], vector<16xf32>,
      %gather3A_3569 = tpu.vector_load_idx %arg12[%iota3A, %broadcast_in_dim3A_3567] : memref<16x16xf32, #tpu.memory_space<vmem>>[vector<16xi32>, vector<16xi32>], vector<16xf32>,
      %mul3A_3570 = arith.mulf %gather3A_3568, %gather3A_3569 : vector<16xf32>
      %add3A_3571 = arith.addf %add3A_3565, %mul3A_3570 : vector<16xf32>
      %broadcast_in_dim3A_3572 = arith.constant 9 : i32
      %broadcast_in_dim3A_3573 = vector.broadcast %broadcast_in_dim3A_3572 : i32 to vector<16xi32>
      %gather3A_3574 = tpu.vector_load_idx %arg11[%iota3A, %broadcast_in_dim3A_3573] : memref<16x16xf32, #tpu.memory_space<vmem>>[vector<16xi32>, vector<16xi32>], vector<16xf32>,
      %gather3A_3575 = tpu.vector_load_idx %arg12[%iota3A, %broadcast_in_dim3A_3573] : memref<16x16xf32, #tpu.memory_space<vmem>>[vector<16xi32>, vector<16xi32>], vector<16xf32>,
      %mul3A_3576 = arith.mulf %gather3A_3574, %gather3A_3575 : vector<16xf32>
      %add3A_3577 = arith.addf %add3A_3571, %mul3A_3576 : vector<16xf32>
      %broadcast_in_dim3A_3578 = arith.constant 10 : i32
      %broadcast_in_dim3A_3579 = vector.broadcast %broadcast_in_dim3A_3578 : i32 to vector<16xi32>
      %gather3A_3580 = tpu.vector_load_idx %arg11[%iota3A, %broadcast_in_dim3A_3579] : memref<16x16xf32, #tpu.memory_space<vmem>>[vector<16xi32>, vector<16xi32>], vector<16xf32>,
      %gather3A_3581 = tpu.vector_load_idx %arg12[%iota3A, %broadcast_in_dim3A_3579] : memref<16x16xf32, #tpu.memory_space<vmem>>[vector<16xi32>, vector<16xi32>], vector<16xf32>,
      %mul3A_3582 = arith.mulf %gather3A_3580, %gather3A_3581 : vector<16xf32>
      %add3A_3583 = arith.addf %add3A_3577, %mul3A_3582 : vector<16xf32>
      %broadcast_in_dim3A_3584 = arith.constant 11 : i32
      %broadcast_in_dim3A_3585 = vector.broadcast %broadcast_in_dim3A_3584 : i32 to vector<16xi32>
      %gather3A_3586 = tpu.vector_load_idx %arg11[%iota3A, %broadcast_in_dim3A_3585] : memref<16x16xf32, #tpu.memory_space<vmem>>[vector<16xi32>, vector<16xi32>], vector<16xf32>,
      %gather3A_3587 = tpu.vector_load_idx %arg12[%iota3A, %broadcast_in_dim3A_3585] : memref<16x16xf32, #tpu.memory_space<vmem>>[vector<16xi32>, vector<16xi32>], vector<16xf32>,
      %mul3A_3588 = arith.mulf %gather3A_3586, %gather3A_3587 : vector<16xf32>
      %add3A_3589 = arith.addf %add3A_3583, %mul3A_3588 : vector<16xf32>
      %broadcast_in_dim3A_3590 = arith.constant 12 : i32
      %broadcast_in_dim3A_3591 = vector.broadcast %broadcast_in_dim3A_3590 : i32 to vector<16xi32>
      %gather3A_3592 = tpu.vector_load_idx %arg11[%iota3A, %broadcast_in_dim3A_3591] : memref<16x16xf32, #tpu.memory_space<vmem>>[vector<16xi32>, vector<16xi32>], vector<16xf32>,
      %gather3A_3593 = tpu.vector_load_idx %arg12[%iota3A, %broadcast_in_dim3A_3591] : memref<16x16xf32, #tpu.memory_space<vmem>>[vector<16xi32>, vector<16xi32>], vector<16xf32>,
      %mul3A_3594 = arith.mulf %gather3A_3592, %gather3A_3593 : vector<16xf32>
      %add3A_3595 = arith.addf %add3A_3589, %mul3A_3594 : vector<16xf32>
      %broadcast_in_dim3A_3596 = arith.constant 13 : i32
      %broadcast_in_dim3A_3597 = vector.broadcast %broadcast_in_dim3A_3596 : i32 to vector<16xi32>
      %gather3A_3598 = tpu.vector_load_idx %arg11[%iota3A, %broadcast_in_dim3A_3597] : memref<16x16xf32, #tpu.memory_space<vmem>>[vector<16xi32>, vector<16xi32>], vector<16xf32>,
      %gather3A_3599 = tpu.vector_load_idx %arg12[%iota3A, %broadcast_in_dim3A_3597] : memref<16x16xf32, #tpu.memory_space<vmem>>[vector<16xi32>, vector<16xi32>], vector<16xf32>,
      %mul3A_3600 = arith.mulf %gather3A_3598, %gather3A_3599 : vector<16xf32>
      %add3A_3601 = arith.addf %add3A_3595, %mul3A_3600 : vector<16xf32>
      %broadcast_in_dim3A_3602 = arith.constant 14 : i32
      %broadcast_in_dim3A_3603 = vector.broadcast %broadcast_in_dim3A_3602 : i32 to vector<16xi32>
      %gather3A_3604 = tpu.vector_load_idx %arg11[%iota3A, %broadcast_in_dim3A_3603] : memref<16x16xf32, #tpu.memory_space<vmem>>[vector<16xi32>, vector<16xi32>], vector<16xf32>,
      %gather3A_3605 = tpu.vector_load_idx %arg12[%iota3A, %broadcast_in_dim3A_3603] : memref<16x16xf32, #tpu.memory_space<vmem>>[vector<16xi32>, vector<16xi32>], vector<16xf32>,
      %mul3A_3606 = arith.mulf %gather3A_3604, %gather3A_3605 : vector<16xf32>
      %add3A_3607 = arith.addf %add3A_3601, %mul3A_3606 : vector<16xf32>
      %broadcast_in_dim3A_3608 = arith.constant 15 : i32
      %broadcast_in_dim3A_3609 = vector.broadcast %broadcast_in_dim3A_3608 : i32 to vector<16xi32>
      %gather3A_3610 = tpu.vector_load_idx %arg11[%iota3A, %broadcast_in_dim3A_3609] : memref<16x16xf32, #tpu.memory_space<vmem>>[vector<16xi32>, vector<16xi32>], vector<16xf32>,
      %gather3A_3611 = tpu.vector_load_idx %arg12[%iota3A, %broadcast_in_dim3A_3609] : memref<16x16xf32, #tpu.memory_space<vmem>>[vector<16xi32>, vector<16xi32>], vector<16xf32>,
      %mul3A_3612 = arith.mulf %gather3A_3610, %gather3A_3611 : vector<16xf32>
      %add3A_3613 = arith.addf %add3A_3607, %mul3A_3612 : vector<16xf32>
      %mul3A_3614 = arith.constant 16 : i32
      %mul3A_3615 = arith.muli %scan3A_1801, %mul3A_3614 : i32
      %swap3A_3616 = arith.index_cast %mul3A_3615 : i32 to index
      %swap3A_3617 = tpu.vector_load %arg13[%swap3A_3616] {strides = array<i32>} : memref<512xf32, #tpu.memory_space<vmem>>, vector<16xf32>,
      tpu.vector_store %arg13[%swap3A_3616], %add3A_3613 {strides = array<i32>} : memref<512xf32, #tpu.memory_space<vmem>>, vector<16xf32>,
    }
    %scan3A_675 = arith.constant 31 : i32
    %get3A_676 = arith.constant 496 : index
    %get3A_677 = tpu.vector_load %arg7[%get3A_676] {strides = array<i32>} : memref<512xi32, #tpu.memory_space<vmem>>, vector<16xi32>,
    %get3A_678 = arith.constant 496 : index
    %get3A_679 = tpu.vector_load %arg8[%get3A_678] {strides = array<i32>} : memref<512xi32, #tpu.memory_space<vmem>>, vector<16xi32>,
    %dma_wait3A = arith.constant 0 : i32
    %dma_wait3A_680 = arith.constant 0 : i32
    %dma_wait3A_681 = arith.constant 0 : i32
    %dma_wait3A_682 = arith.constant 0 : i32
    %dma_wait3A_683 = tpu.memref_slice %arg9[%dma_wait3A, %dma_wait3A_680, %dma_wait3A_681, %dma_wait3A_682] : memref<2x8x16x128xf32, #tpu.memory_space<vmem>> -> memref<1x1x16x128xf32, #tpu.memory_space<vmem>>
    %dma_wait3A_684 = tpu.memref_squeeze %dma_wait3A_683 : memref<1x1x16x128xf32, #tpu.memory_space<vmem>> -> memref<16x128xf32, #tpu.memory_space<vmem>>
    %dma_wait3A_685 = arith.constant 0 : i32
    %dma_wait3A_686 = arith.constant 0 : i32
    %dma_wait3A_687 = tpu.memref_slice %arg4[%dma_wait3A_685, %dma_wait3A_686] : memref<16x1000000xf32, #tpu.memory_space<hbm>> -> memref<16x128xf32, #tpu.memory_space<hbm>>
    %dma_wait3A_688 = arith.constant 0 : i32
    %dma_wait3A_689 = arith.constant 0 : i32
    %dma_wait3A_690 = tpu.memref_slice %arg9[%dma_wait3A, %dma_wait3A_680, %dma_wait3A_688, %dma_wait3A_689] : memref<2x8x16x128xf32, #tpu.memory_space<vmem>> -> memref<1x1x16x128xf32, #tpu.memory_space<vmem>>
    %dma_wait3A_691 = tpu.memref_squeeze %dma_wait3A_690 : memref<1x1x16x128xf32, #tpu.memory_space<vmem>> -> memref<16x128xf32, #tpu.memory_space<vmem>>
    %dma_wait3A_692 = arith.constant 0 : i32
    %dma_wait3A_693 = arith.constant 0 : i32
    %dma_wait3A_694 = tpu.memref_slice %arg4[%dma_wait3A_692, %dma_wait3A_693] : memref<16x1000000xf32, #tpu.memory_space<hbm>> -> memref<16x128xf32, #tpu.memory_space<hbm>>
    tpu.wait_dma2 semaphore(%arg14 : memref<!tpu.dma_semaphore, #tpu.memory_space<semaphore_mem>>) src(%dma_wait3A_694 : memref<16x128xf32, #tpu.memory_space<hbm>>) dst(%dma_wait3A_691 : memref<16x128xf32, #tpu.memory_space<vmem>>)
    %dma_wait3A_695 = arith.constant 0 : i32
    %dma_wait3A_696 = arith.constant 0 : i32
    %dma_wait3A_697 = arith.constant 0 : i32
    %dma_wait3A_698 = arith.constant 0 : i32
    %dma_wait3A_699 = tpu.memref_slice %arg10[%dma_wait3A_695, %dma_wait3A_696, %dma_wait3A_697, %dma_wait3A_698] : memref<2x8x16x128xf32, #tpu.memory_space<vmem>> -> memref<1x1x16x128xf32, #tpu.memory_space<vmem>>
    %dma_wait3A_700 = tpu.memref_squeeze %dma_wait3A_699 : memref<1x1x16x128xf32, #tpu.memory_space<vmem>> -> memref<16x128xf32, #tpu.memory_space<vmem>>
    %dma_wait3A_701 = arith.constant 0 : i32
    %dma_wait3A_702 = arith.constant 0 : i32
    %dma_wait3A_703 = tpu.memref_slice %arg5[%dma_wait3A_701, %dma_wait3A_702] : memref<16x1000000xf32, #tpu.memory_space<hbm>> -> memref<16x128xf32, #tpu.memory_space<hbm>>
    %dma_wait3A_704 = arith.constant 0 : i32
    %dma_wait3A_705 = arith.constant 0 : i32
    %dma_wait3A_706 = tpu.memref_slice %arg10[%dma_wait3A_695, %dma_wait3A_696, %dma_wait3A_704, %dma_wait3A_705] : memref<2x8x16x128xf32, #tpu.memory_space<vmem>> -> memref<1x1x16x128xf32, #tpu.memory_space<vmem>>
    %dma_wait3A_707 = tpu.memref_squeeze %dma_wait3A_706 : memref<1x1x16x128xf32, #tpu.memory_space<vmem>> -> memref<16x128xf32, #tpu.memory_space<vmem>>
    %dma_wait3A_708 = arith.constant 0 : i32
    %dma_wait3A_709 = arith.constant 0 : i32
    %dma_wait3A_710 = tpu.memref_slice %arg5[%dma_wait3A_708, %dma_wait3A_709] : memref<16x1000000xf32, #tpu.memory_space<hbm>> -> memref<16x128xf32, #tpu.memory_space<hbm>>
    tpu.wait_dma2 semaphore(%arg14 : memref<!tpu.dma_semaphore, #tpu.memory_space<semaphore_mem>>) src(%dma_wait3A_710 : memref<16x128xf32, #tpu.memory_space<hbm>>) dst(%dma_wait3A_707 : memref<16x128xf32, #tpu.memory_space<vmem>>)
    %dma_wait3A_711 = arith.constant 0 : i32
    %dma_wait3A_712 = arith.constant 1 : i32
    %dma_wait3A_713 = arith.constant 0 : i32
    %dma_wait3A_714 = arith.constant 0 : i32
    %dma_wait3A_715 = tpu.memref_slice %arg9[%dma_wait3A_711, %dma_wait3A_712, %dma_wait3A_713, %dma_wait3A_714] : memref<2x8x16x128xf32, #tpu.memory_space<vmem>> -> memref<1x1x16x128xf32, #tpu.memory_space<vmem>>
    %dma_wait3A_716 = tpu.memref_squeeze %dma_wait3A_715 : memref<1x1x16x128xf32, #tpu.memory_space<vmem>> -> memref<16x128xf32, #tpu.memory_space<vmem>>
    %dma_wait3A_717 = arith.constant 0 : i32
    %dma_wait3A_718 = arith.constant 0 : i32
    %dma_wait3A_719 = tpu.memref_slice %arg4[%dma_wait3A_717, %dma_wait3A_718] : memref<16x1000000xf32, #tpu.memory_space<hbm>> -> memref<16x128xf32, #tpu.memory_space<hbm>>
    %dma_wait3A_720 = arith.constant 0 : i32
    %dma_wait3A_721 = arith.constant 0 : i32
    %dma_wait3A_722 = tpu.memref_slice %arg9[%dma_wait3A_711, %dma_wait3A_712, %dma_wait3A_720, %dma_wait3A_721] : memref<2x8x16x128xf32, #tpu.memory_space<vmem>> -> memref<1x1x16x128xf32, #tpu.memory_space<vmem>>
    %dma_wait3A_723 = tpu.memref_squeeze %dma_wait3A_722 : memref<1x1x16x128xf32, #tpu.memory_space<vmem>> -> memref<16x128xf32, #tpu.memory_space<vmem>>
    %dma_wait3A_724 = arith.constant 0 : i32
    %dma_wait3A_725 = arith.constant 0 : i32
    %dma_wait3A_726 = tpu.memref_slice %arg4[%dma_wait3A_724, %dma_wait3A_725] : memref<16x1000000xf32, #tpu.memory_space<hbm>> -> memref<16x128xf32, #tpu.memory_space<hbm>>
    tpu.wait_dma2 semaphore(%arg14 : memref<!tpu.dma_semaphore, #tpu.memory_space<semaphore_mem>>) src(%dma_wait3A_726 : memref<16x128xf32, #tpu.memory_space<hbm>>) dst(%dma_wait3A_723 : memref<16x128xf32, #tpu.memory_space<vmem>>)
    %dma_wait3A_727 = arith.constant 0 : i32
    %dma_wait3A_728 = arith.constant 1 : i32
    %dma_wait3A_729 = arith.constant 0 : i32
    %dma_wait3A_730 = arith.constant 0 : i32
    %dma_wait3A_731 = tpu.memref_slice %arg10[%dma_wait3A_727, %dma_wait3A_728, %dma_wait3A_729, %dma_wait3A_730] : memref<2x8x16x128xf32, #tpu.memory_space<vmem>> -> memref<1x1x16x128xf32, #tpu.memory_space<vmem>>
    %dma_wait3A_732 = tpu.memref_squeeze %dma_wait3A_731 : memref<1x1x16x128xf32, #tpu.memory_space<vmem>> -> memref<16x128xf32, #tpu.memory_space<vmem>>
    %dma_wait3A_733 = arith.constant 0 : i32
    %dma_wait3A_734 = arith.constant 0 : i32
    %dma_wait3A_735 = tpu.memref_slice %arg5[%dma_wait3A_733, %dma_wait3A_734] : memref<16x1000000xf32, #tpu.memory_space<hbm>> -> memref<16x128xf32, #tpu.memory_space<hbm>>
    %dma_wait3A_736 = arith.constant 0 : i32
    %dma_wait3A_737 = arith.constant 0 : i32
    %dma_wait3A_738 = tpu.memref_slice %arg10[%dma_wait3A_727, %dma_wait3A_728, %dma_wait3A_736, %dma_wait3A_737] : memref<2x8x16x128xf32, #tpu.memory_space<vmem>> -> memref<1x1x16x128xf32, #tpu.memory_space<vmem>>
    %dma_wait3A_739 = tpu.memref_squeeze %dma_wait3A_738 : memref<1x1x16x128xf32, #tpu.memory_space<vmem>> -> memref<16x128xf32, #tpu.memory_space<vmem>>
    %dma_wait3A_740 = arith.constant 0 : i32
    %dma_wait3A_741 = arith.constant 0 : i32
    %dma_wait3A_742 = tpu.memref_slice %arg5[%dma_wait3A_740, %dma_wait3A_741] : memref<16x1000000xf32, #tpu.memory_space<hbm>> -> memref<16x128xf32, #tpu.memory_space<hbm>>
    tpu.wait_dma2 semaphore(%arg14 : memref<!tpu.dma_semaphore, #tpu.memory_space<semaphore_mem>>) src(%dma_wait3A_742 : memref<16x128xf32, #tpu.memory_space<hbm>>) dst(%dma_wait3A_739 : memref<16x128xf32, #tpu.memory_space<vmem>>)
    %dma_wait3A_743 = arith.constant 0 : i32
    %dma_wait3A_744 = arith.constant 2 : i32
    %dma_wait3A_745 = arith.constant 0 : i32
    %dma_wait3A_746 = arith.constant 0 : i32
    %dma_wait3A_747 = tpu.memref_slice %arg9[%dma_wait3A_743, %dma_wait3A_744, %dma_wait3A_745, %dma_wait3A_746] : memref<2x8x16x128xf32, #tpu.memory_space<vmem>> -> memref<1x1x16x128xf32, #tpu.memory_space<vmem>>
    %dma_wait3A_748 = tpu.memref_squeeze %dma_wait3A_747 : memref<1x1x16x128xf32, #tpu.memory_space<vmem>> -> memref<16x128xf32, #tpu.memory_space<vmem>>
    %dma_wait3A_749 = arith.constant 0 : i32
    %dma_wait3A_750 = arith.constant 0 : i32
    %dma_wait3A_751 = tpu.memref_slice %arg4[%dma_wait3A_749, %dma_wait3A_750] : memref<16x1000000xf32, #tpu.memory_space<hbm>> -> memref<16x128xf32, #tpu.memory_space<hbm>>
    %dma_wait3A_752 = arith.constant 0 : i32
    %dma_wait3A_753 = arith.constant 0 : i32
    %dma_wait3A_754 = tpu.memref_slice %arg9[%dma_wait3A_743, %dma_wait3A_744, %dma_wait3A_752, %dma_wait3A_753] : memref<2x8x16x128xf32, #tpu.memory_space<vmem>> -> memref<1x1x16x128xf32, #tpu.memory_space<vmem>>
    %dma_wait3A_755 = tpu.memref_squeeze %dma_wait3A_754 : memref<1x1x16x128xf32, #tpu.memory_space<vmem>> -> memref<16x128xf32, #tpu.memory_space<vmem>>
    %dma_wait3A_756 = arith.constant 0 : i32
    %dma_wait3A_757 = arith.constant 0 : i32
    %dma_wait3A_758 = tpu.memref_slice %arg4[%dma_wait3A_756, %dma_wait3A_757] : memref<16x1000000xf32, #tpu.memory_space<hbm>> -> memref<16x128xf32, #tpu.memory_space<hbm>>
    tpu.wait_dma2 semaphore(%arg14 : memref<!tpu.dma_semaphore, #tpu.memory_space<semaphore_mem>>) src(%dma_wait3A_758 : memref<16x128xf32, #tpu.memory_space<hbm>>) dst(%dma_wait3A_755 : memref<16x128xf32, #tpu.memory_space<vmem>>)
    %dma_wait3A_759 = arith.constant 0 : i32
    %dma_wait3A_760 = arith.constant 2 : i32
    %dma_wait3A_761 = arith.constant 0 : i32
    %dma_wait3A_762 = arith.constant 0 : i32
    %dma_wait3A_763 = tpu.memref_slice %arg10[%dma_wait3A_759, %dma_wait3A_760, %dma_wait3A_761, %dma_wait3A_762] : memref<2x8x16x128xf32, #tpu.memory_space<vmem>> -> memref<1x1x16x128xf32, #tpu.memory_space<vmem>>
    %dma_wait3A_764 = tpu.memref_squeeze %dma_wait3A_763 : memref<1x1x16x128xf32, #tpu.memory_space<vmem>> -> memref<16x128xf32, #tpu.memory_space<vmem>>
    %dma_wait3A_765 = arith.constant 0 : i32
    %dma_wait3A_766 = arith.constant 0 : i32
    %dma_wait3A_767 = tpu.memref_slice %arg5[%dma_wait3A_765, %dma_wait3A_766] : memref<16x1000000xf32, #tpu.memory_space<hbm>> -> memref<16x128xf32, #tpu.memory_space<hbm>>
    %dma_wait3A_768 = arith.constant 0 : i32
    %dma_wait3A_769 = arith.constant 0 : i32
    %dma_wait3A_770 = tpu.memref_slice %arg10[%dma_wait3A_759, %dma_wait3A_760, %dma_wait3A_768, %dma_wait3A_769] : memref<2x8x16x128xf32, #tpu.memory_space<vmem>> -> memref<1x1x16x128xf32, #tpu.memory_space<vmem>>
    %dma_wait3A_771 = tpu.memref_squeeze %dma_wait3A_770 : memref<1x1x16x128xf32, #tpu.memory_space<vmem>> -> memref<16x128xf32, #tpu.memory_space<vmem>>
    %dma_wait3A_772 = arith.constant 0 : i32
    %dma_wait3A_773 = arith.constant 0 : i32
    %dma_wait3A_774 = tpu.memref_slice %arg5[%dma_wait3A_772, %dma_wait3A_773] : memref<16x1000000xf32, #tpu.memory_space<hbm>> -> memref<16x128xf32, #tpu.memory_space<hbm>>
    tpu.wait_dma2 semaphore(%arg14 : memref<!tpu.dma_semaphore, #tpu.memory_space<semaphore_mem>>) src(%dma_wait3A_774 : memref<16x128xf32, #tpu.memory_space<hbm>>) dst(%dma_wait3A_771 : memref<16x128xf32, #tpu.memory_space<vmem>>)
    %dma_wait3A_775 = arith.constant 0 : i32
    %dma_wait3A_776 = arith.constant 3 : i32
    %dma_wait3A_777 = arith.constant 0 : i32
    %dma_wait3A_778 = arith.constant 0 : i32
    %dma_wait3A_779 = tpu.memref_slice %arg9[%dma_wait3A_775, %dma_wait3A_776, %dma_wait3A_777, %dma_wait3A_778] : memref<2x8x16x128xf32, #tpu.memory_space<vmem>> -> memref<1x1x16x128xf32, #tpu.memory_space<vmem>>
    %dma_wait3A_780 = tpu.memref_squeeze %dma_wait3A_779 : memref<1x1x16x128xf32, #tpu.memory_space<vmem>> -> memref<16x128xf32, #tpu.memory_space<vmem>>
    %dma_wait3A_781 = arith.constant 0 : i32
    %dma_wait3A_782 = arith.constant 0 : i32
    %dma_wait3A_783 = tpu.memref_slice %arg4[%dma_wait3A_781, %dma_wait3A_782] : memref<16x1000000xf32, #tpu.memory_space<hbm>> -> memref<16x128xf32, #tpu.memory_space<hbm>>
    %dma_wait3A_784 = arith.constant 0 : i32
    %dma_wait3A_785 = arith.constant 0 : i32
    %dma_wait3A_786 = tpu.memref_slice %arg9[%dma_wait3A_775, %dma_wait3A_776, %dma_wait3A_784, %dma_wait3A_785] : memref<2x8x16x128xf32, #tpu.memory_space<vmem>> -> memref<1x1x16x128xf32, #tpu.memory_space<vmem>>
    %dma_wait3A_787 = tpu.memref_squeeze %dma_wait3A_786 : memref<1x1x16x128xf32, #tpu.memory_space<vmem>> -> memref<16x128xf32, #tpu.memory_space<vmem>>
    %dma_wait3A_788 = arith.constant 0 : i32
    %dma_wait3A_789 = arith.constant 0 : i32
    %dma_wait3A_790 = tpu.memref_slice %arg4[%dma_wait3A_788, %dma_wait3A_789] : memref<16x1000000xf32, #tpu.memory_space<hbm>> -> memref<16x128xf32, #tpu.memory_space<hbm>>
    tpu.wait_dma2 semaphore(%arg14 : memref<!tpu.dma_semaphore, #tpu.memory_space<semaphore_mem>>) src(%dma_wait3A_790 : memref<16x128xf32, #tpu.memory_space<hbm>>) dst(%dma_wait3A_787 : memref<16x128xf32, #tpu.memory_space<vmem>>)
    %dma_wait3A_791 = arith.constant 0 : i32
    %dma_wait3A_792 = arith.constant 3 : i32
    %dma_wait3A_793 = arith.constant 0 : i32
    %dma_wait3A_794 = arith.constant 0 : i32
    %dma_wait3A_795 = tpu.memref_slice %arg10[%dma_wait3A_791, %dma_wait3A_792, %dma_wait3A_793, %dma_wait3A_794] : memref<2x8x16x128xf32, #tpu.memory_space<vmem>> -> memref<1x1x16x128xf32, #tpu.memory_space<vmem>>
    %dma_wait3A_796 = tpu.memref_squeeze %dma_wait3A_795 : memref<1x1x16x128xf32, #tpu.memory_space<vmem>> -> memref<16x128xf32, #tpu.memory_space<vmem>>
    %dma_wait3A_797 = arith.constant 0 : i32
    %dma_wait3A_798 = arith.constant 0 : i32
    %dma_wait3A_799 = tpu.memref_slice %arg5[%dma_wait3A_797, %dma_wait3A_798] : memref<16x1000000xf32, #tpu.memory_space<hbm>> -> memref<16x128xf32, #tpu.memory_space<hbm>>
    %dma_wait3A_800 = arith.constant 0 : i32
    %dma_wait3A_801 = arith.constant 0 : i32
    %dma_wait3A_802 = tpu.memref_slice %arg10[%dma_wait3A_791, %dma_wait3A_792, %dma_wait3A_800, %dma_wait3A_801] : memref<2x8x16x128xf32, #tpu.memory_space<vmem>> -> memref<1x1x16x128xf32, #tpu.memory_space<vmem>>
    %dma_wait3A_803 = tpu.memref_squeeze %dma_wait3A_802 : memref<1x1x16x128xf32, #tpu.memory_space<vmem>> -> memref<16x128xf32, #tpu.memory_space<vmem>>
    %dma_wait3A_804 = arith.constant 0 : i32
    %dma_wait3A_805 = arith.constant 0 : i32
    %dma_wait3A_806 = tpu.memref_slice %arg5[%dma_wait3A_804, %dma_wait3A_805] : memref<16x1000000xf32, #tpu.memory_space<hbm>> -> memref<16x128xf32, #tpu.memory_space<hbm>>
    tpu.wait_dma2 semaphore(%arg14 : memref<!tpu.dma_semaphore, #tpu.memory_space<semaphore_mem>>) src(%dma_wait3A_806 : memref<16x128xf32, #tpu.memory_space<hbm>>) dst(%dma_wait3A_803 : memref<16x128xf32, #tpu.memory_space<vmem>>)
    %dma_wait3A_807 = arith.constant 0 : i32
    %dma_wait3A_808 = arith.constant 4 : i32
    %dma_wait3A_809 = arith.constant 0 : i32
    %dma_wait3A_810 = arith.constant 0 : i32
    %dma_wait3A_811 = tpu.memref_slice %arg9[%dma_wait3A_807, %dma_wait3A_808, %dma_wait3A_809, %dma_wait3A_810] : memref<2x8x16x128xf32, #tpu.memory_space<vmem>> -> memref<1x1x16x128xf32, #tpu.memory_space<vmem>>
    %dma_wait3A_812 = tpu.memref_squeeze %dma_wait3A_811 : memref<1x1x16x128xf32, #tpu.memory_space<vmem>> -> memref<16x128xf32, #tpu.memory_space<vmem>>
    %dma_wait3A_813 = arith.constant 0 : i32
    %dma_wait3A_814 = arith.constant 0 : i32
    %dma_wait3A_815 = tpu.memref_slice %arg4[%dma_wait3A_813, %dma_wait3A_814] : memref<16x1000000xf32, #tpu.memory_space<hbm>> -> memref<16x128xf32, #tpu.memory_space<hbm>>
    %dma_wait3A_816 = arith.constant 0 : i32
    %dma_wait3A_817 = arith.constant 0 : i32
    %dma_wait3A_818 = tpu.memref_slice %arg9[%dma_wait3A_807, %dma_wait3A_808, %dma_wait3A_816, %dma_wait3A_817] : memref<2x8x16x128xf32, #tpu.memory_space<vmem>> -> memref<1x1x16x128xf32, #tpu.memory_space<vmem>>
    %dma_wait3A_819 = tpu.memref_squeeze %dma_wait3A_818 : memref<1x1x16x128xf32, #tpu.memory_space<vmem>> -> memref<16x128xf32, #tpu.memory_space<vmem>>
    %dma_wait3A_820 = arith.constant 0 : i32
    %dma_wait3A_821 = arith.constant 0 : i32
    %dma_wait3A_822 = tpu.memref_slice %arg4[%dma_wait3A_820, %dma_wait3A_821] : memref<16x1000000xf32, #tpu.memory_space<hbm>> -> memref<16x128xf32, #tpu.memory_space<hbm>>
    tpu.wait_dma2 semaphore(%arg14 : memref<!tpu.dma_semaphore, #tpu.memory_space<semaphore_mem>>) src(%dma_wait3A_822 : memref<16x128xf32, #tpu.memory_space<hbm>>) dst(%dma_wait3A_819 : memref<16x128xf32, #tpu.memory_space<vmem>>)
    %dma_wait3A_823 = arith.constant 0 : i32
    %dma_wait3A_824 = arith.constant 4 : i32
    %dma_wait3A_825 = arith.constant 0 : i32
    %dma_wait3A_826 = arith.constant 0 : i32
    %dma_wait3A_827 = tpu.memref_slice %arg10[%dma_wait3A_823, %dma_wait3A_824, %dma_wait3A_825, %dma_wait3A_826] : memref<2x8x16x128xf32, #tpu.memory_space<vmem>> -> memref<1x1x16x128xf32, #tpu.memory_space<vmem>>
    %dma_wait3A_828 = tpu.memref_squeeze %dma_wait3A_827 : memref<1x1x16x128xf32, #tpu.memory_space<vmem>> -> memref<16x128xf32, #tpu.memory_space<vmem>>
    %dma_wait3A_829 = arith.constant 0 : i32
    %dma_wait3A_830 = arith.constant 0 : i32
    %dma_wait3A_831 = tpu.memref_slice %arg5[%dma_wait3A_829, %dma_wait3A_830] : memref<16x1000000xf32, #tpu.memory_space<hbm>> -> memref<16x128xf32, #tpu.memory_space<hbm>>
    %dma_wait3A_832 = arith.constant 0 : i32
    %dma_wait3A_833 = arith.constant 0 : i32
    %dma_wait3A_834 = tpu.memref_slice %arg10[%dma_wait3A_823, %dma_wait3A_824, %dma_wait3A_832, %dma_wait3A_833] : memref<2x8x16x128xf32, #tpu.memory_space<vmem>> -> memref<1x1x16x128xf32, #tpu.memory_space<vmem>>
    %dma_wait3A_835 = tpu.memref_squeeze %dma_wait3A_834 : memref<1x1x16x128xf32, #tpu.memory_space<vmem>> -> memref<16x128xf32, #tpu.memory_space<vmem>>
    %dma_wait3A_836 = arith.constant 0 : i32
    %dma_wait3A_837 = arith.constant 0 : i32
    %dma_wait3A_838 = tpu.memref_slice %arg5[%dma_wait3A_836, %dma_wait3A_837] : memref<16x1000000xf32, #tpu.memory_space<hbm>> -> memref<16x128xf32, #tpu.memory_space<hbm>>
    tpu.wait_dma2 semaphore(%arg14 : memref<!tpu.dma_semaphore, #tpu.memory_space<semaphore_mem>>) src(%dma_wait3A_838 : memref<16x128xf32, #tpu.memory_space<hbm>>) dst(%dma_wait3A_835 : memref<16x128xf32, #tpu.memory_space<vmem>>)
    %dma_wait3A_839 = arith.constant 0 : i32
    %dma_wait3A_840 = arith.constant 5 : i32
    %dma_wait3A_841 = arith.constant 0 : i32
    %dma_wait3A_842 = arith.constant 0 : i32
    %dma_wait3A_843 = tpu.memref_slice %arg9[%dma_wait3A_839, %dma_wait3A_840, %dma_wait3A_841, %dma_wait3A_842] : memref<2x8x16x128xf32, #tpu.memory_space<vmem>> -> memref<1x1x16x128xf32, #tpu.memory_space<vmem>>
    %dma_wait3A_844 = tpu.memref_squeeze %dma_wait3A_843 : memref<1x1x16x128xf32, #tpu.memory_space<vmem>> -> memref<16x128xf32, #tpu.memory_space<vmem>>
    %dma_wait3A_845 = arith.constant 0 : i32
    %dma_wait3A_846 = arith.constant 0 : i32
    %dma_wait3A_847 = tpu.memref_slice %arg4[%dma_wait3A_845, %dma_wait3A_846] : memref<16x1000000xf32, #tpu.memory_space<hbm>> -> memref<16x128xf32, #tpu.memory_space<hbm>>
    %dma_wait3A_848 = arith.constant 0 : i32
    %dma_wait3A_849 = arith.constant 0 : i32
    %dma_wait3A_850 = tpu.memref_slice %arg9[%dma_wait3A_839, %dma_wait3A_840, %dma_wait3A_848, %dma_wait3A_849] : memref<2x8x16x128xf32, #tpu.memory_space<vmem>> -> memref<1x1x16x128xf32, #tpu.memory_space<vmem>>
    %dma_wait3A_851 = tpu.memref_squeeze %dma_wait3A_850 : memref<1x1x16x128xf32, #tpu.memory_space<vmem>> -> memref<16x128xf32, #tpu.memory_space<vmem>>
    %dma_wait3A_852 = arith.constant 0 : i32
    %dma_wait3A_853 = arith.constant 0 : i32
    %dma_wait3A_854 = tpu.memref_slice %arg4[%dma_wait3A_852, %dma_wait3A_853] : memref<16x1000000xf32, #tpu.memory_space<hbm>> -> memref<16x128xf32, #tpu.memory_space<hbm>>
    tpu.wait_dma2 semaphore(%arg14 : memref<!tpu.dma_semaphore, #tpu.memory_space<semaphore_mem>>) src(%dma_wait3A_854 : memref<16x128xf32, #tpu.memory_space<hbm>>) dst(%dma_wait3A_851 : memref<16x128xf32, #tpu.memory_space<vmem>>)
    %dma_wait3A_855 = arith.constant 0 : i32
    %dma_wait3A_856 = arith.constant 5 : i32
    %dma_wait3A_857 = arith.constant 0 : i32
    %dma_wait3A_858 = arith.constant 0 : i32
    %dma_wait3A_859 = tpu.memref_slice %arg10[%dma_wait3A_855, %dma_wait3A_856, %dma_wait3A_857, %dma_wait3A_858] : memref<2x8x16x128xf32, #tpu.memory_space<vmem>> -> memref<1x1x16x128xf32, #tpu.memory_space<vmem>>
    %dma_wait3A_860 = tpu.memref_squeeze %dma_wait3A_859 : memref<1x1x16x128xf32, #tpu.memory_space<vmem>> -> memref<16x128xf32, #tpu.memory_space<vmem>>
    %dma_wait3A_861 = arith.constant 0 : i32
    %dma_wait3A_862 = arith.constant 0 : i32
    %dma_wait3A_863 = tpu.memref_slice %arg5[%dma_wait3A_861, %dma_wait3A_862] : memref<16x1000000xf32, #tpu.memory_space<hbm>> -> memref<16x128xf32, #tpu.memory_space<hbm>>
    %dma_wait3A_864 = arith.constant 0 : i32
    %dma_wait3A_865 = arith.constant 0 : i32
    %dma_wait3A_866 = tpu.memref_slice %arg10[%dma_wait3A_855, %dma_wait3A_856, %dma_wait3A_864, %dma_wait3A_865] : memref<2x8x16x128xf32, #tpu.memory_space<vmem>> -> memref<1x1x16x128xf32, #tpu.memory_space<vmem>>
    %dma_wait3A_867 = tpu.memref_squeeze %dma_wait3A_866 : memref<1x1x16x128xf32, #tpu.memory_space<vmem>> -> memref<16x128xf32, #tpu.memory_space<vmem>>
    %dma_wait3A_868 = arith.constant 0 : i32
    %dma_wait3A_869 = arith.constant 0 : i32
    %dma_wait3A_870 = tpu.memref_slice %arg5[%dma_wait3A_868, %dma_wait3A_869] : memref<16x1000000xf32, #tpu.memory_space<hbm>> -> memref<16x128xf32, #tpu.memory_space<hbm>>
    tpu.wait_dma2 semaphore(%arg14 : memref<!tpu.dma_semaphore, #tpu.memory_space<semaphore_mem>>) src(%dma_wait3A_870 : memref<16x128xf32, #tpu.memory_space<hbm>>) dst(%dma_wait3A_867 : memref<16x128xf32, #tpu.memory_space<vmem>>)
    %dma_wait3A_871 = arith.constant 0 : i32
    %dma_wait3A_872 = arith.constant 6 : i32
    %dma_wait3A_873 = arith.constant 0 : i32
    %dma_wait3A_874 = arith.constant 0 : i32
    %dma_wait3A_875 = tpu.memref_slice %arg9[%dma_wait3A_871, %dma_wait3A_872, %dma_wait3A_873, %dma_wait3A_874] : memref<2x8x16x128xf32, #tpu.memory_space<vmem>> -> memref<1x1x16x128xf32, #tpu.memory_space<vmem>>
    %dma_wait3A_876 = tpu.memref_squeeze %dma_wait3A_875 : memref<1x1x16x128xf32, #tpu.memory_space<vmem>> -> memref<16x128xf32, #tpu.memory_space<vmem>>
    %dma_wait3A_877 = arith.constant 0 : i32
    %dma_wait3A_878 = arith.constant 0 : i32
    %dma_wait3A_879 = tpu.memref_slice %arg4[%dma_wait3A_877, %dma_wait3A_878] : memref<16x1000000xf32, #tpu.memory_space<hbm>> -> memref<16x128xf32, #tpu.memory_space<hbm>>
    %dma_wait3A_880 = arith.constant 0 : i32
    %dma_wait3A_881 = arith.constant 0 : i32
    %dma_wait3A_882 = tpu.memref_slice %arg9[%dma_wait3A_871, %dma_wait3A_872, %dma_wait3A_880, %dma_wait3A_881] : memref<2x8x16x128xf32, #tpu.memory_space<vmem>> -> memref<1x1x16x128xf32, #tpu.memory_space<vmem>>
    %dma_wait3A_883 = tpu.memref_squeeze %dma_wait3A_882 : memref<1x1x16x128xf32, #tpu.memory_space<vmem>> -> memref<16x128xf32, #tpu.memory_space<vmem>>
    %dma_wait3A_884 = arith.constant 0 : i32
    %dma_wait3A_885 = arith.constant 0 : i32
    %dma_wait3A_886 = tpu.memref_slice %arg4[%dma_wait3A_884, %dma_wait3A_885] : memref<16x1000000xf32, #tpu.memory_space<hbm>> -> memref<16x128xf32, #tpu.memory_space<hbm>>
    tpu.wait_dma2 semaphore(%arg14 : memref<!tpu.dma_semaphore, #tpu.memory_space<semaphore_mem>>) src(%dma_wait3A_886 : memref<16x128xf32, #tpu.memory_space<hbm>>) dst(%dma_wait3A_883 : memref<16x128xf32, #tpu.memory_space<vmem>>)
    %dma_wait3A_887 = arith.constant 0 : i32
    %dma_wait3A_888 = arith.constant 6 : i32
    %dma_wait3A_889 = arith.constant 0 : i32
    %dma_wait3A_890 = arith.constant 0 : i32
    %dma_wait3A_891 = tpu.memref_slice %arg10[%dma_wait3A_887, %dma_wait3A_888, %dma_wait3A_889, %dma_wait3A_890] : memref<2x8x16x128xf32, #tpu.memory_space<vmem>> -> memref<1x1x16x128xf32, #tpu.memory_space<vmem>>
    %dma_wait3A_892 = tpu.memref_squeeze %dma_wait3A_891 : memref<1x1x16x128xf32, #tpu.memory_space<vmem>> -> memref<16x128xf32, #tpu.memory_space<vmem>>
    %dma_wait3A_893 = arith.constant 0 : i32
    %dma_wait3A_894 = arith.constant 0 : i32
    %dma_wait3A_895 = tpu.memref_slice %arg5[%dma_wait3A_893, %dma_wait3A_894] : memref<16x1000000xf32, #tpu.memory_space<hbm>> -> memref<16x128xf32, #tpu.memory_space<hbm>>
    %dma_wait3A_896 = arith.constant 0 : i32
    %dma_wait3A_897 = arith.constant 0 : i32
    %dma_wait3A_898 = tpu.memref_slice %arg10[%dma_wait3A_887, %dma_wait3A_888, %dma_wait3A_896, %dma_wait3A_897] : memref<2x8x16x128xf32, #tpu.memory_space<vmem>> -> memref<1x1x16x128xf32, #tpu.memory_space<vmem>>
    %dma_wait3A_899 = tpu.memref_squeeze %dma_wait3A_898 : memref<1x1x16x128xf32, #tpu.memory_space<vmem>> -> memref<16x128xf32, #tpu.memory_space<vmem>>
    %dma_wait3A_900 = arith.constant 0 : i32
    %dma_wait3A_901 = arith.constant 0 : i32
    %dma_wait3A_902 = tpu.memref_slice %arg5[%dma_wait3A_900, %dma_wait3A_901] : memref<16x1000000xf32, #tpu.memory_space<hbm>> -> memref<16x128xf32, #tpu.memory_space<hbm>>
    tpu.wait_dma2 semaphore(%arg14 : memref<!tpu.dma_semaphore, #tpu.memory_space<semaphore_mem>>) src(%dma_wait3A_902 : memref<16x128xf32, #tpu.memory_space<hbm>>) dst(%dma_wait3A_899 : memref<16x128xf32, #tpu.memory_space<vmem>>)
    %dma_wait3A_903 = arith.constant 0 : i32
    %dma_wait3A_904 = arith.constant 7 : i32
    %dma_wait3A_905 = arith.constant 0 : i32
    %dma_wait3A_906 = arith.constant 0 : i32
    %dma_wait3A_907 = tpu.memref_slice %arg9[%dma_wait3A_903, %dma_wait3A_904, %dma_wait3A_905, %dma_wait3A_906] : memref<2x8x16x128xf32, #tpu.memory_space<vmem>> -> memref<1x1x16x128xf32, #tpu.memory_space<vmem>>
    %dma_wait3A_908 = tpu.memref_squeeze %dma_wait3A_907 : memref<1x1x16x128xf32, #tpu.memory_space<vmem>> -> memref<16x128xf32, #tpu.memory_space<vmem>>
    %dma_wait3A_909 = arith.constant 0 : i32
    %dma_wait3A_910 = arith.constant 0 : i32
    %dma_wait3A_911 = tpu.memref_slice %arg4[%dma_wait3A_909, %dma_wait3A_910] : memref<16x1000000xf32, #tpu.memory_space<hbm>> -> memref<16x128xf32, #tpu.memory_space<hbm>>
    %dma_wait3A_912 = arith.constant 0 : i32
    %dma_wait3A_913 = arith.constant 0 : i32
    %dma_wait3A_914 = tpu.memref_slice %arg9[%dma_wait3A_903, %dma_wait3A_904, %dma_wait3A_912, %dma_wait3A_913] : memref<2x8x16x128xf32, #tpu.memory_space<vmem>> -> memref<1x1x16x128xf32, #tpu.memory_space<vmem>>
    %dma_wait3A_915 = tpu.memref_squeeze %dma_wait3A_914 : memref<1x1x16x128xf32, #tpu.memory_space<vmem>> -> memref<16x128xf32, #tpu.memory_space<vmem>>
    %dma_wait3A_916 = arith.constant 0 : i32
    %dma_wait3A_917 = arith.constant 0 : i32
    %dma_wait3A_918 = tpu.memref_slice %arg4[%dma_wait3A_916, %dma_wait3A_917] : memref<16x1000000xf32, #tpu.memory_space<hbm>> -> memref<16x128xf32, #tpu.memory_space<hbm>>
    tpu.wait_dma2 semaphore(%arg14 : memref<!tpu.dma_semaphore, #tpu.memory_space<semaphore_mem>>) src(%dma_wait3A_918 : memref<16x128xf32, #tpu.memory_space<hbm>>) dst(%dma_wait3A_915 : memref<16x128xf32, #tpu.memory_space<vmem>>)
    %dma_wait3A_919 = arith.constant 0 : i32
    %dma_wait3A_920 = arith.constant 7 : i32
    %dma_wait3A_921 = arith.constant 0 : i32
    %dma_wait3A_922 = arith.constant 0 : i32
    %dma_wait3A_923 = tpu.memref_slice %arg10[%dma_wait3A_919, %dma_wait3A_920, %dma_wait3A_921, %dma_wait3A_922] : memref<2x8x16x128xf32, #tpu.memory_space<vmem>> -> memref<1x1x16x128xf32, #tpu.memory_space<vmem>>
    %dma_wait3A_924 = tpu.memref_squeeze %dma_wait3A_923 : memref<1x1x16x128xf32, #tpu.memory_space<vmem>> -> memref<16x128xf32, #tpu.memory_space<vmem>>
    %dma_wait3A_925 = arith.constant 0 : i32
    %dma_wait3A_926 = arith.constant 0 : i32
    %dma_wait3A_927 = tpu.memref_slice %arg5[%dma_wait3A_925, %dma_wait3A_926] : memref<16x1000000xf32, #tpu.memory_space<hbm>> -> memref<16x128xf32, #tpu.memory_space<hbm>>
    %dma_wait3A_928 = arith.constant 0 : i32
    %dma_wait3A_929 = arith.constant 0 : i32
    %dma_wait3A_930 = tpu.memref_slice %arg10[%dma_wait3A_919, %dma_wait3A_920, %dma_wait3A_928, %dma_wait3A_929] : memref<2x8x16x128xf32, #tpu.memory_space<vmem>> -> memref<1x1x16x128xf32, #tpu.memory_space<vmem>>
    %dma_wait3A_931 = tpu.memref_squeeze %dma_wait3A_930 : memref<1x1x16x128xf32, #tpu.memory_space<vmem>> -> memref<16x128xf32, #tpu.memory_space<vmem>>
    %dma_wait3A_932 = arith.constant 0 : i32
    %dma_wait3A_933 = arith.constant 0 : i32
    %dma_wait3A_934 = tpu.memref_slice %arg5[%dma_wait3A_932, %dma_wait3A_933] : memref<16x1000000xf32, #tpu.memory_space<hbm>> -> memref<16x128xf32, #tpu.memory_space<hbm>>
    tpu.wait_dma2 semaphore(%arg14 : memref<!tpu.dma_semaphore, #tpu.memory_space<semaphore_mem>>) src(%dma_wait3A_934 : memref<16x128xf32, #tpu.memory_space<hbm>>) dst(%dma_wait3A_931 : memref<16x128xf32, #tpu.memory_space<vmem>>)
    %slice3A_935 = vector.extract_strided_slice %get3A_677 {offsets = [0], sizes = [1], strides = [1]} : vector<16xi32> to vector<1xi32>
    %squeeze3A_936 = vector.extract %slice3A_935[0] : i32 from vector<1xi32>
    %and3A = arith.constant 127 : i32
    %and3A_937 = arith.andi %squeeze3A_936, %and3A : i32
    %broadcast_in_dim3A = vector.broadcast %and3A_937 : i32 to vector<16xi32>
    %slice3A_938 = vector.extract_strided_slice %get3A_679 {offsets = [0], sizes = [1], strides = [1]} : vector<16xi32> to vector<1xi32>
    %squeeze3A_939 = vector.extract %slice3A_938[0] : i32 from vector<1xi32>
    %and3A_940 = arith.constant 127 : i32
    %and3A_941 = arith.andi %squeeze3A_939, %and3A_940 : i32
    %broadcast_in_dim3A_942 = vector.broadcast %and3A_941 : i32 to vector<16xi32>
    %gather3A = arith.constant 0 : i32
    %gather3A_943 = arith.constant 0 : i32
    %gather3A_944 = arith.constant 0 : i32
    %gather3A_945 = arith.constant 0 : i32
    %gather3A_946 = tpu.memref_slice %arg9[%gather3A, %gather3A_943, %gather3A_944, %gather3A_945] : memref<2x8x16x128xf32, #tpu.memory_space<vmem>> -> memref<1x1x16x128xf32, #tpu.memory_space<vmem>>
    %gather3A_947 = tpu.memref_squeeze %gather3A_946 : memref<1x1x16x128xf32, #tpu.memory_space<vmem>> -> memref<16x128xf32, #tpu.memory_space<vmem>>
    %gather3A_948 = tpu.vector_load_idx %gather3A_947[%iota3A, %broadcast_in_dim3A] : memref<16x128xf32, #tpu.memory_space<vmem>>[vector<16xi32>, vector<16xi32>], vector<16xf32>,
    %swap3A = arith.constant 0 : i32
    %swap3A_949 = arith.index_cast %swap3A : i32 to index
    %swap3A_950 = arith.constant 0 : index
    %swap3A_951 = tpu.vector_load %arg11[%swap3A_949, %swap3A_950] {strides = array<i32>} : memref<16x16xf32, #tpu.memory_space<vmem>>, vector<16xf32>,
    tpu.vector_store %arg11[%swap3A_949, %swap3A_950], %gather3A_948 {strides = array<i32>} : memref<16x16xf32, #tpu.memory_space<vmem>>, vector<16xf32>,
    %gather3A_952 = arith.constant 0 : i32
    %gather3A_953 = arith.constant 0 : i32
    %gather3A_954 = arith.constant 0 : i32
    %gather3A_955 = arith.constant 0 : i32
    %gather3A_956 = tpu.memref_slice %arg10[%gather3A_952, %gather3A_953, %gather3A_954, %gather3A_955] : memref<2x8x16x128xf32, #tpu.memory_space<vmem>> -> memref<1x1x16x128xf32, #tpu.memory_space<vmem>>
    %gather3A_957 = tpu.memref_squeeze %gather3A_956 : memref<1x1x16x128xf32, #tpu.memory_space<vmem>> -> memref<16x128xf32, #tpu.memory_space<vmem>>
    %gather3A_958 = tpu.vector_load_idx %gather3A_957[%iota3A, %broadcast_in_dim3A_942] : memref<16x128xf32, #tpu.memory_space<vmem>>[vector<16xi32>, vector<16xi32>], vector<16xf32>,
    %swap3A_959 = arith.constant 0 : i32
    %swap3A_960 = arith.index_cast %swap3A_959 : i32 to index
    %swap3A_961 = arith.constant 0 : index
    %swap3A_962 = tpu.vector_load %arg12[%swap3A_960, %swap3A_961] {strides = array<i32>} : memref<16x16xf32, #tpu.memory_space<vmem>>, vector<16xf32>,
    tpu.vector_store %arg12[%swap3A_960, %swap3A_961], %gather3A_958 {strides = array<i32>} : memref<16x16xf32, #tpu.memory_space<vmem>>, vector<16xf32>,
    %slice3A_963 = vector.extract_strided_slice %get3A_677 {offsets = [1], sizes = [1], strides = [1]} : vector<16xi32> to vector<1xi32>
    %squeeze3A_964 = vector.extract %slice3A_963[0] : i32 from vector<1xi32>
    %and3A_965 = arith.constant 127 : i32
    %and3A_966 = arith.andi %squeeze3A_964, %and3A_965 : i32
    %broadcast_in_dim3A_967 = vector.broadcast %and3A_966 : i32 to vector<16xi32>
    %slice3A_968 = vector.extract_strided_slice %get3A_679 {offsets = [1], sizes = [1], strides = [1]} : vector<16xi32> to vector<1xi32>
    %squeeze3A_969 = vector.extract %slice3A_968[0] : i32 from vector<1xi32>
    %and3A_970 = arith.constant 127 : i32
    %and3A_971 = arith.andi %squeeze3A_969, %and3A_970 : i32
    %broadcast_in_dim3A_972 = vector.broadcast %and3A_971 : i32 to vector<16xi32>
    %gather3A_973 = arith.constant 0 : i32
    %gather3A_974 = arith.constant 1 : i32
    %gather3A_975 = arith.constant 0 : i32
    %gather3A_976 = arith.constant 0 : i32
    %gather3A_977 = tpu.memref_slice %arg9[%gather3A_973, %gather3A_974, %gather3A_975, %gather3A_976] : memref<2x8x16x128xf32, #tpu.memory_space<vmem>> -> memref<1x1x16x128xf32, #tpu.memory_space<vmem>>
    %gather3A_978 = tpu.memref_squeeze %gather3A_977 : memref<1x1x16x128xf32, #tpu.memory_space<vmem>> -> memref<16x128xf32, #tpu.memory_space<vmem>>
    %gather3A_979 = tpu.vector_load_idx %gather3A_978[%iota3A, %broadcast_in_dim3A_967] : memref<16x128xf32, #tpu.memory_space<vmem>>[vector<16xi32>, vector<16xi32>], vector<16xf32>,
    %swap3A_980 = arith.constant 1 : i32
    %swap3A_981 = arith.index_cast %swap3A_980 : i32 to index
    %swap3A_982 = arith.constant 0 : index
    %swap3A_983 = tpu.vector_load %arg11[%swap3A_981, %swap3A_982] {strides = array<i32>} : memref<16x16xf32, #tpu.memory_space<vmem>>, vector<16xf32>,
    tpu.vector_store %arg11[%swap3A_981, %swap3A_982], %gather3A_979 {strides = array<i32>} : memref<16x16xf32, #tpu.memory_space<vmem>>, vector<16xf32>,
    %gather3A_984 = arith.constant 0 : i32
    %gather3A_985 = arith.constant 1 : i32
    %gather3A_986 = arith.constant 0 : i32
    %gather3A_987 = arith.constant 0 : i32
    %gather3A_988 = tpu.memref_slice %arg10[%gather3A_984, %gather3A_985, %gather3A_986, %gather3A_987] : memref<2x8x16x128xf32, #tpu.memory_space<vmem>> -> memref<1x1x16x128xf32, #tpu.memory_space<vmem>>
    %gather3A_989 = tpu.memref_squeeze %gather3A_988 : memref<1x1x16x128xf32, #tpu.memory_space<vmem>> -> memref<16x128xf32, #tpu.memory_space<vmem>>
    %gather3A_990 = tpu.vector_load_idx %gather3A_989[%iota3A, %broadcast_in_dim3A_972] : memref<16x128xf32, #tpu.memory_space<vmem>>[vector<16xi32>, vector<16xi32>], vector<16xf32>,
    %swap3A_991 = arith.constant 1 : i32
    %swap3A_992 = arith.index_cast %swap3A_991 : i32 to index
    %swap3A_993 = arith.constant 0 : index
    %swap3A_994 = tpu.vector_load %arg12[%swap3A_992, %swap3A_993] {strides = array<i32>} : memref<16x16xf32, #tpu.memory_space<vmem>>, vector<16xf32>,
    tpu.vector_store %arg12[%swap3A_992, %swap3A_993], %gather3A_990 {strides = array<i32>} : memref<16x16xf32, #tpu.memory_space<vmem>>, vector<16xf32>,
    %slice3A_995 = vector.extract_strided_slice %get3A_677 {offsets = [2], sizes = [1], strides = [1]} : vector<16xi32> to vector<1xi32>
    %squeeze3A_996 = vector.extract %slice3A_995[0] : i32 from vector<1xi32>
    %and3A_997 = arith.constant 127 : i32
    %and3A_998 = arith.andi %squeeze3A_996, %and3A_997 : i32
    %broadcast_in_dim3A_999 = vector.broadcast %and3A_998 : i32 to vector<16xi32>
    %slice3A_1000 = vector.extract_strided_slice %get3A_679 {offsets = [2], sizes = [1], strides = [1]} : vector<16xi32> to vector<1xi32>
    %squeeze3A_1001 = vector.extract %slice3A_1000[0] : i32 from vector<1xi32>
    %and3A_1002 = arith.constant 127 : i32
    %and3A_1003 = arith.andi %squeeze3A_1001, %and3A_1002 : i32
    %broadcast_in_dim3A_1004 = vector.broadcast %and3A_1003 : i32 to vector<16xi32>
    %gather3A_1005 = arith.constant 0 : i32
    %gather3A_1006 = arith.constant 2 : i32
    %gather3A_1007 = arith.constant 0 : i32
    %gather3A_1008 = arith.constant 0 : i32
    %gather3A_1009 = tpu.memref_slice %arg9[%gather3A_1005, %gather3A_1006, %gather3A_1007, %gather3A_1008] : memref<2x8x16x128xf32, #tpu.memory_space<vmem>> -> memref<1x1x16x128xf32, #tpu.memory_space<vmem>>
    %gather3A_1010 = tpu.memref_squeeze %gather3A_1009 : memref<1x1x16x128xf32, #tpu.memory_space<vmem>> -> memref<16x128xf32, #tpu.memory_space<vmem>>
    %gather3A_1011 = tpu.vector_load_idx %gather3A_1010[%iota3A, %broadcast_in_dim3A_999] : memref<16x128xf32, #tpu.memory_space<vmem>>[vector<16xi32>, vector<16xi32>], vector<16xf32>,
    %swap3A_1012 = arith.constant 2 : i32
    %swap3A_1013 = arith.index_cast %swap3A_1012 : i32 to index
    %swap3A_1014 = arith.constant 0 : index
    %swap3A_1015 = tpu.vector_load %arg11[%swap3A_1013, %swap3A_1014] {strides = array<i32>} : memref<16x16xf32, #tpu.memory_space<vmem>>, vector<16xf32>,
    tpu.vector_store %arg11[%swap3A_1013, %swap3A_1014], %gather3A_1011 {strides = array<i32>} : memref<16x16xf32, #tpu.memory_space<vmem>>, vector<16xf32>,
    %gather3A_1016 = arith.constant 0 : i32
    %gather3A_1017 = arith.constant 2 : i32
    %gather3A_1018 = arith.constant 0 : i32
    %gather3A_1019 = arith.constant 0 : i32
    %gather3A_1020 = tpu.memref_slice %arg10[%gather3A_1016, %gather3A_1017, %gather3A_1018, %gather3A_1019] : memref<2x8x16x128xf32, #tpu.memory_space<vmem>> -> memref<1x1x16x128xf32, #tpu.memory_space<vmem>>
    %gather3A_1021 = tpu.memref_squeeze %gather3A_1020 : memref<1x1x16x128xf32, #tpu.memory_space<vmem>> -> memref<16x128xf32, #tpu.memory_space<vmem>>
    %gather3A_1022 = tpu.vector_load_idx %gather3A_1021[%iota3A, %broadcast_in_dim3A_1004] : memref<16x128xf32, #tpu.memory_space<vmem>>[vector<16xi32>, vector<16xi32>], vector<16xf32>,
    %swap3A_1023 = arith.constant 2 : i32
    %swap3A_1024 = arith.index_cast %swap3A_1023 : i32 to index
    %swap3A_1025 = arith.constant 0 : index
    %swap3A_1026 = tpu.vector_load %arg12[%swap3A_1024, %swap3A_1025] {strides = array<i32>} : memref<16x16xf32, #tpu.memory_space<vmem>>, vector<16xf32>,
    tpu.vector_store %arg12[%swap3A_1024, %swap3A_1025], %gather3A_1022 {strides = array<i32>} : memref<16x16xf32, #tpu.memory_space<vmem>>, vector<16xf32>,
    %slice3A_1027 = vector.extract_strided_slice %get3A_677 {offsets = [3], sizes = [1], strides = [1]} : vector<16xi32> to vector<1xi32>
    %squeeze3A_1028 = vector.extract %slice3A_1027[0] : i32 from vector<1xi32>
    %and3A_1029 = arith.constant 127 : i32
    %and3A_1030 = arith.andi %squeeze3A_1028, %and3A_1029 : i32
    %broadcast_in_dim3A_1031 = vector.broadcast %and3A_1030 : i32 to vector<16xi32>
    %slice3A_1032 = vector.extract_strided_slice %get3A_679 {offsets = [3], sizes = [1], strides = [1]} : vector<16xi32> to vector<1xi32>
    %squeeze3A_1033 = vector.extract %slice3A_1032[0] : i32 from vector<1xi32>
    %and3A_1034 = arith.constant 127 : i32
    %and3A_1035 = arith.andi %squeeze3A_1033, %and3A_1034 : i32
    %broadcast_in_dim3A_1036 = vector.broadcast %and3A_1035 : i32 to vector<16xi32>
    %gather3A_1037 = arith.constant 0 : i32
    %gather3A_1038 = arith.constant 3 : i32
    %gather3A_1039 = arith.constant 0 : i32
    %gather3A_1040 = arith.constant 0 : i32
    %gather3A_1041 = tpu.memref_slice %arg9[%gather3A_1037, %gather3A_1038, %gather3A_1039, %gather3A_1040] : memref<2x8x16x128xf32, #tpu.memory_space<vmem>> -> memref<1x1x16x128xf32, #tpu.memory_space<vmem>>
    %gather3A_1042 = tpu.memref_squeeze %gather3A_1041 : memref<1x1x16x128xf32, #tpu.memory_space<vmem>> -> memref<16x128xf32, #tpu.memory_space<vmem>>
    %gather3A_1043 = tpu.vector_load_idx %gather3A_1042[%iota3A, %broadcast_in_dim3A_1031] : memref<16x128xf32, #tpu.memory_space<vmem>>[vector<16xi32>, vector<16xi32>], vector<16xf32>,
    %swap3A_1044 = arith.constant 3 : i32
    %swap3A_1045 = arith.index_cast %swap3A_1044 : i32 to index
    %swap3A_1046 = arith.constant 0 : index
    %swap3A_1047 = tpu.vector_load %arg11[%swap3A_1045, %swap3A_1046] {strides = array<i32>} : memref<16x16xf32, #tpu.memory_space<vmem>>, vector<16xf32>,
    tpu.vector_store %arg11[%swap3A_1045, %swap3A_1046], %gather3A_1043 {strides = array<i32>} : memref<16x16xf32, #tpu.memory_space<vmem>>, vector<16xf32>,
    %gather3A_1048 = arith.constant 0 : i32
    %gather3A_1049 = arith.constant 3 : i32
    %gather3A_1050 = arith.constant 0 : i32
    %gather3A_1051 = arith.constant 0 : i32
    %gather3A_1052 = tpu.memref_slice %arg10[%gather3A_1048, %gather3A_1049, %gather3A_1050, %gather3A_1051] : memref<2x8x16x128xf32, #tpu.memory_space<vmem>> -> memref<1x1x16x128xf32, #tpu.memory_space<vmem>>
    %gather3A_1053 = tpu.memref_squeeze %gather3A_1052 : memref<1x1x16x128xf32, #tpu.memory_space<vmem>> -> memref<16x128xf32, #tpu.memory_space<vmem>>
    %gather3A_1054 = tpu.vector_load_idx %gather3A_1053[%iota3A, %broadcast_in_dim3A_1036] : memref<16x128xf32, #tpu.memory_space<vmem>>[vector<16xi32>, vector<16xi32>], vector<16xf32>,
    %swap3A_1055 = arith.constant 3 : i32
    %swap3A_1056 = arith.index_cast %swap3A_1055 : i32 to index
    %swap3A_1057 = arith.constant 0 : index
    %swap3A_1058 = tpu.vector_load %arg12[%swap3A_1056, %swap3A_1057] {strides = array<i32>} : memref<16x16xf32, #tpu.memory_space<vmem>>, vector<16xf32>,
    tpu.vector_store %arg12[%swap3A_1056, %swap3A_1057], %gather3A_1054 {strides = array<i32>} : memref<16x16xf32, #tpu.memory_space<vmem>>, vector<16xf32>,
    %slice3A_1059 = vector.extract_strided_slice %get3A_677 {offsets = [4], sizes = [1], strides = [1]} : vector<16xi32> to vector<1xi32>
    %squeeze3A_1060 = vector.extract %slice3A_1059[0] : i32 from vector<1xi32>
    %and3A_1061 = arith.constant 127 : i32
    %and3A_1062 = arith.andi %squeeze3A_1060, %and3A_1061 : i32
    %broadcast_in_dim3A_1063 = vector.broadcast %and3A_1062 : i32 to vector<16xi32>
    %slice3A_1064 = vector.extract_strided_slice %get3A_679 {offsets = [4], sizes = [1], strides = [1]} : vector<16xi32> to vector<1xi32>
    %squeeze3A_1065 = vector.extract %slice3A_1064[0] : i32 from vector<1xi32>
    %and3A_1066 = arith.constant 127 : i32
    %and3A_1067 = arith.andi %squeeze3A_1065, %and3A_1066 : i32
    %broadcast_in_dim3A_1068 = vector.broadcast %and3A_1067 : i32 to vector<16xi32>
    %gather3A_1069 = arith.constant 0 : i32
    %gather3A_1070 = arith.constant 4 : i32
    %gather3A_1071 = arith.constant 0 : i32
    %gather3A_1072 = arith.constant 0 : i32
    %gather3A_1073 = tpu.memref_slice %arg9[%gather3A_1069, %gather3A_1070, %gather3A_1071, %gather3A_1072] : memref<2x8x16x128xf32, #tpu.memory_space<vmem>> -> memref<1x1x16x128xf32, #tpu.memory_space<vmem>>
    %gather3A_1074 = tpu.memref_squeeze %gather3A_1073 : memref<1x1x16x128xf32, #tpu.memory_space<vmem>> -> memref<16x128xf32, #tpu.memory_space<vmem>>
    %gather3A_1075 = tpu.vector_load_idx %gather3A_1074[%iota3A, %broadcast_in_dim3A_1063] : memref<16x128xf32, #tpu.memory_space<vmem>>[vector<16xi32>, vector<16xi32>], vector<16xf32>,
    %swap3A_1076 = arith.constant 4 : i32
    %swap3A_1077 = arith.index_cast %swap3A_1076 : i32 to index
    %swap3A_1078 = arith.constant 0 : index
    %swap3A_1079 = tpu.vector_load %arg11[%swap3A_1077, %swap3A_1078] {strides = array<i32>} : memref<16x16xf32, #tpu.memory_space<vmem>>, vector<16xf32>,
    tpu.vector_store %arg11[%swap3A_1077, %swap3A_1078], %gather3A_1075 {strides = array<i32>} : memref<16x16xf32, #tpu.memory_space<vmem>>, vector<16xf32>,
    %gather3A_1080 = arith.constant 0 : i32
    %gather3A_1081 = arith.constant 4 : i32
    %gather3A_1082 = arith.constant 0 : i32
    %gather3A_1083 = arith.constant 0 : i32
    %gather3A_1084 = tpu.memref_slice %arg10[%gather3A_1080, %gather3A_1081, %gather3A_1082, %gather3A_1083] : memref<2x8x16x128xf32, #tpu.memory_space<vmem>> -> memref<1x1x16x128xf32, #tpu.memory_space<vmem>>
    %gather3A_1085 = tpu.memref_squeeze %gather3A_1084 : memref<1x1x16x128xf32, #tpu.memory_space<vmem>> -> memref<16x128xf32, #tpu.memory_space<vmem>>
    %gather3A_1086 = tpu.vector_load_idx %gather3A_1085[%iota3A, %broadcast_in_dim3A_1068] : memref<16x128xf32, #tpu.memory_space<vmem>>[vector<16xi32>, vector<16xi32>], vector<16xf32>,
    %swap3A_1087 = arith.constant 4 : i32
    %swap3A_1088 = arith.index_cast %swap3A_1087 : i32 to index
    %swap3A_1089 = arith.constant 0 : index
    %swap3A_1090 = tpu.vector_load %arg12[%swap3A_1088, %swap3A_1089] {strides = array<i32>} : memref<16x16xf32, #tpu.memory_space<vmem>>, vector<16xf32>,
    tpu.vector_store %arg12[%swap3A_1088, %swap3A_1089], %gather3A_1086 {strides = array<i32>} : memref<16x16xf32, #tpu.memory_space<vmem>>, vector<16xf32>,
    %slice3A_1091 = vector.extract_strided_slice %get3A_677 {offsets = [5], sizes = [1], strides = [1]} : vector<16xi32> to vector<1xi32>
    %squeeze3A_1092 = vector.extract %slice3A_1091[0] : i32 from vector<1xi32>
    %and3A_1093 = arith.constant 127 : i32
    %and3A_1094 = arith.andi %squeeze3A_1092, %and3A_1093 : i32
    %broadcast_in_dim3A_1095 = vector.broadcast %and3A_1094 : i32 to vector<16xi32>
    %slice3A_1096 = vector.extract_strided_slice %get3A_679 {offsets = [5], sizes = [1], strides = [1]} : vector<16xi32> to vector<1xi32>
    %squeeze3A_1097 = vector.extract %slice3A_1096[0] : i32 from vector<1xi32>
    %and3A_1098 = arith.constant 127 : i32
    %and3A_1099 = arith.andi %squeeze3A_1097, %and3A_1098 : i32
    %broadcast_in_dim3A_1100 = vector.broadcast %and3A_1099 : i32 to vector<16xi32>
    %gather3A_1101 = arith.constant 0 : i32
    %gather3A_1102 = arith.constant 5 : i32
    %gather3A_1103 = arith.constant 0 : i32
    %gather3A_1104 = arith.constant 0 : i32
    %gather3A_1105 = tpu.memref_slice %arg9[%gather3A_1101, %gather3A_1102, %gather3A_1103, %gather3A_1104] : memref<2x8x16x128xf32, #tpu.memory_space<vmem>> -> memref<1x1x16x128xf32, #tpu.memory_space<vmem>>
    %gather3A_1106 = tpu.memref_squeeze %gather3A_1105 : memref<1x1x16x128xf32, #tpu.memory_space<vmem>> -> memref<16x128xf32, #tpu.memory_space<vmem>>
    %gather3A_1107 = tpu.vector_load_idx %gather3A_1106[%iota3A, %broadcast_in_dim3A_1095] : memref<16x128xf32, #tpu.memory_space<vmem>>[vector<16xi32>, vector<16xi32>], vector<16xf32>,
    %swap3A_1108 = arith.constant 5 : i32
    %swap3A_1109 = arith.index_cast %swap3A_1108 : i32 to index
    %swap3A_1110 = arith.constant 0 : index
    %swap3A_1111 = tpu.vector_load %arg11[%swap3A_1109, %swap3A_1110] {strides = array<i32>} : memref<16x16xf32, #tpu.memory_space<vmem>>, vector<16xf32>,
    tpu.vector_store %arg11[%swap3A_1109, %swap3A_1110], %gather3A_1107 {strides = array<i32>} : memref<16x16xf32, #tpu.memory_space<vmem>>, vector<16xf32>,
    %gather3A_1112 = arith.constant 0 : i32
    %gather3A_1113 = arith.constant 5 : i32
    %gather3A_1114 = arith.constant 0 : i32
    %gather3A_1115 = arith.constant 0 : i32
    %gather3A_1116 = tpu.memref_slice %arg10[%gather3A_1112, %gather3A_1113, %gather3A_1114, %gather3A_1115] : memref<2x8x16x128xf32, #tpu.memory_space<vmem>> -> memref<1x1x16x128xf32, #tpu.memory_space<vmem>>
    %gather3A_1117 = tpu.memref_squeeze %gather3A_1116 : memref<1x1x16x128xf32, #tpu.memory_space<vmem>> -> memref<16x128xf32, #tpu.memory_space<vmem>>
    %gather3A_1118 = tpu.vector_load_idx %gather3A_1117[%iota3A, %broadcast_in_dim3A_1100] : memref<16x128xf32, #tpu.memory_space<vmem>>[vector<16xi32>, vector<16xi32>], vector<16xf32>,
    %swap3A_1119 = arith.constant 5 : i32
    %swap3A_1120 = arith.index_cast %swap3A_1119 : i32 to index
    %swap3A_1121 = arith.constant 0 : index
    %swap3A_1122 = tpu.vector_load %arg12[%swap3A_1120, %swap3A_1121] {strides = array<i32>} : memref<16x16xf32, #tpu.memory_space<vmem>>, vector<16xf32>,
    tpu.vector_store %arg12[%swap3A_1120, %swap3A_1121], %gather3A_1118 {strides = array<i32>} : memref<16x16xf32, #tpu.memory_space<vmem>>, vector<16xf32>,
    %slice3A_1123 = vector.extract_strided_slice %get3A_677 {offsets = [6], sizes = [1], strides = [1]} : vector<16xi32> to vector<1xi32>
    %squeeze3A_1124 = vector.extract %slice3A_1123[0] : i32 from vector<1xi32>
    %and3A_1125 = arith.constant 127 : i32
    %and3A_1126 = arith.andi %squeeze3A_1124, %and3A_1125 : i32
    %broadcast_in_dim3A_1127 = vector.broadcast %and3A_1126 : i32 to vector<16xi32>
    %slice3A_1128 = vector.extract_strided_slice %get3A_679 {offsets = [6], sizes = [1], strides = [1]} : vector<16xi32> to vector<1xi32>
    %squeeze3A_1129 = vector.extract %slice3A_1128[0] : i32 from vector<1xi32>
    %and3A_1130 = arith.constant 127 : i32
    %and3A_1131 = arith.andi %squeeze3A_1129, %and3A_1130 : i32
    %broadcast_in_dim3A_1132 = vector.broadcast %and3A_1131 : i32 to vector<16xi32>
    %gather3A_1133 = arith.constant 0 : i32
    %gather3A_1134 = arith.constant 6 : i32
    %gather3A_1135 = arith.constant 0 : i32
    %gather3A_1136 = arith.constant 0 : i32
    %gather3A_1137 = tpu.memref_slice %arg9[%gather3A_1133, %gather3A_1134, %gather3A_1135, %gather3A_1136] : memref<2x8x16x128xf32, #tpu.memory_space<vmem>> -> memref<1x1x16x128xf32, #tpu.memory_space<vmem>>
    %gather3A_1138 = tpu.memref_squeeze %gather3A_1137 : memref<1x1x16x128xf32, #tpu.memory_space<vmem>> -> memref<16x128xf32, #tpu.memory_space<vmem>>
    %gather3A_1139 = tpu.vector_load_idx %gather3A_1138[%iota3A, %broadcast_in_dim3A_1127] : memref<16x128xf32, #tpu.memory_space<vmem>>[vector<16xi32>, vector<16xi32>], vector<16xf32>,
    %swap3A_1140 = arith.constant 6 : i32
    %swap3A_1141 = arith.index_cast %swap3A_1140 : i32 to index
    %swap3A_1142 = arith.constant 0 : index
    %swap3A_1143 = tpu.vector_load %arg11[%swap3A_1141, %swap3A_1142] {strides = array<i32>} : memref<16x16xf32, #tpu.memory_space<vmem>>, vector<16xf32>,
    tpu.vector_store %arg11[%swap3A_1141, %swap3A_1142], %gather3A_1139 {strides = array<i32>} : memref<16x16xf32, #tpu.memory_space<vmem>>, vector<16xf32>,
    %gather3A_1144 = arith.constant 0 : i32
    %gather3A_1145 = arith.constant 6 : i32
    %gather3A_1146 = arith.constant 0 : i32
    %gather3A_1147 = arith.constant 0 : i32
    %gather3A_1148 = tpu.memref_slice %arg10[%gather3A_1144, %gather3A_1145, %gather3A_1146, %gather3A_1147] : memref<2x8x16x128xf32, #tpu.memory_space<vmem>> -> memref<1x1x16x128xf32, #tpu.memory_space<vmem>>
    %gather3A_1149 = tpu.memref_squeeze %gather3A_1148 : memref<1x1x16x128xf32, #tpu.memory_space<vmem>> -> memref<16x128xf32, #tpu.memory_space<vmem>>
    %gather3A_1150 = tpu.vector_load_idx %gather3A_1149[%iota3A, %broadcast_in_dim3A_1132] : memref<16x128xf32, #tpu.memory_space<vmem>>[vector<16xi32>, vector<16xi32>], vector<16xf32>,
    %swap3A_1151 = arith.constant 6 : i32
    %swap3A_1152 = arith.index_cast %swap3A_1151 : i32 to index
    %swap3A_1153 = arith.constant 0 : index
    %swap3A_1154 = tpu.vector_load %arg12[%swap3A_1152, %swap3A_1153] {strides = array<i32>} : memref<16x16xf32, #tpu.memory_space<vmem>>, vector<16xf32>,
    tpu.vector_store %arg12[%swap3A_1152, %swap3A_1153], %gather3A_1150 {strides = array<i32>} : memref<16x16xf32, #tpu.memory_space<vmem>>, vector<16xf32>,
    %slice3A_1155 = vector.extract_strided_slice %get3A_677 {offsets = [7], sizes = [1], strides = [1]} : vector<16xi32> to vector<1xi32>
    %squeeze3A_1156 = vector.extract %slice3A_1155[0] : i32 from vector<1xi32>
    %and3A_1157 = arith.constant 127 : i32
    %and3A_1158 = arith.andi %squeeze3A_1156, %and3A_1157 : i32
    %broadcast_in_dim3A_1159 = vector.broadcast %and3A_1158 : i32 to vector<16xi32>
    %slice3A_1160 = vector.extract_strided_slice %get3A_679 {offsets = [7], sizes = [1], strides = [1]} : vector<16xi32> to vector<1xi32>
    %squeeze3A_1161 = vector.extract %slice3A_1160[0] : i32 from vector<1xi32>
    %and3A_1162 = arith.constant 127 : i32
    %and3A_1163 = arith.andi %squeeze3A_1161, %and3A_1162 : i32
    %broadcast_in_dim3A_1164 = vector.broadcast %and3A_1163 : i32 to vector<16xi32>
    %gather3A_1165 = arith.constant 0 : i32
    %gather3A_1166 = arith.constant 7 : i32
    %gather3A_1167 = arith.constant 0 : i32
    %gather3A_1168 = arith.constant 0 : i32
    %gather3A_1169 = tpu.memref_slice %arg9[%gather3A_1165, %gather3A_1166, %gather3A_1167, %gather3A_1168] : memref<2x8x16x128xf32, #tpu.memory_space<vmem>> -> memref<1x1x16x128xf32, #tpu.memory_space<vmem>>
    %gather3A_1170 = tpu.memref_squeeze %gather3A_1169 : memref<1x1x16x128xf32, #tpu.memory_space<vmem>> -> memref<16x128xf32, #tpu.memory_space<vmem>>
    %gather3A_1171 = tpu.vector_load_idx %gather3A_1170[%iota3A, %broadcast_in_dim3A_1159] : memref<16x128xf32, #tpu.memory_space<vmem>>[vector<16xi32>, vector<16xi32>], vector<16xf32>,
    %swap3A_1172 = arith.constant 7 : i32
    %swap3A_1173 = arith.index_cast %swap3A_1172 : i32 to index
    %swap3A_1174 = arith.constant 0 : index
    %swap3A_1175 = tpu.vector_load %arg11[%swap3A_1173, %swap3A_1174] {strides = array<i32>} : memref<16x16xf32, #tpu.memory_space<vmem>>, vector<16xf32>,
    tpu.vector_store %arg11[%swap3A_1173, %swap3A_1174], %gather3A_1171 {strides = array<i32>} : memref<16x16xf32, #tpu.memory_space<vmem>>, vector<16xf32>,
    %gather3A_1176 = arith.constant 0 : i32
    %gather3A_1177 = arith.constant 7 : i32
    %gather3A_1178 = arith.constant 0 : i32
    %gather3A_1179 = arith.constant 0 : i32
    %gather3A_1180 = tpu.memref_slice %arg10[%gather3A_1176, %gather3A_1177, %gather3A_1178, %gather3A_1179] : memref<2x8x16x128xf32, #tpu.memory_space<vmem>> -> memref<1x1x16x128xf32, #tpu.memory_space<vmem>>
    %gather3A_1181 = tpu.memref_squeeze %gather3A_1180 : memref<1x1x16x128xf32, #tpu.memory_space<vmem>> -> memref<16x128xf32, #tpu.memory_space<vmem>>
    %gather3A_1182 = tpu.vector_load_idx %gather3A_1181[%iota3A, %broadcast_in_dim3A_1164] : memref<16x128xf32, #tpu.memory_space<vmem>>[vector<16xi32>, vector<16xi32>], vector<16xf32>,
    %swap3A_1183 = arith.constant 7 : i32
    %swap3A_1184 = arith.index_cast %swap3A_1183 : i32 to index
    %swap3A_1185 = arith.constant 0 : index
    %swap3A_1186 = tpu.vector_load %arg12[%swap3A_1184, %swap3A_1185] {strides = array<i32>} : memref<16x16xf32, #tpu.memory_space<vmem>>, vector<16xf32>,
    tpu.vector_store %arg12[%swap3A_1184, %swap3A_1185], %gather3A_1182 {strides = array<i32>} : memref<16x16xf32, #tpu.memory_space<vmem>>, vector<16xf32>,
    %dma_wait3A_1187 = arith.constant 1 : i32
    %dma_wait3A_1188 = arith.constant 0 : i32
    %dma_wait3A_1189 = arith.constant 0 : i32
    %dma_wait3A_1190 = arith.constant 0 : i32
    %dma_wait3A_1191 = tpu.memref_slice %arg9[%dma_wait3A_1187, %dma_wait3A_1188, %dma_wait3A_1189, %dma_wait3A_1190] : memref<2x8x16x128xf32, #tpu.memory_space<vmem>> -> memref<1x1x16x128xf32, #tpu.memory_space<vmem>>
    %dma_wait3A_1192 = tpu.memref_squeeze %dma_wait3A_1191 : memref<1x1x16x128xf32, #tpu.memory_space<vmem>> -> memref<16x128xf32, #tpu.memory_space<vmem>>
    %dma_wait3A_1193 = arith.constant 0 : i32
    %dma_wait3A_1194 = arith.constant 0 : i32
    %dma_wait3A_1195 = tpu.memref_slice %arg4[%dma_wait3A_1193, %dma_wait3A_1194] : memref<16x1000000xf32, #tpu.memory_space<hbm>> -> memref<16x128xf32, #tpu.memory_space<hbm>>
    %dma_wait3A_1196 = arith.constant 0 : i32
    %dma_wait3A_1197 = arith.constant 0 : i32
    %dma_wait3A_1198 = tpu.memref_slice %arg9[%dma_wait3A_1187, %dma_wait3A_1188, %dma_wait3A_1196, %dma_wait3A_1197] : memref<2x8x16x128xf32, #tpu.memory_space<vmem>> -> memref<1x1x16x128xf32, #tpu.memory_space<vmem>>
    %dma_wait3A_1199 = tpu.memref_squeeze %dma_wait3A_1198 : memref<1x1x16x128xf32, #tpu.memory_space<vmem>> -> memref<16x128xf32, #tpu.memory_space<vmem>>
    %dma_wait3A_1200 = arith.constant 0 : i32
    %dma_wait3A_1201 = arith.constant 0 : i32
    %dma_wait3A_1202 = tpu.memref_slice %arg4[%dma_wait3A_1200, %dma_wait3A_1201] : memref<16x1000000xf32, #tpu.memory_space<hbm>> -> memref<16x128xf32, #tpu.memory_space<hbm>>
    tpu.wait_dma2 semaphore(%arg15 : memref<!tpu.dma_semaphore, #tpu.memory_space<semaphore_mem>>) src(%dma_wait3A_1202 : memref<16x128xf32, #tpu.memory_space<hbm>>) dst(%dma_wait3A_1199 : memref<16x128xf32, #tpu.memory_space<vmem>>)
    %dma_wait3A_1203 = arith.constant 1 : i32
    %dma_wait3A_1204 = arith.constant 0 : i32
    %dma_wait3A_1205 = arith.constant 0 : i32
    %dma_wait3A_1206 = arith.constant 0 : i32
    %dma_wait3A_1207 = tpu.memref_slice %arg10[%dma_wait3A_1203, %dma_wait3A_1204, %dma_wait3A_1205, %dma_wait3A_1206] : memref<2x8x16x128xf32, #tpu.memory_space<vmem>> -> memref<1x1x16x128xf32, #tpu.memory_space<vmem>>
    %dma_wait3A_1208 = tpu.memref_squeeze %dma_wait3A_1207 : memref<1x1x16x128xf32, #tpu.memory_space<vmem>> -> memref<16x128xf32, #tpu.memory_space<vmem>>
    %dma_wait3A_1209 = arith.constant 0 : i32
    %dma_wait3A_1210 = arith.constant 0 : i32
    %dma_wait3A_1211 = tpu.memref_slice %arg5[%dma_wait3A_1209, %dma_wait3A_1210] : memref<16x1000000xf32, #tpu.memory_space<hbm>> -> memref<16x128xf32, #tpu.memory_space<hbm>>
    %dma_wait3A_1212 = arith.constant 0 : i32
    %dma_wait3A_1213 = arith.constant 0 : i32
    %dma_wait3A_1214 = tpu.memref_slice %arg10[%dma_wait3A_1203, %dma_wait3A_1204, %dma_wait3A_1212, %dma_wait3A_1213] : memref<2x8x16x128xf32, #tpu.memory_space<vmem>> -> memref<1x1x16x128xf32, #tpu.memory_space<vmem>>
    %dma_wait3A_1215 = tpu.memref_squeeze %dma_wait3A_1214 : memref<1x1x16x128xf32, #tpu.memory_space<vmem>> -> memref<16x128xf32, #tpu.memory_space<vmem>>
    %dma_wait3A_1216 = arith.constant 0 : i32
    %dma_wait3A_1217 = arith.constant 0 : i32
    %dma_wait3A_1218 = tpu.memref_slice %arg5[%dma_wait3A_1216, %dma_wait3A_1217] : memref<16x1000000xf32, #tpu.memory_space<hbm>> -> memref<16x128xf32, #tpu.memory_space<hbm>>
    tpu.wait_dma2 semaphore(%arg15 : memref<!tpu.dma_semaphore, #tpu.memory_space<semaphore_mem>>) src(%dma_wait3A_1218 : memref<16x128xf32, #tpu.memory_space<hbm>>) dst(%dma_wait3A_1215 : memref<16x128xf32, #tpu.memory_space<vmem>>)
    %dma_wait3A_1219 = arith.constant 1 : i32
    %dma_wait3A_1220 = arith.constant 1 : i32
    %dma_wait3A_1221 = arith.constant 0 : i32
    %dma_wait3A_1222 = arith.constant 0 : i32
    %dma_wait3A_1223 = tpu.memref_slice %arg9[%dma_wait3A_1219, %dma_wait3A_1220, %dma_wait3A_1221, %dma_wait3A_1222] : memref<2x8x16x128xf32, #tpu.memory_space<vmem>> -> memref<1x1x16x128xf32, #tpu.memory_space<vmem>>
    %dma_wait3A_1224 = tpu.memref_squeeze %dma_wait3A_1223 : memref<1x1x16x128xf32, #tpu.memory_space<vmem>> -> memref<16x128xf32, #tpu.memory_space<vmem>>
    %dma_wait3A_1225 = arith.constant 0 : i32
    %dma_wait3A_1226 = arith.constant 0 : i32
    %dma_wait3A_1227 = tpu.memref_slice %arg4[%dma_wait3A_1225, %dma_wait3A_1226] : memref<16x1000000xf32, #tpu.memory_space<hbm>> -> memref<16x128xf32, #tpu.memory_space<hbm>>
    %dma_wait3A_1228 = arith.constant 0 : i32
    %dma_wait3A_1229 = arith.constant 0 : i32
    %dma_wait3A_1230 = tpu.memref_slice %arg9[%dma_wait3A_1219, %dma_wait3A_1220, %dma_wait3A_1228, %dma_wait3A_1229] : memref<2x8x16x128xf32, #tpu.memory_space<vmem>> -> memref<1x1x16x128xf32, #tpu.memory_space<vmem>>
    %dma_wait3A_1231 = tpu.memref_squeeze %dma_wait3A_1230 : memref<1x1x16x128xf32, #tpu.memory_space<vmem>> -> memref<16x128xf32, #tpu.memory_space<vmem>>
    %dma_wait3A_1232 = arith.constant 0 : i32
    %dma_wait3A_1233 = arith.constant 0 : i32
    %dma_wait3A_1234 = tpu.memref_slice %arg4[%dma_wait3A_1232, %dma_wait3A_1233] : memref<16x1000000xf32, #tpu.memory_space<hbm>> -> memref<16x128xf32, #tpu.memory_space<hbm>>
    tpu.wait_dma2 semaphore(%arg15 : memref<!tpu.dma_semaphore, #tpu.memory_space<semaphore_mem>>) src(%dma_wait3A_1234 : memref<16x128xf32, #tpu.memory_space<hbm>>) dst(%dma_wait3A_1231 : memref<16x128xf32, #tpu.memory_space<vmem>>)
    %dma_wait3A_1235 = arith.constant 1 : i32
    %dma_wait3A_1236 = arith.constant 1 : i32
    %dma_wait3A_1237 = arith.constant 0 : i32
    %dma_wait3A_1238 = arith.constant 0 : i32
    %dma_wait3A_1239 = tpu.memref_slice %arg10[%dma_wait3A_1235, %dma_wait3A_1236, %dma_wait3A_1237, %dma_wait3A_1238] : memref<2x8x16x128xf32, #tpu.memory_space<vmem>> -> memref<1x1x16x128xf32, #tpu.memory_space<vmem>>
    %dma_wait3A_1240 = tpu.memref_squeeze %dma_wait3A_1239 : memref<1x1x16x128xf32, #tpu.memory_space<vmem>> -> memref<16x128xf32, #tpu.memory_space<vmem>>
    %dma_wait3A_1241 = arith.constant 0 : i32
    %dma_wait3A_1242 = arith.constant 0 : i32
    %dma_wait3A_1243 = tpu.memref_slice %arg5[%dma_wait3A_1241, %dma_wait3A_1242] : memref<16x1000000xf32, #tpu.memory_space<hbm>> -> memref<16x128xf32, #tpu.memory_space<hbm>>
    %dma_wait3A_1244 = arith.constant 0 : i32
    %dma_wait3A_1245 = arith.constant 0 : i32
    %dma_wait3A_1246 = tpu.memref_slice %arg10[%dma_wait3A_1235, %dma_wait3A_1236, %dma_wait3A_1244, %dma_wait3A_1245] : memref<2x8x16x128xf32, #tpu.memory_space<vmem>> -> memref<1x1x16x128xf32, #tpu.memory_space<vmem>>
    %dma_wait3A_1247 = tpu.memref_squeeze %dma_wait3A_1246 : memref<1x1x16x128xf32, #tpu.memory_space<vmem>> -> memref<16x128xf32, #tpu.memory_space<vmem>>
    %dma_wait3A_1248 = arith.constant 0 : i32
    %dma_wait3A_1249 = arith.constant 0 : i32
    %dma_wait3A_1250 = tpu.memref_slice %arg5[%dma_wait3A_1248, %dma_wait3A_1249] : memref<16x1000000xf32, #tpu.memory_space<hbm>> -> memref<16x128xf32, #tpu.memory_space<hbm>>
    tpu.wait_dma2 semaphore(%arg15 : memref<!tpu.dma_semaphore, #tpu.memory_space<semaphore_mem>>) src(%dma_wait3A_1250 : memref<16x128xf32, #tpu.memory_space<hbm>>) dst(%dma_wait3A_1247 : memref<16x128xf32, #tpu.memory_space<vmem>>)
    %dma_wait3A_1251 = arith.constant 1 : i32
    %dma_wait3A_1252 = arith.constant 2 : i32
    %dma_wait3A_1253 = arith.constant 0 : i32
    %dma_wait3A_1254 = arith.constant 0 : i32
    %dma_wait3A_1255 = tpu.memref_slice %arg9[%dma_wait3A_1251, %dma_wait3A_1252, %dma_wait3A_1253, %dma_wait3A_1254] : memref<2x8x16x128xf32, #tpu.memory_space<vmem>> -> memref<1x1x16x128xf32, #tpu.memory_space<vmem>>
    %dma_wait3A_1256 = tpu.memref_squeeze %dma_wait3A_1255 : memref<1x1x16x128xf32, #tpu.memory_space<vmem>> -> memref<16x128xf32, #tpu.memory_space<vmem>>
    %dma_wait3A_1257 = arith.constant 0 : i32
    %dma_wait3A_1258 = arith.constant 0 : i32
    %dma_wait3A_1259 = tpu.memref_slice %arg4[%dma_wait3A_1257, %dma_wait3A_1258] : memref<16x1000000xf32, #tpu.memory_space<hbm>> -> memref<16x128xf32, #tpu.memory_space<hbm>>
    %dma_wait3A_1260 = arith.constant 0 : i32
    %dma_wait3A_1261 = arith.constant 0 : i32
    %dma_wait3A_1262 = tpu.memref_slice %arg9[%dma_wait3A_1251, %dma_wait3A_1252, %dma_wait3A_1260, %dma_wait3A_1261] : memref<2x8x16x128xf32, #tpu.memory_space<vmem>> -> memref<1x1x16x128xf32, #tpu.memory_space<vmem>>
    %dma_wait3A_1263 = tpu.memref_squeeze %dma_wait3A_1262 : memref<1x1x16x128xf32, #tpu.memory_space<vmem>> -> memref<16x128xf32, #tpu.memory_space<vmem>>
    %dma_wait3A_1264 = arith.constant 0 : i32
    %dma_wait3A_1265 = arith.constant 0 : i32
    %dma_wait3A_1266 = tpu.memref_slice %arg4[%dma_wait3A_1264, %dma_wait3A_1265] : memref<16x1000000xf32, #tpu.memory_space<hbm>> -> memref<16x128xf32, #tpu.memory_space<hbm>>
    tpu.wait_dma2 semaphore(%arg15 : memref<!tpu.dma_semaphore, #tpu.memory_space<semaphore_mem>>) src(%dma_wait3A_1266 : memref<16x128xf32, #tpu.memory_space<hbm>>) dst(%dma_wait3A_1263 : memref<16x128xf32, #tpu.memory_space<vmem>>)
    %dma_wait3A_1267 = arith.constant 1 : i32
    %dma_wait3A_1268 = arith.constant 2 : i32
    %dma_wait3A_1269 = arith.constant 0 : i32
    %dma_wait3A_1270 = arith.constant 0 : i32
    %dma_wait3A_1271 = tpu.memref_slice %arg10[%dma_wait3A_1267, %dma_wait3A_1268, %dma_wait3A_1269, %dma_wait3A_1270] : memref<2x8x16x128xf32, #tpu.memory_space<vmem>> -> memref<1x1x16x128xf32, #tpu.memory_space<vmem>>
    %dma_wait3A_1272 = tpu.memref_squeeze %dma_wait3A_1271 : memref<1x1x16x128xf32, #tpu.memory_space<vmem>> -> memref<16x128xf32, #tpu.memory_space<vmem>>
    %dma_wait3A_1273 = arith.constant 0 : i32
    %dma_wait3A_1274 = arith.constant 0 : i32
    %dma_wait3A_1275 = tpu.memref_slice %arg5[%dma_wait3A_1273, %dma_wait3A_1274] : memref<16x1000000xf32, #tpu.memory_space<hbm>> -> memref<16x128xf32, #tpu.memory_space<hbm>>
    %dma_wait3A_1276 = arith.constant 0 : i32
    %dma_wait3A_1277 = arith.constant 0 : i32
    %dma_wait3A_1278 = tpu.memref_slice %arg10[%dma_wait3A_1267, %dma_wait3A_1268, %dma_wait3A_1276, %dma_wait3A_1277] : memref<2x8x16x128xf32, #tpu.memory_space<vmem>> -> memref<1x1x16x128xf32, #tpu.memory_space<vmem>>
    %dma_wait3A_1279 = tpu.memref_squeeze %dma_wait3A_1278 : memref<1x1x16x128xf32, #tpu.memory_space<vmem>> -> memref<16x128xf32, #tpu.memory_space<vmem>>
    %dma_wait3A_1280 = arith.constant 0 : i32
    %dma_wait3A_1281 = arith.constant 0 : i32
    %dma_wait3A_1282 = tpu.memref_slice %arg5[%dma_wait3A_1280, %dma_wait3A_1281] : memref<16x1000000xf32, #tpu.memory_space<hbm>> -> memref<16x128xf32, #tpu.memory_space<hbm>>
    tpu.wait_dma2 semaphore(%arg15 : memref<!tpu.dma_semaphore, #tpu.memory_space<semaphore_mem>>) src(%dma_wait3A_1282 : memref<16x128xf32, #tpu.memory_space<hbm>>) dst(%dma_wait3A_1279 : memref<16x128xf32, #tpu.memory_space<vmem>>)
    %dma_wait3A_1283 = arith.constant 1 : i32
    %dma_wait3A_1284 = arith.constant 3 : i32
    %dma_wait3A_1285 = arith.constant 0 : i32
    %dma_wait3A_1286 = arith.constant 0 : i32
    %dma_wait3A_1287 = tpu.memref_slice %arg9[%dma_wait3A_1283, %dma_wait3A_1284, %dma_wait3A_1285, %dma_wait3A_1286] : memref<2x8x16x128xf32, #tpu.memory_space<vmem>> -> memref<1x1x16x128xf32, #tpu.memory_space<vmem>>
    %dma_wait3A_1288 = tpu.memref_squeeze %dma_wait3A_1287 : memref<1x1x16x128xf32, #tpu.memory_space<vmem>> -> memref<16x128xf32, #tpu.memory_space<vmem>>
    %dma_wait3A_1289 = arith.constant 0 : i32
    %dma_wait3A_1290 = arith.constant 0 : i32
    %dma_wait3A_1291 = tpu.memref_slice %arg4[%dma_wait3A_1289, %dma_wait3A_1290] : memref<16x1000000xf32, #tpu.memory_space<hbm>> -> memref<16x128xf32, #tpu.memory_space<hbm>>
    %dma_wait3A_1292 = arith.constant 0 : i32
    %dma_wait3A_1293 = arith.constant 0 : i32
    %dma_wait3A_1294 = tpu.memref_slice %arg9[%dma_wait3A_1283, %dma_wait3A_1284, %dma_wait3A_1292, %dma_wait3A_1293] : memref<2x8x16x128xf32, #tpu.memory_space<vmem>> -> memref<1x1x16x128xf32, #tpu.memory_space<vmem>>
    %dma_wait3A_1295 = tpu.memref_squeeze %dma_wait3A_1294 : memref<1x1x16x128xf32, #tpu.memory_space<vmem>> -> memref<16x128xf32, #tpu.memory_space<vmem>>
    %dma_wait3A_1296 = arith.constant 0 : i32
    %dma_wait3A_1297 = arith.constant 0 : i32
    %dma_wait3A_1298 = tpu.memref_slice %arg4[%dma_wait3A_1296, %dma_wait3A_1297] : memref<16x1000000xf32, #tpu.memory_space<hbm>> -> memref<16x128xf32, #tpu.memory_space<hbm>>
    tpu.wait_dma2 semaphore(%arg15 : memref<!tpu.dma_semaphore, #tpu.memory_space<semaphore_mem>>) src(%dma_wait3A_1298 : memref<16x128xf32, #tpu.memory_space<hbm>>) dst(%dma_wait3A_1295 : memref<16x128xf32, #tpu.memory_space<vmem>>)
    %dma_wait3A_1299 = arith.constant 1 : i32
    %dma_wait3A_1300 = arith.constant 3 : i32
    %dma_wait3A_1301 = arith.constant 0 : i32
    %dma_wait3A_1302 = arith.constant 0 : i32
    %dma_wait3A_1303 = tpu.memref_slice %arg10[%dma_wait3A_1299, %dma_wait3A_1300, %dma_wait3A_1301, %dma_wait3A_1302] : memref<2x8x16x128xf32, #tpu.memory_space<vmem>> -> memref<1x1x16x128xf32, #tpu.memory_space<vmem>>
    %dma_wait3A_1304 = tpu.memref_squeeze %dma_wait3A_1303 : memref<1x1x16x128xf32, #tpu.memory_space<vmem>> -> memref<16x128xf32, #tpu.memory_space<vmem>>
    %dma_wait3A_1305 = arith.constant 0 : i32
    %dma_wait3A_1306 = arith.constant 0 : i32
    %dma_wait3A_1307 = tpu.memref_slice %arg5[%dma_wait3A_1305, %dma_wait3A_1306] : memref<16x1000000xf32, #tpu.memory_space<hbm>> -> memref<16x128xf32, #tpu.memory_space<hbm>>
    %dma_wait3A_1308 = arith.constant 0 : i32
    %dma_wait3A_1309 = arith.constant 0 : i32
    %dma_wait3A_1310 = tpu.memref_slice %arg10[%dma_wait3A_1299, %dma_wait3A_1300, %dma_wait3A_1308, %dma_wait3A_1309] : memref<2x8x16x128xf32, #tpu.memory_space<vmem>> -> memref<1x1x16x128xf32, #tpu.memory_space<vmem>>
    %dma_wait3A_1311 = tpu.memref_squeeze %dma_wait3A_1310 : memref<1x1x16x128xf32, #tpu.memory_space<vmem>> -> memref<16x128xf32, #tpu.memory_space<vmem>>
    %dma_wait3A_1312 = arith.constant 0 : i32
    %dma_wait3A_1313 = arith.constant 0 : i32
    %dma_wait3A_1314 = tpu.memref_slice %arg5[%dma_wait3A_1312, %dma_wait3A_1313] : memref<16x1000000xf32, #tpu.memory_space<hbm>> -> memref<16x128xf32, #tpu.memory_space<hbm>>
    tpu.wait_dma2 semaphore(%arg15 : memref<!tpu.dma_semaphore, #tpu.memory_space<semaphore_mem>>) src(%dma_wait3A_1314 : memref<16x128xf32, #tpu.memory_space<hbm>>) dst(%dma_wait3A_1311 : memref<16x128xf32, #tpu.memory_space<vmem>>)
    %dma_wait3A_1315 = arith.constant 1 : i32
    %dma_wait3A_1316 = arith.constant 4 : i32
    %dma_wait3A_1317 = arith.constant 0 : i32
    %dma_wait3A_1318 = arith.constant 0 : i32
    %dma_wait3A_1319 = tpu.memref_slice %arg9[%dma_wait3A_1315, %dma_wait3A_1316, %dma_wait3A_1317, %dma_wait3A_1318] : memref<2x8x16x128xf32, #tpu.memory_space<vmem>> -> memref<1x1x16x128xf32, #tpu.memory_space<vmem>>
    %dma_wait3A_1320 = tpu.memref_squeeze %dma_wait3A_1319 : memref<1x1x16x128xf32, #tpu.memory_space<vmem>> -> memref<16x128xf32, #tpu.memory_space<vmem>>
    %dma_wait3A_1321 = arith.constant 0 : i32
    %dma_wait3A_1322 = arith.constant 0 : i32
    %dma_wait3A_1323 = tpu.memref_slice %arg4[%dma_wait3A_1321, %dma_wait3A_1322] : memref<16x1000000xf32, #tpu.memory_space<hbm>> -> memref<16x128xf32, #tpu.memory_space<hbm>>
    %dma_wait3A_1324 = arith.constant 0 : i32
    %dma_wait3A_1325 = arith.constant 0 : i32
    %dma_wait3A_1326 = tpu.memref_slice %arg9[%dma_wait3A_1315, %dma_wait3A_1316, %dma_wait3A_1324, %dma_wait3A_1325] : memref<2x8x16x128xf32, #tpu.memory_space<vmem>> -> memref<1x1x16x128xf32, #tpu.memory_space<vmem>>
    %dma_wait3A_1327 = tpu.memref_squeeze %dma_wait3A_1326 : memref<1x1x16x128xf32, #tpu.memory_space<vmem>> -> memref<16x128xf32, #tpu.memory_space<vmem>>
    %dma_wait3A_1328 = arith.constant 0 : i32
    %dma_wait3A_1329 = arith.constant 0 : i32
    %dma_wait3A_1330 = tpu.memref_slice %arg4[%dma_wait3A_1328, %dma_wait3A_1329] : memref<16x1000000xf32, #tpu.memory_space<hbm>> -> memref<16x128xf32, #tpu.memory_space<hbm>>
    tpu.wait_dma2 semaphore(%arg15 : memref<!tpu.dma_semaphore, #tpu.memory_space<semaphore_mem>>) src(%dma_wait3A_1330 : memref<16x128xf32, #tpu.memory_space<hbm>>) dst(%dma_wait3A_1327 : memref<16x128xf32, #tpu.memory_space<vmem>>)
    %dma_wait3A_1331 = arith.constant 1 : i32
    %dma_wait3A_1332 = arith.constant 4 : i32
    %dma_wait3A_1333 = arith.constant 0 : i32
    %dma_wait3A_1334 = arith.constant 0 : i32
    %dma_wait3A_1335 = tpu.memref_slice %arg10[%dma_wait3A_1331, %dma_wait3A_1332, %dma_wait3A_1333, %dma_wait3A_1334] : memref<2x8x16x128xf32, #tpu.memory_space<vmem>> -> memref<1x1x16x128xf32, #tpu.memory_space<vmem>>
    %dma_wait3A_1336 = tpu.memref_squeeze %dma_wait3A_1335 : memref<1x1x16x128xf32, #tpu.memory_space<vmem>> -> memref<16x128xf32, #tpu.memory_space<vmem>>
    %dma_wait3A_1337 = arith.constant 0 : i32
    %dma_wait3A_1338 = arith.constant 0 : i32
    %dma_wait3A_1339 = tpu.memref_slice %arg5[%dma_wait3A_1337, %dma_wait3A_1338] : memref<16x1000000xf32, #tpu.memory_space<hbm>> -> memref<16x128xf32, #tpu.memory_space<hbm>>
    %dma_wait3A_1340 = arith.constant 0 : i32
    %dma_wait3A_1341 = arith.constant 0 : i32
    %dma_wait3A_1342 = tpu.memref_slice %arg10[%dma_wait3A_1331, %dma_wait3A_1332, %dma_wait3A_1340, %dma_wait3A_1341] : memref<2x8x16x128xf32, #tpu.memory_space<vmem>> -> memref<1x1x16x128xf32, #tpu.memory_space<vmem>>
    %dma_wait3A_1343 = tpu.memref_squeeze %dma_wait3A_1342 : memref<1x1x16x128xf32, #tpu.memory_space<vmem>> -> memref<16x128xf32, #tpu.memory_space<vmem>>
    %dma_wait3A_1344 = arith.constant 0 : i32
    %dma_wait3A_1345 = arith.constant 0 : i32
    %dma_wait3A_1346 = tpu.memref_slice %arg5[%dma_wait3A_1344, %dma_wait3A_1345] : memref<16x1000000xf32, #tpu.memory_space<hbm>> -> memref<16x128xf32, #tpu.memory_space<hbm>>
    tpu.wait_dma2 semaphore(%arg15 : memref<!tpu.dma_semaphore, #tpu.memory_space<semaphore_mem>>) src(%dma_wait3A_1346 : memref<16x128xf32, #tpu.memory_space<hbm>>) dst(%dma_wait3A_1343 : memref<16x128xf32, #tpu.memory_space<vmem>>)
    %dma_wait3A_1347 = arith.constant 1 : i32
    %dma_wait3A_1348 = arith.constant 5 : i32
    %dma_wait3A_1349 = arith.constant 0 : i32
    %dma_wait3A_1350 = arith.constant 0 : i32
    %dma_wait3A_1351 = tpu.memref_slice %arg9[%dma_wait3A_1347, %dma_wait3A_1348, %dma_wait3A_1349, %dma_wait3A_1350] : memref<2x8x16x128xf32, #tpu.memory_space<vmem>> -> memref<1x1x16x128xf32, #tpu.memory_space<vmem>>
    %dma_wait3A_1352 = tpu.memref_squeeze %dma_wait3A_1351 : memref<1x1x16x128xf32, #tpu.memory_space<vmem>> -> memref<16x128xf32, #tpu.memory_space<vmem>>
    %dma_wait3A_1353 = arith.constant 0 : i32
    %dma_wait3A_1354 = arith.constant 0 : i32
    %dma_wait3A_1355 = tpu.memref_slice %arg4[%dma_wait3A_1353, %dma_wait3A_1354] : memref<16x1000000xf32, #tpu.memory_space<hbm>> -> memref<16x128xf32, #tpu.memory_space<hbm>>
    %dma_wait3A_1356 = arith.constant 0 : i32
    %dma_wait3A_1357 = arith.constant 0 : i32
    %dma_wait3A_1358 = tpu.memref_slice %arg9[%dma_wait3A_1347, %dma_wait3A_1348, %dma_wait3A_1356, %dma_wait3A_1357] : memref<2x8x16x128xf32, #tpu.memory_space<vmem>> -> memref<1x1x16x128xf32, #tpu.memory_space<vmem>>
    %dma_wait3A_1359 = tpu.memref_squeeze %dma_wait3A_1358 : memref<1x1x16x128xf32, #tpu.memory_space<vmem>> -> memref<16x128xf32, #tpu.memory_space<vmem>>
    %dma_wait3A_1360 = arith.constant 0 : i32
    %dma_wait3A_1361 = arith.constant 0 : i32
    %dma_wait3A_1362 = tpu.memref_slice %arg4[%dma_wait3A_1360, %dma_wait3A_1361] : memref<16x1000000xf32, #tpu.memory_space<hbm>> -> memref<16x128xf32, #tpu.memory_space<hbm>>
    tpu.wait_dma2 semaphore(%arg15 : memref<!tpu.dma_semaphore, #tpu.memory_space<semaphore_mem>>) src(%dma_wait3A_1362 : memref<16x128xf32, #tpu.memory_space<hbm>>) dst(%dma_wait3A_1359 : memref<16x128xf32, #tpu.memory_space<vmem>>)
    %dma_wait3A_1363 = arith.constant 1 : i32
    %dma_wait3A_1364 = arith.constant 5 : i32
    %dma_wait3A_1365 = arith.constant 0 : i32
    %dma_wait3A_1366 = arith.constant 0 : i32
    %dma_wait3A_1367 = tpu.memref_slice %arg10[%dma_wait3A_1363, %dma_wait3A_1364, %dma_wait3A_1365, %dma_wait3A_1366] : memref<2x8x16x128xf32, #tpu.memory_space<vmem>> -> memref<1x1x16x128xf32, #tpu.memory_space<vmem>>
    %dma_wait3A_1368 = tpu.memref_squeeze %dma_wait3A_1367 : memref<1x1x16x128xf32, #tpu.memory_space<vmem>> -> memref<16x128xf32, #tpu.memory_space<vmem>>
    %dma_wait3A_1369 = arith.constant 0 : i32
    %dma_wait3A_1370 = arith.constant 0 : i32
    %dma_wait3A_1371 = tpu.memref_slice %arg5[%dma_wait3A_1369, %dma_wait3A_1370] : memref<16x1000000xf32, #tpu.memory_space<hbm>> -> memref<16x128xf32, #tpu.memory_space<hbm>>
    %dma_wait3A_1372 = arith.constant 0 : i32
    %dma_wait3A_1373 = arith.constant 0 : i32
    %dma_wait3A_1374 = tpu.memref_slice %arg10[%dma_wait3A_1363, %dma_wait3A_1364, %dma_wait3A_1372, %dma_wait3A_1373] : memref<2x8x16x128xf32, #tpu.memory_space<vmem>> -> memref<1x1x16x128xf32, #tpu.memory_space<vmem>>
    %dma_wait3A_1375 = tpu.memref_squeeze %dma_wait3A_1374 : memref<1x1x16x128xf32, #tpu.memory_space<vmem>> -> memref<16x128xf32, #tpu.memory_space<vmem>>
    %dma_wait3A_1376 = arith.constant 0 : i32
    %dma_wait3A_1377 = arith.constant 0 : i32
    %dma_wait3A_1378 = tpu.memref_slice %arg5[%dma_wait3A_1376, %dma_wait3A_1377] : memref<16x1000000xf32, #tpu.memory_space<hbm>> -> memref<16x128xf32, #tpu.memory_space<hbm>>
    tpu.wait_dma2 semaphore(%arg15 : memref<!tpu.dma_semaphore, #tpu.memory_space<semaphore_mem>>) src(%dma_wait3A_1378 : memref<16x128xf32, #tpu.memory_space<hbm>>) dst(%dma_wait3A_1375 : memref<16x128xf32, #tpu.memory_space<vmem>>)
    %dma_wait3A_1379 = arith.constant 1 : i32
    %dma_wait3A_1380 = arith.constant 6 : i32
    %dma_wait3A_1381 = arith.constant 0 : i32
    %dma_wait3A_1382 = arith.constant 0 : i32
    %dma_wait3A_1383 = tpu.memref_slice %arg9[%dma_wait3A_1379, %dma_wait3A_1380, %dma_wait3A_1381, %dma_wait3A_1382] : memref<2x8x16x128xf32, #tpu.memory_space<vmem>> -> memref<1x1x16x128xf32, #tpu.memory_space<vmem>>
    %dma_wait3A_1384 = tpu.memref_squeeze %dma_wait3A_1383 : memref<1x1x16x128xf32, #tpu.memory_space<vmem>> -> memref<16x128xf32, #tpu.memory_space<vmem>>
    %dma_wait3A_1385 = arith.constant 0 : i32
    %dma_wait3A_1386 = arith.constant 0 : i32
    %dma_wait3A_1387 = tpu.memref_slice %arg4[%dma_wait3A_1385, %dma_wait3A_1386] : memref<16x1000000xf32, #tpu.memory_space<hbm>> -> memref<16x128xf32, #tpu.memory_space<hbm>>
    %dma_wait3A_1388 = arith.constant 0 : i32
    %dma_wait3A_1389 = arith.constant 0 : i32
    %dma_wait3A_1390 = tpu.memref_slice %arg9[%dma_wait3A_1379, %dma_wait3A_1380, %dma_wait3A_1388, %dma_wait3A_1389] : memref<2x8x16x128xf32, #tpu.memory_space<vmem>> -> memref<1x1x16x128xf32, #tpu.memory_space<vmem>>
    %dma_wait3A_1391 = tpu.memref_squeeze %dma_wait3A_1390 : memref<1x1x16x128xf32, #tpu.memory_space<vmem>> -> memref<16x128xf32, #tpu.memory_space<vmem>>
    %dma_wait3A_1392 = arith.constant 0 : i32
    %dma_wait3A_1393 = arith.constant 0 : i32
    %dma_wait3A_1394 = tpu.memref_slice %arg4[%dma_wait3A_1392, %dma_wait3A_1393] : memref<16x1000000xf32, #tpu.memory_space<hbm>> -> memref<16x128xf32, #tpu.memory_space<hbm>>
    tpu.wait_dma2 semaphore(%arg15 : memref<!tpu.dma_semaphore, #tpu.memory_space<semaphore_mem>>) src(%dma_wait3A_1394 : memref<16x128xf32, #tpu.memory_space<hbm>>) dst(%dma_wait3A_1391 : memref<16x128xf32, #tpu.memory_space<vmem>>)
    %dma_wait3A_1395 = arith.constant 1 : i32
    %dma_wait3A_1396 = arith.constant 6 : i32
    %dma_wait3A_1397 = arith.constant 0 : i32
    %dma_wait3A_1398 = arith.constant 0 : i32
    %dma_wait3A_1399 = tpu.memref_slice %arg10[%dma_wait3A_1395, %dma_wait3A_1396, %dma_wait3A_1397, %dma_wait3A_1398] : memref<2x8x16x128xf32, #tpu.memory_space<vmem>> -> memref<1x1x16x128xf32, #tpu.memory_space<vmem>>
    %dma_wait3A_1400 = tpu.memref_squeeze %dma_wait3A_1399 : memref<1x1x16x128xf32, #tpu.memory_space<vmem>> -> memref<16x128xf32, #tpu.memory_space<vmem>>
    %dma_wait3A_1401 = arith.constant 0 : i32
    %dma_wait3A_1402 = arith.constant 0 : i32
    %dma_wait3A_1403 = tpu.memref_slice %arg5[%dma_wait3A_1401, %dma_wait3A_1402] : memref<16x1000000xf32, #tpu.memory_space<hbm>> -> memref<16x128xf32, #tpu.memory_space<hbm>>
    %dma_wait3A_1404 = arith.constant 0 : i32
    %dma_wait3A_1405 = arith.constant 0 : i32
    %dma_wait3A_1406 = tpu.memref_slice %arg10[%dma_wait3A_1395, %dma_wait3A_1396, %dma_wait3A_1404, %dma_wait3A_1405] : memref<2x8x16x128xf32, #tpu.memory_space<vmem>> -> memref<1x1x16x128xf32, #tpu.memory_space<vmem>>
    %dma_wait3A_1407 = tpu.memref_squeeze %dma_wait3A_1406 : memref<1x1x16x128xf32, #tpu.memory_space<vmem>> -> memref<16x128xf32, #tpu.memory_space<vmem>>
    %dma_wait3A_1408 = arith.constant 0 : i32
    %dma_wait3A_1409 = arith.constant 0 : i32
    %dma_wait3A_1410 = tpu.memref_slice %arg5[%dma_wait3A_1408, %dma_wait3A_1409] : memref<16x1000000xf32, #tpu.memory_space<hbm>> -> memref<16x128xf32, #tpu.memory_space<hbm>>
    tpu.wait_dma2 semaphore(%arg15 : memref<!tpu.dma_semaphore, #tpu.memory_space<semaphore_mem>>) src(%dma_wait3A_1410 : memref<16x128xf32, #tpu.memory_space<hbm>>) dst(%dma_wait3A_1407 : memref<16x128xf32, #tpu.memory_space<vmem>>)
    %dma_wait3A_1411 = arith.constant 1 : i32
    %dma_wait3A_1412 = arith.constant 7 : i32
    %dma_wait3A_1413 = arith.constant 0 : i32
    %dma_wait3A_1414 = arith.constant 0 : i32
    %dma_wait3A_1415 = tpu.memref_slice %arg9[%dma_wait3A_1411, %dma_wait3A_1412, %dma_wait3A_1413, %dma_wait3A_1414] : memref<2x8x16x128xf32, #tpu.memory_space<vmem>> -> memref<1x1x16x128xf32, #tpu.memory_space<vmem>>
    %dma_wait3A_1416 = tpu.memref_squeeze %dma_wait3A_1415 : memref<1x1x16x128xf32, #tpu.memory_space<vmem>> -> memref<16x128xf32, #tpu.memory_space<vmem>>
    %dma_wait3A_1417 = arith.constant 0 : i32
    %dma_wait3A_1418 = arith.constant 0 : i32
    %dma_wait3A_1419 = tpu.memref_slice %arg4[%dma_wait3A_1417, %dma_wait3A_1418] : memref<16x1000000xf32, #tpu.memory_space<hbm>> -> memref<16x128xf32, #tpu.memory_space<hbm>>
    %dma_wait3A_1420 = arith.constant 0 : i32
    %dma_wait3A_1421 = arith.constant 0 : i32
    %dma_wait3A_1422 = tpu.memref_slice %arg9[%dma_wait3A_1411, %dma_wait3A_1412, %dma_wait3A_1420, %dma_wait3A_1421] : memref<2x8x16x128xf32, #tpu.memory_space<vmem>> -> memref<1x1x16x128xf32, #tpu.memory_space<vmem>>
    %dma_wait3A_1423 = tpu.memref_squeeze %dma_wait3A_1422 : memref<1x1x16x128xf32, #tpu.memory_space<vmem>> -> memref<16x128xf32, #tpu.memory_space<vmem>>
    %dma_wait3A_1424 = arith.constant 0 : i32
    %dma_wait3A_1425 = arith.constant 0 : i32
    %dma_wait3A_1426 = tpu.memref_slice %arg4[%dma_wait3A_1424, %dma_wait3A_1425] : memref<16x1000000xf32, #tpu.memory_space<hbm>> -> memref<16x128xf32, #tpu.memory_space<hbm>>
    tpu.wait_dma2 semaphore(%arg15 : memref<!tpu.dma_semaphore, #tpu.memory_space<semaphore_mem>>) src(%dma_wait3A_1426 : memref<16x128xf32, #tpu.memory_space<hbm>>) dst(%dma_wait3A_1423 : memref<16x128xf32, #tpu.memory_space<vmem>>)
    %dma_wait3A_1427 = arith.constant 1 : i32
    %dma_wait3A_1428 = arith.constant 7 : i32
    %dma_wait3A_1429 = arith.constant 0 : i32
    %dma_wait3A_1430 = arith.constant 0 : i32
    %dma_wait3A_1431 = tpu.memref_slice %arg10[%dma_wait3A_1427, %dma_wait3A_1428, %dma_wait3A_1429, %dma_wait3A_1430] : memref<2x8x16x128xf32, #tpu.memory_space<vmem>> -> memref<1x1x16x128xf32, #tpu.memory_space<vmem>>
    %dma_wait3A_1432 = tpu.memref_squeeze %dma_wait3A_1431 : memref<1x1x16x128xf32, #tpu.memory_space<vmem>> -> memref<16x128xf32, #tpu.memory_space<vmem>>
    %dma_wait3A_1433 = arith.constant 0 : i32
    %dma_wait3A_1434 = arith.constant 0 : i32
    %dma_wait3A_1435 = tpu.memref_slice %arg5[%dma_wait3A_1433, %dma_wait3A_1434] : memref<16x1000000xf32, #tpu.memory_space<hbm>> -> memref<16x128xf32, #tpu.memory_space<hbm>>
    %dma_wait3A_1436 = arith.constant 0 : i32
    %dma_wait3A_1437 = arith.constant 0 : i32
    %dma_wait3A_1438 = tpu.memref_slice %arg10[%dma_wait3A_1427, %dma_wait3A_1428, %dma_wait3A_1436, %dma_wait3A_1437] : memref<2x8x16x128xf32, #tpu.memory_space<vmem>> -> memref<1x1x16x128xf32, #tpu.memory_space<vmem>>
    %dma_wait3A_1439 = tpu.memref_squeeze %dma_wait3A_1438 : memref<1x1x16x128xf32, #tpu.memory_space<vmem>> -> memref<16x128xf32, #tpu.memory_space<vmem>>
    %dma_wait3A_1440 = arith.constant 0 : i32
    %dma_wait3A_1441 = arith.constant 0 : i32
    %dma_wait3A_1442 = tpu.memref_slice %arg5[%dma_wait3A_1440, %dma_wait3A_1441] : memref<16x1000000xf32, #tpu.memory_space<hbm>> -> memref<16x128xf32, #tpu.memory_space<hbm>>
    tpu.wait_dma2 semaphore(%arg15 : memref<!tpu.dma_semaphore, #tpu.memory_space<semaphore_mem>>) src(%dma_wait3A_1442 : memref<16x128xf32, #tpu.memory_space<hbm>>) dst(%dma_wait3A_1439 : memref<16x128xf32, #tpu.memory_space<vmem>>)
    %slice3A_1443 = vector.extract_strided_slice %get3A_677 {offsets = [8], sizes = [1], strides = [1]} : vector<16xi32> to vector<1xi32>
    %squeeze3A_1444 = vector.extract %slice3A_1443[0] : i32 from vector<1xi32>
    %and3A_1445 = arith.constant 127 : i32
    %and3A_1446 = arith.andi %squeeze3A_1444, %and3A_1445 : i32
    %broadcast_in_dim3A_1447 = vector.broadcast %and3A_1446 : i32 to vector<16xi32>
    %slice3A_1448 = vector.extract_strided_slice %get3A_679 {offsets = [8], sizes = [1], strides = [1]} : vector<16xi32> to vector<1xi32>
    %squeeze3A_1449 = vector.extract %slice3A_1448[0] : i32 from vector<1xi32>
    %and3A_1450 = arith.constant 127 : i32
    %and3A_1451 = arith.andi %squeeze3A_1449, %and3A_1450 : i32
    %broadcast_in_dim3A_1452 = vector.broadcast %and3A_1451 : i32 to vector<16xi32>
    %gather3A_1453 = arith.constant 1 : i32
    %gather3A_1454 = arith.constant 0 : i32
    %gather3A_1455 = arith.constant 0 : i32
    %gather3A_1456 = arith.constant 0 : i32
    %gather3A_1457 = tpu.memref_slice %arg9[%gather3A_1453, %gather3A_1454, %gather3A_1455, %gather3A_1456] : memref<2x8x16x128xf32, #tpu.memory_space<vmem>> -> memref<1x1x16x128xf32, #tpu.memory_space<vmem>>
    %gather3A_1458 = tpu.memref_squeeze %gather3A_1457 : memref<1x1x16x128xf32, #tpu.memory_space<vmem>> -> memref<16x128xf32, #tpu.memory_space<vmem>>
    %gather3A_1459 = tpu.vector_load_idx %gather3A_1458[%iota3A, %broadcast_in_dim3A_1447] : memref<16x128xf32, #tpu.memory_space<vmem>>[vector<16xi32>, vector<16xi32>], vector<16xf32>,
    %swap3A_1460 = arith.constant 8 : i32
    %swap3A_1461 = arith.index_cast %swap3A_1460 : i32 to index
    %swap3A_1462 = arith.constant 0 : index
    %swap3A_1463 = tpu.vector_load %arg11[%swap3A_1461, %swap3A_1462] {strides = array<i32>} : memref<16x16xf32, #tpu.memory_space<vmem>>, vector<16xf32>,
    tpu.vector_store %arg11[%swap3A_1461, %swap3A_1462], %gather3A_1459 {strides = array<i32>} : memref<16x16xf32, #tpu.memory_space<vmem>>, vector<16xf32>,
    %gather3A_1464 = arith.constant 1 : i32
    %gather3A_1465 = arith.constant 0 : i32
    %gather3A_1466 = arith.constant 0 : i32
    %gather3A_1467 = arith.constant 0 : i32
    %gather3A_1468 = tpu.memref_slice %arg10[%gather3A_1464, %gather3A_1465, %gather3A_1466, %gather3A_1467] : memref<2x8x16x128xf32, #tpu.memory_space<vmem>> -> memref<1x1x16x128xf32, #tpu.memory_space<vmem>>
    %gather3A_1469 = tpu.memref_squeeze %gather3A_1468 : memref<1x1x16x128xf32, #tpu.memory_space<vmem>> -> memref<16x128xf32, #tpu.memory_space<vmem>>
    %gather3A_1470 = tpu.vector_load_idx %gather3A_1469[%iota3A, %broadcast_in_dim3A_1452] : memref<16x128xf32, #tpu.memory_space<vmem>>[vector<16xi32>, vector<16xi32>], vector<16xf32>,
    %swap3A_1471 = arith.constant 8 : i32
    %swap3A_1472 = arith.index_cast %swap3A_1471 : i32 to index
    %swap3A_1473 = arith.constant 0 : index
    %swap3A_1474 = tpu.vector_load %arg12[%swap3A_1472, %swap3A_1473] {strides = array<i32>} : memref<16x16xf32, #tpu.memory_space<vmem>>, vector<16xf32>,
    tpu.vector_store %arg12[%swap3A_1472, %swap3A_1473], %gather3A_1470 {strides = array<i32>} : memref<16x16xf32, #tpu.memory_space<vmem>>, vector<16xf32>,
    %slice3A_1475 = vector.extract_strided_slice %get3A_677 {offsets = [9], sizes = [1], strides = [1]} : vector<16xi32> to vector<1xi32>
    %squeeze3A_1476 = vector.extract %slice3A_1475[0] : i32 from vector<1xi32>
    %and3A_1477 = arith.constant 127 : i32
    %and3A_1478 = arith.andi %squeeze3A_1476, %and3A_1477 : i32
    %broadcast_in_dim3A_1479 = vector.broadcast %and3A_1478 : i32 to vector<16xi32>
    %slice3A_1480 = vector.extract_strided_slice %get3A_679 {offsets = [9], sizes = [1], strides = [1]} : vector<16xi32> to vector<1xi32>
    %squeeze3A_1481 = vector.extract %slice3A_1480[0] : i32 from vector<1xi32>
    %and3A_1482 = arith.constant 127 : i32
    %and3A_1483 = arith.andi %squeeze3A_1481, %and3A_1482 : i32
    %broadcast_in_dim3A_1484 = vector.broadcast %and3A_1483 : i32 to vector<16xi32>
    %gather3A_1485 = arith.constant 1 : i32
    %gather3A_1486 = arith.constant 1 : i32
    %gather3A_1487 = arith.constant 0 : i32
    %gather3A_1488 = arith.constant 0 : i32
    %gather3A_1489 = tpu.memref_slice %arg9[%gather3A_1485, %gather3A_1486, %gather3A_1487, %gather3A_1488] : memref<2x8x16x128xf32, #tpu.memory_space<vmem>> -> memref<1x1x16x128xf32, #tpu.memory_space<vmem>>
    %gather3A_1490 = tpu.memref_squeeze %gather3A_1489 : memref<1x1x16x128xf32, #tpu.memory_space<vmem>> -> memref<16x128xf32, #tpu.memory_space<vmem>>
    %gather3A_1491 = tpu.vector_load_idx %gather3A_1490[%iota3A, %broadcast_in_dim3A_1479] : memref<16x128xf32, #tpu.memory_space<vmem>>[vector<16xi32>, vector<16xi32>], vector<16xf32>,
    %swap3A_1492 = arith.constant 9 : i32
    %swap3A_1493 = arith.index_cast %swap3A_1492 : i32 to index
    %swap3A_1494 = arith.constant 0 : index
    %swap3A_1495 = tpu.vector_load %arg11[%swap3A_1493, %swap3A_1494] {strides = array<i32>} : memref<16x16xf32, #tpu.memory_space<vmem>>, vector<16xf32>,
    tpu.vector_store %arg11[%swap3A_1493, %swap3A_1494], %gather3A_1491 {strides = array<i32>} : memref<16x16xf32, #tpu.memory_space<vmem>>, vector<16xf32>,
    %gather3A_1496 = arith.constant 1 : i32
    %gather3A_1497 = arith.constant 1 : i32
    %gather3A_1498 = arith.constant 0 : i32
    %gather3A_1499 = arith.constant 0 : i32
    %gather3A_1500 = tpu.memref_slice %arg10[%gather3A_1496, %gather3A_1497, %gather3A_1498, %gather3A_1499] : memref<2x8x16x128xf32, #tpu.memory_space<vmem>> -> memref<1x1x16x128xf32, #tpu.memory_space<vmem>>
    %gather3A_1501 = tpu.memref_squeeze %gather3A_1500 : memref<1x1x16x128xf32, #tpu.memory_space<vmem>> -> memref<16x128xf32, #tpu.memory_space<vmem>>
    %gather3A_1502 = tpu.vector_load_idx %gather3A_1501[%iota3A, %broadcast_in_dim3A_1484] : memref<16x128xf32, #tpu.memory_space<vmem>>[vector<16xi32>, vector<16xi32>], vector<16xf32>,
    %swap3A_1503 = arith.constant 9 : i32
    %swap3A_1504 = arith.index_cast %swap3A_1503 : i32 to index
    %swap3A_1505 = arith.constant 0 : index
    %swap3A_1506 = tpu.vector_load %arg12[%swap3A_1504, %swap3A_1505] {strides = array<i32>} : memref<16x16xf32, #tpu.memory_space<vmem>>, vector<16xf32>,
    tpu.vector_store %arg12[%swap3A_1504, %swap3A_1505], %gather3A_1502 {strides = array<i32>} : memref<16x16xf32, #tpu.memory_space<vmem>>, vector<16xf32>,
    %slice3A_1507 = vector.extract_strided_slice %get3A_677 {offsets = [10], sizes = [1], strides = [1]} : vector<16xi32> to vector<1xi32>
    %squeeze3A_1508 = vector.extract %slice3A_1507[0] : i32 from vector<1xi32>
    %and3A_1509 = arith.constant 127 : i32
    %and3A_1510 = arith.andi %squeeze3A_1508, %and3A_1509 : i32
    %broadcast_in_dim3A_1511 = vector.broadcast %and3A_1510 : i32 to vector<16xi32>
    %slice3A_1512 = vector.extract_strided_slice %get3A_679 {offsets = [10], sizes = [1], strides = [1]} : vector<16xi32> to vector<1xi32>
    %squeeze3A_1513 = vector.extract %slice3A_1512[0] : i32 from vector<1xi32>
    %and3A_1514 = arith.constant 127 : i32
    %and3A_1515 = arith.andi %squeeze3A_1513, %and3A_1514 : i32
    %broadcast_in_dim3A_1516 = vector.broadcast %and3A_1515 : i32 to vector<16xi32>
    %gather3A_1517 = arith.constant 1 : i32
    %gather3A_1518 = arith.constant 2 : i32
    %gather3A_1519 = arith.constant 0 : i32
    %gather3A_1520 = arith.constant 0 : i32
    %gather3A_1521 = tpu.memref_slice %arg9[%gather3A_1517, %gather3A_1518, %gather3A_1519, %gather3A_1520] : memref<2x8x16x128xf32, #tpu.memory_space<vmem>> -> memref<1x1x16x128xf32, #tpu.memory_space<vmem>>
    %gather3A_1522 = tpu.memref_squeeze %gather3A_1521 : memref<1x1x16x128xf32, #tpu.memory_space<vmem>> -> memref<16x128xf32, #tpu.memory_space<vmem>>
    %gather3A_1523 = tpu.vector_load_idx %gather3A_1522[%iota3A, %broadcast_in_dim3A_1511] : memref<16x128xf32, #tpu.memory_space<vmem>>[vector<16xi32>, vector<16xi32>], vector<16xf32>,
    %swap3A_1524 = arith.constant 10 : i32
    %swap3A_1525 = arith.index_cast %swap3A_1524 : i32 to index
    %swap3A_1526 = arith.constant 0 : index
    %swap3A_1527 = tpu.vector_load %arg11[%swap3A_1525, %swap3A_1526] {strides = array<i32>} : memref<16x16xf32, #tpu.memory_space<vmem>>, vector<16xf32>,
    tpu.vector_store %arg11[%swap3A_1525, %swap3A_1526], %gather3A_1523 {strides = array<i32>} : memref<16x16xf32, #tpu.memory_space<vmem>>, vector<16xf32>,
    %gather3A_1528 = arith.constant 1 : i32
    %gather3A_1529 = arith.constant 2 : i32
    %gather3A_1530 = arith.constant 0 : i32
    %gather3A_1531 = arith.constant 0 : i32
    %gather3A_1532 = tpu.memref_slice %arg10[%gather3A_1528, %gather3A_1529, %gather3A_1530, %gather3A_1531] : memref<2x8x16x128xf32, #tpu.memory_space<vmem>> -> memref<1x1x16x128xf32, #tpu.memory_space<vmem>>
    %gather3A_1533 = tpu.memref_squeeze %gather3A_1532 : memref<1x1x16x128xf32, #tpu.memory_space<vmem>> -> memref<16x128xf32, #tpu.memory_space<vmem>>
    %gather3A_1534 = tpu.vector_load_idx %gather3A_1533[%iota3A, %broadcast_in_dim3A_1516] : memref<16x128xf32, #tpu.memory_space<vmem>>[vector<16xi32>, vector<16xi32>], vector<16xf32>,
    %swap3A_1535 = arith.constant 10 : i32
    %swap3A_1536 = arith.index_cast %swap3A_1535 : i32 to index
    %swap3A_1537 = arith.constant 0 : index
    %swap3A_1538 = tpu.vector_load %arg12[%swap3A_1536, %swap3A_1537] {strides = array<i32>} : memref<16x16xf32, #tpu.memory_space<vmem>>, vector<16xf32>,
    tpu.vector_store %arg12[%swap3A_1536, %swap3A_1537], %gather3A_1534 {strides = array<i32>} : memref<16x16xf32, #tpu.memory_space<vmem>>, vector<16xf32>,
    %slice3A_1539 = vector.extract_strided_slice %get3A_677 {offsets = [11], sizes = [1], strides = [1]} : vector<16xi32> to vector<1xi32>
    %squeeze3A_1540 = vector.extract %slice3A_1539[0] : i32 from vector<1xi32>
    %and3A_1541 = arith.constant 127 : i32
    %and3A_1542 = arith.andi %squeeze3A_1540, %and3A_1541 : i32
    %broadcast_in_dim3A_1543 = vector.broadcast %and3A_1542 : i32 to vector<16xi32>
    %slice3A_1544 = vector.extract_strided_slice %get3A_679 {offsets = [11], sizes = [1], strides = [1]} : vector<16xi32> to vector<1xi32>
    %squeeze3A_1545 = vector.extract %slice3A_1544[0] : i32 from vector<1xi32>
    %and3A_1546 = arith.constant 127 : i32
    %and3A_1547 = arith.andi %squeeze3A_1545, %and3A_1546 : i32
    %broadcast_in_dim3A_1548 = vector.broadcast %and3A_1547 : i32 to vector<16xi32>
    %gather3A_1549 = arith.constant 1 : i32
    %gather3A_1550 = arith.constant 3 : i32
    %gather3A_1551 = arith.constant 0 : i32
    %gather3A_1552 = arith.constant 0 : i32
    %gather3A_1553 = tpu.memref_slice %arg9[%gather3A_1549, %gather3A_1550, %gather3A_1551, %gather3A_1552] : memref<2x8x16x128xf32, #tpu.memory_space<vmem>> -> memref<1x1x16x128xf32, #tpu.memory_space<vmem>>
    %gather3A_1554 = tpu.memref_squeeze %gather3A_1553 : memref<1x1x16x128xf32, #tpu.memory_space<vmem>> -> memref<16x128xf32, #tpu.memory_space<vmem>>
    %gather3A_1555 = tpu.vector_load_idx %gather3A_1554[%iota3A, %broadcast_in_dim3A_1543] : memref<16x128xf32, #tpu.memory_space<vmem>>[vector<16xi32>, vector<16xi32>], vector<16xf32>,
    %swap3A_1556 = arith.constant 11 : i32
    %swap3A_1557 = arith.index_cast %swap3A_1556 : i32 to index
    %swap3A_1558 = arith.constant 0 : index
    %swap3A_1559 = tpu.vector_load %arg11[%swap3A_1557, %swap3A_1558] {strides = array<i32>} : memref<16x16xf32, #tpu.memory_space<vmem>>, vector<16xf32>,
    tpu.vector_store %arg11[%swap3A_1557, %swap3A_1558], %gather3A_1555 {strides = array<i32>} : memref<16x16xf32, #tpu.memory_space<vmem>>, vector<16xf32>,
    %gather3A_1560 = arith.constant 1 : i32
    %gather3A_1561 = arith.constant 3 : i32
    %gather3A_1562 = arith.constant 0 : i32
    %gather3A_1563 = arith.constant 0 : i32
    %gather3A_1564 = tpu.memref_slice %arg10[%gather3A_1560, %gather3A_1561, %gather3A_1562, %gather3A_1563] : memref<2x8x16x128xf32, #tpu.memory_space<vmem>> -> memref<1x1x16x128xf32, #tpu.memory_space<vmem>>
    %gather3A_1565 = tpu.memref_squeeze %gather3A_1564 : memref<1x1x16x128xf32, #tpu.memory_space<vmem>> -> memref<16x128xf32, #tpu.memory_space<vmem>>
    %gather3A_1566 = tpu.vector_load_idx %gather3A_1565[%iota3A, %broadcast_in_dim3A_1548] : memref<16x128xf32, #tpu.memory_space<vmem>>[vector<16xi32>, vector<16xi32>], vector<16xf32>,
    %swap3A_1567 = arith.constant 11 : i32
    %swap3A_1568 = arith.index_cast %swap3A_1567 : i32 to index
    %swap3A_1569 = arith.constant 0 : index
    %swap3A_1570 = tpu.vector_load %arg12[%swap3A_1568, %swap3A_1569] {strides = array<i32>} : memref<16x16xf32, #tpu.memory_space<vmem>>, vector<16xf32>,
    tpu.vector_store %arg12[%swap3A_1568, %swap3A_1569], %gather3A_1566 {strides = array<i32>} : memref<16x16xf32, #tpu.memory_space<vmem>>, vector<16xf32>,
    %slice3A_1571 = vector.extract_strided_slice %get3A_677 {offsets = [12], sizes = [1], strides = [1]} : vector<16xi32> to vector<1xi32>
    %squeeze3A_1572 = vector.extract %slice3A_1571[0] : i32 from vector<1xi32>
    %and3A_1573 = arith.constant 127 : i32
    %and3A_1574 = arith.andi %squeeze3A_1572, %and3A_1573 : i32
    %broadcast_in_dim3A_1575 = vector.broadcast %and3A_1574 : i32 to vector<16xi32>
    %slice3A_1576 = vector.extract_strided_slice %get3A_679 {offsets = [12], sizes = [1], strides = [1]} : vector<16xi32> to vector<1xi32>
    %squeeze3A_1577 = vector.extract %slice3A_1576[0] : i32 from vector<1xi32>
    %and3A_1578 = arith.constant 127 : i32
    %and3A_1579 = arith.andi %squeeze3A_1577, %and3A_1578 : i32
    %broadcast_in_dim3A_1580 = vector.broadcast %and3A_1579 : i32 to vector<16xi32>
    %gather3A_1581 = arith.constant 1 : i32
    %gather3A_1582 = arith.constant 4 : i32
    %gather3A_1583 = arith.constant 0 : i32
    %gather3A_1584 = arith.constant 0 : i32
    %gather3A_1585 = tpu.memref_slice %arg9[%gather3A_1581, %gather3A_1582, %gather3A_1583, %gather3A_1584] : memref<2x8x16x128xf32, #tpu.memory_space<vmem>> -> memref<1x1x16x128xf32, #tpu.memory_space<vmem>>
    %gather3A_1586 = tpu.memref_squeeze %gather3A_1585 : memref<1x1x16x128xf32, #tpu.memory_space<vmem>> -> memref<16x128xf32, #tpu.memory_space<vmem>>
    %gather3A_1587 = tpu.vector_load_idx %gather3A_1586[%iota3A, %broadcast_in_dim3A_1575] : memref<16x128xf32, #tpu.memory_space<vmem>>[vector<16xi32>, vector<16xi32>], vector<16xf32>,
    %swap3A_1588 = arith.constant 12 : i32
    %swap3A_1589 = arith.index_cast %swap3A_1588 : i32 to index
    %swap3A_1590 = arith.constant 0 : index
    %swap3A_1591 = tpu.vector_load %arg11[%swap3A_1589, %swap3A_1590] {strides = array<i32>} : memref<16x16xf32, #tpu.memory_space<vmem>>, vector<16xf32>,
    tpu.vector_store %arg11[%swap3A_1589, %swap3A_1590], %gather3A_1587 {strides = array<i32>} : memref<16x16xf32, #tpu.memory_space<vmem>>, vector<16xf32>,
    %gather3A_1592 = arith.constant 1 : i32
    %gather3A_1593 = arith.constant 4 : i32
    %gather3A_1594 = arith.constant 0 : i32
    %gather3A_1595 = arith.constant 0 : i32
    %gather3A_1596 = tpu.memref_slice %arg10[%gather3A_1592, %gather3A_1593, %gather3A_1594, %gather3A_1595] : memref<2x8x16x128xf32, #tpu.memory_space<vmem>> -> memref<1x1x16x128xf32, #tpu.memory_space<vmem>>
    %gather3A_1597 = tpu.memref_squeeze %gather3A_1596 : memref<1x1x16x128xf32, #tpu.memory_space<vmem>> -> memref<16x128xf32, #tpu.memory_space<vmem>>
    %gather3A_1598 = tpu.vector_load_idx %gather3A_1597[%iota3A, %broadcast_in_dim3A_1580] : memref<16x128xf32, #tpu.memory_space<vmem>>[vector<16xi32>, vector<16xi32>], vector<16xf32>,
    %swap3A_1599 = arith.constant 12 : i32
    %swap3A_1600 = arith.index_cast %swap3A_1599 : i32 to index
    %swap3A_1601 = arith.constant 0 : index
    %swap3A_1602 = tpu.vector_load %arg12[%swap3A_1600, %swap3A_1601] {strides = array<i32>} : memref<16x16xf32, #tpu.memory_space<vmem>>, vector<16xf32>,
    tpu.vector_store %arg12[%swap3A_1600, %swap3A_1601], %gather3A_1598 {strides = array<i32>} : memref<16x16xf32, #tpu.memory_space<vmem>>, vector<16xf32>,
    %slice3A_1603 = vector.extract_strided_slice %get3A_677 {offsets = [13], sizes = [1], strides = [1]} : vector<16xi32> to vector<1xi32>
    %squeeze3A_1604 = vector.extract %slice3A_1603[0] : i32 from vector<1xi32>
    %and3A_1605 = arith.constant 127 : i32
    %and3A_1606 = arith.andi %squeeze3A_1604, %and3A_1605 : i32
    %broadcast_in_dim3A_1607 = vector.broadcast %and3A_1606 : i32 to vector<16xi32>
    %slice3A_1608 = vector.extract_strided_slice %get3A_679 {offsets = [13], sizes = [1], strides = [1]} : vector<16xi32> to vector<1xi32>
    %squeeze3A_1609 = vector.extract %slice3A_1608[0] : i32 from vector<1xi32>
    %and3A_1610 = arith.constant 127 : i32
    %and3A_1611 = arith.andi %squeeze3A_1609, %and3A_1610 : i32
    %broadcast_in_dim3A_1612 = vector.broadcast %and3A_1611 : i32 to vector<16xi32>
    %gather3A_1613 = arith.constant 1 : i32
    %gather3A_1614 = arith.constant 5 : i32
    %gather3A_1615 = arith.constant 0 : i32
    %gather3A_1616 = arith.constant 0 : i32
    %gather3A_1617 = tpu.memref_slice %arg9[%gather3A_1613, %gather3A_1614, %gather3A_1615, %gather3A_1616] : memref<2x8x16x128xf32, #tpu.memory_space<vmem>> -> memref<1x1x16x128xf32, #tpu.memory_space<vmem>>
    %gather3A_1618 = tpu.memref_squeeze %gather3A_1617 : memref<1x1x16x128xf32, #tpu.memory_space<vmem>> -> memref<16x128xf32, #tpu.memory_space<vmem>>
    %gather3A_1619 = tpu.vector_load_idx %gather3A_1618[%iota3A, %broadcast_in_dim3A_1607] : memref<16x128xf32, #tpu.memory_space<vmem>>[vector<16xi32>, vector<16xi32>], vector<16xf32>,
    %swap3A_1620 = arith.constant 13 : i32
    %swap3A_1621 = arith.index_cast %swap3A_1620 : i32 to index
    %swap3A_1622 = arith.constant 0 : index
    %swap3A_1623 = tpu.vector_load %arg11[%swap3A_1621, %swap3A_1622] {strides = array<i32>} : memref<16x16xf32, #tpu.memory_space<vmem>>, vector<16xf32>,
    tpu.vector_store %arg11[%swap3A_1621, %swap3A_1622], %gather3A_1619 {strides = array<i32>} : memref<16x16xf32, #tpu.memory_space<vmem>>, vector<16xf32>,
    %gather3A_1624 = arith.constant 1 : i32
    %gather3A_1625 = arith.constant 5 : i32
    %gather3A_1626 = arith.constant 0 : i32
    %gather3A_1627 = arith.constant 0 : i32
    %gather3A_1628 = tpu.memref_slice %arg10[%gather3A_1624, %gather3A_1625, %gather3A_1626, %gather3A_1627] : memref<2x8x16x128xf32, #tpu.memory_space<vmem>> -> memref<1x1x16x128xf32, #tpu.memory_space<vmem>>
    %gather3A_1629 = tpu.memref_squeeze %gather3A_1628 : memref<1x1x16x128xf32, #tpu.memory_space<vmem>> -> memref<16x128xf32, #tpu.memory_space<vmem>>
    %gather3A_1630 = tpu.vector_load_idx %gather3A_1629[%iota3A, %broadcast_in_dim3A_1612] : memref<16x128xf32, #tpu.memory_space<vmem>>[vector<16xi32>, vector<16xi32>], vector<16xf32>,
    %swap3A_1631 = arith.constant 13 : i32
    %swap3A_1632 = arith.index_cast %swap3A_1631 : i32 to index
    %swap3A_1633 = arith.constant 0 : index
    %swap3A_1634 = tpu.vector_load %arg12[%swap3A_1632, %swap3A_1633] {strides = array<i32>} : memref<16x16xf32, #tpu.memory_space<vmem>>, vector<16xf32>,
    tpu.vector_store %arg12[%swap3A_1632, %swap3A_1633], %gather3A_1630 {strides = array<i32>} : memref<16x16xf32, #tpu.memory_space<vmem>>, vector<16xf32>,
    %slice3A_1635 = vector.extract_strided_slice %get3A_677 {offsets = [14], sizes = [1], strides = [1]} : vector<16xi32> to vector<1xi32>
    %squeeze3A_1636 = vector.extract %slice3A_1635[0] : i32 from vector<1xi32>
    %and3A_1637 = arith.constant 127 : i32
    %and3A_1638 = arith.andi %squeeze3A_1636, %and3A_1637 : i32
    %broadcast_in_dim3A_1639 = vector.broadcast %and3A_1638 : i32 to vector<16xi32>
    %slice3A_1640 = vector.extract_strided_slice %get3A_679 {offsets = [14], sizes = [1], strides = [1]} : vector<16xi32> to vector<1xi32>
    %squeeze3A_1641 = vector.extract %slice3A_1640[0] : i32 from vector<1xi32>
    %and3A_1642 = arith.constant 127 : i32
    %and3A_1643 = arith.andi %squeeze3A_1641, %and3A_1642 : i32
    %broadcast_in_dim3A_1644 = vector.broadcast %and3A_1643 : i32 to vector<16xi32>
    %gather3A_1645 = arith.constant 1 : i32
    %gather3A_1646 = arith.constant 6 : i32
    %gather3A_1647 = arith.constant 0 : i32
    %gather3A_1648 = arith.constant 0 : i32
    %gather3A_1649 = tpu.memref_slice %arg9[%gather3A_1645, %gather3A_1646, %gather3A_1647, %gather3A_1648] : memref<2x8x16x128xf32, #tpu.memory_space<vmem>> -> memref<1x1x16x128xf32, #tpu.memory_space<vmem>>
    %gather3A_1650 = tpu.memref_squeeze %gather3A_1649 : memref<1x1x16x128xf32, #tpu.memory_space<vmem>> -> memref<16x128xf32, #tpu.memory_space<vmem>>
    %gather3A_1651 = tpu.vector_load_idx %gather3A_1650[%iota3A, %broadcast_in_dim3A_1639] : memref<16x128xf32, #tpu.memory_space<vmem>>[vector<16xi32>, vector<16xi32>], vector<16xf32>,
    %swap3A_1652 = arith.constant 14 : i32
    %swap3A_1653 = arith.index_cast %swap3A_1652 : i32 to index
    %swap3A_1654 = arith.constant 0 : index
    %swap3A_1655 = tpu.vector_load %arg11[%swap3A_1653, %swap3A_1654] {strides = array<i32>} : memref<16x16xf32, #tpu.memory_space<vmem>>, vector<16xf32>,
    tpu.vector_store %arg11[%swap3A_1653, %swap3A_1654], %gather3A_1651 {strides = array<i32>} : memref<16x16xf32, #tpu.memory_space<vmem>>, vector<16xf32>,
    %gather3A_1656 = arith.constant 1 : i32
    %gather3A_1657 = arith.constant 6 : i32
    %gather3A_1658 = arith.constant 0 : i32
    %gather3A_1659 = arith.constant 0 : i32
    %gather3A_1660 = tpu.memref_slice %arg10[%gather3A_1656, %gather3A_1657, %gather3A_1658, %gather3A_1659] : memref<2x8x16x128xf32, #tpu.memory_space<vmem>> -> memref<1x1x16x128xf32, #tpu.memory_space<vmem>>
    %gather3A_1661 = tpu.memref_squeeze %gather3A_1660 : memref<1x1x16x128xf32, #tpu.memory_space<vmem>> -> memref<16x128xf32, #tpu.memory_space<vmem>>
    %gather3A_1662 = tpu.vector_load_idx %gather3A_1661[%iota3A, %broadcast_in_dim3A_1644] : memref<16x128xf32, #tpu.memory_space<vmem>>[vector<16xi32>, vector<16xi32>], vector<16xf32>,
    %swap3A_1663 = arith.constant 14 : i32
    %swap3A_1664 = arith.index_cast %swap3A_1663 : i32 to index
    %swap3A_1665 = arith.constant 0 : index
    %swap3A_1666 = tpu.vector_load %arg12[%swap3A_1664, %swap3A_1665] {strides = array<i32>} : memref<16x16xf32, #tpu.memory_space<vmem>>, vector<16xf32>,
    tpu.vector_store %arg12[%swap3A_1664, %swap3A_1665], %gather3A_1662 {strides = array<i32>} : memref<16x16xf32, #tpu.memory_space<vmem>>, vector<16xf32>,
    %slice3A_1667 = vector.extract_strided_slice %get3A_677 {offsets = [15], sizes = [1], strides = [1]} : vector<16xi32> to vector<1xi32>
    %squeeze3A_1668 = vector.extract %slice3A_1667[0] : i32 from vector<1xi32>
    %and3A_1669 = arith.constant 127 : i32
    %and3A_1670 = arith.andi %squeeze3A_1668, %and3A_1669 : i32
    %broadcast_in_dim3A_1671 = vector.broadcast %and3A_1670 : i32 to vector<16xi32>
    %slice3A_1672 = vector.extract_strided_slice %get3A_679 {offsets = [15], sizes = [1], strides = [1]} : vector<16xi32> to vector<1xi32>
    %squeeze3A_1673 = vector.extract %slice3A_1672[0] : i32 from vector<1xi32>
    %and3A_1674 = arith.constant 127 : i32
    %and3A_1675 = arith.andi %squeeze3A_1673, %and3A_1674 : i32
    %broadcast_in_dim3A_1676 = vector.broadcast %and3A_1675 : i32 to vector<16xi32>
    %gather3A_1677 = arith.constant 1 : i32
    %gather3A_1678 = arith.constant 7 : i32
    %gather3A_1679 = arith.constant 0 : i32
    %gather3A_1680 = arith.constant 0 : i32
    %gather3A_1681 = tpu.memref_slice %arg9[%gather3A_1677, %gather3A_1678, %gather3A_1679, %gather3A_1680] : memref<2x8x16x128xf32, #tpu.memory_space<vmem>> -> memref<1x1x16x128xf32, #tpu.memory_space<vmem>>
    %gather3A_1682 = tpu.memref_squeeze %gather3A_1681 : memref<1x1x16x128xf32, #tpu.memory_space<vmem>> -> memref<16x128xf32, #tpu.memory_space<vmem>>
    %gather3A_1683 = tpu.vector_load_idx %gather3A_1682[%iota3A, %broadcast_in_dim3A_1671] : memref<16x128xf32, #tpu.memory_space<vmem>>[vector<16xi32>, vector<16xi32>], vector<16xf32>,
    %swap3A_1684 = arith.constant 15 : i32
    %swap3A_1685 = arith.index_cast %swap3A_1684 : i32 to index
    %swap3A_1686 = arith.constant 0 : index
    %swap3A_1687 = tpu.vector_load %arg11[%swap3A_1685, %swap3A_1686] {strides = array<i32>} : memref<16x16xf32, #tpu.memory_space<vmem>>, vector<16xf32>,
    tpu.vector_store %arg11[%swap3A_1685, %swap3A_1686], %gather3A_1683 {strides = array<i32>} : memref<16x16xf32, #tpu.memory_space<vmem>>, vector<16xf32>,
    %gather3A_1688 = arith.constant 1 : i32
    %gather3A_1689 = arith.constant 7 : i32
    %gather3A_1690 = arith.constant 0 : i32
    %gather3A_1691 = arith.constant 0 : i32
    %gather3A_1692 = tpu.memref_slice %arg10[%gather3A_1688, %gather3A_1689, %gather3A_1690, %gather3A_1691] : memref<2x8x16x128xf32, #tpu.memory_space<vmem>> -> memref<1x1x16x128xf32, #tpu.memory_space<vmem>>
    %gather3A_1693 = tpu.memref_squeeze %gather3A_1692 : memref<1x1x16x128xf32, #tpu.memory_space<vmem>> -> memref<16x128xf32, #tpu.memory_space<vmem>>
    %gather3A_1694 = tpu.vector_load_idx %gather3A_1693[%iota3A, %broadcast_in_dim3A_1676] : memref<16x128xf32, #tpu.memory_space<vmem>>[vector<16xi32>, vector<16xi32>], vector<16xf32>,
    %swap3A_1695 = arith.constant 15 : i32
    %swap3A_1696 = arith.index_cast %swap3A_1695 : i32 to index
    %swap3A_1697 = arith.constant 0 : index
    %swap3A_1698 = tpu.vector_load %arg12[%swap3A_1696, %swap3A_1697] {strides = array<i32>} : memref<16x16xf32, #tpu.memory_space<vmem>>, vector<16xf32>,
    tpu.vector_store %arg12[%swap3A_1696, %swap3A_1697], %gather3A_1694 {strides = array<i32>} : memref<16x16xf32, #tpu.memory_space<vmem>>, vector<16xf32>,
    %broadcast_in_dim3A_1699 = arith.constant 0.000000e+00 : f32
    %broadcast_in_dim3A_1700 = vector.broadcast %broadcast_in_dim3A_1699 : f32 to vector<16xf32>
    %broadcast_in_dim3A_1701 = arith.constant 0 : i32
    %broadcast_in_dim3A_1702 = vector.broadcast %broadcast_in_dim3A_1701 : i32 to vector<16xi32>
    %gather3A_1703 = tpu.vector_load_idx %arg11[%iota3A, %broadcast_in_dim3A_1702] : memref<16x16xf32, #tpu.memory_space<vmem>>[vector<16xi32>, vector<16xi32>], vector<16xf32>,
    %gather3A_1704 = tpu.vector_load_idx %arg12[%iota3A, %broadcast_in_dim3A_1702] : memref<16x16xf32, #tpu.memory_space<vmem>>[vector<16xi32>, vector<16xi32>], vector<16xf32>,
    %mul3A_1705 = arith.mulf %gather3A_1703, %gather3A_1704 : vector<16xf32>
    %add3A_1706 = arith.addf %broadcast_in_dim3A_1700, %mul3A_1705 : vector<16xf32>
    %broadcast_in_dim3A_1707 = arith.constant 1 : i32
    %broadcast_in_dim3A_1708 = vector.broadcast %broadcast_in_dim3A_1707 : i32 to vector<16xi32>
    %gather3A_1709 = tpu.vector_load_idx %arg11[%iota3A, %broadcast_in_dim3A_1708] : memref<16x16xf32, #tpu.memory_space<vmem>>[vector<16xi32>, vector<16xi32>], vector<16xf32>,
    %gather3A_1710 = tpu.vector_load_idx %arg12[%iota3A, %broadcast_in_dim3A_1708] : memref<16x16xf32, #tpu.memory_space<vmem>>[vector<16xi32>, vector<16xi32>], vector<16xf32>,
    %mul3A_1711 = arith.mulf %gather3A_1709, %gather3A_1710 : vector<16xf32>
    %add3A_1712 = arith.addf %add3A_1706, %mul3A_1711 : vector<16xf32>
    %broadcast_in_dim3A_1713 = arith.constant 2 : i32
    %broadcast_in_dim3A_1714 = vector.broadcast %broadcast_in_dim3A_1713 : i32 to vector<16xi32>
    %gather3A_1715 = tpu.vector_load_idx %arg11[%iota3A, %broadcast_in_dim3A_1714] : memref<16x16xf32, #tpu.memory_space<vmem>>[vector<16xi32>, vector<16xi32>], vector<16xf32>,
    %gather3A_1716 = tpu.vector_load_idx %arg12[%iota3A, %broadcast_in_dim3A_1714] : memref<16x16xf32, #tpu.memory_space<vmem>>[vector<16xi32>, vector<16xi32>], vector<16xf32>,
    %mul3A_1717 = arith.mulf %gather3A_1715, %gather3A_1716 : vector<16xf32>
    %add3A_1718 = arith.addf %add3A_1712, %mul3A_1717 : vector<16xf32>
    %broadcast_in_dim3A_1719 = arith.constant 3 : i32
    %broadcast_in_dim3A_1720 = vector.broadcast %broadcast_in_dim3A_1719 : i32 to vector<16xi32>
    %gather3A_1721 = tpu.vector_load_idx %arg11[%iota3A, %broadcast_in_dim3A_1720] : memref<16x16xf32, #tpu.memory_space<vmem>>[vector<16xi32>, vector<16xi32>], vector<16xf32>,
    %gather3A_1722 = tpu.vector_load_idx %arg12[%iota3A, %broadcast_in_dim3A_1720] : memref<16x16xf32, #tpu.memory_space<vmem>>[vector<16xi32>, vector<16xi32>], vector<16xf32>,
    %mul3A_1723 = arith.mulf %gather3A_1721, %gather3A_1722 : vector<16xf32>
    %add3A_1724 = arith.addf %add3A_1718, %mul3A_1723 : vector<16xf32>
    %broadcast_in_dim3A_1725 = arith.constant 4 : i32
    %broadcast_in_dim3A_1726 = vector.broadcast %broadcast_in_dim3A_1725 : i32 to vector<16xi32>
    %gather3A_1727 = tpu.vector_load_idx %arg11[%iota3A, %broadcast_in_dim3A_1726] : memref<16x16xf32, #tpu.memory_space<vmem>>[vector<16xi32>, vector<16xi32>], vector<16xf32>,
    %gather3A_1728 = tpu.vector_load_idx %arg12[%iota3A, %broadcast_in_dim3A_1726] : memref<16x16xf32, #tpu.memory_space<vmem>>[vector<16xi32>, vector<16xi32>], vector<16xf32>,
    %mul3A_1729 = arith.mulf %gather3A_1727, %gather3A_1728 : vector<16xf32>
    %add3A_1730 = arith.addf %add3A_1724, %mul3A_1729 : vector<16xf32>
    %broadcast_in_dim3A_1731 = arith.constant 5 : i32
    %broadcast_in_dim3A_1732 = vector.broadcast %broadcast_in_dim3A_1731 : i32 to vector<16xi32>
    %gather3A_1733 = tpu.vector_load_idx %arg11[%iota3A, %broadcast_in_dim3A_1732] : memref<16x16xf32, #tpu.memory_space<vmem>>[vector<16xi32>, vector<16xi32>], vector<16xf32>,
    %gather3A_1734 = tpu.vector_load_idx %arg12[%iota3A, %broadcast_in_dim3A_1732] : memref<16x16xf32, #tpu.memory_space<vmem>>[vector<16xi32>, vector<16xi32>], vector<16xf32>,
    %mul3A_1735 = arith.mulf %gather3A_1733, %gather3A_1734 : vector<16xf32>
    %add3A_1736 = arith.addf %add3A_1730, %mul3A_1735 : vector<16xf32>
    %broadcast_in_dim3A_1737 = arith.constant 6 : i32
    %broadcast_in_dim3A_1738 = vector.broadcast %broadcast_in_dim3A_1737 : i32 to vector<16xi32>
    %gather3A_1739 = tpu.vector_load_idx %arg11[%iota3A, %broadcast_in_dim3A_1738] : memref<16x16xf32, #tpu.memory_space<vmem>>[vector<16xi32>, vector<16xi32>], vector<16xf32>,
    %gather3A_1740 = tpu.vector_load_idx %arg12[%iota3A, %broadcast_in_dim3A_1738] : memref<16x16xf32, #tpu.memory_space<vmem>>[vector<16xi32>, vector<16xi32>], vector<16xf32>,
    %mul3A_1741 = arith.mulf %gather3A_1739, %gather3A_1740 : vector<16xf32>
    %add3A_1742 = arith.addf %add3A_1736, %mul3A_1741 : vector<16xf32>
    %broadcast_in_dim3A_1743 = arith.constant 7 : i32
    %broadcast_in_dim3A_1744 = vector.broadcast %broadcast_in_dim3A_1743 : i32 to vector<16xi32>
    %gather3A_1745 = tpu.vector_load_idx %arg11[%iota3A, %broadcast_in_dim3A_1744] : memref<16x16xf32, #tpu.memory_space<vmem>>[vector<16xi32>, vector<16xi32>], vector<16xf32>,
    %gather3A_1746 = tpu.vector_load_idx %arg12[%iota3A, %broadcast_in_dim3A_1744] : memref<16x16xf32, #tpu.memory_space<vmem>>[vector<16xi32>, vector<16xi32>], vector<16xf32>,
    %mul3A_1747 = arith.mulf %gather3A_1745, %gather3A_1746 : vector<16xf32>
    %add3A_1748 = arith.addf %add3A_1742, %mul3A_1747 : vector<16xf32>
    %broadcast_in_dim3A_1749 = arith.constant 8 : i32
    %broadcast_in_dim3A_1750 = vector.broadcast %broadcast_in_dim3A_1749 : i32 to vector<16xi32>
    %gather3A_1751 = tpu.vector_load_idx %arg11[%iota3A, %broadcast_in_dim3A_1750] : memref<16x16xf32, #tpu.memory_space<vmem>>[vector<16xi32>, vector<16xi32>], vector<16xf32>,
    %gather3A_1752 = tpu.vector_load_idx %arg12[%iota3A, %broadcast_in_dim3A_1750] : memref<16x16xf32, #tpu.memory_space<vmem>>[vector<16xi32>, vector<16xi32>], vector<16xf32>,
    %mul3A_1753 = arith.mulf %gather3A_1751, %gather3A_1752 : vector<16xf32>
    %add3A_1754 = arith.addf %add3A_1748, %mul3A_1753 : vector<16xf32>
    %broadcast_in_dim3A_1755 = arith.constant 9 : i32
    %broadcast_in_dim3A_1756 = vector.broadcast %broadcast_in_dim3A_1755 : i32 to vector<16xi32>
    %gather3A_1757 = tpu.vector_load_idx %arg11[%iota3A, %broadcast_in_dim3A_1756] : memref<16x16xf32, #tpu.memory_space<vmem>>[vector<16xi32>, vector<16xi32>], vector<16xf32>,
    %gather3A_1758 = tpu.vector_load_idx %arg12[%iota3A, %broadcast_in_dim3A_1756] : memref<16x16xf32, #tpu.memory_space<vmem>>[vector<16xi32>, vector<16xi32>], vector<16xf32>,
    %mul3A_1759 = arith.mulf %gather3A_1757, %gather3A_1758 : vector<16xf32>
    %add3A_1760 = arith.addf %add3A_1754, %mul3A_1759 : vector<16xf32>
    %broadcast_in_dim3A_1761 = arith.constant 10 : i32
    %broadcast_in_dim3A_1762 = vector.broadcast %broadcast_in_dim3A_1761 : i32 to vector<16xi32>
    %gather3A_1763 = tpu.vector_load_idx %arg11[%iota3A, %broadcast_in_dim3A_1762] : memref<16x16xf32, #tpu.memory_space<vmem>>[vector<16xi32>, vector<16xi32>], vector<16xf32>,
    %gather3A_1764 = tpu.vector_load_idx %arg12[%iota3A, %broadcast_in_dim3A_1762] : memref<16x16xf32, #tpu.memory_space<vmem>>[vector<16xi32>, vector<16xi32>], vector<16xf32>,
    %mul3A_1765 = arith.mulf %gather3A_1763, %gather3A_1764 : vector<16xf32>
    %add3A_1766 = arith.addf %add3A_1760, %mul3A_1765 : vector<16xf32>
    %broadcast_in_dim3A_1767 = arith.constant 11 : i32
    %broadcast_in_dim3A_1768 = vector.broadcast %broadcast_in_dim3A_1767 : i32 to vector<16xi32>
    %gather3A_1769 = tpu.vector_load_idx %arg11[%iota3A, %broadcast_in_dim3A_1768] : memref<16x16xf32, #tpu.memory_space<vmem>>[vector<16xi32>, vector<16xi32>], vector<16xf32>,
    %gather3A_1770 = tpu.vector_load_idx %arg12[%iota3A, %broadcast_in_dim3A_1768] : memref<16x16xf32, #tpu.memory_space<vmem>>[vector<16xi32>, vector<16xi32>], vector<16xf32>,
    %mul3A_1771 = arith.mulf %gather3A_1769, %gather3A_1770 : vector<16xf32>
    %add3A_1772 = arith.addf %add3A_1766, %mul3A_1771 : vector<16xf32>
    %broadcast_in_dim3A_1773 = arith.constant 12 : i32
    %broadcast_in_dim3A_1774 = vector.broadcast %broadcast_in_dim3A_1773 : i32 to vector<16xi32>
    %gather3A_1775 = tpu.vector_load_idx %arg11[%iota3A, %broadcast_in_dim3A_1774] : memref<16x16xf32, #tpu.memory_space<vmem>>[vector<16xi32>, vector<16xi32>], vector<16xf32>,
    %gather3A_1776 = tpu.vector_load_idx %arg12[%iota3A, %broadcast_in_dim3A_1774] : memref<16x16xf32, #tpu.memory_space<vmem>>[vector<16xi32>, vector<16xi32>], vector<16xf32>,
    %mul3A_1777 = arith.mulf %gather3A_1775, %gather3A_1776 : vector<16xf32>
    %add3A_1778 = arith.addf %add3A_1772, %mul3A_1777 : vector<16xf32>
    %broadcast_in_dim3A_1779 = arith.constant 13 : i32
    %broadcast_in_dim3A_1780 = vector.broadcast %broadcast_in_dim3A_1779 : i32 to vector<16xi32>
    %gather3A_1781 = tpu.vector_load_idx %arg11[%iota3A, %broadcast_in_dim3A_1780] : memref<16x16xf32, #tpu.memory_space<vmem>>[vector<16xi32>, vector<16xi32>], vector<16xf32>,
    %gather3A_1782 = tpu.vector_load_idx %arg12[%iota3A, %broadcast_in_dim3A_1780] : memref<16x16xf32, #tpu.memory_space<vmem>>[vector<16xi32>, vector<16xi32>], vector<16xf32>,
    %mul3A_1783 = arith.mulf %gather3A_1781, %gather3A_1782 : vector<16xf32>
    %add3A_1784 = arith.addf %add3A_1778, %mul3A_1783 : vector<16xf32>
    %broadcast_in_dim3A_1785 = arith.constant 14 : i32
    %broadcast_in_dim3A_1786 = vector.broadcast %broadcast_in_dim3A_1785 : i32 to vector<16xi32>
    %gather3A_1787 = tpu.vector_load_idx %arg11[%iota3A, %broadcast_in_dim3A_1786] : memref<16x16xf32, #tpu.memory_space<vmem>>[vector<16xi32>, vector<16xi32>], vector<16xf32>,
    %gather3A_1788 = tpu.vector_load_idx %arg12[%iota3A, %broadcast_in_dim3A_1786] : memref<16x16xf32, #tpu.memory_space<vmem>>[vector<16xi32>, vector<16xi32>], vector<16xf32>,
    %mul3A_1789 = arith.mulf %gather3A_1787, %gather3A_1788 : vector<16xf32>
    %add3A_1790 = arith.addf %add3A_1784, %mul3A_1789 : vector<16xf32>
    %broadcast_in_dim3A_1791 = arith.constant 15 : i32
    %broadcast_in_dim3A_1792 = vector.broadcast %broadcast_in_dim3A_1791 : i32 to vector<16xi32>
    %gather3A_1793 = tpu.vector_load_idx %arg11[%iota3A, %broadcast_in_dim3A_1792] : memref<16x16xf32, #tpu.memory_space<vmem>>[vector<16xi32>, vector<16xi32>], vector<16xf32>,
    %gather3A_1794 = tpu.vector_load_idx %arg12[%iota3A, %broadcast_in_dim3A_1792] : memref<16x16xf32, #tpu.memory_space<vmem>>[vector<16xi32>, vector<16xi32>], vector<16xf32>,
    %mul3A_1795 = arith.mulf %gather3A_1793, %gather3A_1794 : vector<16xf32>
    %add3A_1796 = arith.addf %add3A_1790, %mul3A_1795 : vector<16xf32>
    %swap3A_1797 = arith.constant 496 : index
    %swap3A_1798 = tpu.vector_load %arg13[%swap3A_1797] {strides = array<i32>} : memref<512xf32, #tpu.memory_space<vmem>>, vector<16xf32>,
    tpu.vector_store %arg13[%swap3A_1797], %add3A_1796 {strides = array<i32>} : memref<512xf32, #tpu.memory_space<vmem>>, vector<16xf32>,
    %mul3A_1799 = arith.constant 512 : i32
    %mul3A_1800 = arith.muli %add3A, %mul3A_1799 : i32
    "tpu.region"() ({
      %run_scoped3A = tpu.sem_alloc : memref<!tpu.dma_semaphore, #tpu.memory_space<semaphore_mem>>
      %dma_start3A_1801 = tpu.memref_slice %arg6[%mul3A_1800] : memref<16384xf32, #tpu.memory_space<hbm>> -> memref<512xf32, #tpu.memory_space<hbm>>
      %dma_start3A_1802 = tpu.memref_slice %arg6[%mul3A_1800] : memref<16384xf32, #tpu.memory_space<hbm>> -> memref<512xf32, #tpu.memory_space<hbm>>
      tpu.enqueue_dma source(%arg13 : memref<512xf32, #tpu.memory_space<vmem>>) target(%dma_start3A_1802 : memref<512xf32, #tpu.memory_space<hbm>>) target_semaphore(%run_scoped3A : memref<!tpu.dma_semaphore, #tpu.memory_space<semaphore_mem>>)
      %dma_wait3A_1803 = tpu.memref_slice %arg6[%mul3A_1800] : memref<16384xf32, #tpu.memory_space<hbm>> -> memref<512xf32, #tpu.memory_space<hbm>>
      %dma_wait3A_1804 = tpu.memref_slice %arg6[%mul3A_1800] : memref<16384xf32, #tpu.memory_space<hbm>> -> memref<512xf32, #tpu.memory_space<hbm>>
      tpu.wait_dma2 semaphore(%run_scoped3A : memref<!tpu.dma_semaphore, #tpu.memory_space<semaphore_mem>>) src(%arg13 : memref<512xf32, #tpu.memory_space<vmem>>) dst(%dma_wait3A_1804 : memref<512xf32, #tpu.memory_space<hbm>>)
      tpu.yield
    }) : () -> ()
    return
  }
}

</mosaic_0001>

<sc_bundles>
// kernel: kernel.3.cloned.1.call-start
scs
__scs_entry_jumppad:
0x0: {  	(pc) =	sbr.rel $0x88, $3  }
0x1: {  	(tag) =	ssettag $0x0;
	lr =	simm.s32 $0x1  }
0x2: {  	[smem:$0x3F9D] =	sst lr;
	_ =	strace $0xD0000000  }
0x3: {  	_ = 	snop  }
0x4: {  	_ = 	snop  }
0x5: {  	_ = 	snop  }
0x6: {  	_ = 	snop  }
0x7: {  	_ = 	snop  }
__scs_overlays_trampoline_lowered:
0x8: {  	[smem:$0x3FAC] =	sst s0  }
0x9: {  	[smem:$0x3FAD] =	sst s1  }
0xa: {  	[smem:$0x3FAE] =	sst s2  }
0xb: {  	[smem:$0x3FAF] =	sst s3  }
0xc: {  	[smem:$0x3FB0] =	sst s4  }
0xd: {  	[smem:$0x3FB1] =	sst s5  }
0xe: {  	[smem:$0x3FB2] =	sst s6  }
0xf: {  	[smem:$0x3FB3] =	sst s7  }
0x10: {  	[smem:$0x3FB4] =	sst s8  }
0x11: {  	[smem:$0x3FB5] =	sst s9;
	s0 =	simm.s32 @!p0 $0x0  }
0x12: {  	s1 =	sld [smem:$0x3F9B];
	s0 =	simm.s32 @p0 $0x1  }
0x13: {  	[smem:$0x3FB6] =	sst s0;
	s0 =	simm.s32 @!p1 $0x0  }
0x14: {  	s2 =	sld [smem:$0x3F9A];
	s0 =	simm.s32 @p1 $0x1  }
0x15: {  	[smem:$0x3FB7] =	sst s0;
	s0 =	simm.s32 @!p2 $0x0  }
0x16: {  	s3 =	sld [smem:$0x3FDB];
	s0 =	simm.s32 @p2 $0x1  }
0x17: {  	s4 =	simm.s32 $0x1BF5;
	[smem:$0x3FB9] =	sst s0  }
0x18: {  	s0 =	sld [smem:$0x3F9C];
	_ =	swait.ge [sflag:s4], $0x0  }
0x19: {  	s7 =	sld [smem:$0x3F9D]  }
0x1a: {  	s8 =	sadd.s32 $0xFFFFE003, lr  }
0x1b: {  	s9 =	sadd.s32 $0xFFFFFEF7, lr;
	s5 =	simm.s32 $0xFFFFFFFF;
	p2 =	slt.u32 s8, $0xFFFFF086  }
0x1c: {  	p1 =	slt.u32 s9, $0xF7A;
	s5 =	simm.s32 @!p2 $0x0  }
0x1d: {  	s5 =	simm.s32 @p1 $0x1;
	p0 =	seq.s32 s7, s2  }
0x1e: {  	s7 =	smul.u32 @!p0 $0xF7A, s2;
	p2 =	seq.s32 @!p0 s5, $0x0  }
0x1f: {  	s9 =	smul.u32 $0xF7A, s1;
	s8 =	simm.s32 @!p0 $0x1BF5;
	p2 =	por !p2, p0  }
0x20: {  	[sflag:s8] =	ssyncset.s32 @!p0 $0xFFFFF086;
	s6 =	sadd.s32 @!p0 s3, s7;
	s7 =	simm.s32 @!p0 $0x108  }
0x21: {  	s3 =	sadd.s32 s3, s9;
	s6 =	sadd.s32 @!p0 $0x88, s6;
	s7 =	simm.s32 @p2 $0x1082  }
0x22: {  	[simem:s7], [sflag:s8] =	dma.local @!p0 [hbm:s6], $0xF7A  }
0x23: {  	s9 =	sor.u32 $0xD0000000, s2;
	s6 =	simm.s32 $0x108;
	_ =	swait.ge @!p0 [sflag:s8], $0x0  }
0x24: {  	s3 =	sadd.s32 $0x88, s3;
	s6 =	simm.s32 @!p1 $0x1082;
	[sflag:s4] =	ssyncset.s32 $0xFFFFF086  }
0x25: {  	[simem:s6], [sflag:s4] =	dma.local [hbm:s3], $0xF7A  }
0x26: {  	[smem:$0x3F9D] =	sst s1;
	(tag) =	ssettag s2;
	_ =	strace s9  }
0x27: {  	s1 =	sld [smem:$0x3FAD]  }
0x28: {  	s2 =	sld [smem:$0x3FAE]  }
0x29: {  	s4 =	sld [smem:$0x3FB0]  }
0x2a: {  	p0 =	seq.s32 s5, $0x0;
	s5 =	sld [smem:$0x3FB1]  }
0x2b: {  	s6 =	sld [smem:$0x3FB2]  }
0x2c: {  	s7 =	sld [smem:$0x3FB3]  }
0x2d: {  	s3 =	simm.s32 $0x108;
	s8 =	sld [smem:$0x3FB4]  }
0x2e: {  	s3 =	simm.s32 @!p0 $0x1082;
	s9 =	sld [smem:$0x3FB5]  }
0x2f: {  	lr =	sadd.s32 s0, s3;
	s0 =	sld [smem:$0x3FAC]  }
0x30: {  	s3 =	sld [smem:$0x3FAF]  }
0x31: {  	[smem:$0x3FB8] =	sst s10  }
0x32: {  	s10 =	sld [smem:$0x3FB6];
	_ =	sdelay $0x3  }
0x33: {  	p0 =	seq.s32 s10, $0x1;
	s10 =	sld [smem:$0x3FB8];
	_ =	sdelay $0x3  }
0x34: {  	[smem:$0x3FB8] =	sst s10  }
0x35: {  	s10 =	sld [smem:$0x3FB7];
	_ =	sdelay $0x3  }
0x36: {  	p1 =	seq.s32 s10, $0x1;
	s10 =	sld [smem:$0x3FB8];
	_ =	sdelay $0x3  }
0x37: {  	[smem:$0x3FB8] =	sst s10  }
0x38: {  	s10 =	sld [smem:$0x3FB9]  }
0x39: {  	_ = 	snop;
	(pc) =	sbr.ind lr, $3  }
0x3a: {  	_ = 	snop  }
0x3b: {  	_ = 	snop  }
0x3c: {  	p2 =	seq.s32 s10, $0x1;
	s10 =	sld [smem:$0x3FB8]  }
0x3d: {  	_ =	shalt  }
0x3e: {  	_ =	shalt  }
0x3f: {  	_ =	shalt  }
0x40: {  	_ =	shalt  }
0x41: {  	_ =	shalt  }
0x42: {  	_ =	shalt  }
0x43: {  	_ =	shalt  }
0x44: {  	_ =	shalt  }
0x45: {  	_ =	shalt  }
0x46: {  	_ =	shalt  }
0x47: {  	_ =	shalt  }
0x48: {  	_ =	shalt  }
0x49: {  	_ =	shalt  }
0x4a: {  	_ =	shalt  }
0x4b: {  	_ =	shalt  }
0x4c: {  	_ =	shalt  }
0x4d: {  	_ =	shalt  }
0x4e: {  	_ =	shalt  }
0x4f: {  	_ =	shalt  }
0x50: {  	_ =	shalt  }
0x51: {  	_ =	shalt  }
0x52: {  	_ =	shalt  }
0x53: {  	_ =	shalt  }
0x54: {  	_ =	shalt  }
0x55: {  	_ =	shalt  }
0x56: {  	_ =	shalt  }
0x57: {  	_ =	shalt  }
0x58: {  	_ =	shalt  }
0x59: {  	_ =	shalt  }
0x5a: {  	_ =	shalt  }
0x5b: {  	_ =	shalt  }
0x5c: {  	_ =	shalt  }
0x5d: {  	_ =	shalt  }
0x5e: {  	_ =	shalt  }
0x5f: {  	_ =	shalt  }
0x60: {  	_ =	shalt  }
0x61: {  	_ =	shalt  }
0x62: {  	_ =	shalt  }
0x63: {  	_ =	shalt  }
0x64: {  	_ =	shalt  }
0x65: {  	_ =	shalt  }
0x66: {  	_ =	shalt  }
0x67: {  	_ =	shalt  }
0x68: {  	_ =	shalt  }
0x69: {  	_ =	shalt  }
0x6a: {  	_ =	shalt  }
0x6b: {  	_ =	shalt  }
0x6c: {  	_ =	shalt  }
0x6d: {  	_ =	shalt  }
0x6e: {  	_ =	shalt  }
0x6f: {  	_ =	shalt  }
0x70: {  	_ =	shalt  }
0x71: {  	_ =	shalt  }
0x72: {  	_ =	shalt  }
0x73: {  	_ =	shalt  }
0x74: {  	_ =	shalt  }
0x75: {  	_ =	shalt  }
0x76: {  	_ =	shalt  }
0x77: {  	_ =	shalt  }
0x78: {  	_ =	shalt  }
0x79: {  	_ =	shalt  }
0x7a: {  	_ =	shalt  }
0x7b: {  	_ =	shalt  }
0x7c: {  	_ =	shalt  }
0x7d: {  	_ =	shalt  }
0x7e: {  	_ =	shalt  }
0x7f: {  	_ =	shalt  }
0x80: {  	_ =	shalt  }
0x81: {  	_ =	shalt  }
0x82: {  	_ =	shalt  }
0x83: {  	_ =	shalt  }
0x84: {  	_ =	shalt  }
0x85: {  	_ =	shalt  }
0x86: {  	_ =	shalt  }
0x87: {  	_ =	shalt  }
.Lfunc_end0:
.L_simem_size_0:
called_computation_lowered:
.L_overlay_start_0:
0x88: {  	s2 =	sld [smem:$0x3FD9]  }
0x89: {  	s3 =	sld [smem:$0x3FFE];
	_ =	sdelay $0x1  }
0x8a: {  	s1 =	srdreg.scid  }
0x8b: {  	s0 =	sand.u32 $0x1, s1  }
0x8c: {  	s17 =	sshll.u32 s0, $0xA;
	s2 =	sadd.s32 s3, s2  }
0x8d: {  	s2 =	sadd.s32 s2, s17  }
0x8e: {  	[smem:$0x3FC4] =	sst s2  }
0x8f: {  	_ = 	snop  }
0x90: {  	s2 =	sld [smem:$0x3FC7]  }
0x91: {  	s18 =	sld [smem:$0x3FC6]  }
0x92: {  	s4 =	sld [smem:$0x3FD0];
	(tm) =	ssettm $0x1  }
0x93: {  	s5 =	sld [smem:$0x3FFB];
	_ =	sdelay $0x3  }
0x94: {  	_ =	strace s5  }
0x95: {  	s5 =	sld [smem:$0x3FFC];
	_ =	sdelay $0x3  }
0x96: {  	_ =	strace s5  }
0x97: {  	s5 =	sld [smem:$0x3FFD];
	_ =	sdelay $0x3  }
0x98: {  	_ =	strace s5  }
0x99: {  	_ =	strace $0x8FFFFFFF  }
0x9a: {  	s19 =	sld [smem:$0x3FDB];
	_ =	sdelay $0x1  }
0x9b: {  	s6 =	simm.s32 $_scs_section_size  }
0x9c: {  	s7 =	simm.s32 $_size__tile_overlayer_lowered;
	s8 =	simm.s32 $_tile_overlayer_lowered  }
0x9d: {  	s22 =	simm.s32 $0x1BFF;
	s21 =	sshll.u32 s8, $0x1;
	s5 =	sadd.s32 s6, s19  }
0x9e: {  	s9 =	simm.s32 $0x0;
	s20 =	sshll.u32 s7, $0x1;
	s7 =	sadd.s32 s21, s5  }
0x9f: {  	[timem:s9], [sflag:s22] =	dma.local [hbm:s7], s20  }
0xa0: {  	_ =	swait.ge [sflag:s22], s20  }
0xa1: {  	s6 =	ssub.s32 $0x0, s20;
	[sflag:s22] =	ssyncset.done $0x0  }
0xa2: {  	[sflag:s22] =	ssyncadd.s32 s6;
	_ =	sdelay $0x1  }
0xa3: {  	s23 =	simm.s32 $0x1B8B  }
0xa4: {  	_ =	swait.ge [sflag:s23], $0x1  }
0xa5: {  	[sflag:s23] =	ssyncset.done $0x0  }
0xa6: {  	s25 =	simm.s32 $0x1B8E;
	s24 =	sld [smem:$0x3FFE];
	[sflag:s23] =	ssyncadd.s32 $0xFFFFFFFF  }
0xa7: {  	s26 =	simm.s32 $execute0_lowered;
	[smem:$0x3FD2] =	sst s25  }
0xa8: {  	s7 =	sshll.u32 s26, $0x1;
	_ =	strace $0x80000046;
	[dreg:$0x1] =	wrdreg $0xFFFFFFFF  }
0xa9: {  	s28 =	simm.s32 $_size_execute0_lowered;
	s5 =	sadd.s32 s5, s7;
	[dreg:$0x0] =	wrdreg $0x0  }
0xaa: {  	s7 =	sshll.u32 s28, $0x1;
	[dreg:$0x2] =	wrdreg s5  }
0xab: {  	[dreg:$0x3] =	wrdreg s7  }
0xac: {  	[dreg:$0x4] =	wrdreg $0xC0  }
0xad: {  	_ =	task [dreg:s9], $0x5FFFF  }
0xae: {  	[dreg:$0x1] =	wrdreg $0xFFFFFFFF  }
0xaf: {  	[dreg:$0x0] =	wrdreg $0x60  }
0xb0: {  	[dreg:$0x2] =	wrdreg s24  }
0xb1: {  	[dreg:$0x3] =	wrdreg s2  }
0xb2: {  	[dreg:$0x4] =	wrdreg s18  }
0xb3: {  	[dreg:$0x5] =	wrdreg s4  }
0xb4: {  	[dreg:$0x6] =	wrdreg $0x9  }
0xb5: {  	_ =	task.clear_ibuf [dreg:s9], $0x7FFFF;
	_ =	strace $0x90000046  }
0xb6: {  	s29 =	simm.s32 $0x9;
	_ =	strace $0x80000048  }
0xb7: {  	_ =	swait.ge [sflag:s29], $0x1  }
0xb8: {  	[sflag:s29] =	ssyncadd.s32 $0xFFFFFFFF  }
0xb9: {  	_ =	strace $0x90000048  }
0xba: {  	_ =	sfence  }
0xbb: {  	s30 =	sld [smem:$0x0];
	_ =	sdelay $0x2  }
0xbc: {  	s31 =	sshll.u32 s1, $0xD;
	s1 =	sshrl.u32 s1, $0x2  }
0xbd: {  	s3 =	sand.u32 $0x4000, s31;
	s1 =	sadd.s32 s1, s30  }
0xbe: {  	s0 =	sor.u32 s3, s0;
	s1 =	sshll.u32 s1, $0x11  }
0xbf: {  	s0 =	sor.u32 s1, s0  }
0xc0: {  	s0 =	sadd.s32 $0x8F2B, s0  }
0xc1: {  	[sflag:s0] =	ssyncadd.remote.s32 $0x1  }
0xc2: {  	_ =	sfence.sel $0xFFFF  }
0xc3: {  	[dreg:$0x0] =	wrdreg $0xFFFFFFFF;
	(pc) =	sbr.abs _section_cstart, $3  }
0xc4: {  	[dreg:$0x1] =	wrdreg $0xFFFFFFFF  }
0xc5: {  	_ =	task.clear_ibuf [dreg:s9], $0x2FFFF;
	_ =	strace $0x9FFFFFFF  }
0xc6: {  	(tm) =	ssettm $0x7FFFFFFF  }
0xc7: {  	_ =	shalt  }
tec
execute0_lowered:
.L_overlay_start_1:
0x0: {  	(tag) =	ssettag $0x1  }
0x1: {  	s0 =	rddreg [dreg:$0x0]  }
0x2: {  	s1 =	rddreg [dreg:$0x1]  }
0x3: {  	s2 =	srdreg.scid;
	s3 =	rddreg [dreg:$0x2]  }
0x4: {  	s6 =	stileid.u32;
	s5 =	rddreg [dreg:$0x3]  }
0x5: {  	s22 =	simm.s32 $0x0;
	s10 =	simm.s32 $0x400;
	s13 =	simm.s32 $0x7A1400  }
0x6: {  	s8 =	simm.s32 $0xBC00;
	s11 =	simm.s32 $0x4400;
	s14 =	simm.s32 $0xC400  }
0x7: {  	s15 =	simm.s32 $0x4C00;
	s16 =	simm.s32 $0xCC00;
	s17 =	simm.s32 $0x5400  }
0x8: {  	s28 =	simm.s32 $0xDC00;
	s29 =	simm.s32 $0x6400;
	s30 =	simm.s32 $0xE400  }
0x9: {  	s31 =	simm.s32 $0x6C00;
	s12 =	simm.s32 $0x7400;
	s9 =	simm.s32 $0xF400  }
0xa: {  	s18 =	simm.s32 $0x1;
	s19 =	simm.s32 $0x2;
	s20 =	simm.s32 $0x10400  }
0xb: {  	s21 =	simm.s32 $0x10C00;
	s2 =	sand.u32 $0x1, s2;
	s4 =	sshll.u32 s6, $0x1  }
0xc: {  	s6 =	sshll.u32 s6, $0x7;
	[smem:$0x7FF] =	sst s22;
	s4 =	sor.u32 s2, s4  }
0xd: {  	v0 =	vlaneseq.u32;
	s2 =	ssub.s32 $0x2, s2;
	_ =	strace $0x80000047;
	s7 =	sshll.u32 s4, $0x4  }
0xe: {  	v0 =	vmul.u32 $0x80, v0;
	s23 =	sshrl.u32 s2, $0x1;
	s4 =	sshll.u32 s4, $0x6;
	s6 =	sor.u32 s6, s7  }
0xf: {  	s2 =	ssub.s32 s2, s23;
	s25 =	sadd.s32 s5, s4;
	s7 =	simm.s32 $0x3C00  }
0x10: {  	v1 =	vor.u32 $0x1, v0;
	v2 =	vor.u32 $0x2, v0;
	v3 =	vor.u32 $0x3, v0;
	s4 =	simm.s32 $0x7C00;
	s5 =	simm.s32 $0xFC00;
	s6 =	sand.u32 $0x670, s6  }
0x11: {  	v4 =	vor.u32 $0x4, v0;
	v5 =	vor.u32 $0x5, v0;
	v6 =	vor.u32 $0x6, v0;
	[dreg:$0x7] =	wrdreg s25;
	s26 =	smax.u32 s2, $0x1;
	s0 =	sadd.s32 s6, s0  }
0x12: {  	v7 =	vor.u32 $0x7, v0;
	v8 =	vor.u32 $0x8, v0;
	v9 =	vor.u32 $0x9, v0;
	s25 =	simm.s32 $0xD400;
	[dreg:$0x8] =	wrdreg s26;
	s24 =	sadd.s32 $0x400, s0  }
0x13: {  	v10 =	vor.u32 $0xA, v0;
	v11 =	vor.u32 $0xB, v0;
	v12 =	vor.u32 $0xC, v0;
	s2 =	simm.s32 $0x0;
	s0 =	sadd.s32 $0xC00, s0;
	[dreg:$0x5] =	wrdreg s24  }
0x14: {  	v13 =	vor.u32 $0xD, v0;
	v14 =	vor.u32 $0xE, v0;
	v15 =	vor.u32 $0xF, v0;
	s26 =	simm.s32 $0x5C00;
	[dreg:$0x6] =	wrdreg s0;
	s0 =	simm.s32 $0xEC00  }
.LBB2_1:
0x15: {  	[dreg:$0x9] =	wrdreg s2  }
0x16: {  	s2 =	simm.s32 $0x3;
	s23 =	rddreg [dreg:$0x5];
	s24 =	simm.s32 $0x80  }
0x17: {  	[tilespmem:s22], [sflag:$0x3] =	stream.strided.gather [hbm4b:s23+s24], $0x200, s10, s24, $0x38;
	[tilespmem:$0x11600] =	vst v63  }
0x18: {  	_ =	swait.ge [sflag:s2], $0x200  }
0x19: {  	[sflag:s2] =	ssyncset.done $0x0  }
0x1a: {  	s6 =	simm.s32 $0x200;
	s23 =	rddreg [dreg:$0x6];
	[sflag:s2] =	ssyncadd.s32 $0xFFFFFE00  }
0x1b: {  	[tilespmem:s6], [sflag:$0x3] =	stream.strided.gather [hbm4b:s23+s24], $0x200, s10, s24, $0x38;
	[tilespmem:$0x11600] =	vst v63  }
0x1c: {  	_ =	swait.ge [sflag:s2], $0x200  }
0x1d: {  	[sflag:s2] =	ssyncset.done $0x0  }
0x1e: {  	[sflag:s2] =	ssyncadd.s32 $0xFFFFFE00  }
0x1f: {  	v17 =	vld [tilespmem:$0x0];
	_ =	sdelay $0x1  }
0x20: {  	v16 =	vld [tilespmem:$0x200];
	_ =	sdelay $0x2  }
0x21: {  	(v2sf) =	vpush v17, $0x0;
	_ =	sdelay $0x1  }
0x22: {  	(v2sf) =	vpush v16, $0x0;
	_ =	sdelay $0x4  }
0x23: {  	(v2sf) =	vpush v17, $0x1;
	_ =	sdelay $0x1  }
0x24: {  	(v2sf) =	vpush v16, $0x1;
	_ =	sdelay $0x5  }
0x25: {  	s24 =	spop (v2sf);
	(v2sf) =	vpush v17, $0x2  }
0x26: {  	s22 =	sand.u32 $0xFFFFF80, s24  }
0x27: {  	s6 =	spop (v2sf);
	(v2sf) =	vpush v16, $0x2;
	s22 =	sadd.s32 s1, s22  }
0x28: {  	[tilespmem:s10], [sflag:$0x1] =	stream.strided.gather [hbm4b:s22+s10], $0x800, s13, s10, $0x38;
	[tilespmem:$0x11600] =	vst v63  }
0x29: {  	s22 =	sand.u32 $0xFFFFF80, s6  }
0x2a: {  	s23 =	simm.s32 $0x8400;
	s22 =	sadd.s32 s3, s22  }
0x2b: {  	[tilespmem:s23], [sflag:$0x1] =	stream.strided.gather [hbm4b:s22+s10], $0x800, s13, s10, $0x38;
	[tilespmem:$0x11600] =	vst v63  }
0x2c: {  	s23 =	spop (v2sf);
	(v2sf) =	vpush v17, $0x3;
	_ =	sdelay $0x1  }
0x2d: {  	s2 =	spop (v2sf);
	(v2sf) =	vpush v16, $0x3;
	_ =	sdelay $0x4  }
0x2e: {  	s22 =	sand.u32 $0xFFFFF80, s23  }
0x2f: {  	s24 =	simm.s32 $0xC00;
	s22 =	sadd.s32 s1, s22;
	s23 =	spop (v2sf);
	(v2sf) =	vpush v17, $0x4  }
0x30: {  	[tilespmem:s24], [sflag:$0x1] =	stream.strided.gather [hbm4b:s22+s10], $0x800, s13, s10, $0x38;
	[tilespmem:$0x11600] =	vst v63  }
0x31: {  	s22 =	sand.u32 $0xFFFFF80, s2;
	s2 =	spop (v2sf);
	(v2sf) =	vpush v16, $0x4;
	_ =	sdelay $0x1  }
0x32: {  	s6 =	simm.s32 $0x8C00;
	s22 =	sadd.s32 s3, s22  }
0x33: {  	[tilespmem:s6], [sflag:$0x1] =	stream.strided.gather [hbm4b:s22+s10], $0x800, s13, s10, $0x38;
	[tilespmem:$0x11600] =	vst v63  }
0x34: {  	s22 =	sand.u32 $0xFFFFF80, s23  }
0x35: {  	s24 =	simm.s32 $0x1400;
	s22 =	sadd.s32 s1, s22;
	s23 =	spop (v2sf);
	(v2sf) =	vpush v17, $0x5  }
0x36: {  	[tilespmem:s24], [sflag:$0x1] =	stream.strided.gather [hbm4b:s22+s10], $0x800, s13, s10, $0x38;
	[tilespmem:$0x11600] =	vst v63  }
0x37: {  	s22 =	sand.u32 $0xFFFFF80, s2;
	s2 =	spop (v2sf);
	(v2sf) =	vpush v16, $0x5  }
0x38: {  	s6 =	simm.s32 $0x9400;
	s22 =	sadd.s32 s3, s22  }
0x39: {  	[tilespmem:s6], [sflag:$0x1] =	stream.strided.gather [hbm4b:s22+s10], $0x800, s13, s10, $0x38;
	[tilespmem:$0x11600] =	vst v63  }
0x3a: {  	s22 =	sand.u32 $0xFFFFF80, s23  }
0x3b: {  	s24 =	simm.s32 $0x1C00;
	s22 =	sadd.s32 s1, s22  }
0x3c: {  	[tilespmem:s24], [sflag:$0x1] =	stream.strided.gather [hbm4b:s22+s10], $0x800, s13, s10, $0x38;
	[tilespmem:$0x11600] =	vst v63  }
0x3d: {  	s23 =	spop (v2sf);
	(v2sf) =	vpush v17, $0x6  }
0x3e: {  	s22 =	sand.u32 $0xFFFFF80, s2  }
0x3f: {  	s6 =	simm.s32 $0x9C00;
	s22 =	sadd.s32 s3, s22;
	s2 =	spop (v2sf);
	(v2sf) =	vpush v16, $0x6  }
0x40: {  	[tilespmem:s6], [sflag:$0x1] =	stream.strided.gather [hbm4b:s22+s10], $0x800, s13, s10, $0x38;
	[tilespmem:$0x11600] =	vst v63  }
0x41: {  	s22 =	sand.u32 $0xFFFFF80, s23  }
0x42: {  	s24 =	simm.s32 $0x2400;
	s22 =	sadd.s32 s1, s22  }
0x43: {  	[tilespmem:s24], [sflag:$0x1] =	stream.strided.gather [hbm4b:s22+s10], $0x800, s13, s10, $0x38;
	[tilespmem:$0x11600] =	vst v63  }
0x44: {  	s23 =	spop (v2sf);
	(v2sf) =	vpush v17, $0x7  }
0x45: {  	s22 =	sand.u32 $0xFFFFF80, s2  }
0x46: {  	s6 =	simm.s32 $0xA400;
	s22 =	sadd.s32 s3, s22;
	s2 =	spop (v2sf);
	(v2sf) =	vpush v16, $0x7  }
0x47: {  	[tilespmem:s6], [sflag:$0x1] =	stream.strided.gather [hbm4b:s22+s10], $0x800, s13, s10, $0x38;
	[tilespmem:$0x11600] =	vst v63  }
0x48: {  	s22 =	sand.u32 $0xFFFFF80, s23  }
0x49: {  	s24 =	simm.s32 $0x2C00;
	s22 =	sadd.s32 s1, s22  }
0x4a: {  	[tilespmem:s24], [sflag:$0x1] =	stream.strided.gather [hbm4b:s22+s10], $0x800, s13, s10, $0x38;
	[tilespmem:$0x11600] =	vst v63  }
0x4b: {  	s22 =	sand.u32 $0xFFFFF80, s2  }
0x4c: {  	s6 =	simm.s32 $0xAC00;
	s22 =	sadd.s32 s3, s22;
	s23 =	spop (v2sf);
	(v2sf) =	vpush v17, $0x8  }
0x4d: {  	[tilespmem:s6], [sflag:$0x1] =	stream.strided.gather [hbm4b:s22+s10], $0x800, s13, s10, $0x38;
	[tilespmem:$0x11600] =	vst v63  }
0x4e: {  	s6 =	spop (v2sf);
	(v2sf) =	vpush v16, $0x8;
	_ =	sdelay $0x1  }
0x4f: {  	s22 =	sand.u32 $0xFFFFF80, s23  }
0x50: {  	s24 =	simm.s32 $0x3400;
	s22 =	sadd.s32 s1, s22  }
0x51: {  	[tilespmem:s24], [sflag:$0x1] =	stream.strided.gather [hbm4b:s22+s10], $0x800, s13, s10, $0x38;
	[tilespmem:$0x11600] =	vst v63  }
0x52: {  	s24 =	spop (v2sf);
	(v2sf) =	vpush v17, $0x9;
	_ =	sdelay $0x1  }
0x53: {  	s2 =	spop (v2sf);
	(v2sf) =	vpush v16, $0x9;
	_ =	sdelay $0x1  }
0x54: {  	s22 =	sand.u32 $0xFFFFF80, s6  }
0x55: {  	s23 =	simm.s32 $0xB400;
	s22 =	sadd.s32 s3, s22  }
0x56: {  	[tilespmem:s23], [sflag:$0x1] =	stream.strided.gather [hbm4b:s22+s10], $0x800, s13, s10, $0x38;
	[tilespmem:$0x11600] =	vst v63  }
0x57: {  	s22 =	sand.u32 $0xFFFFF80, s24  }
0x58: {  	s22 =	sadd.s32 s1, s22;
	s6 =	spop (v2sf);
	(v2sf) =	vpush v17, $0xA  }
0x59: {  	[tilespmem:s7], [sflag:$0x1] =	stream.strided.gather [hbm4b:s22+s10], $0x800, s13, s10, $0x38;
	[tilespmem:$0x11600] =	vst v63  }
0x5a: {  	s7 =	spop (v2sf);
	(v2sf) =	vpush v16, $0xA  }
0x5b: {  	s22 =	sand.u32 $0xFFFFF80, s2  }
0x5c: {  	s22 =	sadd.s32 s3, s22  }
0x5d: {  	[tilespmem:s8], [sflag:$0x1] =	stream.strided.gather [hbm4b:s22+s10], $0x800, s13, s10, $0x38;
	[tilespmem:$0x11600] =	vst v63  }
0x5e: {  	s22 =	sand.u32 $0xFFFFF80, s6  }
0x5f: {  	s22 =	sadd.s32 s1, s22;
	s8 =	spop (v2sf);
	(v2sf) =	vpush v17, $0xB  }
0x60: {  	[tilespmem:s11], [sflag:$0x2] =	stream.strided.gather [hbm4b:s22+s10], $0x800, s13, s10, $0x38;
	[tilespmem:$0x11600] =	vst v63  }
0x61: {  	s22 =	sand.u32 $0xFFFFF80, s7;
	s11 =	spop (v2sf);
	(v2sf) =	vpush v16, $0xB  }
0x62: {  	s22 =	sadd.s32 s3, s22  }
0x63: {  	[tilespmem:s14], [sflag:$0x2] =	stream.strided.gather [hbm4b:s22+s10], $0x800, s13, s10, $0x38;
	[tilespmem:$0x11600] =	vst v63  }
0x64: {  	s22 =	sand.u32 $0xFFFFF80, s8  }
0x65: {  	s22 =	sadd.s32 s1, s22  }
0x66: {  	[tilespmem:s15], [sflag:$0x2] =	stream.strided.gather [hbm4b:s22+s10], $0x800, s13, s10, $0x38;
	[tilespmem:$0x11600] =	vst v63  }
0x67: {  	s14 =	spop (v2sf);
	(v2sf) =	vpush v17, $0xC  }
0x68: {  	s22 =	sand.u32 $0xFFFFF80, s11  }
0x69: {  	s22 =	sadd.s32 s3, s22;
	s15 =	spop (v2sf);
	(v2sf) =	vpush v16, $0xC  }
0x6a: {  	[tilespmem:s16], [sflag:$0x2] =	stream.strided.gather [hbm4b:s22+s10], $0x800, s13, s10, $0x38;
	[tilespmem:$0x11600] =	vst v63  }
0x6b: {  	s22 =	sand.u32 $0xFFFFF80, s14  }
0x6c: {  	s22 =	sadd.s32 s1, s22  }
0x6d: {  	[tilespmem:s17], [sflag:$0x2] =	stream.strided.gather [hbm4b:s22+s10], $0x800, s13, s10, $0x38;
	[tilespmem:$0x11600] =	vst v63  }
0x6e: {  	s16 =	spop (v2sf);
	(v2sf) =	vpush v17, $0xD  }
0x6f: {  	s22 =	sand.u32 $0xFFFFF80, s15  }
0x70: {  	s22 =	sadd.s32 s3, s22;
	s17 =	spop (v2sf);
	(v2sf) =	vpush v16, $0xD  }
0x71: {  	[tilespmem:s25], [sflag:$0x2] =	stream.strided.gather [hbm4b:s22+s10], $0x800, s13, s10, $0x38;
	[tilespmem:$0x11600] =	vst v63  }
0x72: {  	s22 =	sand.u32 $0xFFFFF80, s16  }
0x73: {  	s22 =	sadd.s32 s1, s22  }
0x74: {  	[tilespmem:s26], [sflag:$0x2] =	stream.strided.gather [hbm4b:s22+s10], $0x800, s13, s10, $0x38;
	[tilespmem:$0x11600] =	vst v63  }
0x75: {  	s22 =	sand.u32 $0xFFFFF80, s17  }
0x76: {  	s22 =	sadd.s32 s3, s22;
	s23 =	spop (v2sf);
	(v2sf) =	vpush v17, $0xE  }
0x77: {  	[tilespmem:s28], [sflag:$0x2] =	stream.strided.gather [hbm4b:s22+s10], $0x800, s13, s10, $0x38;
	[tilespmem:$0x11600] =	vst v63  }
0x78: {  	s24 =	spop (v2sf);
	(v2sf) =	vpush v16, $0xE  }
0x79: {  	s22 =	sand.u32 $0xFFFFF80, s23  }
0x7a: {  	s22 =	sadd.s32 s1, s22  }
0x7b: {  	[tilespmem:s29], [sflag:$0x2] =	stream.strided.gather [hbm4b:s22+s10], $0x800, s13, s10, $0x38;
	[tilespmem:$0x11600] =	vst v63  }
0x7c: {  	s22 =	sand.u32 $0xFFFFF80, s24  }
0x7d: {  	s22 =	sadd.s32 s3, s22;
	s25 =	spop (v2sf);
	(v2sf) =	vpush v17, $0xF  }
0x7e: {  	[tilespmem:s30], [sflag:$0x2] =	stream.strided.gather [hbm4b:s22+s10], $0x800, s13, s10, $0x38;
	[tilespmem:$0x11600] =	vst v63  }
0x7f: {  	s22 =	sand.u32 $0xFFFFF80, s25;
	s26 =	spop (v2sf);
	(v2sf) =	vpush v16, $0xF  }
0x80: {  	s22 =	sadd.s32 s1, s22  }
0x81: {  	[tilespmem:s31], [sflag:$0x2] =	stream.strided.gather [hbm4b:s22+s10], $0x800, s13, s10, $0x38;
	[tilespmem:$0x11600] =	vst v63  }
0x82: {  	s22 =	sand.u32 $0xFFFFF80, s26  }
0x83: {  	s22 =	sadd.s32 s3, s22  }
0x84: {  	[tilespmem:s0], [sflag:$0x2] =	stream.strided.gather [hbm4b:s22+s10], $0x800, s13, s10, $0x38;
	[tilespmem:$0x11600] =	vst v63  }
0x85: {  	s28 =	spop (v2sf)  }
0x86: {  	s22 =	sand.u32 $0xFFFFF80, s28  }
0x87: {  	s29 =	spop (v2sf);
	s22 =	sadd.s32 s1, s22  }
0x88: {  	[tilespmem:s12], [sflag:$0x2] =	stream.strided.gather [hbm4b:s22+s10], $0x800, s13, s10, $0x38;
	[tilespmem:$0x11600] =	vst v63  }
0x89: {  	s22 =	sand.u32 $0xFFFFF80, s29  }
0x8a: {  	s22 =	sadd.s32 s3, s22  }
0x8b: {  	[tilespmem:s9], [sflag:$0x2] =	stream.strided.gather [hbm4b:s22+s10], $0x800, s13, s10, $0x38;
	[tilespmem:$0x11600] =	vst v63  }
0x8c: {  	s30 =	spop (v2sf)  }
0x8d: {  	s22 =	sand.u32 $0xFFFFF80, s30  }
0x8e: {  	s31 =	spop (v2sf);
	s22 =	sadd.s32 s1, s22  }
0x8f: {  	[tilespmem:s4], [sflag:$0x2] =	stream.strided.gather [hbm4b:s22+s10], $0x800, s13, s10, $0x38;
	[tilespmem:$0x11600] =	vst v63  }
0x90: {  	s22 =	sand.u32 $0xFFFFF80, s31  }
0x91: {  	s22 =	sadd.s32 s3, s22  }
0x92: {  	[tilespmem:s5], [sflag:$0x2] =	stream.strided.gather [hbm4b:s22+s10], $0x800, s13, s10, $0x38;
	[tilespmem:$0x11600] =	vst v63  }
0x93: {  	s22 =	simm.s32 $0x0  }
.LBB2_2:
0x94: {  	s23 =	sshra.s32 s22, $0x2  }
0x95: {  	v19 =	vld [tilespmem:s23+$0x0]  }
0x96: {  	v18 =	vld [tilespmem:s23+$0x200]  }
0x97: {  	v17 =	vld [tilespmem:s23+$0x10]  }
0x98: {  	v16 =	vld [tilespmem:s23+$0x210];
	_ =	swait.ge [sflag:s18], $0x800  }
0x99: {  	[sflag:s18] =	ssyncset.done $0x0  }
0x9a: {  	[sflag:s18] =	ssyncadd.s32 $0xFFFFF800  }
0x9b: {  	_ =	swait.ge [sflag:s18], $0x800  }
0x9c: {  	[sflag:s18] =	ssyncset.done $0x0  }
0x9d: {  	[sflag:s18] =	ssyncadd.s32 $0xFFFFF800  }
0x9e: {  	_ =	swait.ge [sflag:s18], $0x800  }
0x9f: {  	[sflag:s18] =	ssyncset.done $0x0  }
0xa0: {  	[sflag:s18] =	ssyncadd.s32 $0xFFFFF800  }
0xa1: {  	_ =	swait.ge [sflag:s18], $0x800  }
0xa2: {  	[sflag:s18] =	ssyncset.done $0x0  }
0xa3: {  	[sflag:s18] =	ssyncadd.s32 $0xFFFFF800  }
0xa4: {  	_ =	swait.ge [sflag:s18], $0x800  }
0xa5: {  	[sflag:s18] =	ssyncset.done $0x0  }
0xa6: {  	[sflag:s18] =	ssyncadd.s32 $0xFFFFF800  }
0xa7: {  	_ =	swait.ge [sflag:s18], $0x800  }
0xa8: {  	[sflag:s18] =	ssyncset.done $0x0  }
0xa9: {  	[sflag:s18] =	ssyncadd.s32 $0xFFFFF800  }
0xaa: {  	_ =	swait.ge [sflag:s18], $0x800  }
0xab: {  	[sflag:s18] =	ssyncset.done $0x0  }
0xac: {  	[sflag:s18] =	ssyncadd.s32 $0xFFFFF800  }
0xad: {  	_ =	swait.ge [sflag:s18], $0x800  }
0xae: {  	[sflag:s18] =	ssyncset.done $0x0  }
0xaf: {  	[sflag:s18] =	ssyncadd.s32 $0xFFFFF800  }
0xb0: {  	_ =	swait.ge [sflag:s18], $0x800  }
0xb1: {  	[sflag:s18] =	ssyncset.done $0x0  }
0xb2: {  	[sflag:s18] =	ssyncadd.s32 $0xFFFFF800  }
0xb3: {  	_ =	swait.ge [sflag:s18], $0x800  }
0xb4: {  	[sflag:s18] =	ssyncset.done $0x0  }
0xb5: {  	[sflag:s18] =	ssyncadd.s32 $0xFFFFF800  }
0xb6: {  	_ =	swait.ge [sflag:s18], $0x800  }
0xb7: {  	[sflag:s18] =	ssyncset.done $0x0  }
0xb8: {  	[sflag:s18] =	ssyncadd.s32 $0xFFFFF800  }
0xb9: {  	_ =	swait.ge [sflag:s18], $0x800  }
0xba: {  	[sflag:s18] =	ssyncset.done $0x0  }
0xbb: {  	[sflag:s18] =	ssyncadd.s32 $0xFFFFF800  }
0xbc: {  	_ =	swait.ge [sflag:s18], $0x800  }
0xbd: {  	[sflag:s18] =	ssyncset.done $0x0  }
0xbe: {  	[sflag:s18] =	ssyncadd.s32 $0xFFFFF800  }
0xbf: {  	_ =	swait.ge [sflag:s18], $0x800  }
0xc0: {  	[sflag:s18] =	ssyncset.done $0x0  }
0xc1: {  	[sflag:s18] =	ssyncadd.s32 $0xFFFFF800  }
0xc2: {  	_ =	swait.ge [sflag:s18], $0x800  }
0xc3: {  	[sflag:s18] =	ssyncset.done $0x0  }
0xc4: {  	[sflag:s18] =	ssyncadd.s32 $0xFFFFF800  }
0xc5: {  	_ =	swait.ge [sflag:s18], $0x800  }
0xc6: {  	(v2sf) =	vpush v19, $0x0;
	_ =	sdelay $0x5  }
0xc7: {  	(v2sf) =	vpush v18, $0x0;
	_ =	sdelay $0x5  }
0xc8: {  	(v2sf) =	vpush v19, $0x1;
	_ =	sdelay $0x2  }
0xc9: {  	s24 =	spop (v2sf)  }
0xca: {  	s24 =	sand.u32 $0x7F, s24  }
0xcb: {  	v20 =	vor.u32 s24, v0  }
0xcc: {  	(v2sf) =	vpush v18, $0x1;
	_ =	sdelay $0x1  }
0xcd: {  	[sflag:s18] =	ssyncset.done $0x0  }
0xce: {  	[sflag:s18] =	ssyncadd.s32 $0xFFFFF800;
	s15 =	spop (v2sf)  }
0xcf: {  	s24 =	sand.u32 $0x7F, s15;
	v20 =	vld.idx.msk [tilespmem:v20+s10+$0x0], $0xffff  }
0xd0: {  	v21 =	vor.u32 s24, v0  }
0xd1: {  	(v2sf) =	vpush v19, $0x2;
	_ =	sdelay $0x2  }
0xd2: {  	s14 =	simm.s32 $0x8400;
	s16 =	spop (v2sf);
	[tilespmem:$0x10400] =	vst v20  }
0xd3: {  	s24 =	sand.u32 $0x7F, s16;
	v20 =	vld.idx.msk [tilespmem:v21+s14+$0x0], $0xffff  }
0xd4: {  	v45 =	vor.u32 s24, v0  }
0xd5: {  	(v2sf) =	vpush v18, $0x2;
	_ =	sdelay $0x2  }
0xd6: {  	s28 =	simm.s32 $0xC00;
	s17 =	spop (v2sf);
	[tilespmem:$0x10C00] =	vst v20  }
0xd7: {  	s24 =	sand.u32 $0x7F, s17;
	v20 =	vld.idx.msk [tilespmem:v45+s28+$0x0], $0xffff  }
0xd8: {  	v46 =	vor.u32 s24, v0  }
0xd9: {  	(v2sf) =	vpush v19, $0x3;
	_ =	sdelay $0x2  }
0xda: {  	s29 =	simm.s32 $0x8C00;
	s25 =	spop (v2sf);
	[tilespmem:$0x10480] =	vst v20  }
0xdb: {  	s24 =	sand.u32 $0x7F, s25;
	v20 =	vld.idx.msk [tilespmem:v46+s29+$0x0], $0xffff  }
0xdc: {  	(v2sf) =	vpush v18, $0x3;
	v47 =	vor.u32 s24, v0;
	_ =	sdelay $0x3  }
0xdd: {  	s30 =	simm.s32 $0x1400;
	s26 =	spop (v2sf);
	[tilespmem:$0x10C80] =	vst v20  }
0xde: {  	s24 =	sand.u32 $0x7F, s26;
	v20 =	vld.idx.msk [tilespmem:v47+s30+$0x0], $0xffff  }
0xdf: {  	v48 =	vor.u32 s24, v0  }
0xe0: {  	(v2sf) =	vpush v19, $0x4;
	_ =	sdelay $0x2  }
0xe1: {  	s31 =	simm.s32 $0x9400;
	s0 =	spop (v2sf);
	[tilespmem:$0x10500] =	vst v20  }
0xe2: {  	s24 =	sand.u32 $0x7F, s0;
	v20 =	vld.idx.msk [tilespmem:v48+s31+$0x0], $0xffff  }
0xe3: {  	v49 =	vor.u32 s24, v0  }
0xe4: {  	(v2sf) =	vpush v18, $0x4;
	_ =	sdelay $0x1  }
0xe5: {  	s2 =	spop (v2sf)  }
0xe6: {  	s24 =	sand.u32 $0x7F, s2;
	s2 =	simm.s32 $0x1C00;
	[tilespmem:$0x10D00] =	vst v20  }
0xe7: {  	v20 =	vld.idx.msk [tilespmem:v49+s2+$0x0], $0xffff  }
0xe8: {  	v50 =	vor.u32 s24, v0  }
0xe9: {  	(v2sf) =	vpush v19, $0x5;
	_ =	sdelay $0x2  }
0xea: {  	s0 =	simm.s32 $0x9C00;
	s4 =	spop (v2sf);
	[tilespmem:$0x10580] =	vst v20  }
0xeb: {  	s24 =	sand.u32 $0x7F, s4;
	v20 =	vld.idx.msk [tilespmem:v50+s0+$0x0], $0xffff  }
0xec: {  	v51 =	vor.u32 s24, v0  }
0xed: {  	(v2sf) =	vpush v18, $0x5;
	_ =	sdelay $0x2  }
0xee: {  	s12 =	simm.s32 $0x2400;
	s5 =	spop (v2sf);
	[tilespmem:$0x10D80] =	vst v20  }
0xef: {  	s24 =	sand.u32 $0x7F, s5;
	v20 =	vld.idx.msk [tilespmem:v51+s12+$0x0], $0xffff  }
0xf0: {  	v52 =	vor.u32 s24, v0  }
0xf1: {  	(v2sf) =	vpush v19, $0x6;
	_ =	sdelay $0x2  }
0xf2: {  	s9 =	simm.s32 $0xA400;
	s6 =	spop (v2sf);
	[tilespmem:$0x10600] =	vst v20  }
0xf3: {  	s24 =	sand.u32 $0x7F, s6;
	v20 =	vld.idx.msk [tilespmem:v52+s9+$0x0], $0xffff  }
0xf4: {  	v53 =	vor.u32 s24, v0  }
0xf5: {  	(v2sf) =	vpush v18, $0x6;
	_ =	sdelay $0x2  }
0xf6: {  	s4 =	simm.s32 $0x2C00;
	s7 =	spop (v2sf);
	[tilespmem:$0x10E00] =	vst v20  }
0xf7: {  	s24 =	sand.u32 $0x7F, s7;
	v20 =	vld.idx.msk [tilespmem:v53+s4+$0x0], $0xffff  }
0xf8: {  	v54 =	vor.u32 s24, v0  }
0xf9: {  	(v2sf) =	vpush v19, $0x7;
	_ =	sdelay $0x2  }
0xfa: {  	s5 =	simm.s32 $0xAC00;
	s8 =	spop (v2sf);
	[tilespmem:$0x10680] =	vst v20  }
0xfb: {  	s24 =	sand.u32 $0x7F, s8;
	v20 =	vld.idx.msk [tilespmem:v54+s5+$0x0], $0xffff  }
0xfc: {  	v55 =	vor.u32 s24, v0  }
0xfd: {  	(v2sf) =	vpush v18, $0x7;
	_ =	sdelay $0x2  }
0xfe: {  	s6 =	simm.s32 $0x3400;
	s11 =	spop (v2sf);
	[tilespmem:$0x10E80] =	vst v20  }
0xff: {  	s24 =	sand.u32 $0x7F, s11;
	v20 =	vld.idx.msk [tilespmem:v55+s6+$0x0], $0xffff  }
0x100: {  	v56 =	vor.u32 s24, v0  }
0x101: {  	(v2sf) =	vpush v17, $0x0;
	_ =	sdelay $0x2  }
0x102: {  	s7 =	simm.s32 $0xB400;
	s15 =	spop (v2sf);
	(v2sf) =	vpush v16, $0x0;
	[tilespmem:$0x10700] =	vst v20  }
0x103: {  	s24 =	sand.u32 $0x7F, s15;
	v20 =	vld.idx.msk [tilespmem:v56+s7+$0x0], $0xffff  }
0x104: {  	v57 =	vor.u32 s24, v0  }
0x105: {  	(v2sf) =	vpush v17, $0x1;
	_ =	sdelay $0x2  }
0x106: {  	s8 =	simm.s32 $0x3C00;
	s16 =	spop (v2sf);
	[tilespmem:$0x10F00] =	vst v20  }
0x107: {  	s24 =	sand.u32 $0x7F, s16;
	v20 =	vld.idx.msk [tilespmem:v57+s8+$0x0], $0xffff  }
0x108: {  	(v2sf) =	vpush v16, $0x1;
	v58 =	vor.u32 s24, v0;
	_ =	sdelay $0x3  }
0x109: {  	s11 =	simm.s32 $0xBC00;
	s17 =	spop (v2sf);
	(v2sf) =	vpush v17, $0x2;
	[tilespmem:$0x10780] =	vst v20  }
0x10a: {  	v20 =	vld.idx.msk [tilespmem:v58+s11+$0x0], $0xffff;
	_ =	sdelay $0x1  }
0x10b: {  	s25 =	spop (v2sf);
	(v2sf) =	vpush v16, $0x2;
	_ =	sdelay $0x1  }
0x10c: {  	s24 =	sand.u32 $0xFFFFF80, s17  }
0x10d: {  	s24 =	sadd.s32 s1, s24;
	s26 =	spop (v2sf);
	(v2sf) =	vpush v17, $0x3;
	[tilespmem:$0x10F80] =	vst v20  }
0x10e: {  	[tilespmem:s10], [sflag:$0x1] =	stream.strided.gather [hbm4b:s24+s10], $0x800, s13, s10, $0x38;
	[tilespmem:$0x11600] =	vst v63  }
0x10f: {  	s24 =	sand.u32 $0xFFFFF80, s25  }
0x110: {  	s24 =	sadd.s32 s3, s24  }
0x111: {  	[tilespmem:s14], [sflag:$0x1] =	stream.strided.gather [hbm4b:s24+s10], $0x800, s13, s10, $0x38;
	[tilespmem:$0x11600] =	vst v63  }
0x112: {  	s14 =	spop (v2sf);
	(v2sf) =	vpush v16, $0x3;
	_ =	sdelay $0x2  }
0x113: {  	s24 =	sand.u32 $0xFFFFF80, s26  }
0x114: {  	s24 =	sadd.s32 s1, s24;
	s15 =	spop (v2sf);
	(v2sf) =	vpush v17, $0x4  }
0x115: {  	[tilespmem:s28], [sflag:$0x1] =	stream.strided.gather [hbm4b:s24+s10], $0x800, s13, s10, $0x38;
	[tilespmem:$0x11600] =	vst v63  }
0x116: {  	s24 =	sand.u32 $0xFFFFF80, s14  }
0x117: {  	s16 =	spop (v2sf);
	(v2sf) =	vpush v16, $0x4;
	s24 =	sadd.s32 s3, s24  }
0x118: {  	[tilespmem:s29], [sflag:$0x1] =	stream.strided.gather [hbm4b:s24+s10], $0x800, s13, s10, $0x38;
	[tilespmem:$0x11600] =	vst v63  }
0x119: {  	s24 =	sand.u32 $0xFFFFF80, s15  }
0x11a: {  	s17 =	spop (v2sf);
	(v2sf) =	vpush v17, $0x5;
	s24 =	sadd.s32 s1, s24  }
0x11b: {  	[tilespmem:s30], [sflag:$0x1] =	stream.strided.gather [hbm4b:s24+s10], $0x800, s13, s10, $0x38;
	[tilespmem:$0x11600] =	vst v63  }
0x11c: {  	s24 =	sand.u32 $0xFFFFF80, s16  }
0x11d: {  	s24 =	sadd.s32 s3, s24  }
0x11e: {  	[tilespmem:s31], [sflag:$0x1] =	stream.strided.gather [hbm4b:s24+s10], $0x800, s13, s10, $0x38;
	[tilespmem:$0x11600] =	vst v63  }
0x11f: {  	s24 =	sand.u32 $0xFFFFF80, s17;
	s25 =	spop (v2sf);
	(v2sf) =	vpush v16, $0x5  }
0x120: {  	s24 =	sadd.s32 s1, s24  }
0x121: {  	[tilespmem:s2], [sflag:$0x1] =	stream.strided.gather [hbm4b:s24+s10], $0x800, s13, s10, $0x38;
	[tilespmem:$0x11600] =	vst v63  }
0x122: {  	s24 =	sand.u32 $0xFFFFF80, s25  }
0x123: {  	s26 =	spop (v2sf);
	(v2sf) =	vpush v17, $0x6;
	s24 =	sadd.s32 s3, s24  }
0x124: {  	[tilespmem:s0], [sflag:$0x1] =	stream.strided.gather [hbm4b:s24+s10], $0x800, s13, s10, $0x38;
	[tilespmem:$0x11600] =	vst v63  }
0x125: {  	s24 =	sand.u32 $0xFFFFF80, s26  }
0x126: {  	s0 =	spop (v2sf);
	(v2sf) =	vpush v16, $0x6;
	s24 =	sadd.s32 s1, s24  }
0x127: {  	[tilespmem:s12], [sflag:$0x1] =	stream.strided.gather [hbm4b:s24+s10], $0x800, s13, s10, $0x38;
	[tilespmem:$0x11600] =	vst v63  }
0x128: {  	s24 =	sand.u32 $0xFFFFF80, s0  }
0x129: {  	s2 =	spop (v2sf);
	(v2sf) =	vpush v17, $0x7;
	s24 =	sadd.s32 s3, s24  }
0x12a: {  	[tilespmem:s9], [sflag:$0x1] =	stream.strided.gather [hbm4b:s24+s10], $0x800, s13, s10, $0x38;
	[tilespmem:$0x11600] =	vst v63  }
0x12b: {  	s24 =	sand.u32 $0xFFFFF80, s2  }
0x12c: {  	s24 =	sadd.s32 s1, s24  }
0x12d: {  	[tilespmem:s4], [sflag:$0x1] =	stream.strided.gather [hbm4b:s24+s10], $0x800, s13, s10, $0x38;
	[tilespmem:$0x11600] =	vst v63  }
0x12e: {  	s4 =	spop (v2sf);
	(v2sf) =	vpush v16, $0x7;
	_ =	sdelay $0x2  }
0x12f: {  	s24 =	sand.u32 $0xFFFFF80, s4  }
0x130: {  	s9 =	spop (v2sf);
	s24 =	sadd.s32 s3, s24  }
0x131: {  	[tilespmem:s5], [sflag:$0x1] =	stream.strided.gather [hbm4b:s24+s10], $0x800, s13, s10, $0x38;
	[tilespmem:$0x11600] =	vst v63  }
0x132: {  	s24 =	sand.u32 $0xFFFFF80, s9  }
0x133: {  	s12 =	spop (v2sf);
	s24 =	sadd.s32 s1, s24  }
0x134: {  	[tilespmem:s6], [sflag:$0x1] =	stream.strided.gather [hbm4b:s24+s10], $0x800, s13, s10, $0x38;
	[tilespmem:$0x11600] =	vst v63  }
0x135: {  	s24 =	sand.u32 $0xFFFFF80, s12  }
0x136: {  	s14 =	spop (v2sf);
	s24 =	sadd.s32 s3, s24  }
0x137: {  	[tilespmem:s7], [sflag:$0x1] =	stream.strided.gather [hbm4b:s24+s10], $0x800, s13, s10, $0x38;
	[tilespmem:$0x11600] =	vst v63  }
0x138: {  	s24 =	sand.u32 $0xFFFFF80, s14  }
0x139: {  	s24 =	sadd.s32 s1, s24  }
0x13a: {  	[tilespmem:s8], [sflag:$0x1] =	stream.strided.gather [hbm4b:s24+s10], $0x800, s13, s10, $0x38;
	[tilespmem:$0x11600] =	vst v63  }
0x13b: {  	s15 =	spop (v2sf)  }
0x13c: {  	s24 =	sand.u32 $0xFFFFF80, s15  }
0x13d: {  	s24 =	sadd.s32 s3, s24  }
0x13e: {  	[tilespmem:s11], [sflag:$0x1] =	stream.strided.gather [hbm4b:s24+s10], $0x800, s13, s10, $0x38;
	[tilespmem:$0x11600] =	vst v63  }
0x13f: {  	_ =	swait.ge [sflag:s19], $0x800  }
0x140: {  	[sflag:s19] =	ssyncset.done $0x0  }
0x141: {  	[sflag:s19] =	ssyncadd.s32 $0xFFFFF800  }
0x142: {  	_ =	swait.ge [sflag:s19], $0x800  }
0x143: {  	[sflag:s19] =	ssyncset.done $0x0  }
0x144: {  	[sflag:s19] =	ssyncadd.s32 $0xFFFFF800  }
0x145: {  	_ =	swait.ge [sflag:s19], $0x800  }
0x146: {  	[sflag:s19] =	ssyncset.done $0x0  }
0x147: {  	[sflag:s19] =	ssyncadd.s32 $0xFFFFF800  }
0x148: {  	_ =	swait.ge [sflag:s19], $0x800  }
0x149: {  	[sflag:s19] =	ssyncset.done $0x0  }
0x14a: {  	[sflag:s19] =	ssyncadd.s32 $0xFFFFF800  }
0x14b: {  	_ =	swait.ge [sflag:s19], $0x800  }
0x14c: {  	[sflag:s19] =	ssyncset.done $0x0  }
0x14d: {  	[sflag:s19] =	ssyncadd.s32 $0xFFFFF800  }
0x14e: {  	_ =	swait.ge [sflag:s19], $0x800  }
0x14f: {  	[sflag:s19] =	ssyncset.done $0x0  }
0x150: {  	[sflag:s19] =	ssyncadd.s32 $0xFFFFF800  }
0x151: {  	_ =	swait.ge [sflag:s19], $0x800  }
0x152: {  	[sflag:s19] =	ssyncset.done $0x0  }
0x153: {  	[sflag:s19] =	ssyncadd.s32 $0xFFFFF800  }
0x154: {  	_ =	swait.ge [sflag:s19], $0x800  }
0x155: {  	[sflag:s19] =	ssyncset.done $0x0  }
0x156: {  	[sflag:s19] =	ssyncadd.s32 $0xFFFFF800  }
0x157: {  	_ =	swait.ge [sflag:s19], $0x800  }
0x158: {  	[sflag:s19] =	ssyncset.done $0x0  }
0x159: {  	[sflag:s19] =	ssyncadd.s32 $0xFFFFF800  }
0x15a: {  	_ =	swait.ge [sflag:s19], $0x800  }
0x15b: {  	[sflag:s19] =	ssyncset.done $0x0  }
0x15c: {  	[sflag:s19] =	ssyncadd.s32 $0xFFFFF800  }
0x15d: {  	_ =	swait.ge [sflag:s19], $0x800  }
0x15e: {  	[sflag:s19] =	ssyncset.done $0x0  }
0x15f: {  	[sflag:s19] =	ssyncadd.s32 $0xFFFFF800  }
0x160: {  	_ =	swait.ge [sflag:s19], $0x800  }
0x161: {  	[sflag:s19] =	ssyncset.done $0x0  }
0x162: {  	[sflag:s19] =	ssyncadd.s32 $0xFFFFF800  }
0x163: {  	_ =	swait.ge [sflag:s19], $0x800  }
0x164: {  	[sflag:s19] =	ssyncset.done $0x0  }
0x165: {  	[sflag:s19] =	ssyncadd.s32 $0xFFFFF800  }
0x166: {  	_ =	swait.ge [sflag:s19], $0x800  }
0x167: {  	[sflag:s19] =	ssyncset.done $0x0  }
0x168: {  	[sflag:s19] =	ssyncadd.s32 $0xFFFFF800  }
0x169: {  	_ =	swait.ge [sflag:s19], $0x800  }
0x16a: {  	[sflag:s19] =	ssyncset.done $0x0  }
0x16b: {  	[sflag:s19] =	ssyncadd.s32 $0xFFFFF800  }
0x16c: {  	_ =	swait.ge [sflag:s19], $0x800  }
0x16d: {  	(v2sf) =	vpush v19, $0x8;
	_ =	sdelay $0x5  }
0x16e: {  	(v2sf) =	vpush v18, $0x8;
	_ =	sdelay $0x5  }
0x16f: {  	(v2sf) =	vpush v19, $0x9;
	_ =	sdelay $0x2  }
0x170: {  	s16 =	spop (v2sf)  }
0x171: {  	s24 =	sand.u32 $0x7F, s16  }
0x172: {  	v59 =	vor.u32 s24, v0  }
0x173: {  	(v2sf) =	vpush v18, $0x9;
	_ =	sdelay $0x1  }
0x174: {  	[sflag:s19] =	ssyncset.done $0x0  }
0x175: {  	s14 =	simm.s32 $0x4400;
	[sflag:s19] =	ssyncadd.s32 $0xFFFFF800;
	s17 =	spop (v2sf)  }
0x176: {  	s24 =	sand.u32 $0x7F, s17;
	v20 =	vld.idx.msk [tilespmem:v59+s14+$0x0], $0xffff  }
0x177: {  	v60 =	vor.u32 s24, v0  }
0x178: {  	(v2sf) =	vpush v19, $0xA;
	_ =	sdelay $0x2  }
0x179: {  	s15 =	simm.s32 $0xC400;
	s25 =	spop (v2sf);
	[tilespmem:$0x10800] =	vst v20  }
0x17a: {  	s24 =	sand.u32 $0x7F, s25;
	v20 =	vld.idx.msk [tilespmem:v60+s15+$0x0], $0xffff  }
0x17b: {  	v61 =	vor.u32 s24, v0  }
0x17c: {  	(v2sf) =	vpush v18, $0xA;
	_ =	sdelay $0x2  }
0x17d: {  	s16 =	simm.s32 $0x4C00;
	s26 =	spop (v2sf);
	[tilespmem:$0x11000] =	vst v20  }
0x17e: {  	s24 =	sand.u32 $0x7F, s26;
	v20 =	vld.idx.msk [tilespmem:v61+s16+$0x0], $0xffff  }
0x17f: {  	v62 =	vor.u32 s24, v0  }
0x180: {  	(v2sf) =	vpush v19, $0xB;
	_ =	sdelay $0x2  }
0x181: {  	s17 =	simm.s32 $0xCC00;
	s0 =	spop (v2sf);
	[tilespmem:$0x10880] =	vst v20  }
0x182: {  	s24 =	sand.u32 $0x7F, s0;
	v20 =	vld.idx.msk [tilespmem:v62+s17+$0x0], $0xffff  }
0x183: {  	v63 =	vor.u32 s24, v0  }
0x184: {  	(v2sf) =	vpush v18, $0xB;
	_ =	sdelay $0x2  }
0x185: {  	s25 =	simm.s32 $0x5400;
	s2 =	spop (v2sf);
	[tilespmem:$0x11080] =	vst v20  }
0x186: {  	s24 =	sand.u32 $0x7F, s2;
	v20 =	vld.idx.msk [tilespmem:v63+s25+$0x0], $0xffff  }
0x187: {  	v24 =	vor.u32 s24, v0  }
0x188: {  	(v2sf) =	vpush v19, $0xC;
	_ =	sdelay $0x2  }
0x189: {  	s26 =	simm.s32 $0xD400;
	s4 =	spop (v2sf);
	[tilespmem:$0x10900] =	vst v20  }
0x18a: {  	s24 =	sand.u32 $0x7F, s4;
	v20 =	vld.idx.msk [tilespmem:v24+s26+$0x0], $0xffff  }
0x18b: {  	v25 =	vor.u32 s24, v0  }
0x18c: {  	(v2sf) =	vpush v18, $0xC;
	_ =	sdelay $0x2  }
0x18d: {  	s28 =	simm.s32 $0x5C00;
	s5 =	spop (v2sf);
	[tilespmem:$0x11100] =	vst v20  }
0x18e: {  	s24 =	sand.u32 $0x7F, s5;
	v20 =	vld.idx.msk [tilespmem:v25+s28+$0x0], $0xffff  }
0x18f: {  	v26 =	vor.u32 s24, v0  }
0x190: {  	(v2sf) =	vpush v19, $0xD;
	_ =	sdelay $0x2  }
0x191: {  	s29 =	simm.s32 $0xDC00;
	s6 =	spop (v2sf);
	[tilespmem:$0x10980] =	vst v20  }
0x192: {  	s24 =	sand.u32 $0x7F, s6;
	v20 =	vld.idx.msk [tilespmem:v26+s29+$0x0], $0xffff  }
0x193: {  	v27 =	vor.u32 s24, v0  }
0x194: {  	(v2sf) =	vpush v18, $0xD;
	_ =	sdelay $0x2  }
0x195: {  	s30 =	simm.s32 $0x6400;
	s9 =	spop (v2sf);
	[tilespmem:$0x11180] =	vst v20  }
0x196: {  	s24 =	sand.u32 $0x7F, s9;
	v20 =	vld.idx.msk [tilespmem:v27+s30+$0x0], $0xffff  }
0x197: {  	v28 =	vor.u32 s24, v0  }
0x198: {  	(v2sf) =	vpush v19, $0xE;
	_ =	sdelay $0x2  }
0x199: {  	s31 =	simm.s32 $0xE400;
	s11 =	spop (v2sf);
	[tilespmem:$0x10A00] =	vst v20  }
0x19a: {  	s24 =	sand.u32 $0x7F, s11;
	v20 =	vld.idx.msk [tilespmem:v28+s31+$0x0], $0xffff  }
0x19b: {  	v29 =	vor.u32 s24, v0  }
0x19c: {  	(v2sf) =	vpush v18, $0xE;
	_ =	sdelay $0x2  }
0x19d: {  	s2 =	simm.s32 $0x6C00;
	s12 =	spop (v2sf);
	[tilespmem:$0x11200] =	vst v20  }
0x19e: {  	s24 =	sand.u32 $0x7F, s12;
	v20 =	vld.idx.msk [tilespmem:v29+s2+$0x0], $0xffff  }
0x19f: {  	v30 =	vor.u32 s24, v0  }
0x1a0: {  	(v2sf) =	vpush v19, $0xF;
	_ =	sdelay $0x2  }
0x1a1: {  	s12 =	simm.s32 $0xEC00;
	s0 =	spop (v2sf);
	[tilespmem:$0x10A80] =	vst v20  }
0x1a2: {  	s24 =	sand.u32 $0x7F, s0;
	v31 =	vld.idx.msk [tilespmem:v30+s12+$0x0], $0xffff  }
0x1a3: {  	v32 =	vor.u32 s24, v0  }
0x1a4: {  	(v2sf) =	vpush v18, $0xF;
	_ =	sdelay $0x2  }
0x1a5: {  	s9 =	simm.s32 $0x7400;
	s4 =	spop (v2sf);
	[tilespmem:$0x11280] =	vst v31  }
0x1a6: {  	s24 =	sand.u32 $0x7F, s4;
	v33 =	vld.idx.msk [tilespmem:v32+s9+$0x0], $0xffff  }
0x1a7: {  	v34 =	vor.u32 s24, v0;
	_ =	sdelay $0x3  }
0x1a8: {  	s5 =	spop (v2sf);
	s4 =	simm.s32 $0xF400;
	[tilespmem:$0x10B00] =	vst v33  }
0x1a9: {  	(v2sf) =	vpush v17, $0x8;
	s24 =	sand.u32 $0x7F, s5;
	v18 =	vld.idx.msk [tilespmem:v34+s4+$0x0], $0xffff  }
0x1aa: {  	v35 =	vor.u32 s24, v0;
	_ =	sdelay $0x2  }
0x1ab: {  	(v2sf) =	vpush v16, $0x8  }
0x1ac: {  	s5 =	simm.s32 $0x7C00;
	s6 =	spop (v2sf);
	[tilespmem:$0x11300] =	vst v18  }
0x1ad: {  	s24 =	sand.u32 $0x7F, s6;
	v18 =	vld.idx.msk [tilespmem:v35+s5+$0x0], $0xffff  }
0x1ae: {  	v36 =	vor.u32 s24, v0  }
0x1af: {  	(v2sf) =	vpush v17, $0x9;
	_ =	sdelay $0x2  }
0x1b0: {  	s6 =	simm.s32 $0xFC00;
	[tilespmem:$0x10B80] =	vst v18  }
0x1b1: {  	(v2sf) =	vpush v16, $0x9;
	v18 =	vld.idx.msk [tilespmem:v36+s6+$0x0], $0xffff;
	_ =	sdelay $0x2  }
0x1b2: {  	s11 =	spop (v2sf)  }
0x1b3: {  	(v2sf) =	vpush v17, $0xA;
	s24 =	sand.u32 $0xFFFFF80, s11  }
0x1b4: {  	s24 =	sadd.s32 s1, s24;
	[tilespmem:$0x11380] =	vst v18  }
0x1b5: {  	[tilespmem:s14], [sflag:$0x2] =	stream.strided.gather [hbm4b:s24+s10], $0x800, s13, s10, $0x38;
	[tilespmem:$0x11600] =	vst v63  }
0x1b6: {  	s14 =	spop (v2sf)  }
0x1b7: {  	(v2sf) =	vpush v16, $0xA;
	s24 =	sand.u32 $0xFFFFF80, s14  }
0x1b8: {  	s24 =	sadd.s32 s3, s24  }
0x1b9: {  	[tilespmem:s15], [sflag:$0x2] =	stream.strided.gather [hbm4b:s24+s10], $0x800, s13, s10, $0x38;
	[tilespmem:$0x11600] =	vst v63  }
0x1ba: {  	s15 =	spop (v2sf)  }
0x1bb: {  	(v2sf) =	vpush v17, $0xB;
	s24 =	sand.u32 $0xFFFFF80, s15  }
0x1bc: {  	s24 =	sadd.s32 s1, s24  }
0x1bd: {  	[tilespmem:s16], [sflag:$0x2] =	stream.strided.gather [hbm4b:s24+s10], $0x800, s13, s10, $0x38;
	[tilespmem:$0x11600] =	vst v63  }
0x1be: {  	s16 =	spop (v2sf)  }
0x1bf: {  	(v2sf) =	vpush v16, $0xB;
	s24 =	sand.u32 $0xFFFFF80, s16  }
0x1c0: {  	s24 =	sadd.s32 s3, s24  }
0x1c1: {  	[tilespmem:s17], [sflag:$0x2] =	stream.strided.gather [hbm4b:s24+s10], $0x800, s13, s10, $0x38;
	[tilespmem:$0x11600] =	vst v63  }
0x1c2: {  	s17 =	spop (v2sf)  }
0x1c3: {  	(v2sf) =	vpush v17, $0xC;
	s24 =	sand.u32 $0xFFFFF80, s17  }
0x1c4: {  	s24 =	sadd.s32 s1, s24  }
0x1c5: {  	[tilespmem:s25], [sflag:$0x2] =	stream.strided.gather [hbm4b:s24+s10], $0x800, s13, s10, $0x38;
	[tilespmem:$0x11600] =	vst v63  }
0x1c6: {  	s25 =	spop (v2sf)  }
0x1c7: {  	(v2sf) =	vpush v16, $0xC;
	s24 =	sand.u32 $0xFFFFF80, s25  }
0x1c8: {  	s24 =	sadd.s32 s3, s24  }
0x1c9: {  	[tilespmem:s26], [sflag:$0x2] =	stream.strided.gather [hbm4b:s24+s10], $0x800, s13, s10, $0x38;
	[tilespmem:$0x11600] =	vst v63  }
0x1ca: {  	s26 =	spop (v2sf)  }
0x1cb: {  	(v2sf) =	vpush v17, $0xD;
	s24 =	sand.u32 $0xFFFFF80, s26  }
0x1cc: {  	s24 =	sadd.s32 s1, s24  }
0x1cd: {  	[tilespmem:s28], [sflag:$0x2] =	stream.strided.gather [hbm4b:s24+s10], $0x800, s13, s10, $0x38;
	[tilespmem:$0x11600] =	vst v63  }
0x1ce: {  	s0 =	spop (v2sf)  }
0x1cf: {  	(v2sf) =	vpush v16, $0xD;
	s24 =	sand.u32 $0xFFFFF80, s0  }
0x1d0: {  	s24 =	sadd.s32 s3, s24  }
0x1d1: {  	[tilespmem:s29], [sflag:$0x2] =	stream.strided.gather [hbm4b:s24+s10], $0x800, s13, s10, $0x38;
	[tilespmem:$0x11600] =	vst v63  }
0x1d2: {  	s0 =	spop (v2sf)  }
0x1d3: {  	(v2sf) =	vpush v17, $0xE;
	s24 =	sand.u32 $0xFFFFF80, s0  }
0x1d4: {  	s24 =	sadd.s32 s1, s24  }
0x1d5: {  	[tilespmem:s30], [sflag:$0x2] =	stream.strided.gather [hbm4b:s24+s10], $0x800, s13, s10, $0x38;
	[tilespmem:$0x11600] =	vst v63  }
0x1d6: {  	s0 =	spop (v2sf)  }
0x1d7: {  	(v2sf) =	vpush v16, $0xE;
	s24 =	sand.u32 $0xFFFFF80, s0  }
0x1d8: {  	s24 =	sadd.s32 s3, s24  }
0x1d9: {  	[tilespmem:s31], [sflag:$0x2] =	stream.strided.gather [hbm4b:s24+s10], $0x800, s13, s10, $0x38;
	[tilespmem:$0x11600] =	vst v63  }
0x1da: {  	s0 =	spop (v2sf)  }
0x1db: {  	(v2sf) =	vpush v17, $0xF;
	s24 =	sand.u32 $0xFFFFF80, s0  }
0x1dc: {  	s24 =	sadd.s32 s1, s24  }
0x1dd: {  	[tilespmem:s2], [sflag:$0x2] =	stream.strided.gather [hbm4b:s24+s10], $0x800, s13, s10, $0x38;
	[tilespmem:$0x11600] =	vst v63  }
0x1de: {  	s2 =	spop (v2sf)  }
0x1df: {  	(v2sf) =	vpush v16, $0xF;
	s24 =	sand.u32 $0xFFFFF80, s2  }
0x1e0: {  	s24 =	sadd.s32 s3, s24  }
0x1e1: {  	[tilespmem:s12], [sflag:$0x2] =	stream.strided.gather [hbm4b:s24+s10], $0x800, s13, s10, $0x38;
	[tilespmem:$0x11600] =	vst v63  }
0x1e2: {  	s12 =	spop (v2sf)  }
0x1e3: {  	s24 =	sand.u32 $0xFFFFF80, s12  }
0x1e4: {  	s24 =	sadd.s32 s1, s24  }
0x1e5: {  	[tilespmem:s9], [sflag:$0x2] =	stream.strided.gather [hbm4b:s24+s10], $0x800, s13, s10, $0x38;
	[tilespmem:$0x11600] =	vst v63  }
0x1e6: {  	s2 =	spop (v2sf)  }
0x1e7: {  	s24 =	sand.u32 $0xFFFFF80, s2  }
0x1e8: {  	s24 =	sadd.s32 s3, s24  }
0x1e9: {  	[tilespmem:s4], [sflag:$0x2] =	stream.strided.gather [hbm4b:s24+s10], $0x800, s13, s10, $0x38;
	[tilespmem:$0x11600] =	vst v63  }
0x1ea: {  	s4 =	spop (v2sf)  }
0x1eb: {  	s24 =	sand.u32 $0xFFFFF80, s4  }
0x1ec: {  	s24 =	sadd.s32 s1, s24  }
0x1ed: {  	[tilespmem:s5], [sflag:$0x2] =	stream.strided.gather [hbm4b:s24+s10], $0x800, s13, s10, $0x38;
	[tilespmem:$0x11600] =	vst v63  }
0x1ee: {  	s5 =	spop (v2sf)  }
0x1ef: {  	s24 =	sand.u32 $0xFFFFF80, s5  }
0x1f0: {  	s24 =	sadd.s32 s3, s24  }
0x1f1: {  	[tilespmem:s6], [sflag:$0x2] =	stream.strided.gather [hbm4b:s24+s10], $0x800, s13, s10, $0x38;
	[tilespmem:$0x11600] =	vst v63  }
0x1f2: {  	v16 =	vld.idx.msk [tilespmem:v0+s20+$0x0], $0xffff  }
0x1f3: {  	v17 =	vld.idx.msk [tilespmem:v0+s21+$0x0], $0xffff  }
0x1f4: {  	v18 =	vld.idx.msk [tilespmem:v1+s20+$0x0], $0xffff  }
0x1f5: {  	v37 =	vld.idx.msk [tilespmem:v1+s21+$0x0], $0xffff  }
0x1f6: {  	v38 =	vld.idx.msk [tilespmem:v2+s20+$0x0], $0xffff  }
0x1f7: {  	v39 =	vld.idx.msk [tilespmem:v2+s21+$0x0], $0xffff  }
0x1f8: {  	v22 =	vld.idx.msk [tilespmem:v3+s21+$0x0], $0xffff;
	v16 =	vmul.f32 v17, v16  }
0x1f9: {  	v17 =	vld.idx.msk [tilespmem:v3+s20+$0x0], $0xffff  }
0x1fa: {  	v40 =	vld.idx.msk [tilespmem:v4+s20+$0x0], $0xffff;
	v18 =	vmul.f32 v37, v18;
	v16 =	vadd.f32 $0.0e+00, v16  }
0x1fb: {  	v23 =	vld.idx.msk [tilespmem:v4+s21+$0x0], $0xffff  }
0x1fc: {  	v42 =	vld.idx.msk [tilespmem:v5+s20+$0x0], $0xffff;
	v41 =	vmul.f32 v39, v38;
	v16 =	vadd.f32 v18, v16  }
0x1fd: {  	v43 =	vld.idx.msk [tilespmem:v5+s21+$0x0], $0xffff  }
0x1fe: {  	v44 =	vld.idx.msk [tilespmem:v6+s20+$0x0], $0xffff;
	v17 =	vmul.f32 v22, v17;
	v16 =	vadd.f32 v41, v16  }
0x1ff: {  	v45 =	vld.idx.msk [tilespmem:v6+s21+$0x0], $0xffff  }
0x200: {  	v46 =	vld.idx.msk [tilespmem:v7+s20+$0x0], $0xffff;
	v16 =	vadd.f32 v17, v16;
	v17 =	vmul.f32 v23, v40  }
0x201: {  	v47 =	vld.idx.msk [tilespmem:v7+s21+$0x0], $0xffff  }
0x202: {  	v48 =	vld.idx.msk [tilespmem:v8+s20+$0x0], $0xffff;
	v16 =	vadd.f32 v17, v16;
	v17 =	vmul.f32 v43, v42  }
0x203: {  	v49 =	vld.idx.msk [tilespmem:v8+s21+$0x0], $0xffff  }
0x204: {  	v50 =	vld.idx.msk [tilespmem:v9+s20+$0x0], $0xffff;
	v16 =	vadd.f32 v17, v16;
	v17 =	vmul.f32 v45, v44  }
0x205: {  	v51 =	vld.idx.msk [tilespmem:v9+s21+$0x0], $0xffff  }
0x206: {  	v52 =	vld.idx.msk [tilespmem:v10+s20+$0x0], $0xffff;
	v16 =	vadd.f32 v17, v16;
	v17 =	vmul.f32 v47, v46  }
0x207: {  	v53 =	vld.idx.msk [tilespmem:v10+s21+$0x0], $0xffff  }
0x208: {  	v54 =	vld.idx.msk [tilespmem:v11+s20+$0x0], $0xffff;
	v16 =	vadd.f32 v17, v16;
	v17 =	vmul.f32 v49, v48  }
0x209: {  	v55 =	vld.idx.msk [tilespmem:v11+s21+$0x0], $0xffff  }
0x20a: {  	v56 =	vld.idx.msk [tilespmem:v12+s20+$0x0], $0xffff;
	v16 =	vadd.f32 v17, v16;
	v17 =	vmul.f32 v51, v50  }
0x20b: {  	v57 =	vld.idx.msk [tilespmem:v12+s21+$0x0], $0xffff  }
0x20c: {  	v58 =	vld.idx.msk [tilespmem:v13+s20+$0x0], $0xffff;
	v16 =	vadd.f32 v17, v16;
	v17 =	vmul.f32 v53, v52  }
0x20d: {  	v59 =	vld.idx.msk [tilespmem:v13+s21+$0x0], $0xffff  }
0x20e: {  	v60 =	vld.idx.msk [tilespmem:v14+s20+$0x0], $0xffff;
	v16 =	vadd.f32 v17, v16;
	v17 =	vmul.f32 v55, v54  }
0x20f: {  	v61 =	vld.idx.msk [tilespmem:v14+s21+$0x0], $0xffff  }
0x210: {  	v62 =	vld.idx.msk [tilespmem:v15+s20+$0x0], $0xffff;
	v16 =	vadd.f32 v17, v16;
	v17 =	vmul.f32 v57, v56  }
0x211: {  	v63 =	vld.idx.msk [tilespmem:v15+s21+$0x0], $0xffff  }
0x212: {  	v16 =	vadd.f32 v17, v16;
	v17 =	vmul.f32 v59, v58;
	_ =	sdelay $0x1  }
0x213: {  	p0 =	sne.s32 s22, $0x780;
	s22 =	sadd.s32 $0x40, s22;
	s7 =	simm.s32 $0x3C00;
	v16 =	vadd.f32 v17, v16;
	v17 =	vmul.f32 v61, v60  }
0x214: {  	s8 =	simm.s32 $0xBC00;
	s11 =	simm.s32 $0x4400;
	s14 =	simm.s32 $0xC400  }
.Ltmp0:
0x215: {  	s15 =	simm.s32 $0x4C00;
	s16 =	simm.s32 $0xCC00;
	v16 =	vadd.f32 v17, v16;
	v17 =	vmul.f32 v63, v62;
	(pc) =	sbr.rel @p0 .LBB2_2-.Ltmp0, $4  }
0x216: {  	s17 =	simm.s32 $0x5400;
	s25 =	simm.s32 $0xD400;
	s26 =	simm.s32 $0x5C00  }
0x217: {  	s28 =	simm.s32 $0xDC00;
	s29 =	simm.s32 $0x6400;
	s30 =	simm.s32 $0xE400;
	v16 =	vadd.f32 v17, v16  }
0x218: {  	s31 =	simm.s32 $0x6C00;
	s0 =	simm.s32 $0xEC00;
	s12 =	simm.s32 $0x7400  }
0x219: {  	s9 =	simm.s32 $0xF400;
	s4 =	simm.s32 $0x7C00;
	s5 =	simm.s32 $0xFC00;
	[tilespmem:s23+$0x11400] =	vst v16  }
0x21a: {  	v17 =	vld [tilespmem:$0x1F0]  }
0x21b: {  	v16 =	vld [tilespmem:$0x3F0];
	_ =	swait.ge [sflag:s18], $0x800  }
0x21c: {  	[sflag:s18] =	ssyncset.done $0x0  }
0x21d: {  	[sflag:s18] =	ssyncadd.s32 $0xFFFFF800  }
0x21e: {  	_ =	swait.ge [sflag:s18], $0x800  }
0x21f: {  	[sflag:s18] =	ssyncset.done $0x0  }
0x220: {  	[sflag:s18] =	ssyncadd.s32 $0xFFFFF800  }
0x221: {  	_ =	swait.ge [sflag:s18], $0x800  }
0x222: {  	[sflag:s18] =	ssyncset.done $0x0  }
0x223: {  	[sflag:s18] =	ssyncadd.s32 $0xFFFFF800  }
0x224: {  	_ =	swait.ge [sflag:s18], $0x800  }
0x225: {  	[sflag:s18] =	ssyncset.done $0x0  }
0x226: {  	[sflag:s18] =	ssyncadd.s32 $0xFFFFF800  }
0x227: {  	_ =	swait.ge [sflag:s18], $0x800  }
0x228: {  	[sflag:s18] =	ssyncset.done $0x0  }
0x229: {  	[sflag:s18] =	ssyncadd.s32 $0xFFFFF800  }
0x22a: {  	_ =	swait.ge [sflag:s18], $0x800  }
0x22b: {  	[sflag:s18] =	ssyncset.done $0x0  }
0x22c: {  	[sflag:s18] =	ssyncadd.s32 $0xFFFFF800  }
0x22d: {  	_ =	swait.ge [sflag:s18], $0x800  }
0x22e: {  	[sflag:s18] =	ssyncset.done $0x0  }
0x22f: {  	[sflag:s18] =	ssyncadd.s32 $0xFFFFF800  }
0x230: {  	_ =	swait.ge [sflag:s18], $0x800  }
0x231: {  	[sflag:s18] =	ssyncset.done $0x0  }
0x232: {  	[sflag:s18] =	ssyncadd.s32 $0xFFFFF800  }
0x233: {  	_ =	swait.ge [sflag:s18], $0x800  }
0x234: {  	[sflag:s18] =	ssyncset.done $0x0  }
0x235: {  	[sflag:s18] =	ssyncadd.s32 $0xFFFFF800  }
0x236: {  	_ =	swait.ge [sflag:s18], $0x800  }
0x237: {  	[sflag:s18] =	ssyncset.done $0x0  }
0x238: {  	[sflag:s18] =	ssyncadd.s32 $0xFFFFF800  }
0x239: {  	_ =	swait.ge [sflag:s18], $0x800  }
0x23a: {  	[sflag:s18] =	ssyncset.done $0x0  }
0x23b: {  	[sflag:s18] =	ssyncadd.s32 $0xFFFFF800  }
0x23c: {  	_ =	swait.ge [sflag:s18], $0x800  }
0x23d: {  	[sflag:s18] =	ssyncset.done $0x0  }
0x23e: {  	[sflag:s18] =	ssyncadd.s32 $0xFFFFF800  }
0x23f: {  	_ =	swait.ge [sflag:s18], $0x800  }
0x240: {  	[sflag:s18] =	ssyncset.done $0x0  }
0x241: {  	[sflag:s18] =	ssyncadd.s32 $0xFFFFF800  }
0x242: {  	_ =	swait.ge [sflag:s18], $0x800  }
0x243: {  	[sflag:s18] =	ssyncset.done $0x0  }
0x244: {  	[sflag:s18] =	ssyncadd.s32 $0xFFFFF800  }
0x245: {  	_ =	swait.ge [sflag:s18], $0x800  }
0x246: {  	[sflag:s18] =	ssyncset.done $0x0  }
0x247: {  	[sflag:s18] =	ssyncadd.s32 $0xFFFFF800  }
0x248: {  	_ =	swait.ge [sflag:s18], $0x800  }
0x249: {  	(v2sf) =	vpush v17, $0x0;
	_ =	sdelay $0x5  }
0x24a: {  	(v2sf) =	vpush v16, $0x0;
	_ =	sdelay $0x5  }
0x24b: {  	(v2sf) =	vpush v17, $0x1;
	_ =	sdelay $0x2  }
0x24c: {  	s22 =	spop (v2sf)  }
0x24d: {  	s22 =	sand.u32 $0x7F, s22  }
0x24e: {  	v18 =	vor.u32 s22, v0  }
0x24f: {  	(v2sf) =	vpush v16, $0x1;
	_ =	sdelay $0x1  }
0x250: {  	[sflag:s18] =	ssyncset.done $0x0  }
0x251: {  	[sflag:s18] =	ssyncadd.s32 $0xFFFFF800;
	s6 =	spop (v2sf)  }
0x252: {  	s22 =	sand.u32 $0x7F, s6;
	v18 =	vld.idx.msk [tilespmem:v18+s10+$0x0], $0xffff  }
0x253: {  	v19 =	vor.u32 s22, v0  }
0x254: {  	(v2sf) =	vpush v17, $0x2;
	_ =	sdelay $0x2  }
0x255: {  	s2 =	simm.s32 $0x8400;
	s23 =	spop (v2sf);
	[tilespmem:$0x10400] =	vst v18  }
0x256: {  	s22 =	sand.u32 $0x7F, s23;
	v18 =	vld.idx.msk [tilespmem:v19+s2+$0x0], $0xffff  }
0x257: {  	v54 =	vor.u32 s22, v0  }
0x258: {  	(v2sf) =	vpush v16, $0x2;
	_ =	sdelay $0x2  }
0x259: {  	s23 =	simm.s32 $0xC00;
	s24 =	spop (v2sf);
	[tilespmem:$0x10C00] =	vst v18  }
0x25a: {  	s22 =	sand.u32 $0x7F, s24;
	v18 =	vld.idx.msk [tilespmem:v54+s23+$0x0], $0xffff  }
0x25b: {  	v55 =	vor.u32 s22, v0  }
0x25c: {  	(v2sf) =	vpush v17, $0x3;
	_ =	sdelay $0x2  }
0x25d: {  	s6 =	simm.s32 $0x8C00;
	s2 =	spop (v2sf);
	[tilespmem:$0x10480] =	vst v18  }
0x25e: {  	s22 =	sand.u32 $0x7F, s2;
	v18 =	vld.idx.msk [tilespmem:v55+s6+$0x0], $0xffff  }
0x25f: {  	v56 =	vor.u32 s22, v0  }
0x260: {  	(v2sf) =	vpush v16, $0x3;
	_ =	sdelay $0x2  }
0x261: {  	s24 =	spop (v2sf);
	s2 =	simm.s32 $0x1400;
	[tilespmem:$0x10C80] =	vst v18  }
0x262: {  	s22 =	sand.u32 $0x7F, s24;
	v18 =	vld.idx.msk [tilespmem:v56+s2+$0x0], $0xffff  }
0x263: {  	v57 =	vor.u32 s22, v0  }
0x264: {  	(v2sf) =	vpush v17, $0x4;
	_ =	sdelay $0x2  }
0x265: {  	s24 =	simm.s32 $0x9400;
	s6 =	spop (v2sf);
	[tilespmem:$0x10500] =	vst v18  }
0x266: {  	s22 =	sand.u32 $0x7F, s6;
	v18 =	vld.idx.msk [tilespmem:v57+s24+$0x0], $0xffff  }
0x267: {  	v58 =	vor.u32 s22, v0  }
0x268: {  	(v2sf) =	vpush v16, $0x4;
	_ =	sdelay $0x2  }
0x269: {  	s2 =	spop (v2sf);
	s6 =	simm.s32 $0x1C00;
	[tilespmem:$0x10D00] =	vst v18  }
0x26a: {  	s22 =	sand.u32 $0x7F, s2;
	v18 =	vld.idx.msk [tilespmem:v58+s6+$0x0], $0xffff  }
0x26b: {  	v59 =	vor.u32 s22, v0  }
0x26c: {  	(v2sf) =	vpush v17, $0x5;
	_ =	sdelay $0x2  }
0x26d: {  	s23 =	spop (v2sf);
	s24 =	simm.s32 $0x9C00;
	[tilespmem:$0x10580] =	vst v18  }
0x26e: {  	s22 =	sand.u32 $0x7F, s23;
	v18 =	vld.idx.msk [tilespmem:v59+s24+$0x0], $0xffff  }
0x26f: {  	v60 =	vor.u32 s22, v0  }
0x270: {  	(v2sf) =	vpush v16, $0x5;
	_ =	sdelay $0x2  }
0x271: {  	s6 =	simm.s32 $0x2400;
	s2 =	spop (v2sf);
	[tilespmem:$0x10D80] =	vst v18  }
0x272: {  	s22 =	sand.u32 $0x7F, s2;
	v18 =	vld.idx.msk [tilespmem:v60+s6+$0x0], $0xffff  }
0x273: {  	v61 =	vor.u32 s22, v0  }
0x274: {  	(v2sf) =	vpush v17, $0x6;
	_ =	sdelay $0x2  }
0x275: {  	s23 =	spop (v2sf);
	s24 =	simm.s32 $0xA400;
	[tilespmem:$0x10600] =	vst v18  }
0x276: {  	s22 =	sand.u32 $0x7F, s23;
	v18 =	vld.idx.msk [tilespmem:v61+s24+$0x0], $0xffff  }
0x277: {  	v62 =	vor.u32 s22, v0  }
0x278: {  	(v2sf) =	vpush v16, $0x6;
	_ =	sdelay $0x2  }
0x279: {  	s2 =	spop (v2sf);
	s6 =	simm.s32 $0x2C00;
	[tilespmem:$0x10E00] =	vst v18  }
0x27a: {  	s22 =	sand.u32 $0x7F, s2;
	v18 =	vld.idx.msk [tilespmem:v62+s6+$0x0], $0xffff  }
0x27b: {  	v63 =	vor.u32 s22, v0  }
0x27c: {  	(v2sf) =	vpush v17, $0x7;
	_ =	sdelay $0x2  }
0x27d: {  	s23 =	spop (v2sf);
	s24 =	simm.s32 $0xAC00;
	[tilespmem:$0x10680] =	vst v18  }
0x27e: {  	s22 =	sand.u32 $0x7F, s23;
	v18 =	vld.idx.msk [tilespmem:v63+s24+$0x0], $0xffff  }
0x27f: {  	v21 =	vor.u32 s22, v0  }
0x280: {  	(v2sf) =	vpush v16, $0x7;
	_ =	sdelay $0x2  }
0x281: {  	s2 =	spop (v2sf);
	s6 =	simm.s32 $0x3400;
	[tilespmem:$0x10E80] =	vst v18  }
0x282: {  	s22 =	sand.u32 $0x7F, s2;
	v18 =	vld.idx.msk [tilespmem:v21+s6+$0x0], $0xffff  }
0x283: {  	v22 =	vor.u32 s22, v0;
	_ =	sdelay $0x3  }
0x284: {  	s23 =	spop (v2sf);
	s24 =	simm.s32 $0xB400;
	[tilespmem:$0x10700] =	vst v18  }
0x285: {  	s22 =	sand.u32 $0x7F, s23;
	v18 =	vld.idx.msk [tilespmem:v22+s24+$0x0], $0xffff  }
0x286: {  	v23 =	vor.u32 s22, v0;
	_ =	sdelay $0x3  }
0x287: {  	s2 =	spop (v2sf);
	[tilespmem:$0x10F00] =	vst v18  }
0x288: {  	s22 =	sand.u32 $0x7F, s2;
	v18 =	vld.idx.msk [tilespmem:v23+s7+$0x0], $0xffff  }
0x289: {  	v24 =	vor.u32 s22, v0;
	_ =	sdelay $0x3  }
0x28a: {  	[tilespmem:$0x10780] =	vst v18  }
0x28b: {  	v18 =	vld.idx.msk [tilespmem:v24+s8+$0x0], $0xffff;
	_ =	sdelay $0x4  }
0x28c: {  	[tilespmem:$0x10F80] =	vst v18  }
0x28d: {  	_ =	swait.ge [sflag:s19], $0x800  }
0x28e: {  	[sflag:s19] =	ssyncset.done $0x0  }
0x28f: {  	[sflag:s19] =	ssyncadd.s32 $0xFFFFF800  }
0x290: {  	_ =	swait.ge [sflag:s19], $0x800  }
0x291: {  	[sflag:s19] =	ssyncset.done $0x0  }
0x292: {  	[sflag:s19] =	ssyncadd.s32 $0xFFFFF800  }
0x293: {  	_ =	swait.ge [sflag:s19], $0x800  }
0x294: {  	[sflag:s19] =	ssyncset.done $0x0  }
0x295: {  	[sflag:s19] =	ssyncadd.s32 $0xFFFFF800  }
0x296: {  	_ =	swait.ge [sflag:s19], $0x800  }
0x297: {  	[sflag:s19] =	ssyncset.done $0x0  }
0x298: {  	[sflag:s19] =	ssyncadd.s32 $0xFFFFF800  }
0x299: {  	_ =	swait.ge [sflag:s19], $0x800  }
0x29a: {  	[sflag:s19] =	ssyncset.done $0x0  }
0x29b: {  	[sflag:s19] =	ssyncadd.s32 $0xFFFFF800  }
0x29c: {  	_ =	swait.ge [sflag:s19], $0x800  }
0x29d: {  	[sflag:s19] =	ssyncset.done $0x0  }
0x29e: {  	[sflag:s19] =	ssyncadd.s32 $0xFFFFF800  }
0x29f: {  	_ =	swait.ge [sflag:s19], $0x800  }
0x2a0: {  	[sflag:s19] =	ssyncset.done $0x0  }
0x2a1: {  	[sflag:s19] =	ssyncadd.s32 $0xFFFFF800  }
0x2a2: {  	_ =	swait.ge [sflag:s19], $0x800  }
0x2a3: {  	[sflag:s19] =	ssyncset.done $0x0  }
0x2a4: {  	[sflag:s19] =	ssyncadd.s32 $0xFFFFF800  }
0x2a5: {  	_ =	swait.ge [sflag:s19], $0x800  }
0x2a6: {  	[sflag:s19] =	ssyncset.done $0x0  }
0x2a7: {  	[sflag:s19] =	ssyncadd.s32 $0xFFFFF800  }
0x2a8: {  	_ =	swait.ge [sflag:s19], $0x800  }
0x2a9: {  	[sflag:s19] =	ssyncset.done $0x0  }
0x2aa: {  	[sflag:s19] =	ssyncadd.s32 $0xFFFFF800  }
0x2ab: {  	_ =	swait.ge [sflag:s19], $0x800  }
0x2ac: {  	[sflag:s19] =	ssyncset.done $0x0  }
0x2ad: {  	[sflag:s19] =	ssyncadd.s32 $0xFFFFF800  }
0x2ae: {  	_ =	swait.ge [sflag:s19], $0x800  }
0x2af: {  	[sflag:s19] =	ssyncset.done $0x0  }
0x2b0: {  	[sflag:s19] =	ssyncadd.s32 $0xFFFFF800  }
0x2b1: {  	_ =	swait.ge [sflag:s19], $0x800  }
0x2b2: {  	[sflag:s19] =	ssyncset.done $0x0  }
0x2b3: {  	[sflag:s19] =	ssyncadd.s32 $0xFFFFF800  }
0x2b4: {  	_ =	swait.ge [sflag:s19], $0x800  }
0x2b5: {  	[sflag:s19] =	ssyncset.done $0x0  }
0x2b6: {  	[sflag:s19] =	ssyncadd.s32 $0xFFFFF800  }
0x2b7: {  	_ =	swait.ge [sflag:s19], $0x800  }
0x2b8: {  	[sflag:s19] =	ssyncset.done $0x0  }
0x2b9: {  	[sflag:s19] =	ssyncadd.s32 $0xFFFFF800  }
0x2ba: {  	_ =	swait.ge [sflag:s19], $0x800  }
0x2bb: {  	(v2sf) =	vpush v17, $0x8;
	_ =	sdelay $0x5  }
0x2bc: {  	(v2sf) =	vpush v16, $0x8;
	_ =	sdelay $0x5  }
0x2bd: {  	(v2sf) =	vpush v17, $0x9;
	_ =	sdelay $0x2  }
0x2be: {  	s6 =	spop (v2sf)  }
0x2bf: {  	s22 =	sand.u32 $0x7F, s6  }
0x2c0: {  	v25 =	vor.u32 s22, v0  }
0x2c1: {  	(v2sf) =	vpush v16, $0x9;
	_ =	sdelay $0x1  }
0x2c2: {  	[sflag:s19] =	ssyncset.done $0x0  }
0x2c3: {  	[sflag:s19] =	ssyncadd.s32 $0xFFFFF800;
	s23 =	spop (v2sf)  }
0x2c4: {  	s22 =	sand.u32 $0x7F, s23;
	v18 =	vld.idx.msk [tilespmem:v25+s11+$0x0], $0xffff  }
0x2c5: {  	v26 =	vor.u32 s22, v0  }
0x2c6: {  	(v2sf) =	vpush v17, $0xA;
	_ =	sdelay $0x2  }
0x2c7: {  	s24 =	spop (v2sf);
	[tilespmem:$0x10800] =	vst v18  }
0x2c8: {  	s22 =	sand.u32 $0x7F, s24;
	v18 =	vld.idx.msk [tilespmem:v26+s14+$0x0], $0xffff  }
0x2c9: {  	v27 =	vor.u32 s22, v0  }
0x2ca: {  	(v2sf) =	vpush v16, $0xA;
	_ =	sdelay $0x2  }
0x2cb: {  	s2 =	spop (v2sf);
	[tilespmem:$0x11000] =	vst v18  }
0x2cc: {  	s22 =	sand.u32 $0x7F, s2;
	v18 =	vld.idx.msk [tilespmem:v27+s15+$0x0], $0xffff  }
0x2cd: {  	v28 =	vor.u32 s22, v0  }
0x2ce: {  	(v2sf) =	vpush v17, $0xB;
	_ =	sdelay $0x2  }
0x2cf: {  	s6 =	spop (v2sf);
	[tilespmem:$0x10880] =	vst v18  }
0x2d0: {  	s22 =	sand.u32 $0x7F, s6;
	v18 =	vld.idx.msk [tilespmem:v28+s16+$0x0], $0xffff  }
0x2d1: {  	v29 =	vor.u32 s22, v0  }
0x2d2: {  	(v2sf) =	vpush v16, $0xB;
	_ =	sdelay $0x2  }
0x2d3: {  	s23 =	spop (v2sf);
	[tilespmem:$0x11080] =	vst v18  }
0x2d4: {  	s22 =	sand.u32 $0x7F, s23;
	v18 =	vld.idx.msk [tilespmem:v29+s17+$0x0], $0xffff  }
0x2d5: {  	v30 =	vor.u32 s22, v0  }
0x2d6: {  	(v2sf) =	vpush v17, $0xC;
	_ =	sdelay $0x2  }
0x2d7: {  	s24 =	spop (v2sf);
	[tilespmem:$0x10900] =	vst v18  }
0x2d8: {  	s22 =	sand.u32 $0x7F, s24;
	v18 =	vld.idx.msk [tilespmem:v30+s25+$0x0], $0xffff  }
0x2d9: {  	v31 =	vor.u32 s22, v0  }
0x2da: {  	(v2sf) =	vpush v16, $0xC;
	_ =	sdelay $0x2  }
0x2db: {  	s2 =	spop (v2sf);
	[tilespmem:$0x11100] =	vst v18  }
0x2dc: {  	s22 =	sand.u32 $0x7F, s2;
	v18 =	vld.idx.msk [tilespmem:v31+s26+$0x0], $0xffff  }
0x2dd: {  	v32 =	vor.u32 s22, v0  }
0x2de: {  	(v2sf) =	vpush v17, $0xD;
	_ =	sdelay $0x2  }
0x2df: {  	s6 =	spop (v2sf);
	[tilespmem:$0x10980] =	vst v18  }
0x2e0: {  	s22 =	sand.u32 $0x7F, s6;
	v18 =	vld.idx.msk [tilespmem:v32+s28+$0x0], $0xffff  }
0x2e1: {  	v33 =	vor.u32 s22, v0  }
0x2e2: {  	(v2sf) =	vpush v16, $0xD;
	_ =	sdelay $0x2  }
0x2e3: {  	s23 =	spop (v2sf);
	[tilespmem:$0x11180] =	vst v18  }
0x2e4: {  	s22 =	sand.u32 $0x7F, s23;
	v18 =	vld.idx.msk [tilespmem:v33+s29+$0x0], $0xffff  }
0x2e5: {  	v34 =	vor.u32 s22, v0  }
0x2e6: {  	(v2sf) =	vpush v17, $0xE;
	_ =	sdelay $0x2  }
0x2e7: {  	s24 =	spop (v2sf);
	[tilespmem:$0x10A00] =	vst v18  }
0x2e8: {  	s22 =	sand.u32 $0x7F, s24;
	v18 =	vld.idx.msk [tilespmem:v34+s30+$0x0], $0xffff  }
0x2e9: {  	v35 =	vor.u32 s22, v0  }
0x2ea: {  	(v2sf) =	vpush v16, $0xE;
	_ =	sdelay $0x2  }
0x2eb: {  	s2 =	spop (v2sf);
	[tilespmem:$0x11200] =	vst v18  }
0x2ec: {  	s22 =	sand.u32 $0x7F, s2;
	v18 =	vld.idx.msk [tilespmem:v35+s31+$0x0], $0xffff  }
0x2ed: {  	v36 =	vor.u32 s22, v0  }
0x2ee: {  	(v2sf) =	vpush v17, $0xF;
	_ =	sdelay $0x2  }
0x2ef: {  	s6 =	spop (v2sf);
	[tilespmem:$0x10A80] =	vst v18  }
0x2f0: {  	s22 =	sand.u32 $0x7F, s6;
	v17 =	vld.idx.msk [tilespmem:v36+s0+$0x0], $0xffff  }
0x2f1: {  	v37 =	vor.u32 s22, v0  }
0x2f2: {  	(v2sf) =	vpush v16, $0xF;
	_ =	sdelay $0x2  }
0x2f3: {  	s23 =	spop (v2sf);
	[tilespmem:$0x11280] =	vst v17  }
0x2f4: {  	s22 =	sand.u32 $0x7F, s23;
	v16 =	vld.idx.msk [tilespmem:v37+s12+$0x0], $0xffff  }
0x2f5: {  	v17 =	vor.u32 s22, v0;
	_ =	sdelay $0x3  }
0x2f6: {  	s24 =	spop (v2sf);
	[tilespmem:$0x10B00] =	vst v16  }
0x2f7: {  	s22 =	sand.u32 $0x7F, s24;
	v16 =	vld.idx.msk [tilespmem:v17+s9+$0x0], $0xffff  }
0x2f8: {  	v17 =	vor.u32 s22, v0;
	_ =	sdelay $0x3  }
0x2f9: {  	s2 =	spop (v2sf);
	[tilespmem:$0x11300] =	vst v16  }
0x2fa: {  	s22 =	sand.u32 $0x7F, s2;
	v16 =	vld.idx.msk [tilespmem:v17+s4+$0x0], $0xffff  }
0x2fb: {  	v17 =	vor.u32 s22, v0;
	_ =	sdelay $0x3  }
0x2fc: {  	[tilespmem:$0x10B80] =	vst v16  }
0x2fd: {  	v16 =	vld.idx.msk [tilespmem:v17+s5+$0x0], $0xffff;
	_ =	sdelay $0x4  }
0x2fe: {  	[tilespmem:$0x11380] =	vst v16  }
0x2ff: {  	v16 =	vld.idx.msk [tilespmem:v0+s20+$0x0], $0xffff  }
0x300: {  	v17 =	vld.idx.msk [tilespmem:v0+s21+$0x0], $0xffff  }
0x301: {  	v38 =	vld.idx.msk [tilespmem:v1+s20+$0x0], $0xffff  }
0x302: {  	v39 =	vld.idx.msk [tilespmem:v1+s21+$0x0], $0xffff  }
0x303: {  	v20 =	vld.idx.msk [tilespmem:v2+s20+$0x0], $0xffff  }
0x304: {  	v21 =	vld.idx.msk [tilespmem:v2+s21+$0x0], $0xffff  }
0x305: {  	v22 =	vld.idx.msk [tilespmem:v3+s21+$0x0], $0xffff;
	v16 =	vmul.f32 v17, v16  }
0x306: {  	v17 =	vld.idx.msk [tilespmem:v3+s20+$0x0], $0xffff  }
0x307: {  	v40 =	vld.idx.msk [tilespmem:v4+s20+$0x0], $0xffff;
	v18 =	vmul.f32 v39, v38;
	v16 =	vadd.f32 $0.0e+00, v16  }
0x308: {  	v23 =	vld.idx.msk [tilespmem:v4+s21+$0x0], $0xffff  }
0x309: {  	v42 =	vld.idx.msk [tilespmem:v5+s20+$0x0], $0xffff;
	v41 =	vmul.f32 v21, v20;
	v16 =	vadd.f32 v18, v16  }
0x30a: {  	v43 =	vld.idx.msk [tilespmem:v5+s21+$0x0], $0xffff  }
0x30b: {  	v44 =	vld.idx.msk [tilespmem:v6+s20+$0x0], $0xffff;
	v17 =	vmul.f32 v22, v17;
	v16 =	vadd.f32 v41, v16  }
0x30c: {  	v45 =	vld.idx.msk [tilespmem:v6+s21+$0x0], $0xffff  }
0x30d: {  	v46 =	vld.idx.msk [tilespmem:v7+s20+$0x0], $0xffff;
	v16 =	vadd.f32 v17, v16;
	v17 =	vmul.f32 v23, v40  }
0x30e: {  	v47 =	vld.idx.msk [tilespmem:v7+s21+$0x0], $0xffff  }
0x30f: {  	v48 =	vld.idx.msk [tilespmem:v8+s20+$0x0], $0xffff;
	v16 =	vadd.f32 v17, v16;
	v17 =	vmul.f32 v43, v42  }
0x310: {  	v49 =	vld.idx.msk [tilespmem:v8+s21+$0x0], $0xffff  }
0x311: {  	v50 =	vld.idx.msk [tilespmem:v9+s20+$0x0], $0xffff;
	v16 =	vadd.f32 v17, v16;
	v17 =	vmul.f32 v45, v44  }
0x312: {  	v51 =	vld.idx.msk [tilespmem:v9+s21+$0x0], $0xffff  }
0x313: {  	v52 =	vld.idx.msk [tilespmem:v10+s20+$0x0], $0xffff;
	v16 =	vadd.f32 v17, v16;
	v17 =	vmul.f32 v47, v46  }
0x314: {  	v53 =	vld.idx.msk [tilespmem:v10+s21+$0x0], $0xffff  }
0x315: {  	v54 =	vld.idx.msk [tilespmem:v11+s20+$0x0], $0xffff;
	v16 =	vadd.f32 v17, v16;
	v17 =	vmul.f32 v49, v48  }
0x316: {  	v55 =	vld.idx.msk [tilespmem:v11+s21+$0x0], $0xffff  }
0x317: {  	v56 =	vld.idx.msk [tilespmem:v12+s20+$0x0], $0xffff;
	v16 =	vadd.f32 v17, v16;
	v17 =	vmul.f32 v51, v50  }
0x318: {  	v57 =	vld.idx.msk [tilespmem:v12+s21+$0x0], $0xffff  }
0x319: {  	v58 =	vld.idx.msk [tilespmem:v13+s20+$0x0], $0xffff;
	v16 =	vadd.f32 v17, v16;
	v17 =	vmul.f32 v53, v52  }
0x31a: {  	v59 =	vld.idx.msk [tilespmem:v13+s21+$0x0], $0xffff  }
0x31b: {  	v60 =	vld.idx.msk [tilespmem:v14+s20+$0x0], $0xffff;
	v16 =	vadd.f32 v17, v16;
	v17 =	vmul.f32 v55, v54  }
0x31c: {  	v61 =	vld.idx.msk [tilespmem:v14+s21+$0x0], $0xffff  }
0x31d: {  	v62 =	vld.idx.msk [tilespmem:v15+s20+$0x0], $0xffff;
	v16 =	vadd.f32 v17, v16;
	v17 =	vmul.f32 v57, v56  }
0x31e: {  	v63 =	vld.idx.msk [tilespmem:v15+s21+$0x0], $0xffff  }
0x31f: {  	v16 =	vadd.f32 v17, v16;
	v17 =	vmul.f32 v59, v58;
	_ =	sdelay $0x1  }
0x320: {  	v16 =	vadd.f32 v17, v16;
	v17 =	vmul.f32 v61, v60;
	_ =	sdelay $0x1  }
0x321: {  	v16 =	vadd.f32 v17, v16;
	v17 =	vmul.f32 v63, v62;
	_ =	sdelay $0x1  }
0x322: {  	v16 =	vadd.f32 v17, v16;
	_ =	sdelay $0x1  }
0x323: {  	s6 =	rddreg [dreg:$0x7];
	s24 =	simm.s32 $0x11400;
	s22 =	simm.s32 $0x0;
	[tilespmem:$0x115F0] =	vst v16  }
0x324: {  	[hbm4b:s6+s22] =	stream.linear.scatter [tilespmem:s24], [sflag:$0x3], $0x200, $0x38;
	[tilespmem:$0x11600] =	vst v63  }
0x325: {  	s6 =	simm.s32 $0x3  }
0x326: {  	_ =	swait.ge [sflag:s6], $0x200  }
0x327: {  	s24 =	rddreg [dreg:$0x9]  }
0x328: {  	[sflag:s6] =	ssyncset.done $0x0;
	s6 =	rddreg [dreg:$0x8];
	s2 =	sadd.s32 $0x1, s24  }
0x329: {  	p0 =	sne.s32 s2, s6  }
.Ltmp1:
0x32a: {  	_ = 	snop;
	(pc) =	sbr.rel @p0 .LBB2_1-.Ltmp1, $3  }
0x32b: {  	_ =	sdelay $0x1  }
0x32c: {  	s24 =	simm.s32 $0x3  }
0x32d: {  	[sflag:s24] =	ssyncadd.s32 $0xFFFFFE00  }
0x32e: {  	_ =	sfence.sel $0x180000  }
0x32f: {  	[bflag:$0x0] =	sbarrier.arrive $0xFFFF  }
0x330: {  	_ =	strace $0x90000047  }
0x331: {  	s0 =	stileid.u32;
	[bflag:$0x2] =	sbarrier.arrive $0xFFFF  }
0x332: {  	p0 =	sne.s32 s0, $0x0;
	s0 =	rddreg [dreg:$0x4]  }
0x333: {  	s0 =	sadd.s32 @!p0 $0x100000, s0  }
0x334: {  	[sflag:s0] =	ssyncadd.tile.s32 @!p0 $0x1;
	_ =	shalt  }
.Lfunc_end2:
_tile_overlayer_lowered:
.L_overlay_start_2:
0x335: {  	(tag) =	ssettag $0x2  }
0x336: {  	s0 =	rddreg [dreg:$0x0];
	s2 =	stileid.u32  }
0x337: {  	s1 =	rddreg [dreg:$0x1];
	p0 =	sne.s32 s2, $0x0  }
0x338: {  	s3 =	rddreg [dreg:$0x2];
	[bflag:$0x3] =	sbarrier.arrive $0xFFFF;
	s2 =	simm.s32 @!p0 $0x1C03  }
0x339: {  	[timem:s3], [sflag:s2] =	dma.local @!p0 [hbm:s0], s1  }
0x33a: {  	s0 =	simm.s32 @!p0 $0x3  }
0x33b: {  	_ =	swait.ge @!p0 [sflag:s0], s1  }
0x33c: {  	s1 =	ssub.s32 @!p0 $0x0, s1;
	[sflag:s0] =	ssyncset.done @!p0 $0x0  }
0x33d: {  	[sflag:s0] =	ssyncadd.s32 @!p0 s1  }
0x33e: {  	[bflag:$0x3] =	sbarrier.arrive $0xFFFF  }
0x33f: {  	_ =	shalt  }

</sc_bundles>
